<compile_context>
chip_gen: v7x
topology: tpu7x:2x2x1
jax: 0.10.2.dev20260603
libtpu: 0.0.44.dev20260713+nightly
codegen_flags: <defaults>
</compile_context>

<pallas_src>
import functools

import numpy as np
import jax
import jax.numpy as jnp
from jax import lax
from jax.experimental import pallas as pl
from jax.experimental.pallas import tpu as pltpu
from jax.experimental.pallas import tpu_sc as plsc

_IN_F = 8192
_OUT_F = 16384
_FAN = 327
_SEED = 42

_NC = 2
_NS = 16
_NW = _NC * _NS
_ROWS_PER_TILE = _IN_F // _NW
_CHUNK = 64
_NCHUNK = _ROWS_PER_TILE // _CHUNK


def _hash_targets_row_exact(src):
    seen = set()
    out = []
    conn = 0
    base = src * 2654435761 + _SEED
    while len(out) < _FAN:
        h = base + conn * 2246822519
        h = (h >> 16 ^ h) * 73244475
        h = (h >> 16 ^ h) * 73244475
        h = h >> 16 ^ h
        t = h % _OUT_F
        if t not in seen:
            seen.add(t)
            out.append(t)
        conn += 1
    return np.asarray(out, dtype=np.int32)


@functools.lru_cache(maxsize=1)
def _targets_padded():
    C = 512
    src = np.arange(_IN_F, dtype=np.uint64)[:, None]
    conn = np.arange(C, dtype=np.uint64)[None, :]
    h = src * np.uint64(2654435761) + np.uint64(_SEED) + conn * np.uint64(2246822519)
    h = ((h >> np.uint64(16)) ^ h) * np.uint64(73244475)
    h = ((h >> np.uint64(16)) ^ h) * np.uint64(73244475)
    h = (h >> np.uint64(16)) ^ h
    t = (h % np.uint64(_OUT_F)).astype(np.int32)
    T = np.empty((_IN_F, _FAN), dtype=np.int32)
    for r in range(_IN_F):
        row = t[r]
        _, first_idx = np.unique(row, return_index=True)
        if first_idx.size >= _FAN:
            first_idx.sort()
            T[r] = row[first_idx[:_FAN]]
        else:
            T[r] = _hash_targets_row_exact(r)
    ext = np.concatenate(
        [T[:, :320], T[:, 311:327], np.zeros((_IN_F, 16), np.int32)], axis=1)
    out = np.empty((_IN_F, 352), dtype=np.int16)
    for p in range(11):
        out[:, 32 * p: 32 * p + 32: 2] = ext[:, 32 * p: 32 * p + 16]
        out[:, 32 * p + 1: 32 * p + 32: 2] = ext[:, 32 * p + 16: 32 * p + 32]
    return np.ascontiguousarray(out).view(np.int32)


@functools.lru_cache(maxsize=1)
def _make_sc_kernel():
    mesh = plsc.VectorSubcoreMesh(core_axis_name="c", subcore_axis_name="s")

    @functools.partial(
        pl.kernel,
        mesh=mesh,
        out_type=(jax.ShapeDtypeStruct((128, 128), jnp.float32),
                  jax.ShapeDtypeStruct((128, 128), jnp.float32)),
        compiler_params=pltpu.CompilerParams(needs_layout_passes=False),
        scratch_types=[
            pltpu.VMEM((_ROWS_PER_TILE + 16,), jnp.float32),
            pltpu.VMEM((2, _CHUNK, _FAN), jnp.float32),
            pltpu.VMEM((2, _CHUNK, 176), jnp.int32),
            pltpu.VMEM((128, 128), jnp.float32),
            pltpu.VMEM((128,), jnp.int32),
            pltpu.VMEM_SHARED((128, 128), jnp.float32),
            pltpu.SemaphoreType.DMA,
            pltpu.SemaphoreType.DMA,
            pltpu.SemaphoreType.DMA,
            pltpu.SemaphoreType.DMA,
            pltpu.SemaphoreType.DMA,
        ],
    )
    def sc_scatter(x_hbm, w_hbm, t_hbm, out0_hbm, out1_hbm,
                   x_v, w_v, t_v, acc_v, idx_v, shared,
                   wsem0, wsem1, tsem0, tsem1, xsem):
        cid = lax.axis_index("c")
        sid = lax.axis_index("s")
        wid = sid * _NC + cid
        base_row = wid * _ROWS_PER_TILE
        wsems = (wsem0, wsem1)
        tsems = (tsem0, tsem1)

        def start_chunk(k):
            b = k % 2
            row0 = base_row + k * _CHUNK
            return (
                pltpu.async_copy(w_hbm.at[pl.ds(row0, _CHUNK)], w_v.at[b], wsems[b]),
                pltpu.async_copy(t_hbm.at[pl.ds(row0, _CHUNK)], t_v.at[b], tsems[b]),
            )

        pending = {0: start_chunk(0)}
        x_copy = pltpu.async_copy(x_hbm.at[pl.ds(base_row, _ROWS_PER_TILE)],
                                  x_v.at[pl.ds(0, _ROWS_PER_TILE)], xsem)

        zeros16 = jnp.zeros((16,), jnp.float32)

        def zero_body(i, carry):
            for j in range(8):
                acc_v[i, pl.ds(j * 16, 16)] = zeros16
            return carry
        lax.fori_loop(0, 128, zero_body, 0)

        tail_mask = lax.broadcasted_iota(jnp.int32, (16,), 0) >= 9
        x_copy.wait()

        for k in range(_NCHUNK):
            if k + 1 < _NCHUNK:
                pending[k + 1] = start_chunk(k + 1)
            for h in pending.pop(k):
                h.wait()
            b = k % 2
            xoff = k * _CHUNK

            @plsc.parallel_loop(0, _CHUNK, unroll=2)
            def row_body(r):
                xr = jnp.broadcast_to(x_v[pl.ds(xoff + r, 16)][0], (16,))
                for p in range(10):
                    tt = plsc.bitcast(t_v[b, r, pl.ds(16 * p, 16)], jnp.int16)
                    ta, tb = plsc.unpack(
                        tt, format=plsc.PackFormat.INTERLEAVED,
                        preferred_element_type=jnp.int32)
                    wa = w_v[b, r, pl.ds(32 * p, 16)]
                    wb = w_v[b, r, pl.ds(32 * p + 16, 16)]
                    plsc.addupdate_scatter(
                        acc_v, [lax.shift_right_logical(ta, 7), ta & 127],
                        xr * wa)
                    plsc.addupdate_scatter(
                        acc_v, [lax.shift_right_logical(tb, 7), tb & 127],
                        xr * wb)
                tt = plsc.bitcast(t_v[b, r, pl.ds(160, 16)], jnp.int16)
                ta, _ = plsc.unpack(
                    tt, format=plsc.PackFormat.INTERLEAVED,
                    preferred_element_type=jnp.int32)
                wv = w_v[b, r, pl.ds(_FAN - 16, 16)]
                plsc.addupdate_scatter(
                    acc_v, [lax.shift_right_logical(ta, 7), ta & 127],
                    xr * wv, mask=tail_mask)

        lane16 = lax.broadcasted_iota(jnp.int32, (16,), 0)
        for j in range(8):
            idx_v[pl.ds(j * 16, 16)] = lane16 + (j * 16)

        @pl.when(sid == 0)
        def _():
            pltpu.sync_copy(acc_v, shared)
        plsc.subcore_barrier()

        @pl.when(sid != 0)
        def _():
            pltpu.sync_copy(acc_v, shared.at[idx_v], add=True)
        plsc.subcore_barrier()

        @pl.when(jnp.logical_and(sid == 0, cid == 0))
        def _():
            pltpu.sync_copy(shared, out0_hbm)

        @pl.when(jnp.logical_and(sid == 0, cid == 1))
        def _():
            pltpu.sync_copy(shared, out1_hbm)

    return sc_scatter


def _tc_add(a_ref, b_ref, o_ref):
    o_ref[...] = a_ref[...] + b_ref[...]


def kernel(x, W):
    T = jnp.asarray(_targets_padded())
    p0, p1 = _make_sc_kernel()(x, W, T)
    out = pl.pallas_call(
        _tc_add,
        out_shape=jax.ShapeDtypeStruct((_OUT_F,), jnp.float32),
    )(p0.reshape(_OUT_F), p1.reshape(_OUT_F))
    return out

# --- scband reference (transcript-rebuilt; emitter-appended) ---
"""Pipeline reference for scband-procedural-layer-on-the-fly-78778290143897 (READ-ONLY COPY).

The authoritative reference and input builder live on the scoring server;
editing this copy changes nothing except your own understanding.
"""

import jax, jax.numpy as jnp
import numpy as np

IN_FEATURES = 8192
OUT_FEATURES = 16384
FAN_OUT = max(1, int(OUT_FEATURES * 0.02))  # 327
SEED = 42

_targets_cache = {}

def _generate_targets():
    """Exact replica of the torch module's on-the-fly procedural target generation.
    Uses Python arbitrary-precision ints, matching the original _hash_target math."""
    key = (IN_FEATURES, OUT_FEATURES, FAN_OUT, SEED)
    if key in _targets_cache:
        return _targets_cache[key]
    T = np.empty((IN_FEATURES, FAN_OUT), dtype=np.int64)
    for src in range(IN_FEATURES):
        seen = set()
        cnt = 0
        conn = 0
        base = src * 2654435761 + SEED
        while cnt < FAN_OUT:
            x = base + conn * 2246822519
            x = (x >> 16 ^ x) * 73244475
            x = (x >> 16 ^ x) * 73244475
            x = x >> 16 ^ x
            t = x % OUT_FEATURES
            if t not in seen:
                seen.add(t)
                T[src, cnt] = t
                cnt += 1
            conn += 1
    _targets_cache[key] = T
    return T

def setup_inputs(seed: int = 0):
    key = jax.random.key(seed)
    kx, kw = jax.random.split(key)
    x = jax.random.normal(kx, (IN_FEATURES,), dtype=jnp.float32)
    W = jax.random.normal(kw, (IN_FEATURES, FAN_OUT), dtype=jnp.float32) * 0.1
    return {"x": x, "W": W}

def reference(x, W):
    targets = jnp.asarray(_generate_targets()).reshape(-1)
    weighted = x[:, None] * W
    out = jnp.zeros((OUT_FEATURES,), dtype=jnp.float32).at[targets].add(weighted.reshape(-1))
    return out

if __name__ == "__main__":
    import jax
    _d = setup_inputs()
    print(jax.jit(kernel)(*tuple(_d.values())))

</pallas_src>

<mosaic_0001>
#map = affine_map<(d0, d1) -> (0)>
#map1 = affine_map<(d0, d1) -> (0, 0)>
module attributes {stable_mosaic.version = 14 : i64} {
  func.func @sc_scatter(%arg0: i32, %arg1: i32, %arg2: memref<8192xf32, #tpu.memory_space<hbm>>, %arg3: memref<8192x327xf32, #tpu.memory_space<hbm>>, %arg4: memref<8192x176xi32, #tpu.memory_space<hbm>>, %arg5: memref<128x128xf32, #tpu.memory_space<hbm>>, %arg6: memref<128x128xf32, #tpu.memory_space<hbm>>, %arg7: memref<272xf32, #tpu.memory_space<vmem>>, %arg8: memref<2x64x327xf32, #tpu.memory_space<vmem>>, %arg9: memref<2x64x176xi32, #tpu.memory_space<vmem>>, %arg10: memref<128x128xf32, #tpu.memory_space<vmem>>, %arg11: memref<128xi32, #tpu.memory_space<vmem>>, %arg12: memref<128x128xf32, #tpu.memory_space<vmem_shared>>, %arg13: memref<!tpu.dma_semaphore, #tpu.memory_space<semaphore_mem>>, %arg14: memref<!tpu.dma_semaphore, #tpu.memory_space<semaphore_mem>>, %arg15: memref<!tpu.dma_semaphore, #tpu.memory_space<semaphore_mem>>, %arg16: memref<!tpu.dma_semaphore, #tpu.memory_space<semaphore_mem>>, %arg17: memref<!tpu.dma_semaphore, #tpu.memory_space<semaphore_mem>>) attributes {dimension_semantics = [#tpu.dimension_semantics<core_parallel>, #tpu.dimension_semantics<subcore_parallel>], iteration_bounds = array<i64: 2, 16>, scalar_prefetch = 0 : i64, scratch_operands = 11 : i64, tpu.core_type = #tpu.core_type<sc_vector_subcore>, window_params = [{transform_indices = #map}, {transform_indices = #map1}, {transform_indices = #map1}, {transform_indices = #map1}, {transform_indices = #map1}]} {
    %mul3A = arith.constant 2 : i32
    %mul3A_0 = arith.muli %arg1, %mul3A : i32
    %add3A = arith.addi %mul3A_0, %arg0 : i32
    %mul3A_1 = arith.constant 256 : i32
    %mul3A_2 = arith.muli %add3A, %mul3A_1 : i32
    %add3A_3 = arith.constant 0 : i32
    %add3A_4 = arith.addi %mul3A_2, %add3A_3 : i32
    %dma_start3A = arith.constant 0 : i32
    %dma_start3A_5 = arith.constant 0 : i32
    %dma_start3A_6 = arith.constant 0 : i32
    %dma_start3A_7 = tpu.memref_slice %arg8[%dma_start3A, %dma_start3A_5, %dma_start3A_6] : memref<2x64x327xf32, #tpu.memory_space<vmem>> -> memref<1x64x327xf32, #tpu.memory_space<vmem>>
    %dma_start3A_8 = tpu.memref_squeeze %dma_start3A_7 : memref<1x64x327xf32, #tpu.memory_space<vmem>> -> memref<64x327xf32, #tpu.memory_space<vmem>>
    %dma_start3A_9 = arith.constant 0 : i32
    %dma_start3A_10 = tpu.memref_slice %arg3[%add3A_4, %dma_start3A_9] : memref<8192x327xf32, #tpu.memory_space<hbm>> -> memref<64x327xf32, #tpu.memory_space<hbm>>
    %dma_start3A_11 = arith.constant 0 : i32
    %dma_start3A_12 = arith.constant 0 : i32
    %dma_start3A_13 = tpu.memref_slice %arg8[%dma_start3A, %dma_start3A_11, %dma_start3A_12] : memref<2x64x327xf32, #tpu.memory_space<vmem>> -> memref<1x64x327xf32, #tpu.memory_space<vmem>>
    %dma_start3A_14 = tpu.memref_squeeze %dma_start3A_13 : memref<1x64x327xf32, #tpu.memory_space<vmem>> -> memref<64x327xf32, #tpu.memory_space<vmem>>
    %dma_start3A_15 = arith.constant 0 : i32
    %dma_start3A_16 = tpu.memref_slice %arg3[%add3A_4, %dma_start3A_15] : memref<8192x327xf32, #tpu.memory_space<hbm>> -> memref<64x327xf32, #tpu.memory_space<hbm>>
    tpu.enqueue_dma source(%dma_start3A_16 : memref<64x327xf32, #tpu.memory_space<hbm>>) target(%dma_start3A_14 : memref<64x327xf32, #tpu.memory_space<vmem>>) target_semaphore(%arg13 : memref<!tpu.dma_semaphore, #tpu.memory_space<semaphore_mem>>)
    %dma_start3A_17 = arith.constant 0 : i32
    %dma_start3A_18 = arith.constant 0 : i32
    %dma_start3A_19 = arith.constant 0 : i32
    %dma_start3A_20 = tpu.memref_slice %arg9[%dma_start3A_17, %dma_start3A_18, %dma_start3A_19] : memref<2x64x176xi32, #tpu.memory_space<vmem>> -> memref<1x64x176xi32, #tpu.memory_space<vmem>>
    %dma_start3A_21 = tpu.memref_squeeze %dma_start3A_20 : memref<1x64x176xi32, #tpu.memory_space<vmem>> -> memref<64x176xi32, #tpu.memory_space<vmem>>
    %dma_start3A_22 = arith.constant 0 : i32
    %dma_start3A_23 = tpu.memref_slice %arg4[%add3A_4, %dma_start3A_22] : memref<8192x176xi32, #tpu.memory_space<hbm>> -> memref<64x176xi32, #tpu.memory_space<hbm>>
    %dma_start3A_24 = arith.constant 0 : i32
    %dma_start3A_25 = arith.constant 0 : i32
    %dma_start3A_26 = tpu.memref_slice %arg9[%dma_start3A_17, %dma_start3A_24, %dma_start3A_25] : memref<2x64x176xi32, #tpu.memory_space<vmem>> -> memref<1x64x176xi32, #tpu.memory_space<vmem>>
    %dma_start3A_27 = tpu.memref_squeeze %dma_start3A_26 : memref<1x64x176xi32, #tpu.memory_space<vmem>> -> memref<64x176xi32, #tpu.memory_space<vmem>>
    %dma_start3A_28 = arith.constant 0 : i32
    %dma_start3A_29 = tpu.memref_slice %arg4[%add3A_4, %dma_start3A_28] : memref<8192x176xi32, #tpu.memory_space<hbm>> -> memref<64x176xi32, #tpu.memory_space<hbm>>
    tpu.enqueue_dma source(%dma_start3A_29 : memref<64x176xi32, #tpu.memory_space<hbm>>) target(%dma_start3A_27 : memref<64x176xi32, #tpu.memory_space<vmem>>) target_semaphore(%arg15 : memref<!tpu.dma_semaphore, #tpu.memory_space<semaphore_mem>>)
    %dma_start3A_30 = arith.constant 0 : i32
    %dma_start3A_31 = tpu.memref_slice %arg7[%dma_start3A_30] : memref<272xf32, #tpu.memory_space<vmem>> -> memref<256xf32, #tpu.memory_space<vmem>>
    %dma_start3A_32 = tpu.memref_slice %arg2[%mul3A_2] : memref<8192xf32, #tpu.memory_space<hbm>> -> memref<256xf32, #tpu.memory_space<hbm>>
    %dma_start3A_33 = arith.constant 0 : i32
    %dma_start3A_34 = tpu.memref_slice %arg7[%dma_start3A_33] : memref<272xf32, #tpu.memory_space<vmem>> -> memref<256xf32, #tpu.memory_space<vmem>>
    %dma_start3A_35 = tpu.memref_slice %arg2[%mul3A_2] : memref<8192xf32, #tpu.memory_space<hbm>> -> memref<256xf32, #tpu.memory_space<hbm>>
    tpu.enqueue_dma source(%dma_start3A_35 : memref<256xf32, #tpu.memory_space<hbm>>) target(%dma_start3A_34 : memref<256xf32, #tpu.memory_space<vmem>>) target_semaphore(%arg17 : memref<!tpu.dma_semaphore, #tpu.memory_space<semaphore_mem>>)
    %broadcast_in_dim3A = arith.constant 0.000000e+00 : f32
    %broadcast_in_dim3A_36 = vector.broadcast %broadcast_in_dim3A : f32 to vector<16xf32>
    %scan3A = arith.constant 0 : i32
    %scan3A_37 = arith.constant 0 : i32
    %scan3A_38 = arith.constant 128 : i32
    %scan3A_39 = arith.addi %scan3A_37, %scan3A_38 : i32
    %scan3A_40 = arith.constant 1 : i32
    scf.for %scan3A_310 = %scan3A_37 to %scan3A_39 step %scan3A_40  : i32 {
      %swap3A_311 = arith.index_cast %scan3A_310 : i32 to index
      %swap3A_312 = arith.constant 0 : index
      %swap3A_313 = tpu.vector_load %arg10[%swap3A_311, %swap3A_312] {strides = array<i32>} : memref<128x128xf32, #tpu.memory_space<vmem>>, vector<16xf32>,
      tpu.vector_store %arg10[%swap3A_311, %swap3A_312], %broadcast_in_dim3A_36 {strides = array<i32>} : memref<128x128xf32, #tpu.memory_space<vmem>>, vector<16xf32>,
      %swap3A_314 = arith.index_cast %scan3A_310 : i32 to index
      %swap3A_315 = arith.constant 16 : index
      %swap3A_316 = tpu.vector_load %arg10[%swap3A_314, %swap3A_315] {strides = array<i32>} : memref<128x128xf32, #tpu.memory_space<vmem>>, vector<16xf32>,
      tpu.vector_store %arg10[%swap3A_314, %swap3A_315], %broadcast_in_dim3A_36 {strides = array<i32>} : memref<128x128xf32, #tpu.memory_space<vmem>>, vector<16xf32>,
      %swap3A_317 = arith.index_cast %scan3A_310 : i32 to index
      %swap3A_318 = arith.constant 32 : index
      %swap3A_319 = tpu.vector_load %arg10[%swap3A_317, %swap3A_318] {strides = array<i32>} : memref<128x128xf32, #tpu.memory_space<vmem>>, vector<16xf32>,
      tpu.vector_store %arg10[%swap3A_317, %swap3A_318], %broadcast_in_dim3A_36 {strides = array<i32>} : memref<128x128xf32, #tpu.memory_space<vmem>>, vector<16xf32>,
      %swap3A_320 = arith.index_cast %scan3A_310 : i32 to index
      %swap3A_321 = arith.constant 48 : index
      %swap3A_322 = tpu.vector_load %arg10[%swap3A_320, %swap3A_321] {strides = array<i32>} : memref<128x128xf32, #tpu.memory_space<vmem>>, vector<16xf32>,
      tpu.vector_store %arg10[%swap3A_320, %swap3A_321], %broadcast_in_dim3A_36 {strides = array<i32>} : memref<128x128xf32, #tpu.memory_space<vmem>>, vector<16xf32>,
      %swap3A_323 = arith.index_cast %scan3A_310 : i32 to index
      %swap3A_324 = arith.constant 64 : index
      %swap3A_325 = tpu.vector_load %arg10[%swap3A_323, %swap3A_324] {strides = array<i32>} : memref<128x128xf32, #tpu.memory_space<vmem>>, vector<16xf32>,
      tpu.vector_store %arg10[%swap3A_323, %swap3A_324], %broadcast_in_dim3A_36 {strides = array<i32>} : memref<128x128xf32, #tpu.memory_space<vmem>>, vector<16xf32>,
      %swap3A_326 = arith.index_cast %scan3A_310 : i32 to index
      %swap3A_327 = arith.constant 80 : index
      %swap3A_328 = tpu.vector_load %arg10[%swap3A_326, %swap3A_327] {strides = array<i32>} : memref<128x128xf32, #tpu.memory_space<vmem>>, vector<16xf32>,
      tpu.vector_store %arg10[%swap3A_326, %swap3A_327], %broadcast_in_dim3A_36 {strides = array<i32>} : memref<128x128xf32, #tpu.memory_space<vmem>>, vector<16xf32>,
      %swap3A_329 = arith.index_cast %scan3A_310 : i32 to index
      %swap3A_330 = arith.constant 96 : index
      %swap3A_331 = tpu.vector_load %arg10[%swap3A_329, %swap3A_330] {strides = array<i32>} : memref<128x128xf32, #tpu.memory_space<vmem>>, vector<16xf32>,
      tpu.vector_store %arg10[%swap3A_329, %swap3A_330], %broadcast_in_dim3A_36 {strides = array<i32>} : memref<128x128xf32, #tpu.memory_space<vmem>>, vector<16xf32>,
      %swap3A_332 = arith.index_cast %scan3A_310 : i32 to index
      %swap3A_333 = arith.constant 112 : index
      %swap3A_334 = tpu.vector_load %arg10[%swap3A_332, %swap3A_333] {strides = array<i32>} : memref<128x128xf32, #tpu.memory_space<vmem>>, vector<16xf32>,
      tpu.vector_store %arg10[%swap3A_332, %swap3A_333], %broadcast_in_dim3A_36 {strides = array<i32>} : memref<128x128xf32, #tpu.memory_space<vmem>>, vector<16xf32>,
    }
    %scan3A_41 = arith.constant 128 : i32
    %iota3A = tpu.iota {dimensions = array<i32: 0>} : vector<16xi32>
    %ge3A = arith.constant 9 : i32
    %ge3A_42 = vector.broadcast %ge3A : i32 to vector<16xi32>
    %ge3A_43 = arith.cmpi sge, %iota3A, %ge3A_42 : vector<16xi32>
    %dma_wait3A = arith.constant 0 : i32
    %dma_wait3A_44 = tpu.memref_slice %arg7[%dma_wait3A] : memref<272xf32, #tpu.memory_space<vmem>> -> memref<256xf32, #tpu.memory_space<vmem>>
    %dma_wait3A_45 = tpu.memref_slice %arg2[%mul3A_2] : memref<8192xf32, #tpu.memory_space<hbm>> -> memref<256xf32, #tpu.memory_space<hbm>>
    %dma_wait3A_46 = arith.constant 0 : i32
    %dma_wait3A_47 = tpu.memref_slice %arg7[%dma_wait3A_46] : memref<272xf32, #tpu.memory_space<vmem>> -> memref<256xf32, #tpu.memory_space<vmem>>
    %dma_wait3A_48 = tpu.memref_slice %arg2[%mul3A_2] : memref<8192xf32, #tpu.memory_space<hbm>> -> memref<256xf32, #tpu.memory_space<hbm>>
    tpu.wait_dma2 semaphore(%arg17 : memref<!tpu.dma_semaphore, #tpu.memory_space<semaphore_mem>>) src(%dma_wait3A_48 : memref<256xf32, #tpu.memory_space<hbm>>) dst(%dma_wait3A_47 : memref<256xf32, #tpu.memory_space<vmem>>)
    %add3A_49 = arith.constant 64 : i32
    %add3A_50 = arith.addi %mul3A_2, %add3A_49 : i32
    %dma_start3A_51 = arith.constant 1 : i32
    %dma_start3A_52 = arith.constant 0 : i32
    %dma_start3A_53 = arith.constant 0 : i32
    %dma_start3A_54 = tpu.memref_slice %arg8[%dma_start3A_51, %dma_start3A_52, %dma_start3A_53] : memref<2x64x327xf32, #tpu.memory_space<vmem>> -> memref<1x64x327xf32, #tpu.memory_space<vmem>>
    %dma_start3A_55 = tpu.memref_squeeze %dma_start3A_54 : memref<1x64x327xf32, #tpu.memory_space<vmem>> -> memref<64x327xf32, #tpu.memory_space<vmem>>
    %dma_start3A_56 = arith.constant 0 : i32
    %dma_start3A_57 = tpu.memref_slice %arg3[%add3A_50, %dma_start3A_56] : memref<8192x327xf32, #tpu.memory_space<hbm>> -> memref<64x327xf32, #tpu.memory_space<hbm>>
    %dma_start3A_58 = arith.constant 0 : i32
    %dma_start3A_59 = arith.constant 0 : i32
    %dma_start3A_60 = tpu.memref_slice %arg8[%dma_start3A_51, %dma_start3A_58, %dma_start3A_59] : memref<2x64x327xf32, #tpu.memory_space<vmem>> -> memref<1x64x327xf32, #tpu.memory_space<vmem>>
    %dma_start3A_61 = tpu.memref_squeeze %dma_start3A_60 : memref<1x64x327xf32, #tpu.memory_space<vmem>> -> memref<64x327xf32, #tpu.memory_space<vmem>>
    %dma_start3A_62 = arith.constant 0 : i32
    %dma_start3A_63 = tpu.memref_slice %arg3[%add3A_50, %dma_start3A_62] : memref<8192x327xf32, #tpu.memory_space<hbm>> -> memref<64x327xf32, #tpu.memory_space<hbm>>
    tpu.enqueue_dma source(%dma_start3A_63 : memref<64x327xf32, #tpu.memory_space<hbm>>) target(%dma_start3A_61 : memref<64x327xf32, #tpu.memory_space<vmem>>) target_semaphore(%arg14 : memref<!tpu.dma_semaphore, #tpu.memory_space<semaphore_mem>>)
    %dma_start3A_64 = arith.constant 1 : i32
    %dma_start3A_65 = arith.constant 0 : i32
    %dma_start3A_66 = arith.constant 0 : i32
    %dma_start3A_67 = tpu.memref_slice %arg9[%dma_start3A_64, %dma_start3A_65, %dma_start3A_66] : memref<2x64x176xi32, #tpu.memory_space<vmem>> -> memref<1x64x176xi32, #tpu.memory_space<vmem>>
    %dma_start3A_68 = tpu.memref_squeeze %dma_start3A_67 : memref<1x64x176xi32, #tpu.memory_space<vmem>> -> memref<64x176xi32, #tpu.memory_space<vmem>>
    %dma_start3A_69 = arith.constant 0 : i32
    %dma_start3A_70 = tpu.memref_slice %arg4[%add3A_50, %dma_start3A_69] : memref<8192x176xi32, #tpu.memory_space<hbm>> -> memref<64x176xi32, #tpu.memory_space<hbm>>
    %dma_start3A_71 = arith.constant 0 : i32
    %dma_start3A_72 = arith.constant 0 : i32
    %dma_start3A_73 = tpu.memref_slice %arg9[%dma_start3A_64, %dma_start3A_71, %dma_start3A_72] : memref<2x64x176xi32, #tpu.memory_space<vmem>> -> memref<1x64x176xi32, #tpu.memory_space<vmem>>
    %dma_start3A_74 = tpu.memref_squeeze %dma_start3A_73 : memref<1x64x176xi32, #tpu.memory_space<vmem>> -> memref<64x176xi32, #tpu.memory_space<vmem>>
    %dma_start3A_75 = arith.constant 0 : i32
    %dma_start3A_76 = tpu.memref_slice %arg4[%add3A_50, %dma_start3A_75] : memref<8192x176xi32, #tpu.memory_space<hbm>> -> memref<64x176xi32, #tpu.memory_space<hbm>>
    tpu.enqueue_dma source(%dma_start3A_76 : memref<64x176xi32, #tpu.memory_space<hbm>>) target(%dma_start3A_74 : memref<64x176xi32, #tpu.memory_space<vmem>>) target_semaphore(%arg16 : memref<!tpu.dma_semaphore, #tpu.memory_space<semaphore_mem>>)
    %dma_wait3A_77 = arith.constant 0 : i32
    %dma_wait3A_78 = arith.constant 0 : i32
    %dma_wait3A_79 = arith.constant 0 : i32
    %dma_wait3A_80 = tpu.memref_slice %arg8[%dma_wait3A_77, %dma_wait3A_78, %dma_wait3A_79] : memref<2x64x327xf32, #tpu.memory_space<vmem>> -> memref<1x64x327xf32, #tpu.memory_space<vmem>>
    %dma_wait3A_81 = tpu.memref_squeeze %dma_wait3A_80 : memref<1x64x327xf32, #tpu.memory_space<vmem>> -> memref<64x327xf32, #tpu.memory_space<vmem>>
    %dma_wait3A_82 = arith.constant 0 : i32
    %dma_wait3A_83 = tpu.memref_slice %arg3[%add3A_4, %dma_wait3A_82] : memref<8192x327xf32, #tpu.memory_space<hbm>> -> memref<64x327xf32, #tpu.memory_space<hbm>>
    %dma_wait3A_84 = arith.constant 0 : i32
    %dma_wait3A_85 = arith.constant 0 : i32
    %dma_wait3A_86 = tpu.memref_slice %arg8[%dma_wait3A_77, %dma_wait3A_84, %dma_wait3A_85] : memref<2x64x327xf32, #tpu.memory_space<vmem>> -> memref<1x64x327xf32, #tpu.memory_space<vmem>>
    %dma_wait3A_87 = tpu.memref_squeeze %dma_wait3A_86 : memref<1x64x327xf32, #tpu.memory_space<vmem>> -> memref<64x327xf32, #tpu.memory_space<vmem>>
    %dma_wait3A_88 = arith.constant 0 : i32
    %dma_wait3A_89 = tpu.memref_slice %arg3[%add3A_4, %dma_wait3A_88] : memref<8192x327xf32, #tpu.memory_space<hbm>> -> memref<64x327xf32, #tpu.memory_space<hbm>>
    tpu.wait_dma2 semaphore(%arg13 : memref<!tpu.dma_semaphore, #tpu.memory_space<semaphore_mem>>) src(%dma_wait3A_89 : memref<64x327xf32, #tpu.memory_space<hbm>>) dst(%dma_wait3A_87 : memref<64x327xf32, #tpu.memory_space<vmem>>)
    %dma_wait3A_90 = arith.constant 0 : i32
    %dma_wait3A_91 = arith.constant 0 : i32
    %dma_wait3A_92 = arith.constant 0 : i32
    %dma_wait3A_93 = tpu.memref_slice %arg9[%dma_wait3A_90, %dma_wait3A_91, %dma_wait3A_92] : memref<2x64x176xi32, #tpu.memory_space<vmem>> -> memref<1x64x176xi32, #tpu.memory_space<vmem>>
    %dma_wait3A_94 = tpu.memref_squeeze %dma_wait3A_93 : memref<1x64x176xi32, #tpu.memory_space<vmem>> -> memref<64x176xi32, #tpu.memory_space<vmem>>
    %dma_wait3A_95 = arith.constant 0 : i32
    %dma_wait3A_96 = tpu.memref_slice %arg4[%add3A_4, %dma_wait3A_95] : memref<8192x176xi32, #tpu.memory_space<hbm>> -> memref<64x176xi32, #tpu.memory_space<hbm>>
    %dma_wait3A_97 = arith.constant 0 : i32
    %dma_wait3A_98 = arith.constant 0 : i32
    %dma_wait3A_99 = tpu.memref_slice %arg9[%dma_wait3A_90, %dma_wait3A_97, %dma_wait3A_98] : memref<2x64x176xi32, #tpu.memory_space<vmem>> -> memref<1x64x176xi32, #tpu.memory_space<vmem>>
    %dma_wait3A_100 = tpu.memref_squeeze %dma_wait3A_99 : memref<1x64x176xi32, #tpu.memory_space<vmem>> -> memref<64x176xi32, #tpu.memory_space<vmem>>
    %dma_wait3A_101 = arith.constant 0 : i32
    %dma_wait3A_102 = tpu.memref_slice %arg4[%add3A_4, %dma_wait3A_101] : memref<8192x176xi32, #tpu.memory_space<hbm>> -> memref<64x176xi32, #tpu.memory_space<hbm>>
    tpu.wait_dma2 semaphore(%arg15 : memref<!tpu.dma_semaphore, #tpu.memory_space<semaphore_mem>>) src(%dma_wait3A_102 : memref<64x176xi32, #tpu.memory_space<hbm>>) dst(%dma_wait3A_100 : memref<64x176xi32, #tpu.memory_space<vmem>>)
    %parallel_loop3A = arith.constant 0 : i32
    %parallel_loop3A_103 = arith.constant 64 : i32
    %parallel_loop3A_104 = arith.constant 1 : i32
    scf.for %parallel_loop3A_310 = %parallel_loop3A to %parallel_loop3A_103 step %parallel_loop3A_104  : i32 {
      %parallel_loop3A_311 = arith.constant 0 : i32
      %parallel_loop3A_312 = arith.addi %parallel_loop3A_311, %parallel_loop3A_310 : i32
      %parallel_loop3A_313 = arith.index_cast %parallel_loop3A_312 : i32 to index
      %parallel_loop3A_314 = tpu.vector_load %arg7[%parallel_loop3A_313] {strides = array<i32>} : memref<272xf32, #tpu.memory_space<vmem>>, vector<16xf32>,
      %parallel_loop3A_315 = vector.extract_strided_slice %parallel_loop3A_314 {offsets = [0], sizes = [1], strides = [1]} : vector<16xf32> to vector<1xf32>
      %parallel_loop3A_316 = vector.extract %parallel_loop3A_315[0] : f32 from vector<1xf32>
      %parallel_loop3A_317 = vector.broadcast %parallel_loop3A_316 : f32 to vector<16xf32>
      %parallel_loop3A_318 = arith.constant 0 : i32
      %parallel_loop3A_319 = arith.index_cast %parallel_loop3A_318 : i32 to index
      %parallel_loop3A_320 = arith.index_cast %parallel_loop3A_310 : i32 to index
      %parallel_loop3A_321 = arith.constant 0 : index
      %parallel_loop3A_322 = tpu.vector_load %arg9[%parallel_loop3A_319, %parallel_loop3A_320, %parallel_loop3A_321] {strides = array<i32>} : memref<2x64x176xi32, #tpu.memory_space<vmem>>, vector<16xi32>,
      %parallel_loop3A_323 = vector.bitcast %parallel_loop3A_322 : vector<16xi32> to vector<32xi16>
      %parallel_loop3A_324 = tpu.unpack_subelements %parallel_loop3A_323, 0 {pack_format = #tpu.pack_format<interleaved>} : vector<32xi16> -> vector<16xi32>
      %parallel_loop3A_325 = tpu.unpack_subelements %parallel_loop3A_323, 1 {pack_format = #tpu.pack_format<interleaved>} : vector<32xi16> -> vector<16xi32>
      %parallel_loop3A_326 = arith.constant 0 : i32
      %parallel_loop3A_327 = arith.index_cast %parallel_loop3A_326 : i32 to index
      %parallel_loop3A_328 = arith.index_cast %parallel_loop3A_310 : i32 to index
      %parallel_loop3A_329 = arith.constant 0 : index
      %parallel_loop3A_330 = tpu.vector_load %arg8[%parallel_loop3A_327, %parallel_loop3A_328, %parallel_loop3A_329] {strides = array<i32>} : memref<2x64x327xf32, #tpu.memory_space<vmem>>, vector<16xf32>,
      %parallel_loop3A_331 = arith.constant 0 : i32
      %parallel_loop3A_332 = arith.index_cast %parallel_loop3A_331 : i32 to index
      %parallel_loop3A_333 = arith.index_cast %parallel_loop3A_310 : i32 to index
      %parallel_loop3A_334 = arith.constant 16 : index
      %parallel_loop3A_335 = tpu.vector_load %arg8[%parallel_loop3A_332, %parallel_loop3A_333, %parallel_loop3A_334] {strides = array<i32>} : memref<2x64x327xf32, #tpu.memory_space<vmem>>, vector<16xf32>,
      %parallel_loop3A_336 = arith.constant 7 : i32
      %parallel_loop3A_337 = vector.broadcast %parallel_loop3A_336 : i32 to vector<16xi32>
      %parallel_loop3A_338 = arith.shrui %parallel_loop3A_324, %parallel_loop3A_337 : vector<16xi32>
      %parallel_loop3A_339 = arith.constant 127 : i32
      %parallel_loop3A_340 = vector.broadcast %parallel_loop3A_339 : i32 to vector<16xi32>
      %parallel_loop3A_341 = arith.andi %parallel_loop3A_324, %parallel_loop3A_340 : vector<16xi32>
      %parallel_loop3A_342 = arith.mulf %parallel_loop3A_317, %parallel_loop3A_330 : vector<16xf32>
      tpu.vector_store_idx %arg10[%parallel_loop3A_338, %parallel_loop3A_341], %parallel_loop3A_342 {add = true} : memref<128x128xf32, #tpu.memory_space<vmem>>[vector<16xi32>, vector<16xi32>], vector<16xf32>,
      %parallel_loop3A_343 = arith.constant 7 : i32
      %parallel_loop3A_344 = vector.broadcast %parallel_loop3A_343 : i32 to vector<16xi32>
      %parallel_loop3A_345 = arith.shrui %parallel_loop3A_325, %parallel_loop3A_344 : vector<16xi32>
      %parallel_loop3A_346 = arith.constant 127 : i32
      %parallel_loop3A_347 = vector.broadcast %parallel_loop3A_346 : i32 to vector<16xi32>
      %parallel_loop3A_348 = arith.andi %parallel_loop3A_325, %parallel_loop3A_347 : vector<16xi32>
      %parallel_loop3A_349 = arith.mulf %parallel_loop3A_317, %parallel_loop3A_335 : vector<16xf32>
      tpu.vector_store_idx %arg10[%parallel_loop3A_345, %parallel_loop3A_348], %parallel_loop3A_349 {add = true} : memref<128x128xf32, #tpu.memory_space<vmem>>[vector<16xi32>, vector<16xi32>], vector<16xf32>,
      %parallel_loop3A_350 = arith.constant 0 : i32
      %parallel_loop3A_351 = arith.index_cast %parallel_loop3A_350 : i32 to index
      %parallel_loop3A_352 = arith.index_cast %parallel_loop3A_310 : i32 to index
      %parallel_loop3A_353 = arith.constant 16 : index
      %parallel_loop3A_354 = tpu.vector_load %arg9[%parallel_loop3A_351, %parallel_loop3A_352, %parallel_loop3A_353] {strides = array<i32>} : memref<2x64x176xi32, #tpu.memory_space<vmem>>, vector<16xi32>,
      %parallel_loop3A_355 = vector.bitcast %parallel_loop3A_354 : vector<16xi32> to vector<32xi16>
      %parallel_loop3A_356 = tpu.unpack_subelements %parallel_loop3A_355, 0 {pack_format = #tpu.pack_format<interleaved>} : vector<32xi16> -> vector<16xi32>
      %parallel_loop3A_357 = tpu.unpack_subelements %parallel_loop3A_355, 1 {pack_format = #tpu.pack_format<interleaved>} : vector<32xi16> -> vector<16xi32>
      %parallel_loop3A_358 = arith.constant 0 : i32
      %parallel_loop3A_359 = arith.index_cast %parallel_loop3A_358 : i32 to index
      %parallel_loop3A_360 = arith.index_cast %parallel_loop3A_310 : i32 to index
      %parallel_loop3A_361 = arith.constant 32 : index
      %parallel_loop3A_362 = tpu.vector_load %arg8[%parallel_loop3A_359, %parallel_loop3A_360, %parallel_loop3A_361] {strides = array<i32>} : memref<2x64x327xf32, #tpu.memory_space<vmem>>, vector<16xf32>,
      %parallel_loop3A_363 = arith.constant 0 : i32
      %parallel_loop3A_364 = arith.index_cast %parallel_loop3A_363 : i32 to index
      %parallel_loop3A_365 = arith.index_cast %parallel_loop3A_310 : i32 to index
      %parallel_loop3A_366 = arith.constant 48 : index
      %parallel_loop3A_367 = tpu.vector_load %arg8[%parallel_loop3A_364, %parallel_loop3A_365, %parallel_loop3A_366] {strides = array<i32>} : memref<2x64x327xf32, #tpu.memory_space<vmem>>, vector<16xf32>,
      %parallel_loop3A_368 = arith.constant 7 : i32
      %parallel_loop3A_369 = vector.broadcast %parallel_loop3A_368 : i32 to vector<16xi32>
      %parallel_loop3A_370 = arith.shrui %parallel_loop3A_356, %parallel_loop3A_369 : vector<16xi32>
      %parallel_loop3A_371 = arith.constant 127 : i32
      %parallel_loop3A_372 = vector.broadcast %parallel_loop3A_371 : i32 to vector<16xi32>
      %parallel_loop3A_373 = arith.andi %parallel_loop3A_356, %parallel_loop3A_372 : vector<16xi32>
      %parallel_loop3A_374 = arith.mulf %parallel_loop3A_317, %parallel_loop3A_362 : vector<16xf32>
      tpu.vector_store_idx %arg10[%parallel_loop3A_370, %parallel_loop3A_373], %parallel_loop3A_374 {add = true} : memref<128x128xf32, #tpu.memory_space<vmem>>[vector<16xi32>, vector<16xi32>], vector<16xf32>,
      %parallel_loop3A_375 = arith.constant 7 : i32
      %parallel_loop3A_376 = vector.broadcast %parallel_loop3A_375 : i32 to vector<16xi32>
      %parallel_loop3A_377 = arith.shrui %parallel_loop3A_357, %parallel_loop3A_376 : vector<16xi32>
      %parallel_loop3A_378 = arith.constant 127 : i32
      %parallel_loop3A_379 = vector.broadcast %parallel_loop3A_378 : i32 to vector<16xi32>
      %parallel_loop3A_380 = arith.andi %parallel_loop3A_357, %parallel_loop3A_379 : vector<16xi32>
      %parallel_loop3A_381 = arith.mulf %parallel_loop3A_317, %parallel_loop3A_367 : vector<16xf32>
      tpu.vector_store_idx %arg10[%parallel_loop3A_377, %parallel_loop3A_380], %parallel_loop3A_381 {add = true} : memref<128x128xf32, #tpu.memory_space<vmem>>[vector<16xi32>, vector<16xi32>], vector<16xf32>,
      %parallel_loop3A_382 = arith.constant 0 : i32
      %parallel_loop3A_383 = arith.index_cast %parallel_loop3A_382 : i32 to index
      %parallel_loop3A_384 = arith.index_cast %parallel_loop3A_310 : i32 to index
      %parallel_loop3A_385 = arith.constant 32 : index
      %parallel_loop3A_386 = tpu.vector_load %arg9[%parallel_loop3A_383, %parallel_loop3A_384, %parallel_loop3A_385] {strides = array<i32>} : memref<2x64x176xi32, #tpu.memory_space<vmem>>, vector<16xi32>,
      %parallel_loop3A_387 = vector.bitcast %parallel_loop3A_386 : vector<16xi32> to vector<32xi16>
      %parallel_loop3A_388 = tpu.unpack_subelements %parallel_loop3A_387, 0 {pack_format = #tpu.pack_format<interleaved>} : vector<32xi16> -> vector<16xi32>
      %parallel_loop3A_389 = tpu.unpack_subelements %parallel_loop3A_387, 1 {pack_format = #tpu.pack_format<interleaved>} : vector<32xi16> -> vector<16xi32>
      %parallel_loop3A_390 = arith.constant 0 : i32
      %parallel_loop3A_391 = arith.index_cast %parallel_loop3A_390 : i32 to index
      %parallel_loop3A_392 = arith.index_cast %parallel_loop3A_310 : i32 to index
      %parallel_loop3A_393 = arith.constant 64 : index
      %parallel_loop3A_394 = tpu.vector_load %arg8[%parallel_loop3A_391, %parallel_loop3A_392, %parallel_loop3A_393] {strides = array<i32>} : memref<2x64x327xf32, #tpu.memory_space<vmem>>, vector<16xf32>,
      %parallel_loop3A_395 = arith.constant 0 : i32
      %parallel_loop3A_396 = arith.index_cast %parallel_loop3A_395 : i32 to index
      %parallel_loop3A_397 = arith.index_cast %parallel_loop3A_310 : i32 to index
      %parallel_loop3A_398 = arith.constant 80 : index
      %parallel_loop3A_399 = tpu.vector_load %arg8[%parallel_loop3A_396, %parallel_loop3A_397, %parallel_loop3A_398] {strides = array<i32>} : memref<2x64x327xf32, #tpu.memory_space<vmem>>, vector<16xf32>,
      %parallel_loop3A_400 = arith.constant 7 : i32
      %parallel_loop3A_401 = vector.broadcast %parallel_loop3A_400 : i32 to vector<16xi32>
      %parallel_loop3A_402 = arith.shrui %parallel_loop3A_388, %parallel_loop3A_401 : vector<16xi32>
      %parallel_loop3A_403 = arith.constant 127 : i32
      %parallel_loop3A_404 = vector.broadcast %parallel_loop3A_403 : i32 to vector<16xi32>
      %parallel_loop3A_405 = arith.andi %parallel_loop3A_388, %parallel_loop3A_404 : vector<16xi32>
      %parallel_loop3A_406 = arith.mulf %parallel_loop3A_317, %parallel_loop3A_394 : vector<16xf32>
      tpu.vector_store_idx %arg10[%parallel_loop3A_402, %parallel_loop3A_405], %parallel_loop3A_406 {add = true} : memref<128x128xf32, #tpu.memory_space<vmem>>[vector<16xi32>, vector<16xi32>], vector<16xf32>,
      %parallel_loop3A_407 = arith.constant 7 : i32
      %parallel_loop3A_408 = vector.broadcast %parallel_loop3A_407 : i32 to vector<16xi32>
      %parallel_loop3A_409 = arith.shrui %parallel_loop3A_389, %parallel_loop3A_408 : vector<16xi32>
      %parallel_loop3A_410 = arith.constant 127 : i32
      %parallel_loop3A_411 = vector.broadcast %parallel_loop3A_410 : i32 to vector<16xi32>
      %parallel_loop3A_412 = arith.andi %parallel_loop3A_389, %parallel_loop3A_411 : vector<16xi32>
      %parallel_loop3A_413 = arith.mulf %parallel_loop3A_317, %parallel_loop3A_399 : vector<16xf32>
      tpu.vector_store_idx %arg10[%parallel_loop3A_409, %parallel_loop3A_412], %parallel_loop3A_413 {add = true} : memref<128x128xf32, #tpu.memory_space<vmem>>[vector<16xi32>, vector<16xi32>], vector<16xf32>,
      %parallel_loop3A_414 = arith.constant 0 : i32
      %parallel_loop3A_415 = arith.index_cast %parallel_loop3A_414 : i32 to index
      %parallel_loop3A_416 = arith.index_cast %parallel_loop3A_310 : i32 to index
      %parallel_loop3A_417 = arith.constant 48 : index
      %parallel_loop3A_418 = tpu.vector_load %arg9[%parallel_loop3A_415, %parallel_loop3A_416, %parallel_loop3A_417] {strides = array<i32>} : memref<2x64x176xi32, #tpu.memory_space<vmem>>, vector<16xi32>,
      %parallel_loop3A_419 = vector.bitcast %parallel_loop3A_418 : vector<16xi32> to vector<32xi16>
      %parallel_loop3A_420 = tpu.unpack_subelements %parallel_loop3A_419, 0 {pack_format = #tpu.pack_format<interleaved>} : vector<32xi16> -> vector<16xi32>
      %parallel_loop3A_421 = tpu.unpack_subelements %parallel_loop3A_419, 1 {pack_format = #tpu.pack_format<interleaved>} : vector<32xi16> -> vector<16xi32>
      %parallel_loop3A_422 = arith.constant 0 : i32
      %parallel_loop3A_423 = arith.index_cast %parallel_loop3A_422 : i32 to index
      %parallel_loop3A_424 = arith.index_cast %parallel_loop3A_310 : i32 to index
      %parallel_loop3A_425 = arith.constant 96 : index
      %parallel_loop3A_426 = tpu.vector_load %arg8[%parallel_loop3A_423, %parallel_loop3A_424, %parallel_loop3A_425] {strides = array<i32>} : memref<2x64x327xf32, #tpu.memory_space<vmem>>, vector<16xf32>,
      %parallel_loop3A_427 = arith.constant 0 : i32
      %parallel_loop3A_428 = arith.index_cast %parallel_loop3A_427 : i32 to index
      %parallel_loop3A_429 = arith.index_cast %parallel_loop3A_310 : i32 to index
      %parallel_loop3A_430 = arith.constant 112 : index
      %parallel_loop3A_431 = tpu.vector_load %arg8[%parallel_loop3A_428, %parallel_loop3A_429, %parallel_loop3A_430] {strides = array<i32>} : memref<2x64x327xf32, #tpu.memory_space<vmem>>, vector<16xf32>,
      %parallel_loop3A_432 = arith.constant 7 : i32
      %parallel_loop3A_433 = vector.broadcast %parallel_loop3A_432 : i32 to vector<16xi32>
      %parallel_loop3A_434 = arith.shrui %parallel_loop3A_420, %parallel_loop3A_433 : vector<16xi32>
      %parallel_loop3A_435 = arith.constant 127 : i32
      %parallel_loop3A_436 = vector.broadcast %parallel_loop3A_435 : i32 to vector<16xi32>
      %parallel_loop3A_437 = arith.andi %parallel_loop3A_420, %parallel_loop3A_436 : vector<16xi32>
      %parallel_loop3A_438 = arith.mulf %parallel_loop3A_317, %parallel_loop3A_426 : vector<16xf32>
      tpu.vector_store_idx %arg10[%parallel_loop3A_434, %parallel_loop3A_437], %parallel_loop3A_438 {add = true} : memref<128x128xf32, #tpu.memory_space<vmem>>[vector<16xi32>, vector<16xi32>], vector<16xf32>,
      %parallel_loop3A_439 = arith.constant 7 : i32
      %parallel_loop3A_440 = vector.broadcast %parallel_loop3A_439 : i32 to vector<16xi32>
      %parallel_loop3A_441 = arith.shrui %parallel_loop3A_421, %parallel_loop3A_440 : vector<16xi32>
      %parallel_loop3A_442 = arith.constant 127 : i32
      %parallel_loop3A_443 = vector.broadcast %parallel_loop3A_442 : i32 to vector<16xi32>
      %parallel_loop3A_444 = arith.andi %parallel_loop3A_421, %parallel_loop3A_443 : vector<16xi32>
      %parallel_loop3A_445 = arith.mulf %parallel_loop3A_317, %parallel_loop3A_431 : vector<16xf32>
      tpu.vector_store_idx %arg10[%parallel_loop3A_441, %parallel_loop3A_444], %parallel_loop3A_445 {add = true} : memref<128x128xf32, #tpu.memory_space<vmem>>[vector<16xi32>, vector<16xi32>], vector<16xf32>,
      %parallel_loop3A_446 = arith.constant 0 : i32
      %parallel_loop3A_447 = arith.index_cast %parallel_loop3A_446 : i32 to index
      %parallel_loop3A_448 = arith.index_cast %parallel_loop3A_310 : i32 to index
      %parallel_loop3A_449 = arith.constant 64 : index
      %parallel_loop3A_450 = tpu.vector_load %arg9[%parallel_loop3A_447, %parallel_loop3A_448, %parallel_loop3A_449] {strides = array<i32>} : memref<2x64x176xi32, #tpu.memory_space<vmem>>, vector<16xi32>,
      %parallel_loop3A_451 = vector.bitcast %parallel_loop3A_450 : vector<16xi32> to vector<32xi16>
      %parallel_loop3A_452 = tpu.unpack_subelements %parallel_loop3A_451, 0 {pack_format = #tpu.pack_format<interleaved>} : vector<32xi16> -> vector<16xi32>
      %parallel_loop3A_453 = tpu.unpack_subelements %parallel_loop3A_451, 1 {pack_format = #tpu.pack_format<interleaved>} : vector<32xi16> -> vector<16xi32>
      %parallel_loop3A_454 = arith.constant 0 : i32
      %parallel_loop3A_455 = arith.index_cast %parallel_loop3A_454 : i32 to index
      %parallel_loop3A_456 = arith.index_cast %parallel_loop3A_310 : i32 to index
      %parallel_loop3A_457 = arith.constant 128 : index
      %parallel_loop3A_458 = tpu.vector_load %arg8[%parallel_loop3A_455, %parallel_loop3A_456, %parallel_loop3A_457] {strides = array<i32>} : memref<2x64x327xf32, #tpu.memory_space<vmem>>, vector<16xf32>,
      %parallel_loop3A_459 = arith.constant 0 : i32
      %parallel_loop3A_460 = arith.index_cast %parallel_loop3A_459 : i32 to index
      %parallel_loop3A_461 = arith.index_cast %parallel_loop3A_310 : i32 to index
      %parallel_loop3A_462 = arith.constant 144 : index
      %parallel_loop3A_463 = tpu.vector_load %arg8[%parallel_loop3A_460, %parallel_loop3A_461, %parallel_loop3A_462] {strides = array<i32>} : memref<2x64x327xf32, #tpu.memory_space<vmem>>, vector<16xf32>,
      %parallel_loop3A_464 = arith.constant 7 : i32
      %parallel_loop3A_465 = vector.broadcast %parallel_loop3A_464 : i32 to vector<16xi32>
      %parallel_loop3A_466 = arith.shrui %parallel_loop3A_452, %parallel_loop3A_465 : vector<16xi32>
      %parallel_loop3A_467 = arith.constant 127 : i32
      %parallel_loop3A_468 = vector.broadcast %parallel_loop3A_467 : i32 to vector<16xi32>
      %parallel_loop3A_469 = arith.andi %parallel_loop3A_452, %parallel_loop3A_468 : vector<16xi32>
      %parallel_loop3A_470 = arith.mulf %parallel_loop3A_317, %parallel_loop3A_458 : vector<16xf32>
      tpu.vector_store_idx %arg10[%parallel_loop3A_466, %parallel_loop3A_469], %parallel_loop3A_470 {add = true} : memref<128x128xf32, #tpu.memory_space<vmem>>[vector<16xi32>, vector<16xi32>], vector<16xf32>,
      %parallel_loop3A_471 = arith.constant 7 : i32
      %parallel_loop3A_472 = vector.broadcast %parallel_loop3A_471 : i32 to vector<16xi32>
      %parallel_loop3A_473 = arith.shrui %parallel_loop3A_453, %parallel_loop3A_472 : vector<16xi32>
      %parallel_loop3A_474 = arith.constant 127 : i32
      %parallel_loop3A_475 = vector.broadcast %parallel_loop3A_474 : i32 to vector<16xi32>
      %parallel_loop3A_476 = arith.andi %parallel_loop3A_453, %parallel_loop3A_475 : vector<16xi32>
      %parallel_loop3A_477 = arith.mulf %parallel_loop3A_317, %parallel_loop3A_463 : vector<16xf32>
      tpu.vector_store_idx %arg10[%parallel_loop3A_473, %parallel_loop3A_476], %parallel_loop3A_477 {add = true} : memref<128x128xf32, #tpu.memory_space<vmem>>[vector<16xi32>, vector<16xi32>], vector<16xf32>,
      %parallel_loop3A_478 = arith.constant 0 : i32
      %parallel_loop3A_479 = arith.index_cast %parallel_loop3A_478 : i32 to index
      %parallel_loop3A_480 = arith.index_cast %parallel_loop3A_310 : i32 to index
      %parallel_loop3A_481 = arith.constant 80 : index
      %parallel_loop3A_482 = tpu.vector_load %arg9[%parallel_loop3A_479, %parallel_loop3A_480, %parallel_loop3A_481] {strides = array<i32>} : memref<2x64x176xi32, #tpu.memory_space<vmem>>, vector<16xi32>,
      %parallel_loop3A_483 = vector.bitcast %parallel_loop3A_482 : vector<16xi32> to vector<32xi16>
      %parallel_loop3A_484 = tpu.unpack_subelements %parallel_loop3A_483, 0 {pack_format = #tpu.pack_format<interleaved>} : vector<32xi16> -> vector<16xi32>
      %parallel_loop3A_485 = tpu.unpack_subelements %parallel_loop3A_483, 1 {pack_format = #tpu.pack_format<interleaved>} : vector<32xi16> -> vector<16xi32>
      %parallel_loop3A_486 = arith.constant 0 : i32
      %parallel_loop3A_487 = arith.index_cast %parallel_loop3A_486 : i32 to index
      %parallel_loop3A_488 = arith.index_cast %parallel_loop3A_310 : i32 to index
      %parallel_loop3A_489 = arith.constant 160 : index
      %parallel_loop3A_490 = tpu.vector_load %arg8[%parallel_loop3A_487, %parallel_loop3A_488, %parallel_loop3A_489] {strides = array<i32>} : memref<2x64x327xf32, #tpu.memory_space<vmem>>, vector<16xf32>,
      %parallel_loop3A_491 = arith.constant 0 : i32
      %parallel_loop3A_492 = arith.index_cast %parallel_loop3A_491 : i32 to index
      %parallel_loop3A_493 = arith.index_cast %parallel_loop3A_310 : i32 to index
      %parallel_loop3A_494 = arith.constant 176 : index
      %parallel_loop3A_495 = tpu.vector_load %arg8[%parallel_loop3A_492, %parallel_loop3A_493, %parallel_loop3A_494] {strides = array<i32>} : memref<2x64x327xf32, #tpu.memory_space<vmem>>, vector<16xf32>,
      %parallel_loop3A_496 = arith.constant 7 : i32
      %parallel_loop3A_497 = vector.broadcast %parallel_loop3A_496 : i32 to vector<16xi32>
      %parallel_loop3A_498 = arith.shrui %parallel_loop3A_484, %parallel_loop3A_497 : vector<16xi32>
      %parallel_loop3A_499 = arith.constant 127 : i32
      %parallel_loop3A_500 = vector.broadcast %parallel_loop3A_499 : i32 to vector<16xi32>
      %parallel_loop3A_501 = arith.andi %parallel_loop3A_484, %parallel_loop3A_500 : vector<16xi32>
      %parallel_loop3A_502 = arith.mulf %parallel_loop3A_317, %parallel_loop3A_490 : vector<16xf32>
      tpu.vector_store_idx %arg10[%parallel_loop3A_498, %parallel_loop3A_501], %parallel_loop3A_502 {add = true} : memref<128x128xf32, #tpu.memory_space<vmem>>[vector<16xi32>, vector<16xi32>], vector<16xf32>,
      %parallel_loop3A_503 = arith.constant 7 : i32
      %parallel_loop3A_504 = vector.broadcast %parallel_loop3A_503 : i32 to vector<16xi32>
      %parallel_loop3A_505 = arith.shrui %parallel_loop3A_485, %parallel_loop3A_504 : vector<16xi32>
      %parallel_loop3A_506 = arith.constant 127 : i32
      %parallel_loop3A_507 = vector.broadcast %parallel_loop3A_506 : i32 to vector<16xi32>
      %parallel_loop3A_508 = arith.andi %parallel_loop3A_485, %parallel_loop3A_507 : vector<16xi32>
      %parallel_loop3A_509 = arith.mulf %parallel_loop3A_317, %parallel_loop3A_495 : vector<16xf32>
      tpu.vector_store_idx %arg10[%parallel_loop3A_505, %parallel_loop3A_508], %parallel_loop3A_509 {add = true} : memref<128x128xf32, #tpu.memory_space<vmem>>[vector<16xi32>, vector<16xi32>], vector<16xf32>,
      %parallel_loop3A_510 = arith.constant 0 : i32
      %parallel_loop3A_511 = arith.index_cast %parallel_loop3A_510 : i32 to index
      %parallel_loop3A_512 = arith.index_cast %parallel_loop3A_310 : i32 to index
      %parallel_loop3A_513 = arith.constant 96 : index
      %parallel_loop3A_514 = tpu.vector_load %arg9[%parallel_loop3A_511, %parallel_loop3A_512, %parallel_loop3A_513] {strides = array<i32>} : memref<2x64x176xi32, #tpu.memory_space<vmem>>, vector<16xi32>,
      %parallel_loop3A_515 = vector.bitcast %parallel_loop3A_514 : vector<16xi32> to vector<32xi16>
      %parallel_loop3A_516 = tpu.unpack_subelements %parallel_loop3A_515, 0 {pack_format = #tpu.pack_format<interleaved>} : vector<32xi16> -> vector<16xi32>
      %parallel_loop3A_517 = tpu.unpack_subelements %parallel_loop3A_515, 1 {pack_format = #tpu.pack_format<interleaved>} : vector<32xi16> -> vector<16xi32>
      %parallel_loop3A_518 = arith.constant 0 : i32
      %parallel_loop3A_519 = arith.index_cast %parallel_loop3A_518 : i32 to index
      %parallel_loop3A_520 = arith.index_cast %parallel_loop3A_310 : i32 to index
      %parallel_loop3A_521 = arith.constant 192 : index
      %parallel_loop3A_522 = tpu.vector_load %arg8[%parallel_loop3A_519, %parallel_loop3A_520, %parallel_loop3A_521] {strides = array<i32>} : memref<2x64x327xf32, #tpu.memory_space<vmem>>, vector<16xf32>,
      %parallel_loop3A_523 = arith.constant 0 : i32
      %parallel_loop3A_524 = arith.index_cast %parallel_loop3A_523 : i32 to index
      %parallel_loop3A_525 = arith.index_cast %parallel_loop3A_310 : i32 to index
      %parallel_loop3A_526 = arith.constant 208 : index
      %parallel_loop3A_527 = tpu.vector_load %arg8[%parallel_loop3A_524, %parallel_loop3A_525, %parallel_loop3A_526] {strides = array<i32>} : memref<2x64x327xf32, #tpu.memory_space<vmem>>, vector<16xf32>,
      %parallel_loop3A_528 = arith.constant 7 : i32
      %parallel_loop3A_529 = vector.broadcast %parallel_loop3A_528 : i32 to vector<16xi32>
      %parallel_loop3A_530 = arith.shrui %parallel_loop3A_516, %parallel_loop3A_529 : vector<16xi32>
      %parallel_loop3A_531 = arith.constant 127 : i32
      %parallel_loop3A_532 = vector.broadcast %parallel_loop3A_531 : i32 to vector<16xi32>
      %parallel_loop3A_533 = arith.andi %parallel_loop3A_516, %parallel_loop3A_532 : vector<16xi32>
      %parallel_loop3A_534 = arith.mulf %parallel_loop3A_317, %parallel_loop3A_522 : vector<16xf32>
      tpu.vector_store_idx %arg10[%parallel_loop3A_530, %parallel_loop3A_533], %parallel_loop3A_534 {add = true} : memref<128x128xf32, #tpu.memory_space<vmem>>[vector<16xi32>, vector<16xi32>], vector<16xf32>,
      %parallel_loop3A_535 = arith.constant 7 : i32
      %parallel_loop3A_536 = vector.broadcast %parallel_loop3A_535 : i32 to vector<16xi32>
      %parallel_loop3A_537 = arith.shrui %parallel_loop3A_517, %parallel_loop3A_536 : vector<16xi32>
      %parallel_loop3A_538 = arith.constant 127 : i32
      %parallel_loop3A_539 = vector.broadcast %parallel_loop3A_538 : i32 to vector<16xi32>
      %parallel_loop3A_540 = arith.andi %parallel_loop3A_517, %parallel_loop3A_539 : vector<16xi32>
      %parallel_loop3A_541 = arith.mulf %parallel_loop3A_317, %parallel_loop3A_527 : vector<16xf32>
      tpu.vector_store_idx %arg10[%parallel_loop3A_537, %parallel_loop3A_540], %parallel_loop3A_541 {add = true} : memref<128x128xf32, #tpu.memory_space<vmem>>[vector<16xi32>, vector<16xi32>], vector<16xf32>,
      %parallel_loop3A_542 = arith.constant 0 : i32
      %parallel_loop3A_543 = arith.index_cast %parallel_loop3A_542 : i32 to index
      %parallel_loop3A_544 = arith.index_cast %parallel_loop3A_310 : i32 to index
      %parallel_loop3A_545 = arith.constant 112 : index
      %parallel_loop3A_546 = tpu.vector_load %arg9[%parallel_loop3A_543, %parallel_loop3A_544, %parallel_loop3A_545] {strides = array<i32>} : memref<2x64x176xi32, #tpu.memory_space<vmem>>, vector<16xi32>,
      %parallel_loop3A_547 = vector.bitcast %parallel_loop3A_546 : vector<16xi32> to vector<32xi16>
      %parallel_loop3A_548 = tpu.unpack_subelements %parallel_loop3A_547, 0 {pack_format = #tpu.pack_format<interleaved>} : vector<32xi16> -> vector<16xi32>
      %parallel_loop3A_549 = tpu.unpack_subelements %parallel_loop3A_547, 1 {pack_format = #tpu.pack_format<interleaved>} : vector<32xi16> -> vector<16xi32>
      %parallel_loop3A_550 = arith.constant 0 : i32
      %parallel_loop3A_551 = arith.index_cast %parallel_loop3A_550 : i32 to index
      %parallel_loop3A_552 = arith.index_cast %parallel_loop3A_310 : i32 to index
      %parallel_loop3A_553 = arith.constant 224 : index
      %parallel_loop3A_554 = tpu.vector_load %arg8[%parallel_loop3A_551, %parallel_loop3A_552, %parallel_loop3A_553] {strides = array<i32>} : memref<2x64x327xf32, #tpu.memory_space<vmem>>, vector<16xf32>,
      %parallel_loop3A_555 = arith.constant 0 : i32
      %parallel_loop3A_556 = arith.index_cast %parallel_loop3A_555 : i32 to index
      %parallel_loop3A_557 = arith.index_cast %parallel_loop3A_310 : i32 to index
      %parallel_loop3A_558 = arith.constant 240 : index
      %parallel_loop3A_559 = tpu.vector_load %arg8[%parallel_loop3A_556, %parallel_loop3A_557, %parallel_loop3A_558] {strides = array<i32>} : memref<2x64x327xf32, #tpu.memory_space<vmem>>, vector<16xf32>,
      %parallel_loop3A_560 = arith.constant 7 : i32
      %parallel_loop3A_561 = vector.broadcast %parallel_loop3A_560 : i32 to vector<16xi32>
      %parallel_loop3A_562 = arith.shrui %parallel_loop3A_548, %parallel_loop3A_561 : vector<16xi32>
      %parallel_loop3A_563 = arith.constant 127 : i32
      %parallel_loop3A_564 = vector.broadcast %parallel_loop3A_563 : i32 to vector<16xi32>
      %parallel_loop3A_565 = arith.andi %parallel_loop3A_548, %parallel_loop3A_564 : vector<16xi32>
      %parallel_loop3A_566 = arith.mulf %parallel_loop3A_317, %parallel_loop3A_554 : vector<16xf32>
      tpu.vector_store_idx %arg10[%parallel_loop3A_562, %parallel_loop3A_565], %parallel_loop3A_566 {add = true} : memref<128x128xf32, #tpu.memory_space<vmem>>[vector<16xi32>, vector<16xi32>], vector<16xf32>,
      %parallel_loop3A_567 = arith.constant 7 : i32
      %parallel_loop3A_568 = vector.broadcast %parallel_loop3A_567 : i32 to vector<16xi32>
      %parallel_loop3A_569 = arith.shrui %parallel_loop3A_549, %parallel_loop3A_568 : vector<16xi32>
      %parallel_loop3A_570 = arith.constant 127 : i32
      %parallel_loop3A_571 = vector.broadcast %parallel_loop3A_570 : i32 to vector<16xi32>
      %parallel_loop3A_572 = arith.andi %parallel_loop3A_549, %parallel_loop3A_571 : vector<16xi32>
      %parallel_loop3A_573 = arith.mulf %parallel_loop3A_317, %parallel_loop3A_559 : vector<16xf32>
      tpu.vector_store_idx %arg10[%parallel_loop3A_569, %parallel_loop3A_572], %parallel_loop3A_573 {add = true} : memref<128x128xf32, #tpu.memory_space<vmem>>[vector<16xi32>, vector<16xi32>], vector<16xf32>,
      %parallel_loop3A_574 = arith.constant 0 : i32
      %parallel_loop3A_575 = arith.index_cast %parallel_loop3A_574 : i32 to index
      %parallel_loop3A_576 = arith.index_cast %parallel_loop3A_310 : i32 to index
      %parallel_loop3A_577 = arith.constant 128 : index
      %parallel_loop3A_578 = tpu.vector_load %arg9[%parallel_loop3A_575, %parallel_loop3A_576, %parallel_loop3A_577] {strides = array<i32>} : memref<2x64x176xi32, #tpu.memory_space<vmem>>, vector<16xi32>,
      %parallel_loop3A_579 = vector.bitcast %parallel_loop3A_578 : vector<16xi32> to vector<32xi16>
      %parallel_loop3A_580 = tpu.unpack_subelements %parallel_loop3A_579, 0 {pack_format = #tpu.pack_format<interleaved>} : vector<32xi16> -> vector<16xi32>
      %parallel_loop3A_581 = tpu.unpack_subelements %parallel_loop3A_579, 1 {pack_format = #tpu.pack_format<interleaved>} : vector<32xi16> -> vector<16xi32>
      %parallel_loop3A_582 = arith.constant 0 : i32
      %parallel_loop3A_583 = arith.index_cast %parallel_loop3A_582 : i32 to index
      %parallel_loop3A_584 = arith.index_cast %parallel_loop3A_310 : i32 to index
      %parallel_loop3A_585 = arith.constant 256 : index
      %parallel_loop3A_586 = tpu.vector_load %arg8[%parallel_loop3A_583, %parallel_loop3A_584, %parallel_loop3A_585] {strides = array<i32>} : memref<2x64x327xf32, #tpu.memory_space<vmem>>, vector<16xf32>,
      %parallel_loop3A_587 = arith.constant 0 : i32
      %parallel_loop3A_588 = arith.index_cast %parallel_loop3A_587 : i32 to index
      %parallel_loop3A_589 = arith.index_cast %parallel_loop3A_310 : i32 to index
      %parallel_loop3A_590 = arith.constant 272 : index
      %parallel_loop3A_591 = tpu.vector_load %arg8[%parallel_loop3A_588, %parallel_loop3A_589, %parallel_loop3A_590] {strides = array<i32>} : memref<2x64x327xf32, #tpu.memory_space<vmem>>, vector<16xf32>,
      %parallel_loop3A_592 = arith.constant 7 : i32
      %parallel_loop3A_593 = vector.broadcast %parallel_loop3A_592 : i32 to vector<16xi32>
      %parallel_loop3A_594 = arith.shrui %parallel_loop3A_580, %parallel_loop3A_593 : vector<16xi32>
      %parallel_loop3A_595 = arith.constant 127 : i32
      %parallel_loop3A_596 = vector.broadcast %parallel_loop3A_595 : i32 to vector<16xi32>
      %parallel_loop3A_597 = arith.andi %parallel_loop3A_580, %parallel_loop3A_596 : vector<16xi32>
      %parallel_loop3A_598 = arith.mulf %parallel_loop3A_317, %parallel_loop3A_586 : vector<16xf32>
      tpu.vector_store_idx %arg10[%parallel_loop3A_594, %parallel_loop3A_597], %parallel_loop3A_598 {add = true} : memref<128x128xf32, #tpu.memory_space<vmem>>[vector<16xi32>, vector<16xi32>], vector<16xf32>,
      %parallel_loop3A_599 = arith.constant 7 : i32
      %parallel_loop3A_600 = vector.broadcast %parallel_loop3A_599 : i32 to vector<16xi32>
      %parallel_loop3A_601 = arith.shrui %parallel_loop3A_581, %parallel_loop3A_600 : vector<16xi32>
      %parallel_loop3A_602 = arith.constant 127 : i32
      %parallel_loop3A_603 = vector.broadcast %parallel_loop3A_602 : i32 to vector<16xi32>
      %parallel_loop3A_604 = arith.andi %parallel_loop3A_581, %parallel_loop3A_603 : vector<16xi32>
      %parallel_loop3A_605 = arith.mulf %parallel_loop3A_317, %parallel_loop3A_591 : vector<16xf32>
      tpu.vector_store_idx %arg10[%parallel_loop3A_601, %parallel_loop3A_604], %parallel_loop3A_605 {add = true} : memref<128x128xf32, #tpu.memory_space<vmem>>[vector<16xi32>, vector<16xi32>], vector<16xf32>,
      %parallel_loop3A_606 = arith.constant 0 : i32
      %parallel_loop3A_607 = arith.index_cast %parallel_loop3A_606 : i32 to index
      %parallel_loop3A_608 = arith.index_cast %parallel_loop3A_310 : i32 to index
      %parallel_loop3A_609 = arith.constant 144 : index
      %parallel_loop3A_610 = tpu.vector_load %arg9[%parallel_loop3A_607, %parallel_loop3A_608, %parallel_loop3A_609] {strides = array<i32>} : memref<2x64x176xi32, #tpu.memory_space<vmem>>, vector<16xi32>,
      %parallel_loop3A_611 = vector.bitcast %parallel_loop3A_610 : vector<16xi32> to vector<32xi16>
      %parallel_loop3A_612 = tpu.unpack_subelements %parallel_loop3A_611, 0 {pack_format = #tpu.pack_format<interleaved>} : vector<32xi16> -> vector<16xi32>
      %parallel_loop3A_613 = tpu.unpack_subelements %parallel_loop3A_611, 1 {pack_format = #tpu.pack_format<interleaved>} : vector<32xi16> -> vector<16xi32>
      %parallel_loop3A_614 = arith.constant 0 : i32
      %parallel_loop3A_615 = arith.index_cast %parallel_loop3A_614 : i32 to index
      %parallel_loop3A_616 = arith.index_cast %parallel_loop3A_310 : i32 to index
      %parallel_loop3A_617 = arith.constant 288 : index
      %parallel_loop3A_618 = tpu.vector_load %arg8[%parallel_loop3A_615, %parallel_loop3A_616, %parallel_loop3A_617] {strides = array<i32>} : memref<2x64x327xf32, #tpu.memory_space<vmem>>, vector<16xf32>,
      %parallel_loop3A_619 = arith.constant 0 : i32
      %parallel_loop3A_620 = arith.index_cast %parallel_loop3A_619 : i32 to index
      %parallel_loop3A_621 = arith.index_cast %parallel_loop3A_310 : i32 to index
      %parallel_loop3A_622 = arith.constant 304 : index
      %parallel_loop3A_623 = tpu.vector_load %arg8[%parallel_loop3A_620, %parallel_loop3A_621, %parallel_loop3A_622] {strides = array<i32>} : memref<2x64x327xf32, #tpu.memory_space<vmem>>, vector<16xf32>,
      %parallel_loop3A_624 = arith.constant 7 : i32
      %parallel_loop3A_625 = vector.broadcast %parallel_loop3A_624 : i32 to vector<16xi32>
      %parallel_loop3A_626 = arith.shrui %parallel_loop3A_612, %parallel_loop3A_625 : vector<16xi32>
      %parallel_loop3A_627 = arith.constant 127 : i32
      %parallel_loop3A_628 = vector.broadcast %parallel_loop3A_627 : i32 to vector<16xi32>
      %parallel_loop3A_629 = arith.andi %parallel_loop3A_612, %parallel_loop3A_628 : vector<16xi32>
      %parallel_loop3A_630 = arith.mulf %parallel_loop3A_317, %parallel_loop3A_618 : vector<16xf32>
      tpu.vector_store_idx %arg10[%parallel_loop3A_626, %parallel_loop3A_629], %parallel_loop3A_630 {add = true} : memref<128x128xf32, #tpu.memory_space<vmem>>[vector<16xi32>, vector<16xi32>], vector<16xf32>,
      %parallel_loop3A_631 = arith.constant 7 : i32
      %parallel_loop3A_632 = vector.broadcast %parallel_loop3A_631 : i32 to vector<16xi32>
      %parallel_loop3A_633 = arith.shrui %parallel_loop3A_613, %parallel_loop3A_632 : vector<16xi32>
      %parallel_loop3A_634 = arith.constant 127 : i32
      %parallel_loop3A_635 = vector.broadcast %parallel_loop3A_634 : i32 to vector<16xi32>
      %parallel_loop3A_636 = arith.andi %parallel_loop3A_613, %parallel_loop3A_635 : vector<16xi32>
      %parallel_loop3A_637 = arith.mulf %parallel_loop3A_317, %parallel_loop3A_623 : vector<16xf32>
      tpu.vector_store_idx %arg10[%parallel_loop3A_633, %parallel_loop3A_636], %parallel_loop3A_637 {add = true} : memref<128x128xf32, #tpu.memory_space<vmem>>[vector<16xi32>, vector<16xi32>], vector<16xf32>,
      %parallel_loop3A_638 = arith.constant 0 : i32
      %parallel_loop3A_639 = arith.index_cast %parallel_loop3A_638 : i32 to index
      %parallel_loop3A_640 = arith.index_cast %parallel_loop3A_310 : i32 to index
      %parallel_loop3A_641 = arith.constant 160 : index
      %parallel_loop3A_642 = tpu.vector_load %arg9[%parallel_loop3A_639, %parallel_loop3A_640, %parallel_loop3A_641] {strides = array<i32>} : memref<2x64x176xi32, #tpu.memory_space<vmem>>, vector<16xi32>,
      %parallel_loop3A_643 = vector.bitcast %parallel_loop3A_642 : vector<16xi32> to vector<32xi16>
      %parallel_loop3A_644 = tpu.unpack_subelements %parallel_loop3A_643, 0 {pack_format = #tpu.pack_format<interleaved>} : vector<32xi16> -> vector<16xi32>
      %parallel_loop3A_645 = tpu.unpack_subelements %parallel_loop3A_643, 1 {pack_format = #tpu.pack_format<interleaved>} : vector<32xi16> -> vector<16xi32>
      %parallel_loop3A_646 = arith.constant 0 : i32
      %parallel_loop3A_647 = arith.index_cast %parallel_loop3A_646 : i32 to index
      %parallel_loop3A_648 = arith.index_cast %parallel_loop3A_310 : i32 to index
      %parallel_loop3A_649 = arith.constant 311 : index
      %parallel_loop3A_650 = tpu.vector_load %arg8[%parallel_loop3A_647, %parallel_loop3A_648, %parallel_loop3A_649] {strides = array<i32>} : memref<2x64x327xf32, #tpu.memory_space<vmem>>, vector<16xf32>,
      %parallel_loop3A_651 = arith.constant 7 : i32
      %parallel_loop3A_652 = vector.broadcast %parallel_loop3A_651 : i32 to vector<16xi32>
      %parallel_loop3A_653 = arith.shrui %parallel_loop3A_644, %parallel_loop3A_652 : vector<16xi32>
      %parallel_loop3A_654 = arith.constant 127 : i32
      %parallel_loop3A_655 = vector.broadcast %parallel_loop3A_654 : i32 to vector<16xi32>
      %parallel_loop3A_656 = arith.andi %parallel_loop3A_644, %parallel_loop3A_655 : vector<16xi32>
      %parallel_loop3A_657 = arith.mulf %parallel_loop3A_317, %parallel_loop3A_650 : vector<16xf32>
      tpu.vector_store_idx %arg10[%parallel_loop3A_653, %parallel_loop3A_656], %parallel_loop3A_657 masked %ge3A_43 {add = true} : memref<128x128xf32, #tpu.memory_space<vmem>>[vector<16xi32>, vector<16xi32>], vector<16xf32>, vector<16xi1>
    } {sc.loop_unroll_factor = 2 : i64, sc.parallel_access}
    %add3A_105 = arith.constant 128 : i32
    %add3A_106 = arith.addi %mul3A_2, %add3A_105 : i32
    %dma_start3A_107 = arith.constant 0 : i32
    %dma_start3A_108 = arith.constant 0 : i32
    %dma_start3A_109 = arith.constant 0 : i32
    %dma_start3A_110 = tpu.memref_slice %arg8[%dma_start3A_107, %dma_start3A_108, %dma_start3A_109] : memref<2x64x327xf32, #tpu.memory_space<vmem>> -> memref<1x64x327xf32, #tpu.memory_space<vmem>>
    %dma_start3A_111 = tpu.memref_squeeze %dma_start3A_110 : memref<1x64x327xf32, #tpu.memory_space<vmem>> -> memref<64x327xf32, #tpu.memory_space<vmem>>
    %dma_start3A_112 = arith.constant 0 : i32
    %dma_start3A_113 = tpu.memref_slice %arg3[%add3A_106, %dma_start3A_112] : memref<8192x327xf32, #tpu.memory_space<hbm>> -> memref<64x327xf32, #tpu.memory_space<hbm>>
    %dma_start3A_114 = arith.constant 0 : i32
    %dma_start3A_115 = arith.constant 0 : i32
    %dma_start3A_116 = tpu.memref_slice %arg8[%dma_start3A_107, %dma_start3A_114, %dma_start3A_115] : memref<2x64x327xf32, #tpu.memory_space<vmem>> -> memref<1x64x327xf32, #tpu.memory_space<vmem>>
    %dma_start3A_117 = tpu.memref_squeeze %dma_start3A_116 : memref<1x64x327xf32, #tpu.memory_space<vmem>> -> memref<64x327xf32, #tpu.memory_space<vmem>>
    %dma_start3A_118 = arith.constant 0 : i32
    %dma_start3A_119 = tpu.memref_slice %arg3[%add3A_106, %dma_start3A_118] : memref<8192x327xf32, #tpu.memory_space<hbm>> -> memref<64x327xf32, #tpu.memory_space<hbm>>
    tpu.enqueue_dma source(%dma_start3A_119 : memref<64x327xf32, #tpu.memory_space<hbm>>) target(%dma_start3A_117 : memref<64x327xf32, #tpu.memory_space<vmem>>) target_semaphore(%arg13 : memref<!tpu.dma_semaphore, #tpu.memory_space<semaphore_mem>>)
    %dma_start3A_120 = arith.constant 0 : i32
    %dma_start3A_121 = arith.constant 0 : i32
    %dma_start3A_122 = arith.constant 0 : i32
    %dma_start3A_123 = tpu.memref_slice %arg9[%dma_start3A_120, %dma_start3A_121, %dma_start3A_122] : memref<2x64x176xi32, #tpu.memory_space<vmem>> -> memref<1x64x176xi32, #tpu.memory_space<vmem>>
    %dma_start3A_124 = tpu.memref_squeeze %dma_start3A_123 : memref<1x64x176xi32, #tpu.memory_space<vmem>> -> memref<64x176xi32, #tpu.memory_space<vmem>>
    %dma_start3A_125 = arith.constant 0 : i32
    %dma_start3A_126 = tpu.memref_slice %arg4[%add3A_106, %dma_start3A_125] : memref<8192x176xi32, #tpu.memory_space<hbm>> -> memref<64x176xi32, #tpu.memory_space<hbm>>
    %dma_start3A_127 = arith.constant 0 : i32
    %dma_start3A_128 = arith.constant 0 : i32
    %dma_start3A_129 = tpu.memref_slice %arg9[%dma_start3A_120, %dma_start3A_127, %dma_start3A_128] : memref<2x64x176xi32, #tpu.memory_space<vmem>> -> memref<1x64x176xi32, #tpu.memory_space<vmem>>
    %dma_start3A_130 = tpu.memref_squeeze %dma_start3A_129 : memref<1x64x176xi32, #tpu.memory_space<vmem>> -> memref<64x176xi32, #tpu.memory_space<vmem>>
    %dma_start3A_131 = arith.constant 0 : i32
    %dma_start3A_132 = tpu.memref_slice %arg4[%add3A_106, %dma_start3A_131] : memref<8192x176xi32, #tpu.memory_space<hbm>> -> memref<64x176xi32, #tpu.memory_space<hbm>>
    tpu.enqueue_dma source(%dma_start3A_132 : memref<64x176xi32, #tpu.memory_space<hbm>>) target(%dma_start3A_130 : memref<64x176xi32, #tpu.memory_space<vmem>>) target_semaphore(%arg15 : memref<!tpu.dma_semaphore, #tpu.memory_space<semaphore_mem>>)
    %dma_wait3A_133 = arith.constant 1 : i32
    %dma_wait3A_134 = arith.constant 0 : i32
    %dma_wait3A_135 = arith.constant 0 : i32
    %dma_wait3A_136 = tpu.memref_slice %arg8[%dma_wait3A_133, %dma_wait3A_134, %dma_wait3A_135] : memref<2x64x327xf32, #tpu.memory_space<vmem>> -> memref<1x64x327xf32, #tpu.memory_space<vmem>>
    %dma_wait3A_137 = tpu.memref_squeeze %dma_wait3A_136 : memref<1x64x327xf32, #tpu.memory_space<vmem>> -> memref<64x327xf32, #tpu.memory_space<vmem>>
    %dma_wait3A_138 = arith.constant 0 : i32
    %dma_wait3A_139 = tpu.memref_slice %arg3[%add3A_50, %dma_wait3A_138] : memref<8192x327xf32, #tpu.memory_space<hbm>> -> memref<64x327xf32, #tpu.memory_space<hbm>>
    %dma_wait3A_140 = arith.constant 0 : i32
    %dma_wait3A_141 = arith.constant 0 : i32
    %dma_wait3A_142 = tpu.memref_slice %arg8[%dma_wait3A_133, %dma_wait3A_140, %dma_wait3A_141] : memref<2x64x327xf32, #tpu.memory_space<vmem>> -> memref<1x64x327xf32, #tpu.memory_space<vmem>>
    %dma_wait3A_143 = tpu.memref_squeeze %dma_wait3A_142 : memref<1x64x327xf32, #tpu.memory_space<vmem>> -> memref<64x327xf32, #tpu.memory_space<vmem>>
    %dma_wait3A_144 = arith.constant 0 : i32
    %dma_wait3A_145 = tpu.memref_slice %arg3[%add3A_50, %dma_wait3A_144] : memref<8192x327xf32, #tpu.memory_space<hbm>> -> memref<64x327xf32, #tpu.memory_space<hbm>>
    tpu.wait_dma2 semaphore(%arg14 : memref<!tpu.dma_semaphore, #tpu.memory_space<semaphore_mem>>) src(%dma_wait3A_145 : memref<64x327xf32, #tpu.memory_space<hbm>>) dst(%dma_wait3A_143 : memref<64x327xf32, #tpu.memory_space<vmem>>)
    %dma_wait3A_146 = arith.constant 1 : i32
    %dma_wait3A_147 = arith.constant 0 : i32
    %dma_wait3A_148 = arith.constant 0 : i32
    %dma_wait3A_149 = tpu.memref_slice %arg9[%dma_wait3A_146, %dma_wait3A_147, %dma_wait3A_148] : memref<2x64x176xi32, #tpu.memory_space<vmem>> -> memref<1x64x176xi32, #tpu.memory_space<vmem>>
    %dma_wait3A_150 = tpu.memref_squeeze %dma_wait3A_149 : memref<1x64x176xi32, #tpu.memory_space<vmem>> -> memref<64x176xi32, #tpu.memory_space<vmem>>
    %dma_wait3A_151 = arith.constant 0 : i32
    %dma_wait3A_152 = tpu.memref_slice %arg4[%add3A_50, %dma_wait3A_151] : memref<8192x176xi32, #tpu.memory_space<hbm>> -> memref<64x176xi32, #tpu.memory_space<hbm>>
    %dma_wait3A_153 = arith.constant 0 : i32
    %dma_wait3A_154 = arith.constant 0 : i32
    %dma_wait3A_155 = tpu.memref_slice %arg9[%dma_wait3A_146, %dma_wait3A_153, %dma_wait3A_154] : memref<2x64x176xi32, #tpu.memory_space<vmem>> -> memref<1x64x176xi32, #tpu.memory_space<vmem>>
    %dma_wait3A_156 = tpu.memref_squeeze %dma_wait3A_155 : memref<1x64x176xi32, #tpu.memory_space<vmem>> -> memref<64x176xi32, #tpu.memory_space<vmem>>
    %dma_wait3A_157 = arith.constant 0 : i32
    %dma_wait3A_158 = tpu.memref_slice %arg4[%add3A_50, %dma_wait3A_157] : memref<8192x176xi32, #tpu.memory_space<hbm>> -> memref<64x176xi32, #tpu.memory_space<hbm>>
    tpu.wait_dma2 semaphore(%arg16 : memref<!tpu.dma_semaphore, #tpu.memory_space<semaphore_mem>>) src(%dma_wait3A_158 : memref<64x176xi32, #tpu.memory_space<hbm>>) dst(%dma_wait3A_156 : memref<64x176xi32, #tpu.memory_space<vmem>>)
    %parallel_loop3A_159 = arith.constant 0 : i32
    %parallel_loop3A_160 = arith.constant 64 : i32
    %parallel_loop3A_161 = arith.constant 1 : i32
    scf.for %parallel_loop3A_310 = %parallel_loop3A_159 to %parallel_loop3A_160 step %parallel_loop3A_161  : i32 {
      %parallel_loop3A_311 = arith.constant 64 : i32
      %parallel_loop3A_312 = arith.addi %parallel_loop3A_311, %parallel_loop3A_310 : i32
      %parallel_loop3A_313 = arith.index_cast %parallel_loop3A_312 : i32 to index
      %parallel_loop3A_314 = tpu.vector_load %arg7[%parallel_loop3A_313] {strides = array<i32>} : memref<272xf32, #tpu.memory_space<vmem>>, vector<16xf32>,
      %parallel_loop3A_315 = vector.extract_strided_slice %parallel_loop3A_314 {offsets = [0], sizes = [1], strides = [1]} : vector<16xf32> to vector<1xf32>
      %parallel_loop3A_316 = vector.extract %parallel_loop3A_315[0] : f32 from vector<1xf32>
      %parallel_loop3A_317 = vector.broadcast %parallel_loop3A_316 : f32 to vector<16xf32>
      %parallel_loop3A_318 = arith.constant 1 : i32
      %parallel_loop3A_319 = arith.index_cast %parallel_loop3A_318 : i32 to index
      %parallel_loop3A_320 = arith.index_cast %parallel_loop3A_310 : i32 to index
      %parallel_loop3A_321 = arith.constant 0 : index
      %parallel_loop3A_322 = tpu.vector_load %arg9[%parallel_loop3A_319, %parallel_loop3A_320, %parallel_loop3A_321] {strides = array<i32>} : memref<2x64x176xi32, #tpu.memory_space<vmem>>, vector<16xi32>,
      %parallel_loop3A_323 = vector.bitcast %parallel_loop3A_322 : vector<16xi32> to vector<32xi16>
      %parallel_loop3A_324 = tpu.unpack_subelements %parallel_loop3A_323, 0 {pack_format = #tpu.pack_format<interleaved>} : vector<32xi16> -> vector<16xi32>
      %parallel_loop3A_325 = tpu.unpack_subelements %parallel_loop3A_323, 1 {pack_format = #tpu.pack_format<interleaved>} : vector<32xi16> -> vector<16xi32>
      %parallel_loop3A_326 = arith.constant 1 : i32
      %parallel_loop3A_327 = arith.index_cast %parallel_loop3A_326 : i32 to index
      %parallel_loop3A_328 = arith.index_cast %parallel_loop3A_310 : i32 to index
      %parallel_loop3A_329 = arith.constant 0 : index
      %parallel_loop3A_330 = tpu.vector_load %arg8[%parallel_loop3A_327, %parallel_loop3A_328, %parallel_loop3A_329] {strides = array<i32>} : memref<2x64x327xf32, #tpu.memory_space<vmem>>, vector<16xf32>,
      %parallel_loop3A_331 = arith.constant 1 : i32
      %parallel_loop3A_332 = arith.index_cast %parallel_loop3A_331 : i32 to index
      %parallel_loop3A_333 = arith.index_cast %parallel_loop3A_310 : i32 to index
      %parallel_loop3A_334 = arith.constant 16 : index
      %parallel_loop3A_335 = tpu.vector_load %arg8[%parallel_loop3A_332, %parallel_loop3A_333, %parallel_loop3A_334] {strides = array<i32>} : memref<2x64x327xf32, #tpu.memory_space<vmem>>, vector<16xf32>,
      %parallel_loop3A_336 = arith.constant 7 : i32
      %parallel_loop3A_337 = vector.broadcast %parallel_loop3A_336 : i32 to vector<16xi32>
      %parallel_loop3A_338 = arith.shrui %parallel_loop3A_324, %parallel_loop3A_337 : vector<16xi32>
      %parallel_loop3A_339 = arith.constant 127 : i32
      %parallel_loop3A_340 = vector.broadcast %parallel_loop3A_339 : i32 to vector<16xi32>
      %parallel_loop3A_341 = arith.andi %parallel_loop3A_324, %parallel_loop3A_340 : vector<16xi32>
      %parallel_loop3A_342 = arith.mulf %parallel_loop3A_317, %parallel_loop3A_330 : vector<16xf32>
      tpu.vector_store_idx %arg10[%parallel_loop3A_338, %parallel_loop3A_341], %parallel_loop3A_342 {add = true} : memref<128x128xf32, #tpu.memory_space<vmem>>[vector<16xi32>, vector<16xi32>], vector<16xf32>,
      %parallel_loop3A_343 = arith.constant 7 : i32
      %parallel_loop3A_344 = vector.broadcast %parallel_loop3A_343 : i32 to vector<16xi32>
      %parallel_loop3A_345 = arith.shrui %parallel_loop3A_325, %parallel_loop3A_344 : vector<16xi32>
      %parallel_loop3A_346 = arith.constant 127 : i32
      %parallel_loop3A_347 = vector.broadcast %parallel_loop3A_346 : i32 to vector<16xi32>
      %parallel_loop3A_348 = arith.andi %parallel_loop3A_325, %parallel_loop3A_347 : vector<16xi32>
      %parallel_loop3A_349 = arith.mulf %parallel_loop3A_317, %parallel_loop3A_335 : vector<16xf32>
      tpu.vector_store_idx %arg10[%parallel_loop3A_345, %parallel_loop3A_348], %parallel_loop3A_349 {add = true} : memref<128x128xf32, #tpu.memory_space<vmem>>[vector<16xi32>, vector<16xi32>], vector<16xf32>,
      %parallel_loop3A_350 = arith.constant 1 : i32
      %parallel_loop3A_351 = arith.index_cast %parallel_loop3A_350 : i32 to index
      %parallel_loop3A_352 = arith.index_cast %parallel_loop3A_310 : i32 to index
      %parallel_loop3A_353 = arith.constant 16 : index
      %parallel_loop3A_354 = tpu.vector_load %arg9[%parallel_loop3A_351, %parallel_loop3A_352, %parallel_loop3A_353] {strides = array<i32>} : memref<2x64x176xi32, #tpu.memory_space<vmem>>, vector<16xi32>,
      %parallel_loop3A_355 = vector.bitcast %parallel_loop3A_354 : vector<16xi32> to vector<32xi16>
      %parallel_loop3A_356 = tpu.unpack_subelements %parallel_loop3A_355, 0 {pack_format = #tpu.pack_format<interleaved>} : vector<32xi16> -> vector<16xi32>
      %parallel_loop3A_357 = tpu.unpack_subelements %parallel_loop3A_355, 1 {pack_format = #tpu.pack_format<interleaved>} : vector<32xi16> -> vector<16xi32>
      %parallel_loop3A_358 = arith.constant 1 : i32
      %parallel_loop3A_359 = arith.index_cast %parallel_loop3A_358 : i32 to index
      %parallel_loop3A_360 = arith.index_cast %parallel_loop3A_310 : i32 to index
      %parallel_loop3A_361 = arith.constant 32 : index
      %parallel_loop3A_362 = tpu.vector_load %arg8[%parallel_loop3A_359, %parallel_loop3A_360, %parallel_loop3A_361] {strides = array<i32>} : memref<2x64x327xf32, #tpu.memory_space<vmem>>, vector<16xf32>,
      %parallel_loop3A_363 = arith.constant 1 : i32
      %parallel_loop3A_364 = arith.index_cast %parallel_loop3A_363 : i32 to index
      %parallel_loop3A_365 = arith.index_cast %parallel_loop3A_310 : i32 to index
      %parallel_loop3A_366 = arith.constant 48 : index
      %parallel_loop3A_367 = tpu.vector_load %arg8[%parallel_loop3A_364, %parallel_loop3A_365, %parallel_loop3A_366] {strides = array<i32>} : memref<2x64x327xf32, #tpu.memory_space<vmem>>, vector<16xf32>,
      %parallel_loop3A_368 = arith.constant 7 : i32
      %parallel_loop3A_369 = vector.broadcast %parallel_loop3A_368 : i32 to vector<16xi32>
      %parallel_loop3A_370 = arith.shrui %parallel_loop3A_356, %parallel_loop3A_369 : vector<16xi32>
      %parallel_loop3A_371 = arith.constant 127 : i32
      %parallel_loop3A_372 = vector.broadcast %parallel_loop3A_371 : i32 to vector<16xi32>
      %parallel_loop3A_373 = arith.andi %parallel_loop3A_356, %parallel_loop3A_372 : vector<16xi32>
      %parallel_loop3A_374 = arith.mulf %parallel_loop3A_317, %parallel_loop3A_362 : vector<16xf32>
      tpu.vector_store_idx %arg10[%parallel_loop3A_370, %parallel_loop3A_373], %parallel_loop3A_374 {add = true} : memref<128x128xf32, #tpu.memory_space<vmem>>[vector<16xi32>, vector<16xi32>], vector<16xf32>,
      %parallel_loop3A_375 = arith.constant 7 : i32
      %parallel_loop3A_376 = vector.broadcast %parallel_loop3A_375 : i32 to vector<16xi32>
      %parallel_loop3A_377 = arith.shrui %parallel_loop3A_357, %parallel_loop3A_376 : vector<16xi32>
      %parallel_loop3A_378 = arith.constant 127 : i32
      %parallel_loop3A_379 = vector.broadcast %parallel_loop3A_378 : i32 to vector<16xi32>
      %parallel_loop3A_380 = arith.andi %parallel_loop3A_357, %parallel_loop3A_379 : vector<16xi32>
      %parallel_loop3A_381 = arith.mulf %parallel_loop3A_317, %parallel_loop3A_367 : vector<16xf32>
      tpu.vector_store_idx %arg10[%parallel_loop3A_377, %parallel_loop3A_380], %parallel_loop3A_381 {add = true} : memref<128x128xf32, #tpu.memory_space<vmem>>[vector<16xi32>, vector<16xi32>], vector<16xf32>,
      %parallel_loop3A_382 = arith.constant 1 : i32
      %parallel_loop3A_383 = arith.index_cast %parallel_loop3A_382 : i32 to index
      %parallel_loop3A_384 = arith.index_cast %parallel_loop3A_310 : i32 to index
      %parallel_loop3A_385 = arith.constant 32 : index
      %parallel_loop3A_386 = tpu.vector_load %arg9[%parallel_loop3A_383, %parallel_loop3A_384, %parallel_loop3A_385] {strides = array<i32>} : memref<2x64x176xi32, #tpu.memory_space<vmem>>, vector<16xi32>,
      %parallel_loop3A_387 = vector.bitcast %parallel_loop3A_386 : vector<16xi32> to vector<32xi16>
      %parallel_loop3A_388 = tpu.unpack_subelements %parallel_loop3A_387, 0 {pack_format = #tpu.pack_format<interleaved>} : vector<32xi16> -> vector<16xi32>
      %parallel_loop3A_389 = tpu.unpack_subelements %parallel_loop3A_387, 1 {pack_format = #tpu.pack_format<interleaved>} : vector<32xi16> -> vector<16xi32>
      %parallel_loop3A_390 = arith.constant 1 : i32
      %parallel_loop3A_391 = arith.index_cast %parallel_loop3A_390 : i32 to index
      %parallel_loop3A_392 = arith.index_cast %parallel_loop3A_310 : i32 to index
      %parallel_loop3A_393 = arith.constant 64 : index
      %parallel_loop3A_394 = tpu.vector_load %arg8[%parallel_loop3A_391, %parallel_loop3A_392, %parallel_loop3A_393] {strides = array<i32>} : memref<2x64x327xf32, #tpu.memory_space<vmem>>, vector<16xf32>,
      %parallel_loop3A_395 = arith.constant 1 : i32
      %parallel_loop3A_396 = arith.index_cast %parallel_loop3A_395 : i32 to index
      %parallel_loop3A_397 = arith.index_cast %parallel_loop3A_310 : i32 to index
      %parallel_loop3A_398 = arith.constant 80 : index
      %parallel_loop3A_399 = tpu.vector_load %arg8[%parallel_loop3A_396, %parallel_loop3A_397, %parallel_loop3A_398] {strides = array<i32>} : memref<2x64x327xf32, #tpu.memory_space<vmem>>, vector<16xf32>,
      %parallel_loop3A_400 = arith.constant 7 : i32
      %parallel_loop3A_401 = vector.broadcast %parallel_loop3A_400 : i32 to vector<16xi32>
      %parallel_loop3A_402 = arith.shrui %parallel_loop3A_388, %parallel_loop3A_401 : vector<16xi32>
      %parallel_loop3A_403 = arith.constant 127 : i32
      %parallel_loop3A_404 = vector.broadcast %parallel_loop3A_403 : i32 to vector<16xi32>
      %parallel_loop3A_405 = arith.andi %parallel_loop3A_388, %parallel_loop3A_404 : vector<16xi32>
      %parallel_loop3A_406 = arith.mulf %parallel_loop3A_317, %parallel_loop3A_394 : vector<16xf32>
      tpu.vector_store_idx %arg10[%parallel_loop3A_402, %parallel_loop3A_405], %parallel_loop3A_406 {add = true} : memref<128x128xf32, #tpu.memory_space<vmem>>[vector<16xi32>, vector<16xi32>], vector<16xf32>,
      %parallel_loop3A_407 = arith.constant 7 : i32
      %parallel_loop3A_408 = vector.broadcast %parallel_loop3A_407 : i32 to vector<16xi32>
      %parallel_loop3A_409 = arith.shrui %parallel_loop3A_389, %parallel_loop3A_408 : vector<16xi32>
      %parallel_loop3A_410 = arith.constant 127 : i32
      %parallel_loop3A_411 = vector.broadcast %parallel_loop3A_410 : i32 to vector<16xi32>
      %parallel_loop3A_412 = arith.andi %parallel_loop3A_389, %parallel_loop3A_411 : vector<16xi32>
      %parallel_loop3A_413 = arith.mulf %parallel_loop3A_317, %parallel_loop3A_399 : vector<16xf32>
      tpu.vector_store_idx %arg10[%parallel_loop3A_409, %parallel_loop3A_412], %parallel_loop3A_413 {add = true} : memref<128x128xf32, #tpu.memory_space<vmem>>[vector<16xi32>, vector<16xi32>], vector<16xf32>,
      %parallel_loop3A_414 = arith.constant 1 : i32
      %parallel_loop3A_415 = arith.index_cast %parallel_loop3A_414 : i32 to index
      %parallel_loop3A_416 = arith.index_cast %parallel_loop3A_310 : i32 to index
      %parallel_loop3A_417 = arith.constant 48 : index
      %parallel_loop3A_418 = tpu.vector_load %arg9[%parallel_loop3A_415, %parallel_loop3A_416, %parallel_loop3A_417] {strides = array<i32>} : memref<2x64x176xi32, #tpu.memory_space<vmem>>, vector<16xi32>,
      %parallel_loop3A_419 = vector.bitcast %parallel_loop3A_418 : vector<16xi32> to vector<32xi16>
      %parallel_loop3A_420 = tpu.unpack_subelements %parallel_loop3A_419, 0 {pack_format = #tpu.pack_format<interleaved>} : vector<32xi16> -> vector<16xi32>
      %parallel_loop3A_421 = tpu.unpack_subelements %parallel_loop3A_419, 1 {pack_format = #tpu.pack_format<interleaved>} : vector<32xi16> -> vector<16xi32>
      %parallel_loop3A_422 = arith.constant 1 : i32
      %parallel_loop3A_423 = arith.index_cast %parallel_loop3A_422 : i32 to index
      %parallel_loop3A_424 = arith.index_cast %parallel_loop3A_310 : i32 to index
      %parallel_loop3A_425 = arith.constant 96 : index
      %parallel_loop3A_426 = tpu.vector_load %arg8[%parallel_loop3A_423, %parallel_loop3A_424, %parallel_loop3A_425] {strides = array<i32>} : memref<2x64x327xf32, #tpu.memory_space<vmem>>, vector<16xf32>,
      %parallel_loop3A_427 = arith.constant 1 : i32
      %parallel_loop3A_428 = arith.index_cast %parallel_loop3A_427 : i32 to index
      %parallel_loop3A_429 = arith.index_cast %parallel_loop3A_310 : i32 to index
      %parallel_loop3A_430 = arith.constant 112 : index
      %parallel_loop3A_431 = tpu.vector_load %arg8[%parallel_loop3A_428, %parallel_loop3A_429, %parallel_loop3A_430] {strides = array<i32>} : memref<2x64x327xf32, #tpu.memory_space<vmem>>, vector<16xf32>,
      %parallel_loop3A_432 = arith.constant 7 : i32
      %parallel_loop3A_433 = vector.broadcast %parallel_loop3A_432 : i32 to vector<16xi32>
      %parallel_loop3A_434 = arith.shrui %parallel_loop3A_420, %parallel_loop3A_433 : vector<16xi32>
      %parallel_loop3A_435 = arith.constant 127 : i32
      %parallel_loop3A_436 = vector.broadcast %parallel_loop3A_435 : i32 to vector<16xi32>
      %parallel_loop3A_437 = arith.andi %parallel_loop3A_420, %parallel_loop3A_436 : vector<16xi32>
      %parallel_loop3A_438 = arith.mulf %parallel_loop3A_317, %parallel_loop3A_426 : vector<16xf32>
      tpu.vector_store_idx %arg10[%parallel_loop3A_434, %parallel_loop3A_437], %parallel_loop3A_438 {add = true} : memref<128x128xf32, #tpu.memory_space<vmem>>[vector<16xi32>, vector<16xi32>], vector<16xf32>,
      %parallel_loop3A_439 = arith.constant 7 : i32
      %parallel_loop3A_440 = vector.broadcast %parallel_loop3A_439 : i32 to vector<16xi32>
      %parallel_loop3A_441 = arith.shrui %parallel_loop3A_421, %parallel_loop3A_440 : vector<16xi32>
      %parallel_loop3A_442 = arith.constant 127 : i32
      %parallel_loop3A_443 = vector.broadcast %parallel_loop3A_442 : i32 to vector<16xi32>
      %parallel_loop3A_444 = arith.andi %parallel_loop3A_421, %parallel_loop3A_443 : vector<16xi32>
      %parallel_loop3A_445 = arith.mulf %parallel_loop3A_317, %parallel_loop3A_431 : vector<16xf32>
      tpu.vector_store_idx %arg10[%parallel_loop3A_441, %parallel_loop3A_444], %parallel_loop3A_445 {add = true} : memref<128x128xf32, #tpu.memory_space<vmem>>[vector<16xi32>, vector<16xi32>], vector<16xf32>,
      %parallel_loop3A_446 = arith.constant 1 : i32
      %parallel_loop3A_447 = arith.index_cast %parallel_loop3A_446 : i32 to index
      %parallel_loop3A_448 = arith.index_cast %parallel_loop3A_310 : i32 to index
      %parallel_loop3A_449 = arith.constant 64 : index
      %parallel_loop3A_450 = tpu.vector_load %arg9[%parallel_loop3A_447, %parallel_loop3A_448, %parallel_loop3A_449] {strides = array<i32>} : memref<2x64x176xi32, #tpu.memory_space<vmem>>, vector<16xi32>,
      %parallel_loop3A_451 = vector.bitcast %parallel_loop3A_450 : vector<16xi32> to vector<32xi16>
      %parallel_loop3A_452 = tpu.unpack_subelements %parallel_loop3A_451, 0 {pack_format = #tpu.pack_format<interleaved>} : vector<32xi16> -> vector<16xi32>
      %parallel_loop3A_453 = tpu.unpack_subelements %parallel_loop3A_451, 1 {pack_format = #tpu.pack_format<interleaved>} : vector<32xi16> -> vector<16xi32>
      %parallel_loop3A_454 = arith.constant 1 : i32
      %parallel_loop3A_455 = arith.index_cast %parallel_loop3A_454 : i32 to index
      %parallel_loop3A_456 = arith.index_cast %parallel_loop3A_310 : i32 to index
      %parallel_loop3A_457 = arith.constant 128 : index
      %parallel_loop3A_458 = tpu.vector_load %arg8[%parallel_loop3A_455, %parallel_loop3A_456, %parallel_loop3A_457] {strides = array<i32>} : memref<2x64x327xf32, #tpu.memory_space<vmem>>, vector<16xf32>,
      %parallel_loop3A_459 = arith.constant 1 : i32
      %parallel_loop3A_460 = arith.index_cast %parallel_loop3A_459 : i32 to index
      %parallel_loop3A_461 = arith.index_cast %parallel_loop3A_310 : i32 to index
      %parallel_loop3A_462 = arith.constant 144 : index
      %parallel_loop3A_463 = tpu.vector_load %arg8[%parallel_loop3A_460, %parallel_loop3A_461, %parallel_loop3A_462] {strides = array<i32>} : memref<2x64x327xf32, #tpu.memory_space<vmem>>, vector<16xf32>,
      %parallel_loop3A_464 = arith.constant 7 : i32
      %parallel_loop3A_465 = vector.broadcast %parallel_loop3A_464 : i32 to vector<16xi32>
      %parallel_loop3A_466 = arith.shrui %parallel_loop3A_452, %parallel_loop3A_465 : vector<16xi32>
      %parallel_loop3A_467 = arith.constant 127 : i32
      %parallel_loop3A_468 = vector.broadcast %parallel_loop3A_467 : i32 to vector<16xi32>
      %parallel_loop3A_469 = arith.andi %parallel_loop3A_452, %parallel_loop3A_468 : vector<16xi32>
      %parallel_loop3A_470 = arith.mulf %parallel_loop3A_317, %parallel_loop3A_458 : vector<16xf32>
      tpu.vector_store_idx %arg10[%parallel_loop3A_466, %parallel_loop3A_469], %parallel_loop3A_470 {add = true} : memref<128x128xf32, #tpu.memory_space<vmem>>[vector<16xi32>, vector<16xi32>], vector<16xf32>,
      %parallel_loop3A_471 = arith.constant 7 : i32
      %parallel_loop3A_472 = vector.broadcast %parallel_loop3A_471 : i32 to vector<16xi32>
      %parallel_loop3A_473 = arith.shrui %parallel_loop3A_453, %parallel_loop3A_472 : vector<16xi32>
      %parallel_loop3A_474 = arith.constant 127 : i32
      %parallel_loop3A_475 = vector.broadcast %parallel_loop3A_474 : i32 to vector<16xi32>
      %parallel_loop3A_476 = arith.andi %parallel_loop3A_453, %parallel_loop3A_475 : vector<16xi32>
      %parallel_loop3A_477 = arith.mulf %parallel_loop3A_317, %parallel_loop3A_463 : vector<16xf32>
      tpu.vector_store_idx %arg10[%parallel_loop3A_473, %parallel_loop3A_476], %parallel_loop3A_477 {add = true} : memref<128x128xf32, #tpu.memory_space<vmem>>[vector<16xi32>, vector<16xi32>], vector<16xf32>,
      %parallel_loop3A_478 = arith.constant 1 : i32
      %parallel_loop3A_479 = arith.index_cast %parallel_loop3A_478 : i32 to index
      %parallel_loop3A_480 = arith.index_cast %parallel_loop3A_310 : i32 to index
      %parallel_loop3A_481 = arith.constant 80 : index
      %parallel_loop3A_482 = tpu.vector_load %arg9[%parallel_loop3A_479, %parallel_loop3A_480, %parallel_loop3A_481] {strides = array<i32>} : memref<2x64x176xi32, #tpu.memory_space<vmem>>, vector<16xi32>,
      %parallel_loop3A_483 = vector.bitcast %parallel_loop3A_482 : vector<16xi32> to vector<32xi16>
      %parallel_loop3A_484 = tpu.unpack_subelements %parallel_loop3A_483, 0 {pack_format = #tpu.pack_format<interleaved>} : vector<32xi16> -> vector<16xi32>
      %parallel_loop3A_485 = tpu.unpack_subelements %parallel_loop3A_483, 1 {pack_format = #tpu.pack_format<interleaved>} : vector<32xi16> -> vector<16xi32>
      %parallel_loop3A_486 = arith.constant 1 : i32
      %parallel_loop3A_487 = arith.index_cast %parallel_loop3A_486 : i32 to index
      %parallel_loop3A_488 = arith.index_cast %parallel_loop3A_310 : i32 to index
      %parallel_loop3A_489 = arith.constant 160 : index
      %parallel_loop3A_490 = tpu.vector_load %arg8[%parallel_loop3A_487, %parallel_loop3A_488, %parallel_loop3A_489] {strides = array<i32>} : memref<2x64x327xf32, #tpu.memory_space<vmem>>, vector<16xf32>,
      %parallel_loop3A_491 = arith.constant 1 : i32
      %parallel_loop3A_492 = arith.index_cast %parallel_loop3A_491 : i32 to index
      %parallel_loop3A_493 = arith.index_cast %parallel_loop3A_310 : i32 to index
      %parallel_loop3A_494 = arith.constant 176 : index
      %parallel_loop3A_495 = tpu.vector_load %arg8[%parallel_loop3A_492, %parallel_loop3A_493, %parallel_loop3A_494] {strides = array<i32>} : memref<2x64x327xf32, #tpu.memory_space<vmem>>, vector<16xf32>,
      %parallel_loop3A_496 = arith.constant 7 : i32
      %parallel_loop3A_497 = vector.broadcast %parallel_loop3A_496 : i32 to vector<16xi32>
      %parallel_loop3A_498 = arith.shrui %parallel_loop3A_484, %parallel_loop3A_497 : vector<16xi32>
      %parallel_loop3A_499 = arith.constant 127 : i32
      %parallel_loop3A_500 = vector.broadcast %parallel_loop3A_499 : i32 to vector<16xi32>
      %parallel_loop3A_501 = arith.andi %parallel_loop3A_484, %parallel_loop3A_500 : vector<16xi32>
      %parallel_loop3A_502 = arith.mulf %parallel_loop3A_317, %parallel_loop3A_490 : vector<16xf32>
      tpu.vector_store_idx %arg10[%parallel_loop3A_498, %parallel_loop3A_501], %parallel_loop3A_502 {add = true} : memref<128x128xf32, #tpu.memory_space<vmem>>[vector<16xi32>, vector<16xi32>], vector<16xf32>,
      %parallel_loop3A_503 = arith.constant 7 : i32
      %parallel_loop3A_504 = vector.broadcast %parallel_loop3A_503 : i32 to vector<16xi32>
      %parallel_loop3A_505 = arith.shrui %parallel_loop3A_485, %parallel_loop3A_504 : vector<16xi32>
      %parallel_loop3A_506 = arith.constant 127 : i32
      %parallel_loop3A_507 = vector.broadcast %parallel_loop3A_506 : i32 to vector<16xi32>
      %parallel_loop3A_508 = arith.andi %parallel_loop3A_485, %parallel_loop3A_507 : vector<16xi32>
      %parallel_loop3A_509 = arith.mulf %parallel_loop3A_317, %parallel_loop3A_495 : vector<16xf32>
      tpu.vector_store_idx %arg10[%parallel_loop3A_505, %parallel_loop3A_508], %parallel_loop3A_509 {add = true} : memref<128x128xf32, #tpu.memory_space<vmem>>[vector<16xi32>, vector<16xi32>], vector<16xf32>,
      %parallel_loop3A_510 = arith.constant 1 : i32
      %parallel_loop3A_511 = arith.index_cast %parallel_loop3A_510 : i32 to index
      %parallel_loop3A_512 = arith.index_cast %parallel_loop3A_310 : i32 to index
      %parallel_loop3A_513 = arith.constant 96 : index
      %parallel_loop3A_514 = tpu.vector_load %arg9[%parallel_loop3A_511, %parallel_loop3A_512, %parallel_loop3A_513] {strides = array<i32>} : memref<2x64x176xi32, #tpu.memory_space<vmem>>, vector<16xi32>,
      %parallel_loop3A_515 = vector.bitcast %parallel_loop3A_514 : vector<16xi32> to vector<32xi16>
      %parallel_loop3A_516 = tpu.unpack_subelements %parallel_loop3A_515, 0 {pack_format = #tpu.pack_format<interleaved>} : vector<32xi16> -> vector<16xi32>
      %parallel_loop3A_517 = tpu.unpack_subelements %parallel_loop3A_515, 1 {pack_format = #tpu.pack_format<interleaved>} : vector<32xi16> -> vector<16xi32>
      %parallel_loop3A_518 = arith.constant 1 : i32
      %parallel_loop3A_519 = arith.index_cast %parallel_loop3A_518 : i32 to index
      %parallel_loop3A_520 = arith.index_cast %parallel_loop3A_310 : i32 to index
      %parallel_loop3A_521 = arith.constant 192 : index
      %parallel_loop3A_522 = tpu.vector_load %arg8[%parallel_loop3A_519, %parallel_loop3A_520, %parallel_loop3A_521] {strides = array<i32>} : memref<2x64x327xf32, #tpu.memory_space<vmem>>, vector<16xf32>,
      %parallel_loop3A_523 = arith.constant 1 : i32
      %parallel_loop3A_524 = arith.index_cast %parallel_loop3A_523 : i32 to index
      %parallel_loop3A_525 = arith.index_cast %parallel_loop3A_310 : i32 to index
      %parallel_loop3A_526 = arith.constant 208 : index
      %parallel_loop3A_527 = tpu.vector_load %arg8[%parallel_loop3A_524, %parallel_loop3A_525, %parallel_loop3A_526] {strides = array<i32>} : memref<2x64x327xf32, #tpu.memory_space<vmem>>, vector<16xf32>,
      %parallel_loop3A_528 = arith.constant 7 : i32
      %parallel_loop3A_529 = vector.broadcast %parallel_loop3A_528 : i32 to vector<16xi32>
      %parallel_loop3A_530 = arith.shrui %parallel_loop3A_516, %parallel_loop3A_529 : vector<16xi32>
      %parallel_loop3A_531 = arith.constant 127 : i32
      %parallel_loop3A_532 = vector.broadcast %parallel_loop3A_531 : i32 to vector<16xi32>
      %parallel_loop3A_533 = arith.andi %parallel_loop3A_516, %parallel_loop3A_532 : vector<16xi32>
      %parallel_loop3A_534 = arith.mulf %parallel_loop3A_317, %parallel_loop3A_522 : vector<16xf32>
      tpu.vector_store_idx %arg10[%parallel_loop3A_530, %parallel_loop3A_533], %parallel_loop3A_534 {add = true} : memref<128x128xf32, #tpu.memory_space<vmem>>[vector<16xi32>, vector<16xi32>], vector<16xf32>,
      %parallel_loop3A_535 = arith.constant 7 : i32
      %parallel_loop3A_536 = vector.broadcast %parallel_loop3A_535 : i32 to vector<16xi32>
      %parallel_loop3A_537 = arith.shrui %parallel_loop3A_517, %parallel_loop3A_536 : vector<16xi32>
      %parallel_loop3A_538 = arith.constant 127 : i32
      %parallel_loop3A_539 = vector.broadcast %parallel_loop3A_538 : i32 to vector<16xi32>
      %parallel_loop3A_540 = arith.andi %parallel_loop3A_517, %parallel_loop3A_539 : vector<16xi32>
      %parallel_loop3A_541 = arith.mulf %parallel_loop3A_317, %parallel_loop3A_527 : vector<16xf32>
      tpu.vector_store_idx %arg10[%parallel_loop3A_537, %parallel_loop3A_540], %parallel_loop3A_541 {add = true} : memref<128x128xf32, #tpu.memory_space<vmem>>[vector<16xi32>, vector<16xi32>], vector<16xf32>,
      %parallel_loop3A_542 = arith.constant 1 : i32
      %parallel_loop3A_543 = arith.index_cast %parallel_loop3A_542 : i32 to index
      %parallel_loop3A_544 = arith.index_cast %parallel_loop3A_310 : i32 to index
      %parallel_loop3A_545 = arith.constant 112 : index
      %parallel_loop3A_546 = tpu.vector_load %arg9[%parallel_loop3A_543, %parallel_loop3A_544, %parallel_loop3A_545] {strides = array<i32>} : memref<2x64x176xi32, #tpu.memory_space<vmem>>, vector<16xi32>,
      %parallel_loop3A_547 = vector.bitcast %parallel_loop3A_546 : vector<16xi32> to vector<32xi16>
      %parallel_loop3A_548 = tpu.unpack_subelements %parallel_loop3A_547, 0 {pack_format = #tpu.pack_format<interleaved>} : vector<32xi16> -> vector<16xi32>
      %parallel_loop3A_549 = tpu.unpack_subelements %parallel_loop3A_547, 1 {pack_format = #tpu.pack_format<interleaved>} : vector<32xi16> -> vector<16xi32>
      %parallel_loop3A_550 = arith.constant 1 : i32
      %parallel_loop3A_551 = arith.index_cast %parallel_loop3A_550 : i32 to index
      %parallel_loop3A_552 = arith.index_cast %parallel_loop3A_310 : i32 to index
      %parallel_loop3A_553 = arith.constant 224 : index
      %parallel_loop3A_554 = tpu.vector_load %arg8[%parallel_loop3A_551, %parallel_loop3A_552, %parallel_loop3A_553] {strides = array<i32>} : memref<2x64x327xf32, #tpu.memory_space<vmem>>, vector<16xf32>,
      %parallel_loop3A_555 = arith.constant 1 : i32
      %parallel_loop3A_556 = arith.index_cast %parallel_loop3A_555 : i32 to index
      %parallel_loop3A_557 = arith.index_cast %parallel_loop3A_310 : i32 to index
      %parallel_loop3A_558 = arith.constant 240 : index
      %parallel_loop3A_559 = tpu.vector_load %arg8[%parallel_loop3A_556, %parallel_loop3A_557, %parallel_loop3A_558] {strides = array<i32>} : memref<2x64x327xf32, #tpu.memory_space<vmem>>, vector<16xf32>,
      %parallel_loop3A_560 = arith.constant 7 : i32
      %parallel_loop3A_561 = vector.broadcast %parallel_loop3A_560 : i32 to vector<16xi32>
      %parallel_loop3A_562 = arith.shrui %parallel_loop3A_548, %parallel_loop3A_561 : vector<16xi32>
      %parallel_loop3A_563 = arith.constant 127 : i32
      %parallel_loop3A_564 = vector.broadcast %parallel_loop3A_563 : i32 to vector<16xi32>
      %parallel_loop3A_565 = arith.andi %parallel_loop3A_548, %parallel_loop3A_564 : vector<16xi32>
      %parallel_loop3A_566 = arith.mulf %parallel_loop3A_317, %parallel_loop3A_554 : vector<16xf32>
      tpu.vector_store_idx %arg10[%parallel_loop3A_562, %parallel_loop3A_565], %parallel_loop3A_566 {add = true} : memref<128x128xf32, #tpu.memory_space<vmem>>[vector<16xi32>, vector<16xi32>], vector<16xf32>,
      %parallel_loop3A_567 = arith.constant 7 : i32
      %parallel_loop3A_568 = vector.broadcast %parallel_loop3A_567 : i32 to vector<16xi32>
      %parallel_loop3A_569 = arith.shrui %parallel_loop3A_549, %parallel_loop3A_568 : vector<16xi32>
      %parallel_loop3A_570 = arith.constant 127 : i32
      %parallel_loop3A_571 = vector.broadcast %parallel_loop3A_570 : i32 to vector<16xi32>
      %parallel_loop3A_572 = arith.andi %parallel_loop3A_549, %parallel_loop3A_571 : vector<16xi32>
      %parallel_loop3A_573 = arith.mulf %parallel_loop3A_317, %parallel_loop3A_559 : vector<16xf32>
      tpu.vector_store_idx %arg10[%parallel_loop3A_569, %parallel_loop3A_572], %parallel_loop3A_573 {add = true} : memref<128x128xf32, #tpu.memory_space<vmem>>[vector<16xi32>, vector<16xi32>], vector<16xf32>,
      %parallel_loop3A_574 = arith.constant 1 : i32
      %parallel_loop3A_575 = arith.index_cast %parallel_loop3A_574 : i32 to index
      %parallel_loop3A_576 = arith.index_cast %parallel_loop3A_310 : i32 to index
      %parallel_loop3A_577 = arith.constant 128 : index
      %parallel_loop3A_578 = tpu.vector_load %arg9[%parallel_loop3A_575, %parallel_loop3A_576, %parallel_loop3A_577] {strides = array<i32>} : memref<2x64x176xi32, #tpu.memory_space<vmem>>, vector<16xi32>,
      %parallel_loop3A_579 = vector.bitcast %parallel_loop3A_578 : vector<16xi32> to vector<32xi16>
      %parallel_loop3A_580 = tpu.unpack_subelements %parallel_loop3A_579, 0 {pack_format = #tpu.pack_format<interleaved>} : vector<32xi16> -> vector<16xi32>
      %parallel_loop3A_581 = tpu.unpack_subelements %parallel_loop3A_579, 1 {pack_format = #tpu.pack_format<interleaved>} : vector<32xi16> -> vector<16xi32>
      %parallel_loop3A_582 = arith.constant 1 : i32
      %parallel_loop3A_583 = arith.index_cast %parallel_loop3A_582 : i32 to index
      %parallel_loop3A_584 = arith.index_cast %parallel_loop3A_310 : i32 to index
      %parallel_loop3A_585 = arith.constant 256 : index
      %parallel_loop3A_586 = tpu.vector_load %arg8[%parallel_loop3A_583, %parallel_loop3A_584, %parallel_loop3A_585] {strides = array<i32>} : memref<2x64x327xf32, #tpu.memory_space<vmem>>, vector<16xf32>,
      %parallel_loop3A_587 = arith.constant 1 : i32
      %parallel_loop3A_588 = arith.index_cast %parallel_loop3A_587 : i32 to index
      %parallel_loop3A_589 = arith.index_cast %parallel_loop3A_310 : i32 to index
      %parallel_loop3A_590 = arith.constant 272 : index
      %parallel_loop3A_591 = tpu.vector_load %arg8[%parallel_loop3A_588, %parallel_loop3A_589, %parallel_loop3A_590] {strides = array<i32>} : memref<2x64x327xf32, #tpu.memory_space<vmem>>, vector<16xf32>,
      %parallel_loop3A_592 = arith.constant 7 : i32
      %parallel_loop3A_593 = vector.broadcast %parallel_loop3A_592 : i32 to vector<16xi32>
      %parallel_loop3A_594 = arith.shrui %parallel_loop3A_580, %parallel_loop3A_593 : vector<16xi32>
      %parallel_loop3A_595 = arith.constant 127 : i32
      %parallel_loop3A_596 = vector.broadcast %parallel_loop3A_595 : i32 to vector<16xi32>
      %parallel_loop3A_597 = arith.andi %parallel_loop3A_580, %parallel_loop3A_596 : vector<16xi32>
      %parallel_loop3A_598 = arith.mulf %parallel_loop3A_317, %parallel_loop3A_586 : vector<16xf32>
      tpu.vector_store_idx %arg10[%parallel_loop3A_594, %parallel_loop3A_597], %parallel_loop3A_598 {add = true} : memref<128x128xf32, #tpu.memory_space<vmem>>[vector<16xi32>, vector<16xi32>], vector<16xf32>,
      %parallel_loop3A_599 = arith.constant 7 : i32
      %parallel_loop3A_600 = vector.broadcast %parallel_loop3A_599 : i32 to vector<16xi32>
      %parallel_loop3A_601 = arith.shrui %parallel_loop3A_581, %parallel_loop3A_600 : vector<16xi32>
      %parallel_loop3A_602 = arith.constant 127 : i32
      %parallel_loop3A_603 = vector.broadcast %parallel_loop3A_602 : i32 to vector<16xi32>
      %parallel_loop3A_604 = arith.andi %parallel_loop3A_581, %parallel_loop3A_603 : vector<16xi32>
      %parallel_loop3A_605 = arith.mulf %parallel_loop3A_317, %parallel_loop3A_591 : vector<16xf32>
      tpu.vector_store_idx %arg10[%parallel_loop3A_601, %parallel_loop3A_604], %parallel_loop3A_605 {add = true} : memref<128x128xf32, #tpu.memory_space<vmem>>[vector<16xi32>, vector<16xi32>], vector<16xf32>,
      %parallel_loop3A_606 = arith.constant 1 : i32
      %parallel_loop3A_607 = arith.index_cast %parallel_loop3A_606 : i32 to index
      %parallel_loop3A_608 = arith.index_cast %parallel_loop3A_310 : i32 to index
      %parallel_loop3A_609 = arith.constant 144 : index
      %parallel_loop3A_610 = tpu.vector_load %arg9[%parallel_loop3A_607, %parallel_loop3A_608, %parallel_loop3A_609] {strides = array<i32>} : memref<2x64x176xi32, #tpu.memory_space<vmem>>, vector<16xi32>,
      %parallel_loop3A_611 = vector.bitcast %parallel_loop3A_610 : vector<16xi32> to vector<32xi16>
      %parallel_loop3A_612 = tpu.unpack_subelements %parallel_loop3A_611, 0 {pack_format = #tpu.pack_format<interleaved>} : vector<32xi16> -> vector<16xi32>
      %parallel_loop3A_613 = tpu.unpack_subelements %parallel_loop3A_611, 1 {pack_format = #tpu.pack_format<interleaved>} : vector<32xi16> -> vector<16xi32>
      %parallel_loop3A_614 = arith.constant 1 : i32
      %parallel_loop3A_615 = arith.index_cast %parallel_loop3A_614 : i32 to index
      %parallel_loop3A_616 = arith.index_cast %parallel_loop3A_310 : i32 to index
      %parallel_loop3A_617 = arith.constant 288 : index
      %parallel_loop3A_618 = tpu.vector_load %arg8[%parallel_loop3A_615, %parallel_loop3A_616, %parallel_loop3A_617] {strides = array<i32>} : memref<2x64x327xf32, #tpu.memory_space<vmem>>, vector<16xf32>,
      %parallel_loop3A_619 = arith.constant 1 : i32
      %parallel_loop3A_620 = arith.index_cast %parallel_loop3A_619 : i32 to index
      %parallel_loop3A_621 = arith.index_cast %parallel_loop3A_310 : i32 to index
      %parallel_loop3A_622 = arith.constant 304 : index
      %parallel_loop3A_623 = tpu.vector_load %arg8[%parallel_loop3A_620, %parallel_loop3A_621, %parallel_loop3A_622] {strides = array<i32>} : memref<2x64x327xf32, #tpu.memory_space<vmem>>, vector<16xf32>,
      %parallel_loop3A_624 = arith.constant 7 : i32
      %parallel_loop3A_625 = vector.broadcast %parallel_loop3A_624 : i32 to vector<16xi32>
      %parallel_loop3A_626 = arith.shrui %parallel_loop3A_612, %parallel_loop3A_625 : vector<16xi32>
      %parallel_loop3A_627 = arith.constant 127 : i32
      %parallel_loop3A_628 = vector.broadcast %parallel_loop3A_627 : i32 to vector<16xi32>
      %parallel_loop3A_629 = arith.andi %parallel_loop3A_612, %parallel_loop3A_628 : vector<16xi32>
      %parallel_loop3A_630 = arith.mulf %parallel_loop3A_317, %parallel_loop3A_618 : vector<16xf32>
      tpu.vector_store_idx %arg10[%parallel_loop3A_626, %parallel_loop3A_629], %parallel_loop3A_630 {add = true} : memref<128x128xf32, #tpu.memory_space<vmem>>[vector<16xi32>, vector<16xi32>], vector<16xf32>,
      %parallel_loop3A_631 = arith.constant 7 : i32
      %parallel_loop3A_632 = vector.broadcast %parallel_loop3A_631 : i32 to vector<16xi32>
      %parallel_loop3A_633 = arith.shrui %parallel_loop3A_613, %parallel_loop3A_632 : vector<16xi32>
      %parallel_loop3A_634 = arith.constant 127 : i32
      %parallel_loop3A_635 = vector.broadcast %parallel_loop3A_634 : i32 to vector<16xi32>
      %parallel_loop3A_636 = arith.andi %parallel_loop3A_613, %parallel_loop3A_635 : vector<16xi32>
      %parallel_loop3A_637 = arith.mulf %parallel_loop3A_317, %parallel_loop3A_623 : vector<16xf32>
      tpu.vector_store_idx %arg10[%parallel_loop3A_633, %parallel_loop3A_636], %parallel_loop3A_637 {add = true} : memref<128x128xf32, #tpu.memory_space<vmem>>[vector<16xi32>, vector<16xi32>], vector<16xf32>,
      %parallel_loop3A_638 = arith.constant 1 : i32
      %parallel_loop3A_639 = arith.index_cast %parallel_loop3A_638 : i32 to index
      %parallel_loop3A_640 = arith.index_cast %parallel_loop3A_310 : i32 to index
      %parallel_loop3A_641 = arith.constant 160 : index
      %parallel_loop3A_642 = tpu.vector_load %arg9[%parallel_loop3A_639, %parallel_loop3A_640, %parallel_loop3A_641] {strides = array<i32>} : memref<2x64x176xi32, #tpu.memory_space<vmem>>, vector<16xi32>,
      %parallel_loop3A_643 = vector.bitcast %parallel_loop3A_642 : vector<16xi32> to vector<32xi16>
      %parallel_loop3A_644 = tpu.unpack_subelements %parallel_loop3A_643, 0 {pack_format = #tpu.pack_format<interleaved>} : vector<32xi16> -> vector<16xi32>
      %parallel_loop3A_645 = tpu.unpack_subelements %parallel_loop3A_643, 1 {pack_format = #tpu.pack_format<interleaved>} : vector<32xi16> -> vector<16xi32>
      %parallel_loop3A_646 = arith.constant 1 : i32
      %parallel_loop3A_647 = arith.index_cast %parallel_loop3A_646 : i32 to index
      %parallel_loop3A_648 = arith.index_cast %parallel_loop3A_310 : i32 to index
      %parallel_loop3A_649 = arith.constant 311 : index
      %parallel_loop3A_650 = tpu.vector_load %arg8[%parallel_loop3A_647, %parallel_loop3A_648, %parallel_loop3A_649] {strides = array<i32>} : memref<2x64x327xf32, #tpu.memory_space<vmem>>, vector<16xf32>,
      %parallel_loop3A_651 = arith.constant 7 : i32
      %parallel_loop3A_652 = vector.broadcast %parallel_loop3A_651 : i32 to vector<16xi32>
      %parallel_loop3A_653 = arith.shrui %parallel_loop3A_644, %parallel_loop3A_652 : vector<16xi32>
      %parallel_loop3A_654 = arith.constant 127 : i32
      %parallel_loop3A_655 = vector.broadcast %parallel_loop3A_654 : i32 to vector<16xi32>
      %parallel_loop3A_656 = arith.andi %parallel_loop3A_644, %parallel_loop3A_655 : vector<16xi32>
      %parallel_loop3A_657 = arith.mulf %parallel_loop3A_317, %parallel_loop3A_650 : vector<16xf32>
      tpu.vector_store_idx %arg10[%parallel_loop3A_653, %parallel_loop3A_656], %parallel_loop3A_657 masked %ge3A_43 {add = true} : memref<128x128xf32, #tpu.memory_space<vmem>>[vector<16xi32>, vector<16xi32>], vector<16xf32>, vector<16xi1>
    } {sc.loop_unroll_factor = 2 : i64, sc.parallel_access}
    %add3A_162 = arith.constant 192 : i32
    %add3A_163 = arith.addi %mul3A_2, %add3A_162 : i32
    %dma_start3A_164 = arith.constant 1 : i32
    %dma_start3A_165 = arith.constant 0 : i32
    %dma_start3A_166 = arith.constant 0 : i32
    %dma_start3A_167 = tpu.memref_slice %arg8[%dma_start3A_164, %dma_start3A_165, %dma_start3A_166] : memref<2x64x327xf32, #tpu.memory_space<vmem>> -> memref<1x64x327xf32, #tpu.memory_space<vmem>>
    %dma_start3A_168 = tpu.memref_squeeze %dma_start3A_167 : memref<1x64x327xf32, #tpu.memory_space<vmem>> -> memref<64x327xf32, #tpu.memory_space<vmem>>
    %dma_start3A_169 = arith.constant 0 : i32
    %dma_start3A_170 = tpu.memref_slice %arg3[%add3A_163, %dma_start3A_169] : memref<8192x327xf32, #tpu.memory_space<hbm>> -> memref<64x327xf32, #tpu.memory_space<hbm>>
    %dma_start3A_171 = arith.constant 0 : i32
    %dma_start3A_172 = arith.constant 0 : i32
    %dma_start3A_173 = tpu.memref_slice %arg8[%dma_start3A_164, %dma_start3A_171, %dma_start3A_172] : memref<2x64x327xf32, #tpu.memory_space<vmem>> -> memref<1x64x327xf32, #tpu.memory_space<vmem>>
    %dma_start3A_174 = tpu.memref_squeeze %dma_start3A_173 : memref<1x64x327xf32, #tpu.memory_space<vmem>> -> memref<64x327xf32, #tpu.memory_space<vmem>>
    %dma_start3A_175 = arith.constant 0 : i32
    %dma_start3A_176 = tpu.memref_slice %arg3[%add3A_163, %dma_start3A_175] : memref<8192x327xf32, #tpu.memory_space<hbm>> -> memref<64x327xf32, #tpu.memory_space<hbm>>
    tpu.enqueue_dma source(%dma_start3A_176 : memref<64x327xf32, #tpu.memory_space<hbm>>) target(%dma_start3A_174 : memref<64x327xf32, #tpu.memory_space<vmem>>) target_semaphore(%arg14 : memref<!tpu.dma_semaphore, #tpu.memory_space<semaphore_mem>>)
    %dma_start3A_177 = arith.constant 1 : i32
    %dma_start3A_178 = arith.constant 0 : i32
    %dma_start3A_179 = arith.constant 0 : i32
    %dma_start3A_180 = tpu.memref_slice %arg9[%dma_start3A_177, %dma_start3A_178, %dma_start3A_179] : memref<2x64x176xi32, #tpu.memory_space<vmem>> -> memref<1x64x176xi32, #tpu.memory_space<vmem>>
    %dma_start3A_181 = tpu.memref_squeeze %dma_start3A_180 : memref<1x64x176xi32, #tpu.memory_space<vmem>> -> memref<64x176xi32, #tpu.memory_space<vmem>>
    %dma_start3A_182 = arith.constant 0 : i32
    %dma_start3A_183 = tpu.memref_slice %arg4[%add3A_163, %dma_start3A_182] : memref<8192x176xi32, #tpu.memory_space<hbm>> -> memref<64x176xi32, #tpu.memory_space<hbm>>
    %dma_start3A_184 = arith.constant 0 : i32
    %dma_start3A_185 = arith.constant 0 : i32
    %dma_start3A_186 = tpu.memref_slice %arg9[%dma_start3A_177, %dma_start3A_184, %dma_start3A_185] : memref<2x64x176xi32, #tpu.memory_space<vmem>> -> memref<1x64x176xi32, #tpu.memory_space<vmem>>
    %dma_start3A_187 = tpu.memref_squeeze %dma_start3A_186 : memref<1x64x176xi32, #tpu.memory_space<vmem>> -> memref<64x176xi32, #tpu.memory_space<vmem>>
    %dma_start3A_188 = arith.constant 0 : i32
    %dma_start3A_189 = tpu.memref_slice %arg4[%add3A_163, %dma_start3A_188] : memref<8192x176xi32, #tpu.memory_space<hbm>> -> memref<64x176xi32, #tpu.memory_space<hbm>>
    tpu.enqueue_dma source(%dma_start3A_189 : memref<64x176xi32, #tpu.memory_space<hbm>>) target(%dma_start3A_187 : memref<64x176xi32, #tpu.memory_space<vmem>>) target_semaphore(%arg16 : memref<!tpu.dma_semaphore, #tpu.memory_space<semaphore_mem>>)
    %dma_wait3A_190 = arith.constant 0 : i32
    %dma_wait3A_191 = arith.constant 0 : i32
    %dma_wait3A_192 = arith.constant 0 : i32
    %dma_wait3A_193 = tpu.memref_slice %arg8[%dma_wait3A_190, %dma_wait3A_191, %dma_wait3A_192] : memref<2x64x327xf32, #tpu.memory_space<vmem>> -> memref<1x64x327xf32, #tpu.memory_space<vmem>>
    %dma_wait3A_194 = tpu.memref_squeeze %dma_wait3A_193 : memref<1x64x327xf32, #tpu.memory_space<vmem>> -> memref<64x327xf32, #tpu.memory_space<vmem>>
    %dma_wait3A_195 = arith.constant 0 : i32
    %dma_wait3A_196 = tpu.memref_slice %arg3[%add3A_106, %dma_wait3A_195] : memref<8192x327xf32, #tpu.memory_space<hbm>> -> memref<64x327xf32, #tpu.memory_space<hbm>>
    %dma_wait3A_197 = arith.constant 0 : i32
    %dma_wait3A_198 = arith.constant 0 : i32
    %dma_wait3A_199 = tpu.memref_slice %arg8[%dma_wait3A_190, %dma_wait3A_197, %dma_wait3A_198] : memref<2x64x327xf32, #tpu.memory_space<vmem>> -> memref<1x64x327xf32, #tpu.memory_space<vmem>>
    %dma_wait3A_200 = tpu.memref_squeeze %dma_wait3A_199 : memref<1x64x327xf32, #tpu.memory_space<vmem>> -> memref<64x327xf32, #tpu.memory_space<vmem>>
    %dma_wait3A_201 = arith.constant 0 : i32
    %dma_wait3A_202 = tpu.memref_slice %arg3[%add3A_106, %dma_wait3A_201] : memref<8192x327xf32, #tpu.memory_space<hbm>> -> memref<64x327xf32, #tpu.memory_space<hbm>>
    tpu.wait_dma2 semaphore(%arg13 : memref<!tpu.dma_semaphore, #tpu.memory_space<semaphore_mem>>) src(%dma_wait3A_202 : memref<64x327xf32, #tpu.memory_space<hbm>>) dst(%dma_wait3A_200 : memref<64x327xf32, #tpu.memory_space<vmem>>)
    %dma_wait3A_203 = arith.constant 0 : i32
    %dma_wait3A_204 = arith.constant 0 : i32
    %dma_wait3A_205 = arith.constant 0 : i32
    %dma_wait3A_206 = tpu.memref_slice %arg9[%dma_wait3A_203, %dma_wait3A_204, %dma_wait3A_205] : memref<2x64x176xi32, #tpu.memory_space<vmem>> -> memref<1x64x176xi32, #tpu.memory_space<vmem>>
    %dma_wait3A_207 = tpu.memref_squeeze %dma_wait3A_206 : memref<1x64x176xi32, #tpu.memory_space<vmem>> -> memref<64x176xi32, #tpu.memory_space<vmem>>
    %dma_wait3A_208 = arith.constant 0 : i32
    %dma_wait3A_209 = tpu.memref_slice %arg4[%add3A_106, %dma_wait3A_208] : memref<8192x176xi32, #tpu.memory_space<hbm>> -> memref<64x176xi32, #tpu.memory_space<hbm>>
    %dma_wait3A_210 = arith.constant 0 : i32
    %dma_wait3A_211 = arith.constant 0 : i32
    %dma_wait3A_212 = tpu.memref_slice %arg9[%dma_wait3A_203, %dma_wait3A_210, %dma_wait3A_211] : memref<2x64x176xi32, #tpu.memory_space<vmem>> -> memref<1x64x176xi32, #tpu.memory_space<vmem>>
    %dma_wait3A_213 = tpu.memref_squeeze %dma_wait3A_212 : memref<1x64x176xi32, #tpu.memory_space<vmem>> -> memref<64x176xi32, #tpu.memory_space<vmem>>
    %dma_wait3A_214 = arith.constant 0 : i32
    %dma_wait3A_215 = tpu.memref_slice %arg4[%add3A_106, %dma_wait3A_214] : memref<8192x176xi32, #tpu.memory_space<hbm>> -> memref<64x176xi32, #tpu.memory_space<hbm>>
    tpu.wait_dma2 semaphore(%arg15 : memref<!tpu.dma_semaphore, #tpu.memory_space<semaphore_mem>>) src(%dma_wait3A_215 : memref<64x176xi32, #tpu.memory_space<hbm>>) dst(%dma_wait3A_213 : memref<64x176xi32, #tpu.memory_space<vmem>>)
    %parallel_loop3A_216 = arith.constant 0 : i32
    %parallel_loop3A_217 = arith.constant 64 : i32
    %parallel_loop3A_218 = arith.constant 1 : i32
    scf.for %parallel_loop3A_310 = %parallel_loop3A_216 to %parallel_loop3A_217 step %parallel_loop3A_218  : i32 {
      %parallel_loop3A_311 = arith.constant 128 : i32
      %parallel_loop3A_312 = arith.addi %parallel_loop3A_311, %parallel_loop3A_310 : i32
      %parallel_loop3A_313 = arith.index_cast %parallel_loop3A_312 : i32 to index
      %parallel_loop3A_314 = tpu.vector_load %arg7[%parallel_loop3A_313] {strides = array<i32>} : memref<272xf32, #tpu.memory_space<vmem>>, vector<16xf32>,
      %parallel_loop3A_315 = vector.extract_strided_slice %parallel_loop3A_314 {offsets = [0], sizes = [1], strides = [1]} : vector<16xf32> to vector<1xf32>
      %parallel_loop3A_316 = vector.extract %parallel_loop3A_315[0] : f32 from vector<1xf32>
      %parallel_loop3A_317 = vector.broadcast %parallel_loop3A_316 : f32 to vector<16xf32>
      %parallel_loop3A_318 = arith.constant 0 : i32
      %parallel_loop3A_319 = arith.index_cast %parallel_loop3A_318 : i32 to index
      %parallel_loop3A_320 = arith.index_cast %parallel_loop3A_310 : i32 to index
      %parallel_loop3A_321 = arith.constant 0 : index
      %parallel_loop3A_322 = tpu.vector_load %arg9[%parallel_loop3A_319, %parallel_loop3A_320, %parallel_loop3A_321] {strides = array<i32>} : memref<2x64x176xi32, #tpu.memory_space<vmem>>, vector<16xi32>,
      %parallel_loop3A_323 = vector.bitcast %parallel_loop3A_322 : vector<16xi32> to vector<32xi16>
      %parallel_loop3A_324 = tpu.unpack_subelements %parallel_loop3A_323, 0 {pack_format = #tpu.pack_format<interleaved>} : vector<32xi16> -> vector<16xi32>
      %parallel_loop3A_325 = tpu.unpack_subelements %parallel_loop3A_323, 1 {pack_format = #tpu.pack_format<interleaved>} : vector<32xi16> -> vector<16xi32>
      %parallel_loop3A_326 = arith.constant 0 : i32
      %parallel_loop3A_327 = arith.index_cast %parallel_loop3A_326 : i32 to index
      %parallel_loop3A_328 = arith.index_cast %parallel_loop3A_310 : i32 to index
      %parallel_loop3A_329 = arith.constant 0 : index
      %parallel_loop3A_330 = tpu.vector_load %arg8[%parallel_loop3A_327, %parallel_loop3A_328, %parallel_loop3A_329] {strides = array<i32>} : memref<2x64x327xf32, #tpu.memory_space<vmem>>, vector<16xf32>,
      %parallel_loop3A_331 = arith.constant 0 : i32
      %parallel_loop3A_332 = arith.index_cast %parallel_loop3A_331 : i32 to index
      %parallel_loop3A_333 = arith.index_cast %parallel_loop3A_310 : i32 to index
      %parallel_loop3A_334 = arith.constant 16 : index
      %parallel_loop3A_335 = tpu.vector_load %arg8[%parallel_loop3A_332, %parallel_loop3A_333, %parallel_loop3A_334] {strides = array<i32>} : memref<2x64x327xf32, #tpu.memory_space<vmem>>, vector<16xf32>,
      %parallel_loop3A_336 = arith.constant 7 : i32
      %parallel_loop3A_337 = vector.broadcast %parallel_loop3A_336 : i32 to vector<16xi32>
      %parallel_loop3A_338 = arith.shrui %parallel_loop3A_324, %parallel_loop3A_337 : vector<16xi32>
      %parallel_loop3A_339 = arith.constant 127 : i32
      %parallel_loop3A_340 = vector.broadcast %parallel_loop3A_339 : i32 to vector<16xi32>
      %parallel_loop3A_341 = arith.andi %parallel_loop3A_324, %parallel_loop3A_340 : vector<16xi32>
      %parallel_loop3A_342 = arith.mulf %parallel_loop3A_317, %parallel_loop3A_330 : vector<16xf32>
      tpu.vector_store_idx %arg10[%parallel_loop3A_338, %parallel_loop3A_341], %parallel_loop3A_342 {add = true} : memref<128x128xf32, #tpu.memory_space<vmem>>[vector<16xi32>, vector<16xi32>], vector<16xf32>,
      %parallel_loop3A_343 = arith.constant 7 : i32
      %parallel_loop3A_344 = vector.broadcast %parallel_loop3A_343 : i32 to vector<16xi32>
      %parallel_loop3A_345 = arith.shrui %parallel_loop3A_325, %parallel_loop3A_344 : vector<16xi32>
      %parallel_loop3A_346 = arith.constant 127 : i32
      %parallel_loop3A_347 = vector.broadcast %parallel_loop3A_346 : i32 to vector<16xi32>
      %parallel_loop3A_348 = arith.andi %parallel_loop3A_325, %parallel_loop3A_347 : vector<16xi32>
      %parallel_loop3A_349 = arith.mulf %parallel_loop3A_317, %parallel_loop3A_335 : vector<16xf32>
      tpu.vector_store_idx %arg10[%parallel_loop3A_345, %parallel_loop3A_348], %parallel_loop3A_349 {add = true} : memref<128x128xf32, #tpu.memory_space<vmem>>[vector<16xi32>, vector<16xi32>], vector<16xf32>,
      %parallel_loop3A_350 = arith.constant 0 : i32
      %parallel_loop3A_351 = arith.index_cast %parallel_loop3A_350 : i32 to index
      %parallel_loop3A_352 = arith.index_cast %parallel_loop3A_310 : i32 to index
      %parallel_loop3A_353 = arith.constant 16 : index
      %parallel_loop3A_354 = tpu.vector_load %arg9[%parallel_loop3A_351, %parallel_loop3A_352, %parallel_loop3A_353] {strides = array<i32>} : memref<2x64x176xi32, #tpu.memory_space<vmem>>, vector<16xi32>,
      %parallel_loop3A_355 = vector.bitcast %parallel_loop3A_354 : vector<16xi32> to vector<32xi16>
      %parallel_loop3A_356 = tpu.unpack_subelements %parallel_loop3A_355, 0 {pack_format = #tpu.pack_format<interleaved>} : vector<32xi16> -> vector<16xi32>
      %parallel_loop3A_357 = tpu.unpack_subelements %parallel_loop3A_355, 1 {pack_format = #tpu.pack_format<interleaved>} : vector<32xi16> -> vector<16xi32>
      %parallel_loop3A_358 = arith.constant 0 : i32
      %parallel_loop3A_359 = arith.index_cast %parallel_loop3A_358 : i32 to index
      %parallel_loop3A_360 = arith.index_cast %parallel_loop3A_310 : i32 to index
      %parallel_loop3A_361 = arith.constant 32 : index
      %parallel_loop3A_362 = tpu.vector_load %arg8[%parallel_loop3A_359, %parallel_loop3A_360, %parallel_loop3A_361] {strides = array<i32>} : memref<2x64x327xf32, #tpu.memory_space<vmem>>, vector<16xf32>,
      %parallel_loop3A_363 = arith.constant 0 : i32
      %parallel_loop3A_364 = arith.index_cast %parallel_loop3A_363 : i32 to index
      %parallel_loop3A_365 = arith.index_cast %parallel_loop3A_310 : i32 to index
      %parallel_loop3A_366 = arith.constant 48 : index
      %parallel_loop3A_367 = tpu.vector_load %arg8[%parallel_loop3A_364, %parallel_loop3A_365, %parallel_loop3A_366] {strides = array<i32>} : memref<2x64x327xf32, #tpu.memory_space<vmem>>, vector<16xf32>,
      %parallel_loop3A_368 = arith.constant 7 : i32
      %parallel_loop3A_369 = vector.broadcast %parallel_loop3A_368 : i32 to vector<16xi32>
      %parallel_loop3A_370 = arith.shrui %parallel_loop3A_356, %parallel_loop3A_369 : vector<16xi32>
      %parallel_loop3A_371 = arith.constant 127 : i32
      %parallel_loop3A_372 = vector.broadcast %parallel_loop3A_371 : i32 to vector<16xi32>
      %parallel_loop3A_373 = arith.andi %parallel_loop3A_356, %parallel_loop3A_372 : vector<16xi32>
      %parallel_loop3A_374 = arith.mulf %parallel_loop3A_317, %parallel_loop3A_362 : vector<16xf32>
      tpu.vector_store_idx %arg10[%parallel_loop3A_370, %parallel_loop3A_373], %parallel_loop3A_374 {add = true} : memref<128x128xf32, #tpu.memory_space<vmem>>[vector<16xi32>, vector<16xi32>], vector<16xf32>,
      %parallel_loop3A_375 = arith.constant 7 : i32
      %parallel_loop3A_376 = vector.broadcast %parallel_loop3A_375 : i32 to vector<16xi32>
      %parallel_loop3A_377 = arith.shrui %parallel_loop3A_357, %parallel_loop3A_376 : vector<16xi32>
      %parallel_loop3A_378 = arith.constant 127 : i32
      %parallel_loop3A_379 = vector.broadcast %parallel_loop3A_378 : i32 to vector<16xi32>
      %parallel_loop3A_380 = arith.andi %parallel_loop3A_357, %parallel_loop3A_379 : vector<16xi32>
      %parallel_loop3A_381 = arith.mulf %parallel_loop3A_317, %parallel_loop3A_367 : vector<16xf32>
      tpu.vector_store_idx %arg10[%parallel_loop3A_377, %parallel_loop3A_380], %parallel_loop3A_381 {add = true} : memref<128x128xf32, #tpu.memory_space<vmem>>[vector<16xi32>, vector<16xi32>], vector<16xf32>,
      %parallel_loop3A_382 = arith.constant 0 : i32
      %parallel_loop3A_383 = arith.index_cast %parallel_loop3A_382 : i32 to index
      %parallel_loop3A_384 = arith.index_cast %parallel_loop3A_310 : i32 to index
      %parallel_loop3A_385 = arith.constant 32 : index
      %parallel_loop3A_386 = tpu.vector_load %arg9[%parallel_loop3A_383, %parallel_loop3A_384, %parallel_loop3A_385] {strides = array<i32>} : memref<2x64x176xi32, #tpu.memory_space<vmem>>, vector<16xi32>,
      %parallel_loop3A_387 = vector.bitcast %parallel_loop3A_386 : vector<16xi32> to vector<32xi16>
      %parallel_loop3A_388 = tpu.unpack_subelements %parallel_loop3A_387, 0 {pack_format = #tpu.pack_format<interleaved>} : vector<32xi16> -> vector<16xi32>
      %parallel_loop3A_389 = tpu.unpack_subelements %parallel_loop3A_387, 1 {pack_format = #tpu.pack_format<interleaved>} : vector<32xi16> -> vector<16xi32>
      %parallel_loop3A_390 = arith.constant 0 : i32
      %parallel_loop3A_391 = arith.index_cast %parallel_loop3A_390 : i32 to index
      %parallel_loop3A_392 = arith.index_cast %parallel_loop3A_310 : i32 to index
      %parallel_loop3A_393 = arith.constant 64 : index
      %parallel_loop3A_394 = tpu.vector_load %arg8[%parallel_loop3A_391, %parallel_loop3A_392, %parallel_loop3A_393] {strides = array<i32>} : memref<2x64x327xf32, #tpu.memory_space<vmem>>, vector<16xf32>,
      %parallel_loop3A_395 = arith.constant 0 : i32
      %parallel_loop3A_396 = arith.index_cast %parallel_loop3A_395 : i32 to index
      %parallel_loop3A_397 = arith.index_cast %parallel_loop3A_310 : i32 to index
      %parallel_loop3A_398 = arith.constant 80 : index
      %parallel_loop3A_399 = tpu.vector_load %arg8[%parallel_loop3A_396, %parallel_loop3A_397, %parallel_loop3A_398] {strides = array<i32>} : memref<2x64x327xf32, #tpu.memory_space<vmem>>, vector<16xf32>,
      %parallel_loop3A_400 = arith.constant 7 : i32
      %parallel_loop3A_401 = vector.broadcast %parallel_loop3A_400 : i32 to vector<16xi32>
      %parallel_loop3A_402 = arith.shrui %parallel_loop3A_388, %parallel_loop3A_401 : vector<16xi32>
      %parallel_loop3A_403 = arith.constant 127 : i32
      %parallel_loop3A_404 = vector.broadcast %parallel_loop3A_403 : i32 to vector<16xi32>
      %parallel_loop3A_405 = arith.andi %parallel_loop3A_388, %parallel_loop3A_404 : vector<16xi32>
      %parallel_loop3A_406 = arith.mulf %parallel_loop3A_317, %parallel_loop3A_394 : vector<16xf32>
      tpu.vector_store_idx %arg10[%parallel_loop3A_402, %parallel_loop3A_405], %parallel_loop3A_406 {add = true} : memref<128x128xf32, #tpu.memory_space<vmem>>[vector<16xi32>, vector<16xi32>], vector<16xf32>,
      %parallel_loop3A_407 = arith.constant 7 : i32
      %parallel_loop3A_408 = vector.broadcast %parallel_loop3A_407 : i32 to vector<16xi32>
      %parallel_loop3A_409 = arith.shrui %parallel_loop3A_389, %parallel_loop3A_408 : vector<16xi32>
      %parallel_loop3A_410 = arith.constant 127 : i32
      %parallel_loop3A_411 = vector.broadcast %parallel_loop3A_410 : i32 to vector<16xi32>
      %parallel_loop3A_412 = arith.andi %parallel_loop3A_389, %parallel_loop3A_411 : vector<16xi32>
      %parallel_loop3A_413 = arith.mulf %parallel_loop3A_317, %parallel_loop3A_399 : vector<16xf32>
      tpu.vector_store_idx %arg10[%parallel_loop3A_409, %parallel_loop3A_412], %parallel_loop3A_413 {add = true} : memref<128x128xf32, #tpu.memory_space<vmem>>[vector<16xi32>, vector<16xi32>], vector<16xf32>,
      %parallel_loop3A_414 = arith.constant 0 : i32
      %parallel_loop3A_415 = arith.index_cast %parallel_loop3A_414 : i32 to index
      %parallel_loop3A_416 = arith.index_cast %parallel_loop3A_310 : i32 to index
      %parallel_loop3A_417 = arith.constant 48 : index
      %parallel_loop3A_418 = tpu.vector_load %arg9[%parallel_loop3A_415, %parallel_loop3A_416, %parallel_loop3A_417] {strides = array<i32>} : memref<2x64x176xi32, #tpu.memory_space<vmem>>, vector<16xi32>,
      %parallel_loop3A_419 = vector.bitcast %parallel_loop3A_418 : vector<16xi32> to vector<32xi16>
      %parallel_loop3A_420 = tpu.unpack_subelements %parallel_loop3A_419, 0 {pack_format = #tpu.pack_format<interleaved>} : vector<32xi16> -> vector<16xi32>
      %parallel_loop3A_421 = tpu.unpack_subelements %parallel_loop3A_419, 1 {pack_format = #tpu.pack_format<interleaved>} : vector<32xi16> -> vector<16xi32>
      %parallel_loop3A_422 = arith.constant 0 : i32
      %parallel_loop3A_423 = arith.index_cast %parallel_loop3A_422 : i32 to index
      %parallel_loop3A_424 = arith.index_cast %parallel_loop3A_310 : i32 to index
      %parallel_loop3A_425 = arith.constant 96 : index
      %parallel_loop3A_426 = tpu.vector_load %arg8[%parallel_loop3A_423, %parallel_loop3A_424, %parallel_loop3A_425] {strides = array<i32>} : memref<2x64x327xf32, #tpu.memory_space<vmem>>, vector<16xf32>,
      %parallel_loop3A_427 = arith.constant 0 : i32
      %parallel_loop3A_428 = arith.index_cast %parallel_loop3A_427 : i32 to index
      %parallel_loop3A_429 = arith.index_cast %parallel_loop3A_310 : i32 to index
      %parallel_loop3A_430 = arith.constant 112 : index
      %parallel_loop3A_431 = tpu.vector_load %arg8[%parallel_loop3A_428, %parallel_loop3A_429, %parallel_loop3A_430] {strides = array<i32>} : memref<2x64x327xf32, #tpu.memory_space<vmem>>, vector<16xf32>,
      %parallel_loop3A_432 = arith.constant 7 : i32
      %parallel_loop3A_433 = vector.broadcast %parallel_loop3A_432 : i32 to vector<16xi32>
      %parallel_loop3A_434 = arith.shrui %parallel_loop3A_420, %parallel_loop3A_433 : vector<16xi32>
      %parallel_loop3A_435 = arith.constant 127 : i32
      %parallel_loop3A_436 = vector.broadcast %parallel_loop3A_435 : i32 to vector<16xi32>
      %parallel_loop3A_437 = arith.andi %parallel_loop3A_420, %parallel_loop3A_436 : vector<16xi32>
      %parallel_loop3A_438 = arith.mulf %parallel_loop3A_317, %parallel_loop3A_426 : vector<16xf32>
      tpu.vector_store_idx %arg10[%parallel_loop3A_434, %parallel_loop3A_437], %parallel_loop3A_438 {add = true} : memref<128x128xf32, #tpu.memory_space<vmem>>[vector<16xi32>, vector<16xi32>], vector<16xf32>,
      %parallel_loop3A_439 = arith.constant 7 : i32
      %parallel_loop3A_440 = vector.broadcast %parallel_loop3A_439 : i32 to vector<16xi32>
      %parallel_loop3A_441 = arith.shrui %parallel_loop3A_421, %parallel_loop3A_440 : vector<16xi32>
      %parallel_loop3A_442 = arith.constant 127 : i32
      %parallel_loop3A_443 = vector.broadcast %parallel_loop3A_442 : i32 to vector<16xi32>
      %parallel_loop3A_444 = arith.andi %parallel_loop3A_421, %parallel_loop3A_443 : vector<16xi32>
      %parallel_loop3A_445 = arith.mulf %parallel_loop3A_317, %parallel_loop3A_431 : vector<16xf32>
      tpu.vector_store_idx %arg10[%parallel_loop3A_441, %parallel_loop3A_444], %parallel_loop3A_445 {add = true} : memref<128x128xf32, #tpu.memory_space<vmem>>[vector<16xi32>, vector<16xi32>], vector<16xf32>,
      %parallel_loop3A_446 = arith.constant 0 : i32
      %parallel_loop3A_447 = arith.index_cast %parallel_loop3A_446 : i32 to index
      %parallel_loop3A_448 = arith.index_cast %parallel_loop3A_310 : i32 to index
      %parallel_loop3A_449 = arith.constant 64 : index
      %parallel_loop3A_450 = tpu.vector_load %arg9[%parallel_loop3A_447, %parallel_loop3A_448, %parallel_loop3A_449] {strides = array<i32>} : memref<2x64x176xi32, #tpu.memory_space<vmem>>, vector<16xi32>,
      %parallel_loop3A_451 = vector.bitcast %parallel_loop3A_450 : vector<16xi32> to vector<32xi16>
      %parallel_loop3A_452 = tpu.unpack_subelements %parallel_loop3A_451, 0 {pack_format = #tpu.pack_format<interleaved>} : vector<32xi16> -> vector<16xi32>
      %parallel_loop3A_453 = tpu.unpack_subelements %parallel_loop3A_451, 1 {pack_format = #tpu.pack_format<interleaved>} : vector<32xi16> -> vector<16xi32>
      %parallel_loop3A_454 = arith.constant 0 : i32
      %parallel_loop3A_455 = arith.index_cast %parallel_loop3A_454 : i32 to index
      %parallel_loop3A_456 = arith.index_cast %parallel_loop3A_310 : i32 to index
      %parallel_loop3A_457 = arith.constant 128 : index
      %parallel_loop3A_458 = tpu.vector_load %arg8[%parallel_loop3A_455, %parallel_loop3A_456, %parallel_loop3A_457] {strides = array<i32>} : memref<2x64x327xf32, #tpu.memory_space<vmem>>, vector<16xf32>,
      %parallel_loop3A_459 = arith.constant 0 : i32
      %parallel_loop3A_460 = arith.index_cast %parallel_loop3A_459 : i32 to index
      %parallel_loop3A_461 = arith.index_cast %parallel_loop3A_310 : i32 to index
      %parallel_loop3A_462 = arith.constant 144 : index
      %parallel_loop3A_463 = tpu.vector_load %arg8[%parallel_loop3A_460, %parallel_loop3A_461, %parallel_loop3A_462] {strides = array<i32>} : memref<2x64x327xf32, #tpu.memory_space<vmem>>, vector<16xf32>,
      %parallel_loop3A_464 = arith.constant 7 : i32
      %parallel_loop3A_465 = vector.broadcast %parallel_loop3A_464 : i32 to vector<16xi32>
      %parallel_loop3A_466 = arith.shrui %parallel_loop3A_452, %parallel_loop3A_465 : vector<16xi32>
      %parallel_loop3A_467 = arith.constant 127 : i32
      %parallel_loop3A_468 = vector.broadcast %parallel_loop3A_467 : i32 to vector<16xi32>
      %parallel_loop3A_469 = arith.andi %parallel_loop3A_452, %parallel_loop3A_468 : vector<16xi32>
      %parallel_loop3A_470 = arith.mulf %parallel_loop3A_317, %parallel_loop3A_458 : vector<16xf32>
      tpu.vector_store_idx %arg10[%parallel_loop3A_466, %parallel_loop3A_469], %parallel_loop3A_470 {add = true} : memref<128x128xf32, #tpu.memory_space<vmem>>[vector<16xi32>, vector<16xi32>], vector<16xf32>,
      %parallel_loop3A_471 = arith.constant 7 : i32
      %parallel_loop3A_472 = vector.broadcast %parallel_loop3A_471 : i32 to vector<16xi32>
      %parallel_loop3A_473 = arith.shrui %parallel_loop3A_453, %parallel_loop3A_472 : vector<16xi32>
      %parallel_loop3A_474 = arith.constant 127 : i32
      %parallel_loop3A_475 = vector.broadcast %parallel_loop3A_474 : i32 to vector<16xi32>
      %parallel_loop3A_476 = arith.andi %parallel_loop3A_453, %parallel_loop3A_475 : vector<16xi32>
      %parallel_loop3A_477 = arith.mulf %parallel_loop3A_317, %parallel_loop3A_463 : vector<16xf32>
      tpu.vector_store_idx %arg10[%parallel_loop3A_473, %parallel_loop3A_476], %parallel_loop3A_477 {add = true} : memref<128x128xf32, #tpu.memory_space<vmem>>[vector<16xi32>, vector<16xi32>], vector<16xf32>,
      %parallel_loop3A_478 = arith.constant 0 : i32
      %parallel_loop3A_479 = arith.index_cast %parallel_loop3A_478 : i32 to index
      %parallel_loop3A_480 = arith.index_cast %parallel_loop3A_310 : i32 to index
      %parallel_loop3A_481 = arith.constant 80 : index
      %parallel_loop3A_482 = tpu.vector_load %arg9[%parallel_loop3A_479, %parallel_loop3A_480, %parallel_loop3A_481] {strides = array<i32>} : memref<2x64x176xi32, #tpu.memory_space<vmem>>, vector<16xi32>,
      %parallel_loop3A_483 = vector.bitcast %parallel_loop3A_482 : vector<16xi32> to vector<32xi16>
      %parallel_loop3A_484 = tpu.unpack_subelements %parallel_loop3A_483, 0 {pack_format = #tpu.pack_format<interleaved>} : vector<32xi16> -> vector<16xi32>
      %parallel_loop3A_485 = tpu.unpack_subelements %parallel_loop3A_483, 1 {pack_format = #tpu.pack_format<interleaved>} : vector<32xi16> -> vector<16xi32>
      %parallel_loop3A_486 = arith.constant 0 : i32
      %parallel_loop3A_487 = arith.index_cast %parallel_loop3A_486 : i32 to index
      %parallel_loop3A_488 = arith.index_cast %parallel_loop3A_310 : i32 to index
      %parallel_loop3A_489 = arith.constant 160 : index
      %parallel_loop3A_490 = tpu.vector_load %arg8[%parallel_loop3A_487, %parallel_loop3A_488, %parallel_loop3A_489] {strides = array<i32>} : memref<2x64x327xf32, #tpu.memory_space<vmem>>, vector<16xf32>,
      %parallel_loop3A_491 = arith.constant 0 : i32
      %parallel_loop3A_492 = arith.index_cast %parallel_loop3A_491 : i32 to index
      %parallel_loop3A_493 = arith.index_cast %parallel_loop3A_310 : i32 to index
      %parallel_loop3A_494 = arith.constant 176 : index
      %parallel_loop3A_495 = tpu.vector_load %arg8[%parallel_loop3A_492, %parallel_loop3A_493, %parallel_loop3A_494] {strides = array<i32>} : memref<2x64x327xf32, #tpu.memory_space<vmem>>, vector<16xf32>,
      %parallel_loop3A_496 = arith.constant 7 : i32
      %parallel_loop3A_497 = vector.broadcast %parallel_loop3A_496 : i32 to vector<16xi32>
      %parallel_loop3A_498 = arith.shrui %parallel_loop3A_484, %parallel_loop3A_497 : vector<16xi32>
      %parallel_loop3A_499 = arith.constant 127 : i32
      %parallel_loop3A_500 = vector.broadcast %parallel_loop3A_499 : i32 to vector<16xi32>
      %parallel_loop3A_501 = arith.andi %parallel_loop3A_484, %parallel_loop3A_500 : vector<16xi32>
      %parallel_loop3A_502 = arith.mulf %parallel_loop3A_317, %parallel_loop3A_490 : vector<16xf32>
      tpu.vector_store_idx %arg10[%parallel_loop3A_498, %parallel_loop3A_501], %parallel_loop3A_502 {add = true} : memref<128x128xf32, #tpu.memory_space<vmem>>[vector<16xi32>, vector<16xi32>], vector<16xf32>,
      %parallel_loop3A_503 = arith.constant 7 : i32
      %parallel_loop3A_504 = vector.broadcast %parallel_loop3A_503 : i32 to vector<16xi32>
      %parallel_loop3A_505 = arith.shrui %parallel_loop3A_485, %parallel_loop3A_504 : vector<16xi32>
      %parallel_loop3A_506 = arith.constant 127 : i32
      %parallel_loop3A_507 = vector.broadcast %parallel_loop3A_506 : i32 to vector<16xi32>
      %parallel_loop3A_508 = arith.andi %parallel_loop3A_485, %parallel_loop3A_507 : vector<16xi32>
      %parallel_loop3A_509 = arith.mulf %parallel_loop3A_317, %parallel_loop3A_495 : vector<16xf32>
      tpu.vector_store_idx %arg10[%parallel_loop3A_505, %parallel_loop3A_508], %parallel_loop3A_509 {add = true} : memref<128x128xf32, #tpu.memory_space<vmem>>[vector<16xi32>, vector<16xi32>], vector<16xf32>,
      %parallel_loop3A_510 = arith.constant 0 : i32
      %parallel_loop3A_511 = arith.index_cast %parallel_loop3A_510 : i32 to index
      %parallel_loop3A_512 = arith.index_cast %parallel_loop3A_310 : i32 to index
      %parallel_loop3A_513 = arith.constant 96 : index
      %parallel_loop3A_514 = tpu.vector_load %arg9[%parallel_loop3A_511, %parallel_loop3A_512, %parallel_loop3A_513] {strides = array<i32>} : memref<2x64x176xi32, #tpu.memory_space<vmem>>, vector<16xi32>,
      %parallel_loop3A_515 = vector.bitcast %parallel_loop3A_514 : vector<16xi32> to vector<32xi16>
      %parallel_loop3A_516 = tpu.unpack_subelements %parallel_loop3A_515, 0 {pack_format = #tpu.pack_format<interleaved>} : vector<32xi16> -> vector<16xi32>
      %parallel_loop3A_517 = tpu.unpack_subelements %parallel_loop3A_515, 1 {pack_format = #tpu.pack_format<interleaved>} : vector<32xi16> -> vector<16xi32>
      %parallel_loop3A_518 = arith.constant 0 : i32
      %parallel_loop3A_519 = arith.index_cast %parallel_loop3A_518 : i32 to index
      %parallel_loop3A_520 = arith.index_cast %parallel_loop3A_310 : i32 to index
      %parallel_loop3A_521 = arith.constant 192 : index
      %parallel_loop3A_522 = tpu.vector_load %arg8[%parallel_loop3A_519, %parallel_loop3A_520, %parallel_loop3A_521] {strides = array<i32>} : memref<2x64x327xf32, #tpu.memory_space<vmem>>, vector<16xf32>,
      %parallel_loop3A_523 = arith.constant 0 : i32
      %parallel_loop3A_524 = arith.index_cast %parallel_loop3A_523 : i32 to index
      %parallel_loop3A_525 = arith.index_cast %parallel_loop3A_310 : i32 to index
      %parallel_loop3A_526 = arith.constant 208 : index
      %parallel_loop3A_527 = tpu.vector_load %arg8[%parallel_loop3A_524, %parallel_loop3A_525, %parallel_loop3A_526] {strides = array<i32>} : memref<2x64x327xf32, #tpu.memory_space<vmem>>, vector<16xf32>,
      %parallel_loop3A_528 = arith.constant 7 : i32
      %parallel_loop3A_529 = vector.broadcast %parallel_loop3A_528 : i32 to vector<16xi32>
      %parallel_loop3A_530 = arith.shrui %parallel_loop3A_516, %parallel_loop3A_529 : vector<16xi32>
      %parallel_loop3A_531 = arith.constant 127 : i32
      %parallel_loop3A_532 = vector.broadcast %parallel_loop3A_531 : i32 to vector<16xi32>
      %parallel_loop3A_533 = arith.andi %parallel_loop3A_516, %parallel_loop3A_532 : vector<16xi32>
      %parallel_loop3A_534 = arith.mulf %parallel_loop3A_317, %parallel_loop3A_522 : vector<16xf32>
      tpu.vector_store_idx %arg10[%parallel_loop3A_530, %parallel_loop3A_533], %parallel_loop3A_534 {add = true} : memref<128x128xf32, #tpu.memory_space<vmem>>[vector<16xi32>, vector<16xi32>], vector<16xf32>,
      %parallel_loop3A_535 = arith.constant 7 : i32
      %parallel_loop3A_536 = vector.broadcast %parallel_loop3A_535 : i32 to vector<16xi32>
      %parallel_loop3A_537 = arith.shrui %parallel_loop3A_517, %parallel_loop3A_536 : vector<16xi32>
      %parallel_loop3A_538 = arith.constant 127 : i32
      %parallel_loop3A_539 = vector.broadcast %parallel_loop3A_538 : i32 to vector<16xi32>
      %parallel_loop3A_540 = arith.andi %parallel_loop3A_517, %parallel_loop3A_539 : vector<16xi32>
      %parallel_loop3A_541 = arith.mulf %parallel_loop3A_317, %parallel_loop3A_527 : vector<16xf32>
      tpu.vector_store_idx %arg10[%parallel_loop3A_537, %parallel_loop3A_540], %parallel_loop3A_541 {add = true} : memref<128x128xf32, #tpu.memory_space<vmem>>[vector<16xi32>, vector<16xi32>], vector<16xf32>,
      %parallel_loop3A_542 = arith.constant 0 : i32
      %parallel_loop3A_543 = arith.index_cast %parallel_loop3A_542 : i32 to index
      %parallel_loop3A_544 = arith.index_cast %parallel_loop3A_310 : i32 to index
      %parallel_loop3A_545 = arith.constant 112 : index
      %parallel_loop3A_546 = tpu.vector_load %arg9[%parallel_loop3A_543, %parallel_loop3A_544, %parallel_loop3A_545] {strides = array<i32>} : memref<2x64x176xi32, #tpu.memory_space<vmem>>, vector<16xi32>,
      %parallel_loop3A_547 = vector.bitcast %parallel_loop3A_546 : vector<16xi32> to vector<32xi16>
      %parallel_loop3A_548 = tpu.unpack_subelements %parallel_loop3A_547, 0 {pack_format = #tpu.pack_format<interleaved>} : vector<32xi16> -> vector<16xi32>
      %parallel_loop3A_549 = tpu.unpack_subelements %parallel_loop3A_547, 1 {pack_format = #tpu.pack_format<interleaved>} : vector<32xi16> -> vector<16xi32>
      %parallel_loop3A_550 = arith.constant 0 : i32
      %parallel_loop3A_551 = arith.index_cast %parallel_loop3A_550 : i32 to index
      %parallel_loop3A_552 = arith.index_cast %parallel_loop3A_310 : i32 to index
      %parallel_loop3A_553 = arith.constant 224 : index
      %parallel_loop3A_554 = tpu.vector_load %arg8[%parallel_loop3A_551, %parallel_loop3A_552, %parallel_loop3A_553] {strides = array<i32>} : memref<2x64x327xf32, #tpu.memory_space<vmem>>, vector<16xf32>,
      %parallel_loop3A_555 = arith.constant 0 : i32
      %parallel_loop3A_556 = arith.index_cast %parallel_loop3A_555 : i32 to index
      %parallel_loop3A_557 = arith.index_cast %parallel_loop3A_310 : i32 to index
      %parallel_loop3A_558 = arith.constant 240 : index
      %parallel_loop3A_559 = tpu.vector_load %arg8[%parallel_loop3A_556, %parallel_loop3A_557, %parallel_loop3A_558] {strides = array<i32>} : memref<2x64x327xf32, #tpu.memory_space<vmem>>, vector<16xf32>,
      %parallel_loop3A_560 = arith.constant 7 : i32
      %parallel_loop3A_561 = vector.broadcast %parallel_loop3A_560 : i32 to vector<16xi32>
      %parallel_loop3A_562 = arith.shrui %parallel_loop3A_548, %parallel_loop3A_561 : vector<16xi32>
      %parallel_loop3A_563 = arith.constant 127 : i32
      %parallel_loop3A_564 = vector.broadcast %parallel_loop3A_563 : i32 to vector<16xi32>
      %parallel_loop3A_565 = arith.andi %parallel_loop3A_548, %parallel_loop3A_564 : vector<16xi32>
      %parallel_loop3A_566 = arith.mulf %parallel_loop3A_317, %parallel_loop3A_554 : vector<16xf32>
      tpu.vector_store_idx %arg10[%parallel_loop3A_562, %parallel_loop3A_565], %parallel_loop3A_566 {add = true} : memref<128x128xf32, #tpu.memory_space<vmem>>[vector<16xi32>, vector<16xi32>], vector<16xf32>,
      %parallel_loop3A_567 = arith.constant 7 : i32
      %parallel_loop3A_568 = vector.broadcast %parallel_loop3A_567 : i32 to vector<16xi32>
      %parallel_loop3A_569 = arith.shrui %parallel_loop3A_549, %parallel_loop3A_568 : vector<16xi32>
      %parallel_loop3A_570 = arith.constant 127 : i32
      %parallel_loop3A_571 = vector.broadcast %parallel_loop3A_570 : i32 to vector<16xi32>
      %parallel_loop3A_572 = arith.andi %parallel_loop3A_549, %parallel_loop3A_571 : vector<16xi32>
      %parallel_loop3A_573 = arith.mulf %parallel_loop3A_317, %parallel_loop3A_559 : vector<16xf32>
      tpu.vector_store_idx %arg10[%parallel_loop3A_569, %parallel_loop3A_572], %parallel_loop3A_573 {add = true} : memref<128x128xf32, #tpu.memory_space<vmem>>[vector<16xi32>, vector<16xi32>], vector<16xf32>,
      %parallel_loop3A_574 = arith.constant 0 : i32
      %parallel_loop3A_575 = arith.index_cast %parallel_loop3A_574 : i32 to index
      %parallel_loop3A_576 = arith.index_cast %parallel_loop3A_310 : i32 to index
      %parallel_loop3A_577 = arith.constant 128 : index
      %parallel_loop3A_578 = tpu.vector_load %arg9[%parallel_loop3A_575, %parallel_loop3A_576, %parallel_loop3A_577] {strides = array<i32>} : memref<2x64x176xi32, #tpu.memory_space<vmem>>, vector<16xi32>,
      %parallel_loop3A_579 = vector.bitcast %parallel_loop3A_578 : vector<16xi32> to vector<32xi16>
      %parallel_loop3A_580 = tpu.unpack_subelements %parallel_loop3A_579, 0 {pack_format = #tpu.pack_format<interleaved>} : vector<32xi16> -> vector<16xi32>
      %parallel_loop3A_581 = tpu.unpack_subelements %parallel_loop3A_579, 1 {pack_format = #tpu.pack_format<interleaved>} : vector<32xi16> -> vector<16xi32>
      %parallel_loop3A_582 = arith.constant 0 : i32
      %parallel_loop3A_583 = arith.index_cast %parallel_loop3A_582 : i32 to index
      %parallel_loop3A_584 = arith.index_cast %parallel_loop3A_310 : i32 to index
      %parallel_loop3A_585 = arith.constant 256 : index
      %parallel_loop3A_586 = tpu.vector_load %arg8[%parallel_loop3A_583, %parallel_loop3A_584, %parallel_loop3A_585] {strides = array<i32>} : memref<2x64x327xf32, #tpu.memory_space<vmem>>, vector<16xf32>,
      %parallel_loop3A_587 = arith.constant 0 : i32
      %parallel_loop3A_588 = arith.index_cast %parallel_loop3A_587 : i32 to index
      %parallel_loop3A_589 = arith.index_cast %parallel_loop3A_310 : i32 to index
      %parallel_loop3A_590 = arith.constant 272 : index
      %parallel_loop3A_591 = tpu.vector_load %arg8[%parallel_loop3A_588, %parallel_loop3A_589, %parallel_loop3A_590] {strides = array<i32>} : memref<2x64x327xf32, #tpu.memory_space<vmem>>, vector<16xf32>,
      %parallel_loop3A_592 = arith.constant 7 : i32
      %parallel_loop3A_593 = vector.broadcast %parallel_loop3A_592 : i32 to vector<16xi32>
      %parallel_loop3A_594 = arith.shrui %parallel_loop3A_580, %parallel_loop3A_593 : vector<16xi32>
      %parallel_loop3A_595 = arith.constant 127 : i32
      %parallel_loop3A_596 = vector.broadcast %parallel_loop3A_595 : i32 to vector<16xi32>
      %parallel_loop3A_597 = arith.andi %parallel_loop3A_580, %parallel_loop3A_596 : vector<16xi32>
      %parallel_loop3A_598 = arith.mulf %parallel_loop3A_317, %parallel_loop3A_586 : vector<16xf32>
      tpu.vector_store_idx %arg10[%parallel_loop3A_594, %parallel_loop3A_597], %parallel_loop3A_598 {add = true} : memref<128x128xf32, #tpu.memory_space<vmem>>[vector<16xi32>, vector<16xi32>], vector<16xf32>,
      %parallel_loop3A_599 = arith.constant 7 : i32
      %parallel_loop3A_600 = vector.broadcast %parallel_loop3A_599 : i32 to vector<16xi32>
      %parallel_loop3A_601 = arith.shrui %parallel_loop3A_581, %parallel_loop3A_600 : vector<16xi32>
      %parallel_loop3A_602 = arith.constant 127 : i32
      %parallel_loop3A_603 = vector.broadcast %parallel_loop3A_602 : i32 to vector<16xi32>
      %parallel_loop3A_604 = arith.andi %parallel_loop3A_581, %parallel_loop3A_603 : vector<16xi32>
      %parallel_loop3A_605 = arith.mulf %parallel_loop3A_317, %parallel_loop3A_591 : vector<16xf32>
      tpu.vector_store_idx %arg10[%parallel_loop3A_601, %parallel_loop3A_604], %parallel_loop3A_605 {add = true} : memref<128x128xf32, #tpu.memory_space<vmem>>[vector<16xi32>, vector<16xi32>], vector<16xf32>,
      %parallel_loop3A_606 = arith.constant 0 : i32
      %parallel_loop3A_607 = arith.index_cast %parallel_loop3A_606 : i32 to index
      %parallel_loop3A_608 = arith.index_cast %parallel_loop3A_310 : i32 to index
      %parallel_loop3A_609 = arith.constant 144 : index
      %parallel_loop3A_610 = tpu.vector_load %arg9[%parallel_loop3A_607, %parallel_loop3A_608, %parallel_loop3A_609] {strides = array<i32>} : memref<2x64x176xi32, #tpu.memory_space<vmem>>, vector<16xi32>,
      %parallel_loop3A_611 = vector.bitcast %parallel_loop3A_610 : vector<16xi32> to vector<32xi16>
      %parallel_loop3A_612 = tpu.unpack_subelements %parallel_loop3A_611, 0 {pack_format = #tpu.pack_format<interleaved>} : vector<32xi16> -> vector<16xi32>
      %parallel_loop3A_613 = tpu.unpack_subelements %parallel_loop3A_611, 1 {pack_format = #tpu.pack_format<interleaved>} : vector<32xi16> -> vector<16xi32>
      %parallel_loop3A_614 = arith.constant 0 : i32
      %parallel_loop3A_615 = arith.index_cast %parallel_loop3A_614 : i32 to index
      %parallel_loop3A_616 = arith.index_cast %parallel_loop3A_310 : i32 to index
      %parallel_loop3A_617 = arith.constant 288 : index
      %parallel_loop3A_618 = tpu.vector_load %arg8[%parallel_loop3A_615, %parallel_loop3A_616, %parallel_loop3A_617] {strides = array<i32>} : memref<2x64x327xf32, #tpu.memory_space<vmem>>, vector<16xf32>,
      %parallel_loop3A_619 = arith.constant 0 : i32
      %parallel_loop3A_620 = arith.index_cast %parallel_loop3A_619 : i32 to index
      %parallel_loop3A_621 = arith.index_cast %parallel_loop3A_310 : i32 to index
      %parallel_loop3A_622 = arith.constant 304 : index
      %parallel_loop3A_623 = tpu.vector_load %arg8[%parallel_loop3A_620, %parallel_loop3A_621, %parallel_loop3A_622] {strides = array<i32>} : memref<2x64x327xf32, #tpu.memory_space<vmem>>, vector<16xf32>,
      %parallel_loop3A_624 = arith.constant 7 : i32
      %parallel_loop3A_625 = vector.broadcast %parallel_loop3A_624 : i32 to vector<16xi32>
      %parallel_loop3A_626 = arith.shrui %parallel_loop3A_612, %parallel_loop3A_625 : vector<16xi32>
      %parallel_loop3A_627 = arith.constant 127 : i32
      %parallel_loop3A_628 = vector.broadcast %parallel_loop3A_627 : i32 to vector<16xi32>
      %parallel_loop3A_629 = arith.andi %parallel_loop3A_612, %parallel_loop3A_628 : vector<16xi32>
      %parallel_loop3A_630 = arith.mulf %parallel_loop3A_317, %parallel_loop3A_618 : vector<16xf32>
      tpu.vector_store_idx %arg10[%parallel_loop3A_626, %parallel_loop3A_629], %parallel_loop3A_630 {add = true} : memref<128x128xf32, #tpu.memory_space<vmem>>[vector<16xi32>, vector<16xi32>], vector<16xf32>,
      %parallel_loop3A_631 = arith.constant 7 : i32
      %parallel_loop3A_632 = vector.broadcast %parallel_loop3A_631 : i32 to vector<16xi32>
      %parallel_loop3A_633 = arith.shrui %parallel_loop3A_613, %parallel_loop3A_632 : vector<16xi32>
      %parallel_loop3A_634 = arith.constant 127 : i32
      %parallel_loop3A_635 = vector.broadcast %parallel_loop3A_634 : i32 to vector<16xi32>
      %parallel_loop3A_636 = arith.andi %parallel_loop3A_613, %parallel_loop3A_635 : vector<16xi32>
      %parallel_loop3A_637 = arith.mulf %parallel_loop3A_317, %parallel_loop3A_623 : vector<16xf32>
      tpu.vector_store_idx %arg10[%parallel_loop3A_633, %parallel_loop3A_636], %parallel_loop3A_637 {add = true} : memref<128x128xf32, #tpu.memory_space<vmem>>[vector<16xi32>, vector<16xi32>], vector<16xf32>,
      %parallel_loop3A_638 = arith.constant 0 : i32
      %parallel_loop3A_639 = arith.index_cast %parallel_loop3A_638 : i32 to index
      %parallel_loop3A_640 = arith.index_cast %parallel_loop3A_310 : i32 to index
      %parallel_loop3A_641 = arith.constant 160 : index
      %parallel_loop3A_642 = tpu.vector_load %arg9[%parallel_loop3A_639, %parallel_loop3A_640, %parallel_loop3A_641] {strides = array<i32>} : memref<2x64x176xi32, #tpu.memory_space<vmem>>, vector<16xi32>,
      %parallel_loop3A_643 = vector.bitcast %parallel_loop3A_642 : vector<16xi32> to vector<32xi16>
      %parallel_loop3A_644 = tpu.unpack_subelements %parallel_loop3A_643, 0 {pack_format = #tpu.pack_format<interleaved>} : vector<32xi16> -> vector<16xi32>
      %parallel_loop3A_645 = tpu.unpack_subelements %parallel_loop3A_643, 1 {pack_format = #tpu.pack_format<interleaved>} : vector<32xi16> -> vector<16xi32>
      %parallel_loop3A_646 = arith.constant 0 : i32
      %parallel_loop3A_647 = arith.index_cast %parallel_loop3A_646 : i32 to index
      %parallel_loop3A_648 = arith.index_cast %parallel_loop3A_310 : i32 to index
      %parallel_loop3A_649 = arith.constant 311 : index
      %parallel_loop3A_650 = tpu.vector_load %arg8[%parallel_loop3A_647, %parallel_loop3A_648, %parallel_loop3A_649] {strides = array<i32>} : memref<2x64x327xf32, #tpu.memory_space<vmem>>, vector<16xf32>,
      %parallel_loop3A_651 = arith.constant 7 : i32
      %parallel_loop3A_652 = vector.broadcast %parallel_loop3A_651 : i32 to vector<16xi32>
      %parallel_loop3A_653 = arith.shrui %parallel_loop3A_644, %parallel_loop3A_652 : vector<16xi32>
      %parallel_loop3A_654 = arith.constant 127 : i32
      %parallel_loop3A_655 = vector.broadcast %parallel_loop3A_654 : i32 to vector<16xi32>
      %parallel_loop3A_656 = arith.andi %parallel_loop3A_644, %parallel_loop3A_655 : vector<16xi32>
      %parallel_loop3A_657 = arith.mulf %parallel_loop3A_317, %parallel_loop3A_650 : vector<16xf32>
      tpu.vector_store_idx %arg10[%parallel_loop3A_653, %parallel_loop3A_656], %parallel_loop3A_657 masked %ge3A_43 {add = true} : memref<128x128xf32, #tpu.memory_space<vmem>>[vector<16xi32>, vector<16xi32>], vector<16xf32>, vector<16xi1>
    } {sc.loop_unroll_factor = 2 : i64, sc.parallel_access}
    %dma_wait3A_219 = arith.constant 1 : i32
    %dma_wait3A_220 = arith.constant 0 : i32
    %dma_wait3A_221 = arith.constant 0 : i32
    %dma_wait3A_222 = tpu.memref_slice %arg8[%dma_wait3A_219, %dma_wait3A_220, %dma_wait3A_221] : memref<2x64x327xf32, #tpu.memory_space<vmem>> -> memref<1x64x327xf32, #tpu.memory_space<vmem>>
    %dma_wait3A_223 = tpu.memref_squeeze %dma_wait3A_222 : memref<1x64x327xf32, #tpu.memory_space<vmem>> -> memref<64x327xf32, #tpu.memory_space<vmem>>
    %dma_wait3A_224 = arith.constant 0 : i32
    %dma_wait3A_225 = tpu.memref_slice %arg3[%add3A_163, %dma_wait3A_224] : memref<8192x327xf32, #tpu.memory_space<hbm>> -> memref<64x327xf32, #tpu.memory_space<hbm>>
    %dma_wait3A_226 = arith.constant 0 : i32
    %dma_wait3A_227 = arith.constant 0 : i32
    %dma_wait3A_228 = tpu.memref_slice %arg8[%dma_wait3A_219, %dma_wait3A_226, %dma_wait3A_227] : memref<2x64x327xf32, #tpu.memory_space<vmem>> -> memref<1x64x327xf32, #tpu.memory_space<vmem>>
    %dma_wait3A_229 = tpu.memref_squeeze %dma_wait3A_228 : memref<1x64x327xf32, #tpu.memory_space<vmem>> -> memref<64x327xf32, #tpu.memory_space<vmem>>
    %dma_wait3A_230 = arith.constant 0 : i32
    %dma_wait3A_231 = tpu.memref_slice %arg3[%add3A_163, %dma_wait3A_230] : memref<8192x327xf32, #tpu.memory_space<hbm>> -> memref<64x327xf32, #tpu.memory_space<hbm>>
    tpu.wait_dma2 semaphore(%arg14 : memref<!tpu.dma_semaphore, #tpu.memory_space<semaphore_mem>>) src(%dma_wait3A_231 : memref<64x327xf32, #tpu.memory_space<hbm>>) dst(%dma_wait3A_229 : memref<64x327xf32, #tpu.memory_space<vmem>>)
    %dma_wait3A_232 = arith.constant 1 : i32
    %dma_wait3A_233 = arith.constant 0 : i32
    %dma_wait3A_234 = arith.constant 0 : i32
    %dma_wait3A_235 = tpu.memref_slice %arg9[%dma_wait3A_232, %dma_wait3A_233, %dma_wait3A_234] : memref<2x64x176xi32, #tpu.memory_space<vmem>> -> memref<1x64x176xi32, #tpu.memory_space<vmem>>
    %dma_wait3A_236 = tpu.memref_squeeze %dma_wait3A_235 : memref<1x64x176xi32, #tpu.memory_space<vmem>> -> memref<64x176xi32, #tpu.memory_space<vmem>>
    %dma_wait3A_237 = arith.constant 0 : i32
    %dma_wait3A_238 = tpu.memref_slice %arg4[%add3A_163, %dma_wait3A_237] : memref<8192x176xi32, #tpu.memory_space<hbm>> -> memref<64x176xi32, #tpu.memory_space<hbm>>
    %dma_wait3A_239 = arith.constant 0 : i32
    %dma_wait3A_240 = arith.constant 0 : i32
    %dma_wait3A_241 = tpu.memref_slice %arg9[%dma_wait3A_232, %dma_wait3A_239, %dma_wait3A_240] : memref<2x64x176xi32, #tpu.memory_space<vmem>> -> memref<1x64x176xi32, #tpu.memory_space<vmem>>
    %dma_wait3A_242 = tpu.memref_squeeze %dma_wait3A_241 : memref<1x64x176xi32, #tpu.memory_space<vmem>> -> memref<64x176xi32, #tpu.memory_space<vmem>>
    %dma_wait3A_243 = arith.constant 0 : i32
    %dma_wait3A_244 = tpu.memref_slice %arg4[%add3A_163, %dma_wait3A_243] : memref<8192x176xi32, #tpu.memory_space<hbm>> -> memref<64x176xi32, #tpu.memory_space<hbm>>
    tpu.wait_dma2 semaphore(%arg16 : memref<!tpu.dma_semaphore, #tpu.memory_space<semaphore_mem>>) src(%dma_wait3A_244 : memref<64x176xi32, #tpu.memory_space<hbm>>) dst(%dma_wait3A_242 : memref<64x176xi32, #tpu.memory_space<vmem>>)
    %parallel_loop3A_245 = arith.constant 0 : i32
    %parallel_loop3A_246 = arith.constant 64 : i32
    %parallel_loop3A_247 = arith.constant 1 : i32
    scf.for %parallel_loop3A_310 = %parallel_loop3A_245 to %parallel_loop3A_246 step %parallel_loop3A_247  : i32 {
      %parallel_loop3A_311 = arith.constant 192 : i32
      %parallel_loop3A_312 = arith.addi %parallel_loop3A_311, %parallel_loop3A_310 : i32
      %parallel_loop3A_313 = arith.index_cast %parallel_loop3A_312 : i32 to index
      %parallel_loop3A_314 = tpu.vector_load %arg7[%parallel_loop3A_313] {strides = array<i32>} : memref<272xf32, #tpu.memory_space<vmem>>, vector<16xf32>,
      %parallel_loop3A_315 = vector.extract_strided_slice %parallel_loop3A_314 {offsets = [0], sizes = [1], strides = [1]} : vector<16xf32> to vector<1xf32>
      %parallel_loop3A_316 = vector.extract %parallel_loop3A_315[0] : f32 from vector<1xf32>
      %parallel_loop3A_317 = vector.broadcast %parallel_loop3A_316 : f32 to vector<16xf32>
      %parallel_loop3A_318 = arith.constant 1 : i32
      %parallel_loop3A_319 = arith.index_cast %parallel_loop3A_318 : i32 to index
      %parallel_loop3A_320 = arith.index_cast %parallel_loop3A_310 : i32 to index
      %parallel_loop3A_321 = arith.constant 0 : index
      %parallel_loop3A_322 = tpu.vector_load %arg9[%parallel_loop3A_319, %parallel_loop3A_320, %parallel_loop3A_321] {strides = array<i32>} : memref<2x64x176xi32, #tpu.memory_space<vmem>>, vector<16xi32>,
      %parallel_loop3A_323 = vector.bitcast %parallel_loop3A_322 : vector<16xi32> to vector<32xi16>
      %parallel_loop3A_324 = tpu.unpack_subelements %parallel_loop3A_323, 0 {pack_format = #tpu.pack_format<interleaved>} : vector<32xi16> -> vector<16xi32>
      %parallel_loop3A_325 = tpu.unpack_subelements %parallel_loop3A_323, 1 {pack_format = #tpu.pack_format<interleaved>} : vector<32xi16> -> vector<16xi32>
      %parallel_loop3A_326 = arith.constant 1 : i32
      %parallel_loop3A_327 = arith.index_cast %parallel_loop3A_326 : i32 to index
      %parallel_loop3A_328 = arith.index_cast %parallel_loop3A_310 : i32 to index
      %parallel_loop3A_329 = arith.constant 0 : index
      %parallel_loop3A_330 = tpu.vector_load %arg8[%parallel_loop3A_327, %parallel_loop3A_328, %parallel_loop3A_329] {strides = array<i32>} : memref<2x64x327xf32, #tpu.memory_space<vmem>>, vector<16xf32>,
      %parallel_loop3A_331 = arith.constant 1 : i32
      %parallel_loop3A_332 = arith.index_cast %parallel_loop3A_331 : i32 to index
      %parallel_loop3A_333 = arith.index_cast %parallel_loop3A_310 : i32 to index
      %parallel_loop3A_334 = arith.constant 16 : index
      %parallel_loop3A_335 = tpu.vector_load %arg8[%parallel_loop3A_332, %parallel_loop3A_333, %parallel_loop3A_334] {strides = array<i32>} : memref<2x64x327xf32, #tpu.memory_space<vmem>>, vector<16xf32>,
      %parallel_loop3A_336 = arith.constant 7 : i32
      %parallel_loop3A_337 = vector.broadcast %parallel_loop3A_336 : i32 to vector<16xi32>
      %parallel_loop3A_338 = arith.shrui %parallel_loop3A_324, %parallel_loop3A_337 : vector<16xi32>
      %parallel_loop3A_339 = arith.constant 127 : i32
      %parallel_loop3A_340 = vector.broadcast %parallel_loop3A_339 : i32 to vector<16xi32>
      %parallel_loop3A_341 = arith.andi %parallel_loop3A_324, %parallel_loop3A_340 : vector<16xi32>
      %parallel_loop3A_342 = arith.mulf %parallel_loop3A_317, %parallel_loop3A_330 : vector<16xf32>
      tpu.vector_store_idx %arg10[%parallel_loop3A_338, %parallel_loop3A_341], %parallel_loop3A_342 {add = true} : memref<128x128xf32, #tpu.memory_space<vmem>>[vector<16xi32>, vector<16xi32>], vector<16xf32>,
      %parallel_loop3A_343 = arith.constant 7 : i32
      %parallel_loop3A_344 = vector.broadcast %parallel_loop3A_343 : i32 to vector<16xi32>
      %parallel_loop3A_345 = arith.shrui %parallel_loop3A_325, %parallel_loop3A_344 : vector<16xi32>
      %parallel_loop3A_346 = arith.constant 127 : i32
      %parallel_loop3A_347 = vector.broadcast %parallel_loop3A_346 : i32 to vector<16xi32>
      %parallel_loop3A_348 = arith.andi %parallel_loop3A_325, %parallel_loop3A_347 : vector<16xi32>
      %parallel_loop3A_349 = arith.mulf %parallel_loop3A_317, %parallel_loop3A_335 : vector<16xf32>
      tpu.vector_store_idx %arg10[%parallel_loop3A_345, %parallel_loop3A_348], %parallel_loop3A_349 {add = true} : memref<128x128xf32, #tpu.memory_space<vmem>>[vector<16xi32>, vector<16xi32>], vector<16xf32>,
      %parallel_loop3A_350 = arith.constant 1 : i32
      %parallel_loop3A_351 = arith.index_cast %parallel_loop3A_350 : i32 to index
      %parallel_loop3A_352 = arith.index_cast %parallel_loop3A_310 : i32 to index
      %parallel_loop3A_353 = arith.constant 16 : index
      %parallel_loop3A_354 = tpu.vector_load %arg9[%parallel_loop3A_351, %parallel_loop3A_352, %parallel_loop3A_353] {strides = array<i32>} : memref<2x64x176xi32, #tpu.memory_space<vmem>>, vector<16xi32>,
      %parallel_loop3A_355 = vector.bitcast %parallel_loop3A_354 : vector<16xi32> to vector<32xi16>
      %parallel_loop3A_356 = tpu.unpack_subelements %parallel_loop3A_355, 0 {pack_format = #tpu.pack_format<interleaved>} : vector<32xi16> -> vector<16xi32>
      %parallel_loop3A_357 = tpu.unpack_subelements %parallel_loop3A_355, 1 {pack_format = #tpu.pack_format<interleaved>} : vector<32xi16> -> vector<16xi32>
      %parallel_loop3A_358 = arith.constant 1 : i32
      %parallel_loop3A_359 = arith.index_cast %parallel_loop3A_358 : i32 to index
      %parallel_loop3A_360 = arith.index_cast %parallel_loop3A_310 : i32 to index
      %parallel_loop3A_361 = arith.constant 32 : index
      %parallel_loop3A_362 = tpu.vector_load %arg8[%parallel_loop3A_359, %parallel_loop3A_360, %parallel_loop3A_361] {strides = array<i32>} : memref<2x64x327xf32, #tpu.memory_space<vmem>>, vector<16xf32>,
      %parallel_loop3A_363 = arith.constant 1 : i32
      %parallel_loop3A_364 = arith.index_cast %parallel_loop3A_363 : i32 to index
      %parallel_loop3A_365 = arith.index_cast %parallel_loop3A_310 : i32 to index
      %parallel_loop3A_366 = arith.constant 48 : index
      %parallel_loop3A_367 = tpu.vector_load %arg8[%parallel_loop3A_364, %parallel_loop3A_365, %parallel_loop3A_366] {strides = array<i32>} : memref<2x64x327xf32, #tpu.memory_space<vmem>>, vector<16xf32>,
      %parallel_loop3A_368 = arith.constant 7 : i32
      %parallel_loop3A_369 = vector.broadcast %parallel_loop3A_368 : i32 to vector<16xi32>
      %parallel_loop3A_370 = arith.shrui %parallel_loop3A_356, %parallel_loop3A_369 : vector<16xi32>
      %parallel_loop3A_371 = arith.constant 127 : i32
      %parallel_loop3A_372 = vector.broadcast %parallel_loop3A_371 : i32 to vector<16xi32>
      %parallel_loop3A_373 = arith.andi %parallel_loop3A_356, %parallel_loop3A_372 : vector<16xi32>
      %parallel_loop3A_374 = arith.mulf %parallel_loop3A_317, %parallel_loop3A_362 : vector<16xf32>
      tpu.vector_store_idx %arg10[%parallel_loop3A_370, %parallel_loop3A_373], %parallel_loop3A_374 {add = true} : memref<128x128xf32, #tpu.memory_space<vmem>>[vector<16xi32>, vector<16xi32>], vector<16xf32>,
      %parallel_loop3A_375 = arith.constant 7 : i32
      %parallel_loop3A_376 = vector.broadcast %parallel_loop3A_375 : i32 to vector<16xi32>
      %parallel_loop3A_377 = arith.shrui %parallel_loop3A_357, %parallel_loop3A_376 : vector<16xi32>
      %parallel_loop3A_378 = arith.constant 127 : i32
      %parallel_loop3A_379 = vector.broadcast %parallel_loop3A_378 : i32 to vector<16xi32>
      %parallel_loop3A_380 = arith.andi %parallel_loop3A_357, %parallel_loop3A_379 : vector<16xi32>
      %parallel_loop3A_381 = arith.mulf %parallel_loop3A_317, %parallel_loop3A_367 : vector<16xf32>
      tpu.vector_store_idx %arg10[%parallel_loop3A_377, %parallel_loop3A_380], %parallel_loop3A_381 {add = true} : memref<128x128xf32, #tpu.memory_space<vmem>>[vector<16xi32>, vector<16xi32>], vector<16xf32>,
      %parallel_loop3A_382 = arith.constant 1 : i32
      %parallel_loop3A_383 = arith.index_cast %parallel_loop3A_382 : i32 to index
      %parallel_loop3A_384 = arith.index_cast %parallel_loop3A_310 : i32 to index
      %parallel_loop3A_385 = arith.constant 32 : index
      %parallel_loop3A_386 = tpu.vector_load %arg9[%parallel_loop3A_383, %parallel_loop3A_384, %parallel_loop3A_385] {strides = array<i32>} : memref<2x64x176xi32, #tpu.memory_space<vmem>>, vector<16xi32>,
      %parallel_loop3A_387 = vector.bitcast %parallel_loop3A_386 : vector<16xi32> to vector<32xi16>
      %parallel_loop3A_388 = tpu.unpack_subelements %parallel_loop3A_387, 0 {pack_format = #tpu.pack_format<interleaved>} : vector<32xi16> -> vector<16xi32>
      %parallel_loop3A_389 = tpu.unpack_subelements %parallel_loop3A_387, 1 {pack_format = #tpu.pack_format<interleaved>} : vector<32xi16> -> vector<16xi32>
      %parallel_loop3A_390 = arith.constant 1 : i32
      %parallel_loop3A_391 = arith.index_cast %parallel_loop3A_390 : i32 to index
      %parallel_loop3A_392 = arith.index_cast %parallel_loop3A_310 : i32 to index
      %parallel_loop3A_393 = arith.constant 64 : index
      %parallel_loop3A_394 = tpu.vector_load %arg8[%parallel_loop3A_391, %parallel_loop3A_392, %parallel_loop3A_393] {strides = array<i32>} : memref<2x64x327xf32, #tpu.memory_space<vmem>>, vector<16xf32>,
      %parallel_loop3A_395 = arith.constant 1 : i32
      %parallel_loop3A_396 = arith.index_cast %parallel_loop3A_395 : i32 to index
      %parallel_loop3A_397 = arith.index_cast %parallel_loop3A_310 : i32 to index
      %parallel_loop3A_398 = arith.constant 80 : index
      %parallel_loop3A_399 = tpu.vector_load %arg8[%parallel_loop3A_396, %parallel_loop3A_397, %parallel_loop3A_398] {strides = array<i32>} : memref<2x64x327xf32, #tpu.memory_space<vmem>>, vector<16xf32>,
      %parallel_loop3A_400 = arith.constant 7 : i32
      %parallel_loop3A_401 = vector.broadcast %parallel_loop3A_400 : i32 to vector<16xi32>
      %parallel_loop3A_402 = arith.shrui %parallel_loop3A_388, %parallel_loop3A_401 : vector<16xi32>
      %parallel_loop3A_403 = arith.constant 127 : i32
      %parallel_loop3A_404 = vector.broadcast %parallel_loop3A_403 : i32 to vector<16xi32>
      %parallel_loop3A_405 = arith.andi %parallel_loop3A_388, %parallel_loop3A_404 : vector<16xi32>
      %parallel_loop3A_406 = arith.mulf %parallel_loop3A_317, %parallel_loop3A_394 : vector<16xf32>
      tpu.vector_store_idx %arg10[%parallel_loop3A_402, %parallel_loop3A_405], %parallel_loop3A_406 {add = true} : memref<128x128xf32, #tpu.memory_space<vmem>>[vector<16xi32>, vector<16xi32>], vector<16xf32>,
      %parallel_loop3A_407 = arith.constant 7 : i32
      %parallel_loop3A_408 = vector.broadcast %parallel_loop3A_407 : i32 to vector<16xi32>
      %parallel_loop3A_409 = arith.shrui %parallel_loop3A_389, %parallel_loop3A_408 : vector<16xi32>
      %parallel_loop3A_410 = arith.constant 127 : i32
      %parallel_loop3A_411 = vector.broadcast %parallel_loop3A_410 : i32 to vector<16xi32>
      %parallel_loop3A_412 = arith.andi %parallel_loop3A_389, %parallel_loop3A_411 : vector<16xi32>
      %parallel_loop3A_413 = arith.mulf %parallel_loop3A_317, %parallel_loop3A_399 : vector<16xf32>
      tpu.vector_store_idx %arg10[%parallel_loop3A_409, %parallel_loop3A_412], %parallel_loop3A_413 {add = true} : memref<128x128xf32, #tpu.memory_space<vmem>>[vector<16xi32>, vector<16xi32>], vector<16xf32>,
      %parallel_loop3A_414 = arith.constant 1 : i32
      %parallel_loop3A_415 = arith.index_cast %parallel_loop3A_414 : i32 to index
      %parallel_loop3A_416 = arith.index_cast %parallel_loop3A_310 : i32 to index
      %parallel_loop3A_417 = arith.constant 48 : index
      %parallel_loop3A_418 = tpu.vector_load %arg9[%parallel_loop3A_415, %parallel_loop3A_416, %parallel_loop3A_417] {strides = array<i32>} : memref<2x64x176xi32, #tpu.memory_space<vmem>>, vector<16xi32>,
      %parallel_loop3A_419 = vector.bitcast %parallel_loop3A_418 : vector<16xi32> to vector<32xi16>
      %parallel_loop3A_420 = tpu.unpack_subelements %parallel_loop3A_419, 0 {pack_format = #tpu.pack_format<interleaved>} : vector<32xi16> -> vector<16xi32>
      %parallel_loop3A_421 = tpu.unpack_subelements %parallel_loop3A_419, 1 {pack_format = #tpu.pack_format<interleaved>} : vector<32xi16> -> vector<16xi32>
      %parallel_loop3A_422 = arith.constant 1 : i32
      %parallel_loop3A_423 = arith.index_cast %parallel_loop3A_422 : i32 to index
      %parallel_loop3A_424 = arith.index_cast %parallel_loop3A_310 : i32 to index
      %parallel_loop3A_425 = arith.constant 96 : index
      %parallel_loop3A_426 = tpu.vector_load %arg8[%parallel_loop3A_423, %parallel_loop3A_424, %parallel_loop3A_425] {strides = array<i32>} : memref<2x64x327xf32, #tpu.memory_space<vmem>>, vector<16xf32>,
      %parallel_loop3A_427 = arith.constant 1 : i32
      %parallel_loop3A_428 = arith.index_cast %parallel_loop3A_427 : i32 to index
      %parallel_loop3A_429 = arith.index_cast %parallel_loop3A_310 : i32 to index
      %parallel_loop3A_430 = arith.constant 112 : index
      %parallel_loop3A_431 = tpu.vector_load %arg8[%parallel_loop3A_428, %parallel_loop3A_429, %parallel_loop3A_430] {strides = array<i32>} : memref<2x64x327xf32, #tpu.memory_space<vmem>>, vector<16xf32>,
      %parallel_loop3A_432 = arith.constant 7 : i32
      %parallel_loop3A_433 = vector.broadcast %parallel_loop3A_432 : i32 to vector<16xi32>
      %parallel_loop3A_434 = arith.shrui %parallel_loop3A_420, %parallel_loop3A_433 : vector<16xi32>
      %parallel_loop3A_435 = arith.constant 127 : i32
      %parallel_loop3A_436 = vector.broadcast %parallel_loop3A_435 : i32 to vector<16xi32>
      %parallel_loop3A_437 = arith.andi %parallel_loop3A_420, %parallel_loop3A_436 : vector<16xi32>
      %parallel_loop3A_438 = arith.mulf %parallel_loop3A_317, %parallel_loop3A_426 : vector<16xf32>
      tpu.vector_store_idx %arg10[%parallel_loop3A_434, %parallel_loop3A_437], %parallel_loop3A_438 {add = true} : memref<128x128xf32, #tpu.memory_space<vmem>>[vector<16xi32>, vector<16xi32>], vector<16xf32>,
      %parallel_loop3A_439 = arith.constant 7 : i32
      %parallel_loop3A_440 = vector.broadcast %parallel_loop3A_439 : i32 to vector<16xi32>
      %parallel_loop3A_441 = arith.shrui %parallel_loop3A_421, %parallel_loop3A_440 : vector<16xi32>
      %parallel_loop3A_442 = arith.constant 127 : i32
      %parallel_loop3A_443 = vector.broadcast %parallel_loop3A_442 : i32 to vector<16xi32>
      %parallel_loop3A_444 = arith.andi %parallel_loop3A_421, %parallel_loop3A_443 : vector<16xi32>
      %parallel_loop3A_445 = arith.mulf %parallel_loop3A_317, %parallel_loop3A_431 : vector<16xf32>
      tpu.vector_store_idx %arg10[%parallel_loop3A_441, %parallel_loop3A_444], %parallel_loop3A_445 {add = true} : memref<128x128xf32, #tpu.memory_space<vmem>>[vector<16xi32>, vector<16xi32>], vector<16xf32>,
      %parallel_loop3A_446 = arith.constant 1 : i32
      %parallel_loop3A_447 = arith.index_cast %parallel_loop3A_446 : i32 to index
      %parallel_loop3A_448 = arith.index_cast %parallel_loop3A_310 : i32 to index
      %parallel_loop3A_449 = arith.constant 64 : index
      %parallel_loop3A_450 = tpu.vector_load %arg9[%parallel_loop3A_447, %parallel_loop3A_448, %parallel_loop3A_449] {strides = array<i32>} : memref<2x64x176xi32, #tpu.memory_space<vmem>>, vector<16xi32>,
      %parallel_loop3A_451 = vector.bitcast %parallel_loop3A_450 : vector<16xi32> to vector<32xi16>
      %parallel_loop3A_452 = tpu.unpack_subelements %parallel_loop3A_451, 0 {pack_format = #tpu.pack_format<interleaved>} : vector<32xi16> -> vector<16xi32>
      %parallel_loop3A_453 = tpu.unpack_subelements %parallel_loop3A_451, 1 {pack_format = #tpu.pack_format<interleaved>} : vector<32xi16> -> vector<16xi32>
      %parallel_loop3A_454 = arith.constant 1 : i32
      %parallel_loop3A_455 = arith.index_cast %parallel_loop3A_454 : i32 to index
      %parallel_loop3A_456 = arith.index_cast %parallel_loop3A_310 : i32 to index
      %parallel_loop3A_457 = arith.constant 128 : index
      %parallel_loop3A_458 = tpu.vector_load %arg8[%parallel_loop3A_455, %parallel_loop3A_456, %parallel_loop3A_457] {strides = array<i32>} : memref<2x64x327xf32, #tpu.memory_space<vmem>>, vector<16xf32>,
      %parallel_loop3A_459 = arith.constant 1 : i32
      %parallel_loop3A_460 = arith.index_cast %parallel_loop3A_459 : i32 to index
      %parallel_loop3A_461 = arith.index_cast %parallel_loop3A_310 : i32 to index
      %parallel_loop3A_462 = arith.constant 144 : index
      %parallel_loop3A_463 = tpu.vector_load %arg8[%parallel_loop3A_460, %parallel_loop3A_461, %parallel_loop3A_462] {strides = array<i32>} : memref<2x64x327xf32, #tpu.memory_space<vmem>>, vector<16xf32>,
      %parallel_loop3A_464 = arith.constant 7 : i32
      %parallel_loop3A_465 = vector.broadcast %parallel_loop3A_464 : i32 to vector<16xi32>
      %parallel_loop3A_466 = arith.shrui %parallel_loop3A_452, %parallel_loop3A_465 : vector<16xi32>
      %parallel_loop3A_467 = arith.constant 127 : i32
      %parallel_loop3A_468 = vector.broadcast %parallel_loop3A_467 : i32 to vector<16xi32>
      %parallel_loop3A_469 = arith.andi %parallel_loop3A_452, %parallel_loop3A_468 : vector<16xi32>
      %parallel_loop3A_470 = arith.mulf %parallel_loop3A_317, %parallel_loop3A_458 : vector<16xf32>
      tpu.vector_store_idx %arg10[%parallel_loop3A_466, %parallel_loop3A_469], %parallel_loop3A_470 {add = true} : memref<128x128xf32, #tpu.memory_space<vmem>>[vector<16xi32>, vector<16xi32>], vector<16xf32>,
      %parallel_loop3A_471 = arith.constant 7 : i32
      %parallel_loop3A_472 = vector.broadcast %parallel_loop3A_471 : i32 to vector<16xi32>
      %parallel_loop3A_473 = arith.shrui %parallel_loop3A_453, %parallel_loop3A_472 : vector<16xi32>
      %parallel_loop3A_474 = arith.constant 127 : i32
      %parallel_loop3A_475 = vector.broadcast %parallel_loop3A_474 : i32 to vector<16xi32>
      %parallel_loop3A_476 = arith.andi %parallel_loop3A_453, %parallel_loop3A_475 : vector<16xi32>
      %parallel_loop3A_477 = arith.mulf %parallel_loop3A_317, %parallel_loop3A_463 : vector<16xf32>
      tpu.vector_store_idx %arg10[%parallel_loop3A_473, %parallel_loop3A_476], %parallel_loop3A_477 {add = true} : memref<128x128xf32, #tpu.memory_space<vmem>>[vector<16xi32>, vector<16xi32>], vector<16xf32>,
      %parallel_loop3A_478 = arith.constant 1 : i32
      %parallel_loop3A_479 = arith.index_cast %parallel_loop3A_478 : i32 to index
      %parallel_loop3A_480 = arith.index_cast %parallel_loop3A_310 : i32 to index
      %parallel_loop3A_481 = arith.constant 80 : index
      %parallel_loop3A_482 = tpu.vector_load %arg9[%parallel_loop3A_479, %parallel_loop3A_480, %parallel_loop3A_481] {strides = array<i32>} : memref<2x64x176xi32, #tpu.memory_space<vmem>>, vector<16xi32>,
      %parallel_loop3A_483 = vector.bitcast %parallel_loop3A_482 : vector<16xi32> to vector<32xi16>
      %parallel_loop3A_484 = tpu.unpack_subelements %parallel_loop3A_483, 0 {pack_format = #tpu.pack_format<interleaved>} : vector<32xi16> -> vector<16xi32>
      %parallel_loop3A_485 = tpu.unpack_subelements %parallel_loop3A_483, 1 {pack_format = #tpu.pack_format<interleaved>} : vector<32xi16> -> vector<16xi32>
      %parallel_loop3A_486 = arith.constant 1 : i32
      %parallel_loop3A_487 = arith.index_cast %parallel_loop3A_486 : i32 to index
      %parallel_loop3A_488 = arith.index_cast %parallel_loop3A_310 : i32 to index
      %parallel_loop3A_489 = arith.constant 160 : index
      %parallel_loop3A_490 = tpu.vector_load %arg8[%parallel_loop3A_487, %parallel_loop3A_488, %parallel_loop3A_489] {strides = array<i32>} : memref<2x64x327xf32, #tpu.memory_space<vmem>>, vector<16xf32>,
      %parallel_loop3A_491 = arith.constant 1 : i32
      %parallel_loop3A_492 = arith.index_cast %parallel_loop3A_491 : i32 to index
      %parallel_loop3A_493 = arith.index_cast %parallel_loop3A_310 : i32 to index
      %parallel_loop3A_494 = arith.constant 176 : index
      %parallel_loop3A_495 = tpu.vector_load %arg8[%parallel_loop3A_492, %parallel_loop3A_493, %parallel_loop3A_494] {strides = array<i32>} : memref<2x64x327xf32, #tpu.memory_space<vmem>>, vector<16xf32>,
      %parallel_loop3A_496 = arith.constant 7 : i32
      %parallel_loop3A_497 = vector.broadcast %parallel_loop3A_496 : i32 to vector<16xi32>
      %parallel_loop3A_498 = arith.shrui %parallel_loop3A_484, %parallel_loop3A_497 : vector<16xi32>
      %parallel_loop3A_499 = arith.constant 127 : i32
      %parallel_loop3A_500 = vector.broadcast %parallel_loop3A_499 : i32 to vector<16xi32>
      %parallel_loop3A_501 = arith.andi %parallel_loop3A_484, %parallel_loop3A_500 : vector<16xi32>
      %parallel_loop3A_502 = arith.mulf %parallel_loop3A_317, %parallel_loop3A_490 : vector<16xf32>
      tpu.vector_store_idx %arg10[%parallel_loop3A_498, %parallel_loop3A_501], %parallel_loop3A_502 {add = true} : memref<128x128xf32, #tpu.memory_space<vmem>>[vector<16xi32>, vector<16xi32>], vector<16xf32>,
      %parallel_loop3A_503 = arith.constant 7 : i32
      %parallel_loop3A_504 = vector.broadcast %parallel_loop3A_503 : i32 to vector<16xi32>
      %parallel_loop3A_505 = arith.shrui %parallel_loop3A_485, %parallel_loop3A_504 : vector<16xi32>
      %parallel_loop3A_506 = arith.constant 127 : i32
      %parallel_loop3A_507 = vector.broadcast %parallel_loop3A_506 : i32 to vector<16xi32>
      %parallel_loop3A_508 = arith.andi %parallel_loop3A_485, %parallel_loop3A_507 : vector<16xi32>
      %parallel_loop3A_509 = arith.mulf %parallel_loop3A_317, %parallel_loop3A_495 : vector<16xf32>
      tpu.vector_store_idx %arg10[%parallel_loop3A_505, %parallel_loop3A_508], %parallel_loop3A_509 {add = true} : memref<128x128xf32, #tpu.memory_space<vmem>>[vector<16xi32>, vector<16xi32>], vector<16xf32>,
      %parallel_loop3A_510 = arith.constant 1 : i32
      %parallel_loop3A_511 = arith.index_cast %parallel_loop3A_510 : i32 to index
      %parallel_loop3A_512 = arith.index_cast %parallel_loop3A_310 : i32 to index
      %parallel_loop3A_513 = arith.constant 96 : index
      %parallel_loop3A_514 = tpu.vector_load %arg9[%parallel_loop3A_511, %parallel_loop3A_512, %parallel_loop3A_513] {strides = array<i32>} : memref<2x64x176xi32, #tpu.memory_space<vmem>>, vector<16xi32>,
      %parallel_loop3A_515 = vector.bitcast %parallel_loop3A_514 : vector<16xi32> to vector<32xi16>
      %parallel_loop3A_516 = tpu.unpack_subelements %parallel_loop3A_515, 0 {pack_format = #tpu.pack_format<interleaved>} : vector<32xi16> -> vector<16xi32>
      %parallel_loop3A_517 = tpu.unpack_subelements %parallel_loop3A_515, 1 {pack_format = #tpu.pack_format<interleaved>} : vector<32xi16> -> vector<16xi32>
      %parallel_loop3A_518 = arith.constant 1 : i32
      %parallel_loop3A_519 = arith.index_cast %parallel_loop3A_518 : i32 to index
      %parallel_loop3A_520 = arith.index_cast %parallel_loop3A_310 : i32 to index
      %parallel_loop3A_521 = arith.constant 192 : index
      %parallel_loop3A_522 = tpu.vector_load %arg8[%parallel_loop3A_519, %parallel_loop3A_520, %parallel_loop3A_521] {strides = array<i32>} : memref<2x64x327xf32, #tpu.memory_space<vmem>>, vector<16xf32>,
      %parallel_loop3A_523 = arith.constant 1 : i32
      %parallel_loop3A_524 = arith.index_cast %parallel_loop3A_523 : i32 to index
      %parallel_loop3A_525 = arith.index_cast %parallel_loop3A_310 : i32 to index
      %parallel_loop3A_526 = arith.constant 208 : index
      %parallel_loop3A_527 = tpu.vector_load %arg8[%parallel_loop3A_524, %parallel_loop3A_525, %parallel_loop3A_526] {strides = array<i32>} : memref<2x64x327xf32, #tpu.memory_space<vmem>>, vector<16xf32>,
      %parallel_loop3A_528 = arith.constant 7 : i32
      %parallel_loop3A_529 = vector.broadcast %parallel_loop3A_528 : i32 to vector<16xi32>
      %parallel_loop3A_530 = arith.shrui %parallel_loop3A_516, %parallel_loop3A_529 : vector<16xi32>
      %parallel_loop3A_531 = arith.constant 127 : i32
      %parallel_loop3A_532 = vector.broadcast %parallel_loop3A_531 : i32 to vector<16xi32>
      %parallel_loop3A_533 = arith.andi %parallel_loop3A_516, %parallel_loop3A_532 : vector<16xi32>
      %parallel_loop3A_534 = arith.mulf %parallel_loop3A_317, %parallel_loop3A_522 : vector<16xf32>
      tpu.vector_store_idx %arg10[%parallel_loop3A_530, %parallel_loop3A_533], %parallel_loop3A_534 {add = true} : memref<128x128xf32, #tpu.memory_space<vmem>>[vector<16xi32>, vector<16xi32>], vector<16xf32>,
      %parallel_loop3A_535 = arith.constant 7 : i32
      %parallel_loop3A_536 = vector.broadcast %parallel_loop3A_535 : i32 to vector<16xi32>
      %parallel_loop3A_537 = arith.shrui %parallel_loop3A_517, %parallel_loop3A_536 : vector<16xi32>
      %parallel_loop3A_538 = arith.constant 127 : i32
      %parallel_loop3A_539 = vector.broadcast %parallel_loop3A_538 : i32 to vector<16xi32>
      %parallel_loop3A_540 = arith.andi %parallel_loop3A_517, %parallel_loop3A_539 : vector<16xi32>
      %parallel_loop3A_541 = arith.mulf %parallel_loop3A_317, %parallel_loop3A_527 : vector<16xf32>
      tpu.vector_store_idx %arg10[%parallel_loop3A_537, %parallel_loop3A_540], %parallel_loop3A_541 {add = true} : memref<128x128xf32, #tpu.memory_space<vmem>>[vector<16xi32>, vector<16xi32>], vector<16xf32>,
      %parallel_loop3A_542 = arith.constant 1 : i32
      %parallel_loop3A_543 = arith.index_cast %parallel_loop3A_542 : i32 to index
      %parallel_loop3A_544 = arith.index_cast %parallel_loop3A_310 : i32 to index
      %parallel_loop3A_545 = arith.constant 112 : index
      %parallel_loop3A_546 = tpu.vector_load %arg9[%parallel_loop3A_543, %parallel_loop3A_544, %parallel_loop3A_545] {strides = array<i32>} : memref<2x64x176xi32, #tpu.memory_space<vmem>>, vector<16xi32>,
      %parallel_loop3A_547 = vector.bitcast %parallel_loop3A_546 : vector<16xi32> to vector<32xi16>
      %parallel_loop3A_548 = tpu.unpack_subelements %parallel_loop3A_547, 0 {pack_format = #tpu.pack_format<interleaved>} : vector<32xi16> -> vector<16xi32>
      %parallel_loop3A_549 = tpu.unpack_subelements %parallel_loop3A_547, 1 {pack_format = #tpu.pack_format<interleaved>} : vector<32xi16> -> vector<16xi32>
      %parallel_loop3A_550 = arith.constant 1 : i32
      %parallel_loop3A_551 = arith.index_cast %parallel_loop3A_550 : i32 to index
      %parallel_loop3A_552 = arith.index_cast %parallel_loop3A_310 : i32 to index
      %parallel_loop3A_553 = arith.constant 224 : index
      %parallel_loop3A_554 = tpu.vector_load %arg8[%parallel_loop3A_551, %parallel_loop3A_552, %parallel_loop3A_553] {strides = array<i32>} : memref<2x64x327xf32, #tpu.memory_space<vmem>>, vector<16xf32>,
      %parallel_loop3A_555 = arith.constant 1 : i32
      %parallel_loop3A_556 = arith.index_cast %parallel_loop3A_555 : i32 to index
      %parallel_loop3A_557 = arith.index_cast %parallel_loop3A_310 : i32 to index
      %parallel_loop3A_558 = arith.constant 240 : index
      %parallel_loop3A_559 = tpu.vector_load %arg8[%parallel_loop3A_556, %parallel_loop3A_557, %parallel_loop3A_558] {strides = array<i32>} : memref<2x64x327xf32, #tpu.memory_space<vmem>>, vector<16xf32>,
      %parallel_loop3A_560 = arith.constant 7 : i32
      %parallel_loop3A_561 = vector.broadcast %parallel_loop3A_560 : i32 to vector<16xi32>
      %parallel_loop3A_562 = arith.shrui %parallel_loop3A_548, %parallel_loop3A_561 : vector<16xi32>
      %parallel_loop3A_563 = arith.constant 127 : i32
      %parallel_loop3A_564 = vector.broadcast %parallel_loop3A_563 : i32 to vector<16xi32>
      %parallel_loop3A_565 = arith.andi %parallel_loop3A_548, %parallel_loop3A_564 : vector<16xi32>
      %parallel_loop3A_566 = arith.mulf %parallel_loop3A_317, %parallel_loop3A_554 : vector<16xf32>
      tpu.vector_store_idx %arg10[%parallel_loop3A_562, %parallel_loop3A_565], %parallel_loop3A_566 {add = true} : memref<128x128xf32, #tpu.memory_space<vmem>>[vector<16xi32>, vector<16xi32>], vector<16xf32>,
      %parallel_loop3A_567 = arith.constant 7 : i32
      %parallel_loop3A_568 = vector.broadcast %parallel_loop3A_567 : i32 to vector<16xi32>
      %parallel_loop3A_569 = arith.shrui %parallel_loop3A_549, %parallel_loop3A_568 : vector<16xi32>
      %parallel_loop3A_570 = arith.constant 127 : i32
      %parallel_loop3A_571 = vector.broadcast %parallel_loop3A_570 : i32 to vector<16xi32>
      %parallel_loop3A_572 = arith.andi %parallel_loop3A_549, %parallel_loop3A_571 : vector<16xi32>
      %parallel_loop3A_573 = arith.mulf %parallel_loop3A_317, %parallel_loop3A_559 : vector<16xf32>
      tpu.vector_store_idx %arg10[%parallel_loop3A_569, %parallel_loop3A_572], %parallel_loop3A_573 {add = true} : memref<128x128xf32, #tpu.memory_space<vmem>>[vector<16xi32>, vector<16xi32>], vector<16xf32>,
      %parallel_loop3A_574 = arith.constant 1 : i32
      %parallel_loop3A_575 = arith.index_cast %parallel_loop3A_574 : i32 to index
      %parallel_loop3A_576 = arith.index_cast %parallel_loop3A_310 : i32 to index
      %parallel_loop3A_577 = arith.constant 128 : index
      %parallel_loop3A_578 = tpu.vector_load %arg9[%parallel_loop3A_575, %parallel_loop3A_576, %parallel_loop3A_577] {strides = array<i32>} : memref<2x64x176xi32, #tpu.memory_space<vmem>>, vector<16xi32>,
      %parallel_loop3A_579 = vector.bitcast %parallel_loop3A_578 : vector<16xi32> to vector<32xi16>
      %parallel_loop3A_580 = tpu.unpack_subelements %parallel_loop3A_579, 0 {pack_format = #tpu.pack_format<interleaved>} : vector<32xi16> -> vector<16xi32>
      %parallel_loop3A_581 = tpu.unpack_subelements %parallel_loop3A_579, 1 {pack_format = #tpu.pack_format<interleaved>} : vector<32xi16> -> vector<16xi32>
      %parallel_loop3A_582 = arith.constant 1 : i32
      %parallel_loop3A_583 = arith.index_cast %parallel_loop3A_582 : i32 to index
      %parallel_loop3A_584 = arith.index_cast %parallel_loop3A_310 : i32 to index
      %parallel_loop3A_585 = arith.constant 256 : index
      %parallel_loop3A_586 = tpu.vector_load %arg8[%parallel_loop3A_583, %parallel_loop3A_584, %parallel_loop3A_585] {strides = array<i32>} : memref<2x64x327xf32, #tpu.memory_space<vmem>>, vector<16xf32>,
      %parallel_loop3A_587 = arith.constant 1 : i32
      %parallel_loop3A_588 = arith.index_cast %parallel_loop3A_587 : i32 to index
      %parallel_loop3A_589 = arith.index_cast %parallel_loop3A_310 : i32 to index
      %parallel_loop3A_590 = arith.constant 272 : index
      %parallel_loop3A_591 = tpu.vector_load %arg8[%parallel_loop3A_588, %parallel_loop3A_589, %parallel_loop3A_590] {strides = array<i32>} : memref<2x64x327xf32, #tpu.memory_space<vmem>>, vector<16xf32>,
      %parallel_loop3A_592 = arith.constant 7 : i32
      %parallel_loop3A_593 = vector.broadcast %parallel_loop3A_592 : i32 to vector<16xi32>
      %parallel_loop3A_594 = arith.shrui %parallel_loop3A_580, %parallel_loop3A_593 : vector<16xi32>
      %parallel_loop3A_595 = arith.constant 127 : i32
      %parallel_loop3A_596 = vector.broadcast %parallel_loop3A_595 : i32 to vector<16xi32>
      %parallel_loop3A_597 = arith.andi %parallel_loop3A_580, %parallel_loop3A_596 : vector<16xi32>
      %parallel_loop3A_598 = arith.mulf %parallel_loop3A_317, %parallel_loop3A_586 : vector<16xf32>
      tpu.vector_store_idx %arg10[%parallel_loop3A_594, %parallel_loop3A_597], %parallel_loop3A_598 {add = true} : memref<128x128xf32, #tpu.memory_space<vmem>>[vector<16xi32>, vector<16xi32>], vector<16xf32>,
      %parallel_loop3A_599 = arith.constant 7 : i32
      %parallel_loop3A_600 = vector.broadcast %parallel_loop3A_599 : i32 to vector<16xi32>
      %parallel_loop3A_601 = arith.shrui %parallel_loop3A_581, %parallel_loop3A_600 : vector<16xi32>
      %parallel_loop3A_602 = arith.constant 127 : i32
      %parallel_loop3A_603 = vector.broadcast %parallel_loop3A_602 : i32 to vector<16xi32>
      %parallel_loop3A_604 = arith.andi %parallel_loop3A_581, %parallel_loop3A_603 : vector<16xi32>
      %parallel_loop3A_605 = arith.mulf %parallel_loop3A_317, %parallel_loop3A_591 : vector<16xf32>
      tpu.vector_store_idx %arg10[%parallel_loop3A_601, %parallel_loop3A_604], %parallel_loop3A_605 {add = true} : memref<128x128xf32, #tpu.memory_space<vmem>>[vector<16xi32>, vector<16xi32>], vector<16xf32>,
      %parallel_loop3A_606 = arith.constant 1 : i32
      %parallel_loop3A_607 = arith.index_cast %parallel_loop3A_606 : i32 to index
      %parallel_loop3A_608 = arith.index_cast %parallel_loop3A_310 : i32 to index
      %parallel_loop3A_609 = arith.constant 144 : index
      %parallel_loop3A_610 = tpu.vector_load %arg9[%parallel_loop3A_607, %parallel_loop3A_608, %parallel_loop3A_609] {strides = array<i32>} : memref<2x64x176xi32, #tpu.memory_space<vmem>>, vector<16xi32>,
      %parallel_loop3A_611 = vector.bitcast %parallel_loop3A_610 : vector<16xi32> to vector<32xi16>
      %parallel_loop3A_612 = tpu.unpack_subelements %parallel_loop3A_611, 0 {pack_format = #tpu.pack_format<interleaved>} : vector<32xi16> -> vector<16xi32>
      %parallel_loop3A_613 = tpu.unpack_subelements %parallel_loop3A_611, 1 {pack_format = #tpu.pack_format<interleaved>} : vector<32xi16> -> vector<16xi32>
      %parallel_loop3A_614 = arith.constant 1 : i32
      %parallel_loop3A_615 = arith.index_cast %parallel_loop3A_614 : i32 to index
      %parallel_loop3A_616 = arith.index_cast %parallel_loop3A_310 : i32 to index
      %parallel_loop3A_617 = arith.constant 288 : index
      %parallel_loop3A_618 = tpu.vector_load %arg8[%parallel_loop3A_615, %parallel_loop3A_616, %parallel_loop3A_617] {strides = array<i32>} : memref<2x64x327xf32, #tpu.memory_space<vmem>>, vector<16xf32>,
      %parallel_loop3A_619 = arith.constant 1 : i32
      %parallel_loop3A_620 = arith.index_cast %parallel_loop3A_619 : i32 to index
      %parallel_loop3A_621 = arith.index_cast %parallel_loop3A_310 : i32 to index
      %parallel_loop3A_622 = arith.constant 304 : index
      %parallel_loop3A_623 = tpu.vector_load %arg8[%parallel_loop3A_620, %parallel_loop3A_621, %parallel_loop3A_622] {strides = array<i32>} : memref<2x64x327xf32, #tpu.memory_space<vmem>>, vector<16xf32>,
      %parallel_loop3A_624 = arith.constant 7 : i32
      %parallel_loop3A_625 = vector.broadcast %parallel_loop3A_624 : i32 to vector<16xi32>
      %parallel_loop3A_626 = arith.shrui %parallel_loop3A_612, %parallel_loop3A_625 : vector<16xi32>
      %parallel_loop3A_627 = arith.constant 127 : i32
      %parallel_loop3A_628 = vector.broadcast %parallel_loop3A_627 : i32 to vector<16xi32>
      %parallel_loop3A_629 = arith.andi %parallel_loop3A_612, %parallel_loop3A_628 : vector<16xi32>
      %parallel_loop3A_630 = arith.mulf %parallel_loop3A_317, %parallel_loop3A_618 : vector<16xf32>
      tpu.vector_store_idx %arg10[%parallel_loop3A_626, %parallel_loop3A_629], %parallel_loop3A_630 {add = true} : memref<128x128xf32, #tpu.memory_space<vmem>>[vector<16xi32>, vector<16xi32>], vector<16xf32>,
      %parallel_loop3A_631 = arith.constant 7 : i32
      %parallel_loop3A_632 = vector.broadcast %parallel_loop3A_631 : i32 to vector<16xi32>
      %parallel_loop3A_633 = arith.shrui %parallel_loop3A_613, %parallel_loop3A_632 : vector<16xi32>
      %parallel_loop3A_634 = arith.constant 127 : i32
      %parallel_loop3A_635 = vector.broadcast %parallel_loop3A_634 : i32 to vector<16xi32>
      %parallel_loop3A_636 = arith.andi %parallel_loop3A_613, %parallel_loop3A_635 : vector<16xi32>
      %parallel_loop3A_637 = arith.mulf %parallel_loop3A_317, %parallel_loop3A_623 : vector<16xf32>
      tpu.vector_store_idx %arg10[%parallel_loop3A_633, %parallel_loop3A_636], %parallel_loop3A_637 {add = true} : memref<128x128xf32, #tpu.memory_space<vmem>>[vector<16xi32>, vector<16xi32>], vector<16xf32>,
      %parallel_loop3A_638 = arith.constant 1 : i32
      %parallel_loop3A_639 = arith.index_cast %parallel_loop3A_638 : i32 to index
      %parallel_loop3A_640 = arith.index_cast %parallel_loop3A_310 : i32 to index
      %parallel_loop3A_641 = arith.constant 160 : index
      %parallel_loop3A_642 = tpu.vector_load %arg9[%parallel_loop3A_639, %parallel_loop3A_640, %parallel_loop3A_641] {strides = array<i32>} : memref<2x64x176xi32, #tpu.memory_space<vmem>>, vector<16xi32>,
      %parallel_loop3A_643 = vector.bitcast %parallel_loop3A_642 : vector<16xi32> to vector<32xi16>
      %parallel_loop3A_644 = tpu.unpack_subelements %parallel_loop3A_643, 0 {pack_format = #tpu.pack_format<interleaved>} : vector<32xi16> -> vector<16xi32>
      %parallel_loop3A_645 = tpu.unpack_subelements %parallel_loop3A_643, 1 {pack_format = #tpu.pack_format<interleaved>} : vector<32xi16> -> vector<16xi32>
      %parallel_loop3A_646 = arith.constant 1 : i32
      %parallel_loop3A_647 = arith.index_cast %parallel_loop3A_646 : i32 to index
      %parallel_loop3A_648 = arith.index_cast %parallel_loop3A_310 : i32 to index
      %parallel_loop3A_649 = arith.constant 311 : index
      %parallel_loop3A_650 = tpu.vector_load %arg8[%parallel_loop3A_647, %parallel_loop3A_648, %parallel_loop3A_649] {strides = array<i32>} : memref<2x64x327xf32, #tpu.memory_space<vmem>>, vector<16xf32>,
      %parallel_loop3A_651 = arith.constant 7 : i32
      %parallel_loop3A_652 = vector.broadcast %parallel_loop3A_651 : i32 to vector<16xi32>
      %parallel_loop3A_653 = arith.shrui %parallel_loop3A_644, %parallel_loop3A_652 : vector<16xi32>
      %parallel_loop3A_654 = arith.constant 127 : i32
      %parallel_loop3A_655 = vector.broadcast %parallel_loop3A_654 : i32 to vector<16xi32>
      %parallel_loop3A_656 = arith.andi %parallel_loop3A_644, %parallel_loop3A_655 : vector<16xi32>
      %parallel_loop3A_657 = arith.mulf %parallel_loop3A_317, %parallel_loop3A_650 : vector<16xf32>
      tpu.vector_store_idx %arg10[%parallel_loop3A_653, %parallel_loop3A_656], %parallel_loop3A_657 masked %ge3A_43 {add = true} : memref<128x128xf32, #tpu.memory_space<vmem>>[vector<16xi32>, vector<16xi32>], vector<16xf32>, vector<16xi1>
    } {sc.loop_unroll_factor = 2 : i64, sc.parallel_access}
    %iota3A_248 = tpu.iota {dimensions = array<i32: 0>} : vector<16xi32>
    %add3A_249 = arith.constant 0 : i32
    %add3A_250 = vector.broadcast %add3A_249 : i32 to vector<16xi32>
    %add3A_251 = arith.addi %iota3A_248, %add3A_250 : vector<16xi32>
    %swap3A = arith.constant 0 : index
    %swap3A_252 = tpu.vector_load %arg11[%swap3A] {strides = array<i32>} : memref<128xi32, #tpu.memory_space<vmem>>, vector<16xi32>,
    tpu.vector_store %arg11[%swap3A], %add3A_251 {strides = array<i32>} : memref<128xi32, #tpu.memory_space<vmem>>, vector<16xi32>,
    %add3A_253 = arith.constant 16 : i32
    %add3A_254 = vector.broadcast %add3A_253 : i32 to vector<16xi32>
    %add3A_255 = arith.addi %iota3A_248, %add3A_254 : vector<16xi32>
    %swap3A_256 = arith.constant 16 : index
    %swap3A_257 = tpu.vector_load %arg11[%swap3A_256] {strides = array<i32>} : memref<128xi32, #tpu.memory_space<vmem>>, vector<16xi32>,
    tpu.vector_store %arg11[%swap3A_256], %add3A_255 {strides = array<i32>} : memref<128xi32, #tpu.memory_space<vmem>>, vector<16xi32>,
    %add3A_258 = arith.constant 32 : i32
    %add3A_259 = vector.broadcast %add3A_258 : i32 to vector<16xi32>
    %add3A_260 = arith.addi %iota3A_248, %add3A_259 : vector<16xi32>
    %swap3A_261 = arith.constant 32 : index
    %swap3A_262 = tpu.vector_load %arg11[%swap3A_261] {strides = array<i32>} : memref<128xi32, #tpu.memory_space<vmem>>, vector<16xi32>,
    tpu.vector_store %arg11[%swap3A_261], %add3A_260 {strides = array<i32>} : memref<128xi32, #tpu.memory_space<vmem>>, vector<16xi32>,
    %add3A_263 = arith.constant 48 : i32
    %add3A_264 = vector.broadcast %add3A_263 : i32 to vector<16xi32>
    %add3A_265 = arith.addi %iota3A_248, %add3A_264 : vector<16xi32>
    %swap3A_266 = arith.constant 48 : index
    %swap3A_267 = tpu.vector_load %arg11[%swap3A_266] {strides = array<i32>} : memref<128xi32, #tpu.memory_space<vmem>>, vector<16xi32>,
    tpu.vector_store %arg11[%swap3A_266], %add3A_265 {strides = array<i32>} : memref<128xi32, #tpu.memory_space<vmem>>, vector<16xi32>,
    %add3A_268 = arith.constant 64 : i32
    %add3A_269 = vector.broadcast %add3A_268 : i32 to vector<16xi32>
    %add3A_270 = arith.addi %iota3A_248, %add3A_269 : vector<16xi32>
    %swap3A_271 = arith.constant 64 : index
    %swap3A_272 = tpu.vector_load %arg11[%swap3A_271] {strides = array<i32>} : memref<128xi32, #tpu.memory_space<vmem>>, vector<16xi32>,
    tpu.vector_store %arg11[%swap3A_271], %add3A_270 {strides = array<i32>} : memref<128xi32, #tpu.memory_space<vmem>>, vector<16xi32>,
    %add3A_273 = arith.constant 80 : i32
    %add3A_274 = vector.broadcast %add3A_273 : i32 to vector<16xi32>
    %add3A_275 = arith.addi %iota3A_248, %add3A_274 : vector<16xi32>
    %swap3A_276 = arith.constant 80 : index
    %swap3A_277 = tpu.vector_load %arg11[%swap3A_276] {strides = array<i32>} : memref<128xi32, #tpu.memory_space<vmem>>, vector<16xi32>,
    tpu.vector_store %arg11[%swap3A_276], %add3A_275 {strides = array<i32>} : memref<128xi32, #tpu.memory_space<vmem>>, vector<16xi32>,
    %add3A_278 = arith.constant 96 : i32
    %add3A_279 = vector.broadcast %add3A_278 : i32 to vector<16xi32>
    %add3A_280 = arith.addi %iota3A_248, %add3A_279 : vector<16xi32>
    %swap3A_281 = arith.constant 96 : index
    %swap3A_282 = tpu.vector_load %arg11[%swap3A_281] {strides = array<i32>} : memref<128xi32, #tpu.memory_space<vmem>>, vector<16xi32>,
    tpu.vector_store %arg11[%swap3A_281], %add3A_280 {strides = array<i32>} : memref<128xi32, #tpu.memory_space<vmem>>, vector<16xi32>,
    %add3A_283 = arith.constant 112 : i32
    %add3A_284 = vector.broadcast %add3A_283 : i32 to vector<16xi32>
    %add3A_285 = arith.addi %iota3A_248, %add3A_284 : vector<16xi32>
    %swap3A_286 = arith.constant 112 : index
    %swap3A_287 = tpu.vector_load %arg11[%swap3A_286] {strides = array<i32>} : memref<128xi32, #tpu.memory_space<vmem>>, vector<16xi32>,
    tpu.vector_store %arg11[%swap3A_286], %add3A_285 {strides = array<i32>} : memref<128xi32, #tpu.memory_space<vmem>>, vector<16xi32>,
    %eq3A = arith.constant 0 : i32
    %eq3A_288 = arith.cmpi eq, %arg1, %eq3A : i32
    %convert_element_type3A = arith.extui %eq3A_288 : i1 to i32
    %cond3A = arith.constant 0 : i32
    %cond3A_289 = arith.cmpi ne, %convert_element_type3A, %cond3A : i32
    scf.if %cond3A_289 {
      "tpu.region"() ({
        %run_scoped3A = tpu.sem_alloc : memref<!tpu.dma_semaphore, #tpu.memory_space<semaphore_mem>>
        tpu.enqueue_dma source(%arg10 : memref<128x128xf32, #tpu.memory_space<vmem>>) target(%arg12 : memref<128x128xf32, #tpu.memory_space<vmem_shared>>) target_semaphore(%run_scoped3A : memref<!tpu.dma_semaphore, #tpu.memory_space<semaphore_mem>>)
        tpu.wait_dma2 semaphore(%run_scoped3A : memref<!tpu.dma_semaphore, #tpu.memory_space<semaphore_mem>>) src(%arg10 : memref<128x128xf32, #tpu.memory_space<vmem>>) dst(%arg12 : memref<128x128xf32, #tpu.memory_space<vmem_shared>>)
        tpu.yield
      }) : () -> ()
    } else {
    }
    %barrier3A = arith.constant 0 : index
    tpu.barrier barrier_id(%barrier3A)
    %ne3A = arith.constant 0 : i32
    %ne3A_290 = arith.cmpi ne, %arg1, %ne3A : i32
    %convert_element_type3A_291 = arith.extui %ne3A_290 : i1 to i32
    %cond3A_292 = arith.constant 0 : i32
    %cond3A_293 = arith.cmpi ne, %convert_element_type3A_291, %cond3A_292 : i32
    scf.if %cond3A_293 {
      "tpu.region"() ({
        %run_scoped3A = tpu.sem_alloc : memref<!tpu.dma_semaphore, #tpu.memory_space<semaphore_mem>>
        %dma_start3A_310 = arith.constant 0 : i32
        %dma_start3A_311 = arith.constant 0 : i32
        %dma_start3A_312 = tpu.memref_slice %arg12[%dma_start3A_310, %dma_start3A_311] : memref<128x128xf32, #tpu.memory_space<vmem_shared>> -> memref<128x128xf32, #tpu.memory_space<vmem_shared>>
        tpu.enqueue_indirect_dma source(%arg10 : memref<128x128xf32, #tpu.memory_space<vmem>>) target(%dma_start3A_312 : memref<128x128xf32, #tpu.memory_space<vmem_shared>>) offsets(%arg11 : memref<128xi32, #tpu.memory_space<vmem>>) semaphore(%run_scoped3A : memref<!tpu.dma_semaphore, #tpu.memory_space<semaphore_mem>>) {add = true}
        %dma_wait3A_313 = arith.constant 0 : i32
        %dma_wait3A_314 = arith.constant 0 : i32
        %dma_wait3A_315 = tpu.memref_slice %arg12[%dma_wait3A_313, %dma_wait3A_314] : memref<128x128xf32, #tpu.memory_space<vmem_shared>> -> memref<128x128xf32, #tpu.memory_space<vmem_shared>>
        tpu.wait_indirect_dma semaphore(%run_scoped3A : memref<!tpu.dma_semaphore, #tpu.memory_space<semaphore_mem>>) src(%arg10 : memref<128x128xf32, #tpu.memory_space<vmem>>) dst(%dma_wait3A_315 : memref<128x128xf32, #tpu.memory_space<vmem_shared>>)
        tpu.yield
      }) : () -> ()
    } else {
    }
    %barrier3A_294 = arith.constant 0 : index
    tpu.barrier barrier_id(%barrier3A_294)
    %eq3A_295 = arith.constant 0 : i32
    %eq3A_296 = arith.cmpi eq, %arg1, %eq3A_295 : i32
    %eq3A_297 = arith.constant 0 : i32
    %eq3A_298 = arith.cmpi eq, %arg0, %eq3A_297 : i32
    %and3A = arith.andi %eq3A_296, %eq3A_298 : i1
    %convert_element_type3A_299 = arith.extui %and3A : i1 to i32
    %cond3A_300 = arith.constant 0 : i32
    %cond3A_301 = arith.cmpi ne, %convert_element_type3A_299, %cond3A_300 : i32
    scf.if %cond3A_301 {
      "tpu.region"() ({
        %run_scoped3A = tpu.sem_alloc : memref<!tpu.dma_semaphore, #tpu.memory_space<semaphore_mem>>
        tpu.enqueue_dma source(%arg12 : memref<128x128xf32, #tpu.memory_space<vmem_shared>>) target(%arg5 : memref<128x128xf32, #tpu.memory_space<hbm>>) target_semaphore(%run_scoped3A : memref<!tpu.dma_semaphore, #tpu.memory_space<semaphore_mem>>)
        tpu.wait_dma2 semaphore(%run_scoped3A : memref<!tpu.dma_semaphore, #tpu.memory_space<semaphore_mem>>) src(%arg12 : memref<128x128xf32, #tpu.memory_space<vmem_shared>>) dst(%arg5 : memref<128x128xf32, #tpu.memory_space<hbm>>)
        tpu.yield
      }) : () -> ()
    } else {
    }
    %eq3A_302 = arith.constant 0 : i32
    %eq3A_303 = arith.cmpi eq, %arg1, %eq3A_302 : i32
    %eq3A_304 = arith.constant 1 : i32
    %eq3A_305 = arith.cmpi eq, %arg0, %eq3A_304 : i32
    %and3A_306 = arith.andi %eq3A_303, %eq3A_305 : i1
    %convert_element_type3A_307 = arith.extui %and3A_306 : i1 to i32
    %cond3A_308 = arith.constant 0 : i32
    %cond3A_309 = arith.cmpi ne, %convert_element_type3A_307, %cond3A_308 : i32
    scf.if %cond3A_309 {
      "tpu.region"() ({
        %run_scoped3A = tpu.sem_alloc : memref<!tpu.dma_semaphore, #tpu.memory_space<semaphore_mem>>
        tpu.enqueue_dma source(%arg12 : memref<128x128xf32, #tpu.memory_space<vmem_shared>>) target(%arg6 : memref<128x128xf32, #tpu.memory_space<hbm>>) target_semaphore(%run_scoped3A : memref<!tpu.dma_semaphore, #tpu.memory_space<semaphore_mem>>)
        tpu.wait_dma2 semaphore(%run_scoped3A : memref<!tpu.dma_semaphore, #tpu.memory_space<semaphore_mem>>) src(%arg12 : memref<128x128xf32, #tpu.memory_space<vmem_shared>>) dst(%arg6 : memref<128x128xf32, #tpu.memory_space<hbm>>)
        tpu.yield
      }) : () -> ()
    } else {
    }
    return
  }
}

module attributes {stable_mosaic.version = 14 : i64} {
  func.func @_tc_add(%arg0: memref<16384xf32, #tpu.memory_space<vmem>>, %arg1: memref<16384xf32, #tpu.memory_space<vmem>>, %arg2: memref<16384xf32, #tpu.memory_space<vmem>>) attributes {dimension_semantics = [], scalar_prefetch = 0 : i64, scratch_operands = 0 : i64, tpu.core_type = #tpu.core_type<tc>} {
    %get3A = arith.constant 0 : index
    %get3A_0 = vector.load %arg0[%get3A] : memref<16384xf32, #tpu.memory_space<vmem>>, vector<16384xf32>
    %get3A_1 = arith.constant 0 : index
    %get3A_2 = vector.load %arg1[%get3A_1] : memref<16384xf32, #tpu.memory_space<vmem>>, vector<16384xf32>
    %add3A = arith.addf %get3A_0, %get3A_2 : vector<16384xf32>
    %swap3A = arith.constant 0 : index
    %swap3A_3 = vector.load %arg2[%swap3A] : memref<16384xf32, #tpu.memory_space<vmem>>, vector<16384xf32>
    tpu.vector_store %arg2[%swap3A], %add3A {strides = array<i32>} : memref<16384xf32, #tpu.memory_space<vmem>>, vector<16384xf32>,
    return
  }
}

</mosaic_0001>

<sc_bundles>
// kernel: kernel.4.cloned.1.call-start
scs
__scs_entry_jumppad:
0x0: {  	(pc) =	sbr.rel $0x88, $3  }
0x1: {  	(tag) =	ssettag $0x0;
	lr =	simm.s32 $0x1  }
0x2: {  	[smem:$0x3F9F] =	sst lr;
	_ =	strace $0xD0000000  }
0x3: {  	_ = 	snop  }
0x4: {  	_ = 	snop  }
0x5: {  	_ = 	snop  }
0x6: {  	_ = 	snop  }
0x7: {  	_ = 	snop  }
__scs_overlays_trampoline_lowered:
0x8: {  	[smem:$0x3FAE] =	sst s0  }
0x9: {  	[smem:$0x3FAF] =	sst s1  }
0xa: {  	[smem:$0x3FB0] =	sst s2  }
0xb: {  	[smem:$0x3FB1] =	sst s3  }
0xc: {  	[smem:$0x3FB2] =	sst s4  }
0xd: {  	[smem:$0x3FB3] =	sst s5  }
0xe: {  	[smem:$0x3FB4] =	sst s6  }
0xf: {  	[smem:$0x3FB5] =	sst s7  }
0x10: {  	[smem:$0x3FB6] =	sst s8  }
0x11: {  	[smem:$0x3FB7] =	sst s9;
	s0 =	simm.s32 @!p0 $0x0  }
0x12: {  	s1 =	sld [smem:$0x3F9D];
	s0 =	simm.s32 @p0 $0x1  }
0x13: {  	[smem:$0x3FB8] =	sst s0;
	s0 =	simm.s32 @!p1 $0x0  }
0x14: {  	s2 =	sld [smem:$0x3F9C];
	s0 =	simm.s32 @p1 $0x1  }
0x15: {  	[smem:$0x3FB9] =	sst s0;
	s0 =	simm.s32 @!p2 $0x0  }
0x16: {  	s3 =	sld [smem:$0x3FDB];
	s0 =	simm.s32 @p2 $0x1  }
0x17: {  	s4 =	simm.s32 $0x1BF5;
	[smem:$0x3FBB] =	sst s0  }
0x18: {  	s0 =	sld [smem:$0x3F9E];
	_ =	swait.ge [sflag:s4], $0x0  }
0x19: {  	s7 =	sld [smem:$0x3F9F]  }
0x1a: {  	s8 =	sadd.s32 $0xFFFFE003, lr  }
0x1b: {  	s9 =	sadd.s32 $0xFFFFFEF7, lr;
	s5 =	simm.s32 $0xFFFFFFFF;
	p2 =	slt.u32 s8, $0xFFFFF086  }
0x1c: {  	p1 =	slt.u32 s9, $0xF7A;
	s5 =	simm.s32 @!p2 $0x0  }
0x1d: {  	s5 =	simm.s32 @p1 $0x1;
	p0 =	seq.s32 s7, s2  }
0x1e: {  	s7 =	smul.u32 @!p0 $0xF7A, s2;
	p2 =	seq.s32 @!p0 s5, $0x0  }
0x1f: {  	s9 =	smul.u32 $0xF7A, s1;
	s8 =	simm.s32 @!p0 $0x1BF5;
	p2 =	por !p2, p0  }
0x20: {  	[sflag:s8] =	ssyncset.s32 @!p0 $0xFFFFF086;
	s6 =	sadd.s32 @!p0 s3, s7;
	s7 =	simm.s32 @!p0 $0x108  }
0x21: {  	s3 =	sadd.s32 s3, s9;
	s6 =	sadd.s32 @!p0 $0x88, s6;
	s7 =	simm.s32 @p2 $0x1082  }
0x22: {  	[simem:s7], [sflag:s8] =	dma.local @!p0 [hbm:s6], $0xF7A  }
0x23: {  	s9 =	sor.u32 $0xD0000000, s2;
	s6 =	simm.s32 $0x108;
	_ =	swait.ge @!p0 [sflag:s8], $0x0  }
0x24: {  	s3 =	sadd.s32 $0x88, s3;
	s6 =	simm.s32 @!p1 $0x1082;
	[sflag:s4] =	ssyncset.s32 $0xFFFFF086  }
0x25: {  	[simem:s6], [sflag:s4] =	dma.local [hbm:s3], $0xF7A  }
0x26: {  	[smem:$0x3F9F] =	sst s1;
	(tag) =	ssettag s2;
	_ =	strace s9  }
0x27: {  	s1 =	sld [smem:$0x3FAF]  }
0x28: {  	s2 =	sld [smem:$0x3FB0]  }
0x29: {  	s4 =	sld [smem:$0x3FB2]  }
0x2a: {  	p0 =	seq.s32 s5, $0x0;
	s5 =	sld [smem:$0x3FB3]  }
0x2b: {  	s6 =	sld [smem:$0x3FB4]  }
0x2c: {  	s7 =	sld [smem:$0x3FB5]  }
0x2d: {  	s3 =	simm.s32 $0x108;
	s8 =	sld [smem:$0x3FB6]  }
0x2e: {  	s3 =	simm.s32 @!p0 $0x1082;
	s9 =	sld [smem:$0x3FB7]  }
0x2f: {  	lr =	sadd.s32 s0, s3;
	s0 =	sld [smem:$0x3FAE]  }
0x30: {  	s3 =	sld [smem:$0x3FB1]  }
0x31: {  	[smem:$0x3FBA] =	sst s10  }
0x32: {  	s10 =	sld [smem:$0x3FB8];
	_ =	sdelay $0x3  }
0x33: {  	p0 =	seq.s32 s10, $0x1;
	s10 =	sld [smem:$0x3FBA];
	_ =	sdelay $0x3  }
0x34: {  	[smem:$0x3FBA] =	sst s10  }
0x35: {  	s10 =	sld [smem:$0x3FB9];
	_ =	sdelay $0x3  }
0x36: {  	p1 =	seq.s32 s10, $0x1;
	s10 =	sld [smem:$0x3FBA];
	_ =	sdelay $0x3  }
0x37: {  	[smem:$0x3FBA] =	sst s10  }
0x38: {  	s10 =	sld [smem:$0x3FBB]  }
0x39: {  	_ = 	snop;
	(pc) =	sbr.ind lr, $3  }
0x3a: {  	_ = 	snop  }
0x3b: {  	_ = 	snop  }
0x3c: {  	p2 =	seq.s32 s10, $0x1;
	s10 =	sld [smem:$0x3FBA]  }
0x3d: {  	_ =	shalt  }
0x3e: {  	_ =	shalt  }
0x3f: {  	_ =	shalt  }
0x40: {  	_ =	shalt  }
0x41: {  	_ =	shalt  }
0x42: {  	_ =	shalt  }
0x43: {  	_ =	shalt  }
0x44: {  	_ =	shalt  }
0x45: {  	_ =	shalt  }
0x46: {  	_ =	shalt  }
0x47: {  	_ =	shalt  }
0x48: {  	_ =	shalt  }
0x49: {  	_ =	shalt  }
0x4a: {  	_ =	shalt  }
0x4b: {  	_ =	shalt  }
0x4c: {  	_ =	shalt  }
0x4d: {  	_ =	shalt  }
0x4e: {  	_ =	shalt  }
0x4f: {  	_ =	shalt  }
0x50: {  	_ =	shalt  }
0x51: {  	_ =	shalt  }
0x52: {  	_ =	shalt  }
0x53: {  	_ =	shalt  }
0x54: {  	_ =	shalt  }
0x55: {  	_ =	shalt  }
0x56: {  	_ =	shalt  }
0x57: {  	_ =	shalt  }
0x58: {  	_ =	shalt  }
0x59: {  	_ =	shalt  }
0x5a: {  	_ =	shalt  }
0x5b: {  	_ =	shalt  }
0x5c: {  	_ =	shalt  }
0x5d: {  	_ =	shalt  }
0x5e: {  	_ =	shalt  }
0x5f: {  	_ =	shalt  }
0x60: {  	_ =	shalt  }
0x61: {  	_ =	shalt  }
0x62: {  	_ =	shalt  }
0x63: {  	_ =	shalt  }
0x64: {  	_ =	shalt  }
0x65: {  	_ =	shalt  }
0x66: {  	_ =	shalt  }
0x67: {  	_ =	shalt  }
0x68: {  	_ =	shalt  }
0x69: {  	_ =	shalt  }
0x6a: {  	_ =	shalt  }
0x6b: {  	_ =	shalt  }
0x6c: {  	_ =	shalt  }
0x6d: {  	_ =	shalt  }
0x6e: {  	_ =	shalt  }
0x6f: {  	_ =	shalt  }
0x70: {  	_ =	shalt  }
0x71: {  	_ =	shalt  }
0x72: {  	_ =	shalt  }
0x73: {  	_ =	shalt  }
0x74: {  	_ =	shalt  }
0x75: {  	_ =	shalt  }
0x76: {  	_ =	shalt  }
0x77: {  	_ =	shalt  }
0x78: {  	_ =	shalt  }
0x79: {  	_ =	shalt  }
0x7a: {  	_ =	shalt  }
0x7b: {  	_ =	shalt  }
0x7c: {  	_ =	shalt  }
0x7d: {  	_ =	shalt  }
0x7e: {  	_ =	shalt  }
0x7f: {  	_ =	shalt  }
0x80: {  	_ =	shalt  }
0x81: {  	_ =	shalt  }
0x82: {  	_ =	shalt  }
0x83: {  	_ =	shalt  }
0x84: {  	_ =	shalt  }
0x85: {  	_ =	shalt  }
0x86: {  	_ =	shalt  }
0x87: {  	_ =	shalt  }
.Lfunc_end0:
.L_simem_size_0:
called_computation_lowered:
.L_overlay_start_0:
0x88: {  	s2 =	sld [smem:$0x3FD9]  }
0x89: {  	s3 =	sld [smem:$0x3FFE];
	_ =	sdelay $0x1  }
0x8a: {  	s1 =	srdreg.scid  }
0x8b: {  	s0 =	sand.u32 $0x1, s1  }
0x8c: {  	s17 =	sshll.u32 s0, $0xA;
	s2 =	sadd.s32 s3, s2  }
0x8d: {  	s2 =	sadd.s32 s2, s17  }
0x8e: {  	[smem:$0x3FC6] =	sst s2  }
0x8f: {  	_ = 	snop  }
0x90: {  	s2 =	sld [smem:$0x3FC9]  }
0x91: {  	s18 =	sld [smem:$0x3FD0];
	(tm) =	ssettm $0x1  }
0x92: {  	s4 =	sld [smem:$0x3FFB];
	_ =	sdelay $0x3  }
0x93: {  	_ =	strace s4  }
0x94: {  	s4 =	sld [smem:$0x3FFC];
	_ =	sdelay $0x3  }
0x95: {  	_ =	strace s4  }
0x96: {  	s4 =	sld [smem:$0x3FFD];
	_ =	sdelay $0x3  }
0x97: {  	_ =	strace s4  }
0x98: {  	_ =	strace $0x8FFFFFFF  }
0x99: {  	s19 =	sld [smem:$0x3FDB];
	_ =	sdelay $0x1  }
0x9a: {  	s5 =	simm.s32 $_scs_section_size  }
0x9b: {  	s6 =	simm.s32 $_size__tile_overlayer_lowered;
	s7 =	simm.s32 $_tile_overlayer_lowered  }
0x9c: {  	s22 =	simm.s32 $0x1BFF;
	s21 =	sshll.u32 s7, $0x1;
	s4 =	sadd.s32 s5, s19  }
0x9d: {  	s8 =	simm.s32 $0x0;
	s20 =	sshll.u32 s6, $0x1;
	s6 =	sadd.s32 s21, s4  }
0x9e: {  	[timem:s8], [sflag:s22] =	dma.local [hbm:s6], s20  }
0x9f: {  	_ =	swait.ge [sflag:s22], s20  }
0xa0: {  	s5 =	ssub.s32 $0x0, s20;
	[sflag:s22] =	ssyncset.done $0x0  }
0xa1: {  	[sflag:s22] =	ssyncadd.s32 s5;
	_ =	sdelay $0x1  }
0xa2: {  	s23 =	simm.s32 $0x1B8B  }
0xa3: {  	_ =	swait.ge [sflag:s23], $0x1  }
0xa4: {  	[sflag:s23] =	ssyncset.done $0x0  }
0xa5: {  	s25 =	simm.s32 $0x1B8E;
	s24 =	sld [smem:$0x3FFE];
	[sflag:s23] =	ssyncadd.s32 $0xFFFFFFFF  }
0xa6: {  	s26 =	simm.s32 $execute0_lowered;
	[smem:$0x3FD2] =	sst s25  }
0xa7: {  	s6 =	sshll.u32 s26, $0x1;
	_ =	strace $0x80000046;
	[dreg:$0x1] =	wrdreg $0xFFFFFFFF  }
0xa8: {  	s28 =	simm.s32 $_size_execute0_lowered;
	s4 =	sadd.s32 s4, s6;
	[dreg:$0x0] =	wrdreg $0x0  }
0xa9: {  	s6 =	sshll.u32 s28, $0x1;
	[dreg:$0x2] =	wrdreg s4  }
0xaa: {  	[dreg:$0x3] =	wrdreg s6  }
0xab: {  	[dreg:$0x4] =	wrdreg $0xC0  }
0xac: {  	_ =	task [dreg:s8], $0x5FFFF  }
0xad: {  	[dreg:$0x1] =	wrdreg $0xFFFFFFFF  }
0xae: {  	[dreg:$0x0] =	wrdreg $0x60  }
0xaf: {  	[dreg:$0x2] =	wrdreg s2  }
0xb0: {  	[dreg:$0x3] =	wrdreg s24  }
0xb1: {  	[dreg:$0x4] =	wrdreg s18  }
0xb2: {  	[dreg:$0x5] =	wrdreg $0x182000  }
0xb3: {  	[dreg:$0x6] =	wrdreg $0x9  }
0xb4: {  	_ =	task.clear_ibuf [dreg:s8], $0x7FFFF;
	_ =	strace $0x90000046  }
0xb5: {  	s29 =	simm.s32 $0x9;
	_ =	strace $0x80000048  }
0xb6: {  	_ =	swait.ge [sflag:s29], $0x1  }
0xb7: {  	[sflag:s29] =	ssyncadd.s32 $0xFFFFFFFF  }
0xb8: {  	_ =	strace $0x90000048  }
0xb9: {  	_ =	sfence  }
0xba: {  	s30 =	sld [smem:$0x0];
	_ =	sdelay $0x2  }
0xbb: {  	s31 =	sshll.u32 s1, $0xD;
	s1 =	sshrl.u32 s1, $0x2  }
0xbc: {  	s3 =	sand.u32 $0x4000, s31;
	s1 =	sadd.s32 s1, s30  }
0xbd: {  	s0 =	sor.u32 s3, s0;
	s1 =	sshll.u32 s1, $0x11  }
0xbe: {  	s0 =	sor.u32 s1, s0  }
0xbf: {  	s0 =	sadd.s32 $0x8F2B, s0  }
0xc0: {  	[sflag:s0] =	ssyncadd.remote.s32 $0x1  }
0xc1: {  	_ =	sfence.sel $0xFFFF  }
0xc2: {  	[dreg:$0x0] =	wrdreg $0xFFFFFFFF;
	(pc) =	sbr.abs _section_cstart, $3  }
0xc3: {  	[dreg:$0x1] =	wrdreg $0xFFFFFFFF  }
0xc4: {  	_ =	task.clear_ibuf [dreg:s8], $0x2FFFF;
	_ =	strace $0x9FFFFFFF  }
0xc5: {  	(tm) =	ssettm $0x7FFFFFFF  }
tec
execute0_lowered:
.L_overlay_start_1:
0x0: {  	(tag) =	ssettag $0x1  }
0x1: {  	s0 =	rddreg [dreg:$0x0]  }
0x2: {  	s1 =	rddreg [dreg:$0x1]  }
0x3: {  	s2 =	rddreg [dreg:$0x3]  }
0x4: {  	s3 =	srdreg.scid;
	s12 =	stileid.u32  }
0x5: {  	s4 =	simm.s32 $0x0;
	s18 =	simm.s32 $0x5;
	s3 =	sand.u32 $0x1, s3  }
0x6: {  	s5 =	sshll.u32 s12, $0x9;
	[smem:$0x7FF] =	sst s4;
	s7 =	sadd.s32 $0xE00, s1  }
0x7: {  	s10 =	sadd.s32 $0x60E00, s1;
	s1 =	sadd.s32 $0xA0E00, s1;
	p0 =	seq.s32 s12, $0x0  }
0x8: {  	s6 =	sshll.u32 s3, $0x8;
	_ =	strace $0x80000047;
	s8 =	ssub.s32 $0x2, s3  }
0x9: {  	[dreg:$0x5] =	wrdreg s1;
	p1 =	seq.s32 s3, $0x1;
	s31 =	sor.u32 s3, s12  }
0xa: {  	s5 =	sor.u32 s6, s5;
	s20 =	sshrl.u32 s8, $0x1;
	p0 =	por !p0, !p1  }
0xb: {  	p2 =	sne.s32 s31, $0x0;
	p1 =	sne.s32 s12, $0x0;
	s6 =	sshrl.u32 s5, $0x3  }
0xc: {  	s1 =	ssub.s32 s8, s20;
	s5 =	sshll.u32 s5, $0x5;
	p0 =	por !p0, !p0  }
0xd: {  	s9 =	smul.u32 $0x180, s6;
	s22 =	sor.u32 $0x8, s6;
	s11 =	sor.u32 $0x10, s6  }
0xe: {  	s5 =	sadd.s32 s10, s5;
	s14 =	sor.u32 $0x18, s6;
	s0 =	sadd.s32 s0, s6  }
0xf: {  	s15 =	smax.u32 s1, $0x1;
	s23 =	smul.u32 $0x180, s22;
	[dreg:$0x7] =	wrdreg s5  }
0x10: {  	s24 =	smul.u32 $0x180, s11;
	[dreg:$0x8] =	wrdreg s0;
	s25 =	sshll.u32 s22, $0x8  }
0x11: {  	s26 =	smul.u32 $0x180, s14;
	s29 =	sshll.u32 s11, $0x8;
	s30 =	sshll.u32 s14, $0x8  }
0x12: {  	s22 =	simm.s32 $0x14180;
	s21 =	sadd.s32 s7, s9;
	s0 =	sadd.s32 s10, s25  }
0x13: {  	s14 =	sadd.s32 s10, s30;
	s25 =	simm.s32 $0x1;
	[dreg:$0x6] =	wrdreg s21  }
0x14: {  	s28 =	sadd.s32 s7, s23;
	[dreg:$0xa] =	wrdreg s0;
	s5 =	sadd.s32 s7, s24  }
0x15: {  	s0 =	sadd.s32 s10, s29;
	s13 =	sadd.s32 s7, s26;
	[dreg:$0x9] =	wrdreg s28  }
0x16: {  	s21 =	simm.s32 $0x3;
	s23 =	simm.s32 $0x2;
	[dreg:$0xb] =	wrdreg s5  }
0x17: {  	v0 =	vimm.f32 $0.0e+00;
	vm0 =	vcmask $0x3F24;
	v1 =	vlaneseq.u32;
	s24 =	simm.s32 $0x4;
	s26 =	simm.s32 $0x0;
	[dreg:$0xc] =	wrdreg s0  }
.LBB2_1:
0x18: {  	s0 =	rddreg [dreg:$0x6];
	s1 =	simm.s32 $0x180  }
0x19: {  	[tilespmem:s1], [sflag:$0x1] =	stream.linear.gather [hbm4b:s0+s4], $0x6000, $0x38;
	[tilespmem:$0x18600] =	vst v63  }
0x1a: {  	s29 =	rddreg [dreg:$0x7];
	s30 =	simm.s32 $0xC180  }
0x1b: {  	[tilespmem:s30], [sflag:$0x3] =	stream.linear.gather [hbm4b:s29+s4], $0x4000, $0x38;
	[tilespmem:$0x18600] =	vst v63  }
0x1c: {  	s31 =	rddreg [dreg:$0x8];
	s0 =	simm.s32 $0x0;
	s1 =	simm.s32 $0x200  }
0x1d: {  	[tilespmem:s4], [sflag:$0x5] =	stream.linear.gather [hbm4b:s31+s4], $0x100, $0x38;
	[tilespmem:$0x18600] =	vst v63  }
.LBB2_2:
0x1e: {  	p3 =	sne.s32 s1, $0xFE00;
	[tilespmem:s0+$0x141F0] =	vst v0  }
0x1f: {  	[tilespmem:s0+$0x14180] =	vst v0  }
0x20: {  	[tilespmem:s0+$0x14190] =	vst v0  }
.Ltmp0:
0x21: {  	[tilespmem:s0+$0x141A0] =	vst v0;
	(pc) =	sbr.rel @p3 .LBB2_2-.Ltmp0, $4  }
0x22: {  	[tilespmem:s0+$0x141B0] =	vst v0  }
0x23: {  	[tilespmem:s0+$0x141C0] =	vst v0  }
0x24: {  	[tilespmem:s0+$0x141D0] =	vst v0  }
0x25: {  	[tilespmem:s0+$0x141E0] =	vst v0;
	s0 =	sshra.s32 s1, $0x2;
	s1 =	sadd.s32 $0x200, s1  }
0x26: {  	[tilespmem:s0+$0x141F0] =	vst v0  }
0x27: {  	[tilespmem:s0+$0x14180] =	vst v0  }
0x28: {  	[tilespmem:s0+$0x14190] =	vst v0  }
0x29: {  	[tilespmem:s0+$0x141A0] =	vst v0  }
0x2a: {  	[tilespmem:s0+$0x141B0] =	vst v0  }
0x2b: {  	[tilespmem:s0+$0x141C0] =	vst v0  }
0x2c: {  	[tilespmem:s0+$0x141D0] =	vst v0  }
0x2d: {  	[tilespmem:s0+$0x141E0] =	vst v0  }
0x2e: {  	_ =	swait.ge [sflag:s18], $0x100  }
0x2f: {  	s20 =	simm.s32 $0x0;
	[sflag:s18] =	ssyncset.done $0x0  }
0x30: {  	s3 =	simm.s32 $0x6180;
	s1 =	rddreg [dreg:$0x9];
	[sflag:s18] =	ssyncadd.s32 $0xFFFFFF00  }
0x31: {  	[tilespmem:s3], [sflag:$0x2] =	stream.linear.gather [hbm4b:s1+s20], $0x6000, $0x38;
	[tilespmem:$0x18600] =	vst v63  }
0x32: {  	s6 =	simm.s32 $0x10180;
	s5 =	rddreg [dreg:$0xa]  }
0x33: {  	[tilespmem:s6], [sflag:$0x4] =	stream.linear.gather [hbm4b:s5+s20], $0x4000, $0x38;
	[tilespmem:$0x18600] =	vst v63  }
0x34: {  	s6 =	simm.s32 $0x1  }
0x35: {  	s7 =	simm.s32 $0x0;
	_ =	swait.ge [sflag:s6], $0x6000  }
0x36: {  	s8 =	sand.u32 $0x3FFFF800, s7;
	[sflag:s6] =	ssyncset.done $0x0  }
0x37: {  	s7 =	sadd.s32 $0xC180, s8;
	[sflag:s6] =	ssyncadd.s32 $0xFFFFA000  }
0x38: {  	s1 =	sand.u32 $0x300, s20;
	s5 =	simm.s32 $0x0;
	_ =	swait.ge [sflag:s21], $0x4000  }
0x39: {  	s10 =	sor.u32 $0x80, s1;
	s9 =	smul.u32 $0x3000, s5;
	[sflag:s21] =	ssyncset.done $0x0  }
0x3a: {  	s5 =	sadd.s32 s10, s7;
	[sflag:s21] =	ssyncadd.s32 $0xFFFFC000  }
0x3b: {  	s3 =	sshra.s32 s9, $0x2;
	v3 =	vld [tilespmem:s5+$0x0]  }
0x3c: {  	s8 =	sor.u32 $0x180, s3  }
0x3d: {  	s9 =	sadd.s32 s10, s8;
	v2 =	vld.msk [tilespmem:s6+$0x0 ss:$0x0], $0xffff  }
0x3e: {  	v4 =	vld [tilespmem:s9+$0x0]  }
0x3f: {  	v5 =	vld [tilespmem:s9+$0x10]  }
0x40: {  	v6 =	vunpack.i.l.s16.s32 v3  }
0x41: {  	v3 =	vunpack.i.u.s16.s32 v3;
	_ =	sdelay $0x1  }
0x42: {  	v4 =	vmul.f32 v4, v2  }
0x43: {  	v5 =	vmul.f32 v5, v2  }
0x44: {  	[tilespmem:v6+s22+$0x0] =	vst.idx.add.f32.msk $0xffff, v4  }
0x45: {  	[tilespmem:v3+s22+$0x0] =	vst.idx.add.f32.msk $0xffff, v5  }
0x46: {  	v4 =	vld [tilespmem:s5+$0x10];
	_ =	sdelay $0x2  }
0x47: {  	v5 =	vld [tilespmem:s9+$0x20]  }
0x48: {  	v6 =	vld [tilespmem:s9+$0x30]  }
0x49: {  	s30 =	sadd.s32 s1, s7;
	v7 =	vunpack.i.l.s16.s32 v4  }
0x4a: {  	s11 =	sadd.s32 s1, s8;
	v8 =	vld [tilespmem:s30+$0x0];
	v4 =	vunpack.i.u.s16.s32 v4  }
0x4b: {  	v9 =	vld [tilespmem:s11+$0x0]  }
0x4c: {  	v10 =	vld [tilespmem:s11+$0x10];
	v5 =	vmul.f32 v5, v2  }
0x4d: {  	v3 =	vld.msk [tilespmem:s6+$0xFFFFFFFF ss:$0x0], $0xffff;
	v6 =	vmul.f32 v6, v2  }
0x4e: {  	[tilespmem:v7+s22+$0x0] =	vst.idx.add.f32.msk $0xffff, v5  }
0x4f: {  	[tilespmem:v4+s22+$0x0] =	vst.idx.add.f32.msk $0xffff, v6  }
0x50: {  	v4 =	vunpack.i.l.s16.s32 v8;
	v5 =	vld [tilespmem:s5+$0x20]  }
0x51: {  	v6 =	vunpack.i.u.s16.s32 v8;
	_ =	sdelay $0x1  }
0x52: {  	v7 =	vmul.f32 v9, v3;
	v8 =	vld [tilespmem:s9+$0x40]  }
0x53: {  	v9 =	vmul.f32 v10, v3;
	v10 =	vld [tilespmem:s9+$0x50]  }
0x54: {  	[tilespmem:v4+s22+$0x0] =	vst.idx.add.f32.msk $0xffff, v7;
	v4 =	vunpack.i.l.s16.s32 v5  }
0x55: {  	[tilespmem:v6+s22+$0x0] =	vst.idx.add.f32.msk $0xffff, v9;
	v5 =	vunpack.i.u.s16.s32 v5  }
0x56: {  	v6 =	vld [tilespmem:s11+$0x20]  }
0x57: {  	v8 =	vmul.f32 v8, v2;
	v7 =	vld [tilespmem:s30+$0x10]  }
0x58: {  	v10 =	vmul.f32 v10, v2;
	v9 =	vld [tilespmem:s11+$0x30]  }
0x59: {  	[tilespmem:v4+s22+$0x0] =	vst.idx.add.f32.msk $0xffff, v8  }
0x5a: {  	[tilespmem:v5+s22+$0x0] =	vst.idx.add.f32.msk $0xffff, v10  }
0x5b: {  	v4 =	vld [tilespmem:s5+$0x30]  }
0x5c: {  	v5 =	vunpack.i.l.s16.s32 v7  }
0x5d: {  	v7 =	vunpack.i.u.s16.s32 v7  }
0x5e: {  	v8 =	vld [tilespmem:s9+$0x60]  }
0x5f: {  	v6 =	vmul.f32 v6, v3;
	v10 =	vld [tilespmem:s9+$0x70]  }
0x60: {  	v9 =	vmul.f32 v9, v3;
	v11 =	vunpack.i.l.s16.s32 v4  }
0x61: {  	[tilespmem:v5+s22+$0x0] =	vst.idx.add.f32.msk $0xffff, v6;
	v4 =	vunpack.i.u.s16.s32 v4  }
0x62: {  	[tilespmem:v7+s22+$0x0] =	vst.idx.add.f32.msk $0xffff, v9  }
0x63: {  	v6 =	vmul.f32 v8, v2;
	v5 =	vld [tilespmem:s11+$0x40]  }
0x64: {  	v8 =	vmul.f32 v10, v2;
	v7 =	vld [tilespmem:s30+$0x20]  }
0x65: {  	[tilespmem:v11+s22+$0x0] =	vst.idx.add.f32.msk $0xffff, v6  }
0x66: {  	[tilespmem:v4+s22+$0x0] =	vst.idx.add.f32.msk $0xffff, v8  }
0x67: {  	v4 =	vld [tilespmem:s5+$0x40]  }
0x68: {  	s12 =	sadd.s32 $0x580, s3;
	v6 =	vld [tilespmem:s11+$0x50]  }
0x69: {  	s16 =	sadd.s32 s10, s12;
	v8 =	vunpack.i.l.s16.s32 v7  }
0x6a: {  	v7 =	vunpack.i.u.s16.s32 v7;
	v9 =	vld [tilespmem:s16+$0x0]  }
0x6b: {  	v10 =	vld [tilespmem:s16+$0x10]  }
0x6c: {  	v5 =	vmul.f32 v5, v3;
	v11 =	vunpack.i.l.s16.s32 v4  }
0x6d: {  	v6 =	vmul.f32 v6, v3;
	v4 =	vunpack.i.u.s16.s32 v4  }
0x6e: {  	[tilespmem:v8+s22+$0x0] =	vst.idx.add.f32.msk $0xffff, v5  }
0x6f: {  	[tilespmem:v7+s22+$0x0] =	vst.idx.add.f32.msk $0xffff, v6;
	v5 =	vmul.f32 v9, v2  }
0x70: {  	v7 =	vmul.f32 v10, v2;
	v6 =	vld [tilespmem:s30+$0x30]  }
0x71: {  	[tilespmem:v11+s22+$0x0] =	vst.idx.add.f32.msk $0xffff, v5  }
0x72: {  	[tilespmem:v4+s22+$0x0] =	vst.idx.add.f32.msk $0xffff, v7  }
0x73: {  	v4 =	vld [tilespmem:s5+$0x50];
	_ =	sdelay $0x1  }
0x74: {  	v5 =	vld [tilespmem:s11+$0x60]  }
0x75: {  	v7 =	vld [tilespmem:s16+$0x20]  }
0x76: {  	v8 =	vunpack.i.l.s16.s32 v6;
	v9 =	vld [tilespmem:s16+$0x30]  }
0x77: {  	v10 =	vunpack.i.l.s16.s32 v4  }
0x78: {  	v4 =	vunpack.i.u.s16.s32 v4  }
0x79: {  	v11 =	vld [tilespmem:s11+$0x70];
	v5 =	vmul.f32 v5, v3  }
0x7a: {  	v7 =	vmul.f32 v7, v2  }
0x7b: {  	v6 =	vunpack.i.u.s16.s32 v6;
	[tilespmem:v8+s22+$0x0] =	vst.idx.add.f32.msk $0xffff, v5;
	v5 =	vmul.f32 v9, v2  }
0x7c: {  	[tilespmem:v10+s22+$0x0] =	vst.idx.add.f32.msk $0xffff, v7  }
0x7d: {  	[tilespmem:v4+s22+$0x0] =	vst.idx.add.f32.msk $0xffff, v5  }
0x7e: {  	v7 =	vmul.f32 v11, v3;
	v4 =	vld [tilespmem:s5+$0x60];
	_ =	sdelay $0x1  }
0x7f: {  	[tilespmem:v6+s22+$0x0] =	vst.idx.add.f32.msk $0xffff, v7  }
0x80: {  	v6 =	vld [tilespmem:s16+$0x40]  }
0x81: {  	v7 =	vld [tilespmem:s16+$0x50]  }
0x82: {  	v5 =	vld [tilespmem:s30+$0x40];
	v8 =	vunpack.i.l.s16.s32 v4  }
0x83: {  	v4 =	vunpack.i.u.s16.s32 v4  }
0x84: {  	s7 =	sadd.s32 s1, s12  }
0x85: {  	v9 =	vld [tilespmem:s7+$0x0];
	v6 =	vmul.f32 v6, v2  }
0x86: {  	v10 =	vld [tilespmem:s7+$0x10];
	v7 =	vmul.f32 v7, v2  }
0x87: {  	v11 =	vunpack.i.l.s16.s32 v5;
	[tilespmem:v8+s22+$0x0] =	vst.idx.add.f32.msk $0xffff, v6  }
0x88: {  	[tilespmem:v4+s22+$0x0] =	vst.idx.add.f32.msk $0xffff, v7  }
0x89: {  	v5 =	vunpack.i.u.s16.s32 v5;
	v6 =	vld [tilespmem:s5+$0x70]  }
0x8a: {  	v4 =	vmul.f32 v9, v3  }
0x8b: {  	v7 =	vld [tilespmem:s16+$0x60]  }
0x8c: {  	[tilespmem:v11+s22+$0x0] =	vst.idx.add.f32.msk $0xffff, v4;
	v4 =	vmul.f32 v10, v3  }
0x8d: {  	v8 =	vld [tilespmem:s16+$0x70]  }
0x8e: {  	[tilespmem:v5+s22+$0x0] =	vst.idx.add.f32.msk $0xffff, v4;
	v4 =	vunpack.i.l.s16.s32 v6  }
0x8f: {  	v5 =	vunpack.i.u.s16.s32 v6;
	_ =	sdelay $0x1  }
0x90: {  	s20 =	simm.s32 $0x0;
	v9 =	vld [tilespmem:s30+$0x50];
	v6 =	vmul.f32 v7, v2  }
0x91: {  	s17 =	simm.s32 $0x200;
	s19 =	simm.s32 $0x100;
	s6 =	smul.u32 $0x3000, s20;
	v7 =	vld [tilespmem:s7+$0x20];
	v8 =	vmul.f32 v8, v2  }
0x92: {  	s0 =	sand.u32 $0x300, s19;
	s8 =	sadd.s32 $0x980, s3;
	s3 =	sand.u32 $0x3FFFF800, s17;
	[tilespmem:v4+s22+$0x0] =	vst.idx.add.f32.msk $0xffff, v6  }
0x93: {  	s19 =	sadd.s32 $0xC180, s3;
	s17 =	sshra.s32 s6, $0x2;
	s11 =	sor.u32 $0x80, s0;
	[tilespmem:v5+s22+$0x0] =	vst.idx.add.f32.msk $0xffff, v8  }
0x94: {  	s9 =	sor.u32 $0x180, s17;
	s3 =	sadd.s32 s11, s19;
	v5 =	vld [tilespmem:s5+$0x400]  }
0x95: {  	s12 =	sadd.s32 s11, s9;
	v12 =	vld [tilespmem:s3+$0x0]  }
0x96: {  	v13 =	vld [tilespmem:s12+$0x0];
	s16 =	sadd.s32 s10, s8;
	v4 =	vunpack.i.l.s16.s32 v9  }
0x97: {  	v6 =	vmul.f32 v7, v3;
	v7 =	vld [tilespmem:s16+$0x0]  }
0x98: {  	v10 =	vld [tilespmem:s16+$0x10]  }
0x99: {  	v14 =	vld [tilespmem:s12+$0x10];
	v11 =	vunpack.i.l.s16.s32 v5  }
0x9a: {  	v8 =	vld [tilespmem:s7+$0x30];
	v5 =	vunpack.i.u.s16.s32 v5  }
0x9b: {  	s10 =	simm.s32 $0x3;
	[tilespmem:v4+s22+$0x0] =	vst.idx.add.f32.msk $0xffff, v6  }
0x9c: {  	s9 =	sadd.s32 s0, s9;
	v4 =	vld.msk [tilespmem:s10+$0x0 ss:$0x0], $0xffff;
	v7 =	vmul.f32 v7, v2  }
0x9d: {  	v17 =	vld [tilespmem:s9+$0x10];
	v10 =	vmul.f32 v10, v2  }
0x9e: {  	[tilespmem:v11+s22+$0x0] =	vst.idx.add.f32.msk $0xffff, v7;
	v7 =	vunpack.i.l.s16.s32 v12  }
0x9f: {  	[tilespmem:v5+s22+$0x0] =	vst.idx.add.f32.msk $0xffff, v10;
	v5 =	vunpack.i.u.s16.s32 v12  }
0xa0: {  	v6 =	vld.msk [tilespmem:s10+$0xFFFFFFFF ss:$0x0], $0xffff  }
0xa1: {  	v9 =	vunpack.i.u.s16.s32 v9;
	v12 =	vmul.f32 v13, v4;
	v10 =	vld [tilespmem:s5+$0x410]  }
0xa2: {  	v14 =	vmul.f32 v14, v4;
	v11 =	vld [tilespmem:s16+$0x20]  }
0xa3: {  	[tilespmem:v7+s22+$0x0] =	vst.idx.add.f32.msk $0xffff, v12  }
0xa4: {  	v8 =	vmul.f32 v8, v3;
	[tilespmem:v5+s22+$0x0] =	vst.idx.add.f32.msk $0xffff, v14  }
0xa5: {  	v5 =	vld [tilespmem:s3+$0x10]  }
0xa6: {  	[tilespmem:v9+s22+$0x0] =	vst.idx.add.f32.msk $0xffff, v8  }
0xa7: {  	v13 =	vld [tilespmem:s16+$0x30];
	v12 =	vunpack.i.l.s16.s32 v10  }
0xa8: {  	v15 =	vld [tilespmem:s12+$0x20]  }
0xa9: {  	s28 =	sadd.s32 s0, s19;
	v10 =	vunpack.i.u.s16.s32 v10;
	v16 =	vld [tilespmem:s12+$0x30]  }
0xaa: {  	v14 =	vld [tilespmem:s28+$0x0];
	v11 =	vmul.f32 v11, v2;
	v18 =	vunpack.i.l.s16.s32 v5  }
0xab: {  	v7 =	vld [tilespmem:s9+$0x0];
	v5 =	vunpack.i.u.s16.s32 v5  }
0xac: {  	v13 =	vmul.f32 v13, v2;
	[tilespmem:v12+s22+$0x0] =	vst.idx.add.f32.msk $0xffff, v11  }
0xad: {  	v11 =	vmul.f32 v15, v4;
	v15 =	vld [tilespmem:s7+$0x40]  }
0xae: {  	v8 =	vmul.f32 v16, v4;
	[tilespmem:v10+s22+$0x0] =	vst.idx.add.f32.msk $0xffff, v13  }
0xaf: {  	v12 =	vunpack.i.l.s16.s32 v14;
	[tilespmem:v18+s22+$0x0] =	vst.idx.add.f32.msk $0xffff, v11  }
0xb0: {  	[tilespmem:v5+s22+$0x0] =	vst.idx.add.f32.msk $0xffff, v8  }
0xb1: {  	v5 =	vmul.f32 v7, v6;
	v7 =	vunpack.i.u.s16.s32 v14;
	v8 =	vld [tilespmem:s3+$0x20]  }
0xb2: {  	v10 =	vld [tilespmem:s5+$0x420]  }
0xb3: {  	v11 =	vld [tilespmem:s12+$0x40]  }
0xb4: {  	[tilespmem:v12+s22+$0x0] =	vst.idx.add.f32.msk $0xffff, v5;
	v5 =	vmul.f32 v17, v6  }
0xb5: {  	v12 =	vld [tilespmem:s12+$0x50]  }
0xb6: {  	[tilespmem:v7+s22+$0x0] =	vst.idx.add.f32.msk $0xffff, v5;
	v5 =	vunpack.i.l.s16.s32 v8  }
0xb7: {  	v9 =	vld [tilespmem:s16+$0x37];
	v8 =	vunpack.i.u.s16.s32 v8  }
0xb8: {  	v13 =	vld [tilespmem:s28+$0x10]  }
0xb9: {  	v7 =	vld [tilespmem:s9+$0x20];
	v11 =	vmul.f32 v11, v4  }
0xba: {  	v14 =	vld [tilespmem:s9+$0x30];
	v12 =	vmul.f32 v12, v4  }
0xbb: {  	[tilespmem:v5+s22+$0x0] =	vst.idx.add.f32.msk $0xffff, v11  }
0xbc: {  	[tilespmem:v8+s22+$0x0] =	vst.idx.add.f32.msk $0xffff, v12  }
0xbd: {  	v5 =	vunpack.i.l.s16.s32 v13;
	v8 =	vld [tilespmem:s3+$0x30]  }
0xbe: {  	v11 =	vld [tilespmem:s7+$0x50];
	v12 =	vunpack.i.u.s16.s32 v13  }
0xbf: {  	v13 =	vld [tilespmem:s30+$0x60]  }
0xc0: {  	v7 =	vmul.f32 v7, v6;
	v42 =	vld [tilespmem:s12+$0x60]  }
0xc1: {  	v14 =	vmul.f32 v14, v6;
	v43 =	vld [tilespmem:s12+$0x70]  }
0xc2: {  	[tilespmem:v5+s22+$0x0] =	vst.idx.add.f32.msk $0xffff, v7;
	v5 =	vunpack.i.l.s16.s32 v8  }
0xc3: {  	[tilespmem:v12+s22+$0x0] =	vst.idx.add.f32.msk $0xffff, v14;
	v7 =	vunpack.i.u.s16.s32 v8  }
0xc4: {  	v8 =	vld [tilespmem:s9+$0x40]  }
0xc5: {  	v10 =	vunpack.i.l.s16.s32 v10;
	v12 =	vld [tilespmem:s28+$0x20];
	v14 =	vmul.f32 v42, v4  }
0xc6: {  	v44 =	vunpack.i.l.s16.s32 v13;
	v45 =	vld [tilespmem:s9+$0x50];
	v17 =	vmul.f32 v43, v4  }
0xc7: {  	[tilespmem:v5+s22+$0x0] =	vst.idx.add.f32.msk $0xffff, v14  }
0xc8: {  	v2 =	vmul.f32 v9, v2;
	[tilespmem:v7+s22+$0x0] =	vst.idx.add.f32.msk $0xffff, v17  }
0xc9: {  	v5 =	vmul.f32 v15, v3;
	v7 =	vunpack.i.u.s16.s32 v13;
	v9 =	vld [tilespmem:s3+$0x40]  }
0xca: {  	s19 =	sadd.s32 $0x580, s17;
	[tilespmem:v10+s22+$0x0] =	vst.idx.add.f32.msk vm0, v2;
	v2 =	vunpack.i.l.s16.s32 v12  }
0xcb: {  	s20 =	sadd.s32 s11, s19;
	[tilespmem:v44+s22+$0x0] =	vst.idx.add.f32.msk $0xffff, v5;
	v5 =	vunpack.i.u.s16.s32 v12  }
0xcc: {  	v10 =	vmul.f32 v11, v3;
	v11 =	vld [tilespmem:s20+$0x0]  }
0xcd: {  	v8 =	vmul.f32 v8, v6;
	v12 =	vld [tilespmem:s20+$0x10]  }
0xce: {  	[tilespmem:v7+s22+$0x0] =	vst.idx.add.f32.msk $0xffff, v10;
	v7 =	vmul.f32 v45, v6;
	v10 =	vunpack.i.l.s16.s32 v9  }
0xcf: {  	[tilespmem:v2+s22+$0x0] =	vst.idx.add.f32.msk $0xffff, v8;
	v2 =	vunpack.i.u.s16.s32 v9  }
0xd0: {  	[tilespmem:v5+s22+$0x0] =	vst.idx.add.f32.msk $0xffff, v7  }
0xd1: {  	v7 =	vmul.f32 v11, v4;
	v5 =	vld [tilespmem:s9+$0x60]  }
0xd2: {  	v9 =	vmul.f32 v12, v4;
	v8 =	vld [tilespmem:s28+$0x30]  }
0xd3: {  	[tilespmem:v10+s22+$0x0] =	vst.idx.add.f32.msk $0xffff, v7  }
0xd4: {  	[tilespmem:v2+s22+$0x0] =	vst.idx.add.f32.msk $0xffff, v9  }
0xd5: {  	v2 =	vld [tilespmem:s3+$0x50]  }
0xd6: {  	v7 =	vld [tilespmem:s9+$0x70]  }
0xd7: {  	v13 =	vld [tilespmem:s7+$0x70];
	v10 =	vunpack.i.l.s16.s32 v8  }
0xd8: {  	v8 =	vunpack.i.u.s16.s32 v8;
	v11 =	vld [tilespmem:s20+$0x20]  }
0xd9: {  	v12 =	vld [tilespmem:s20+$0x30]  }
0xda: {  	v15 =	vld [tilespmem:s30+$0x70];
	v5 =	vmul.f32 v5, v6;
	v14 =	vunpack.i.l.s16.s32 v2  }
0xdb: {  	v9 =	vld [tilespmem:s7+$0x60];
	v7 =	vmul.f32 v7, v6;
	v2 =	vunpack.i.u.s16.s32 v2  }
0xdc: {  	[tilespmem:v10+s22+$0x0] =	vst.idx.add.f32.msk $0xffff, v5  }
0xdd: {  	s7 =	sadd.s32 s0, s19;
	v5 =	vmul.f32 v11, v4;
	[tilespmem:v8+s22+$0x0] =	vst.idx.add.f32.msk $0xffff, v7  }
0xde: {  	v8 =	vmul.f32 v12, v4;
	v7 =	vld [tilespmem:s7+$0x0]  }
0xdf: {  	[tilespmem:v14+s22+$0x0] =	vst.idx.add.f32.msk $0xffff, v5  }
0xe0: {  	[tilespmem:v2+s22+$0x0] =	vst.idx.add.f32.msk $0xffff, v8  }
0xe1: {  	v2 =	vunpack.i.l.s16.s32 v15;
	v5 =	vld [tilespmem:s3+$0x60]  }
0xe2: {  	v11 =	vld [tilespmem:s28+$0x40];
	v8 =	vunpack.i.u.s16.s32 v15  }
0xe3: {  	v10 =	vld [tilespmem:s7+$0x10]  }
0xe4: {  	v9 =	vmul.f32 v9, v3;
	v12 =	vld [tilespmem:s20+$0x40]  }
0xe5: {  	v13 =	vmul.f32 v13, v3;
	v14 =	vld [tilespmem:s20+$0x50]  }
0xe6: {  	[tilespmem:v2+s22+$0x0] =	vst.idx.add.f32.msk $0xffff, v9;
	v15 =	vunpack.i.l.s16.s32 v5  }
0xe7: {  	s16 =	sadd.s32 s1, s8;
	[tilespmem:v8+s22+$0x0] =	vst.idx.add.f32.msk $0xffff, v13;
	v8 =	vunpack.i.l.s16.s32 v11  }
0xe8: {  	v2 =	vunpack.i.u.s16.s32 v5;
	v5 =	vld [tilespmem:s16+$0x0]  }
0xe9: {  	v9 =	vmul.f32 v12, v4;
	v12 =	vld [tilespmem:s16+$0x10]  }
0xea: {  	v7 =	vmul.f32 v7, v6;
	v13 =	vmul.f32 v14, v4;
	v14 =	vld [tilespmem:s30+$0x400]  }
0xeb: {  	[tilespmem:v15+s22+$0x0] =	vst.idx.add.f32.msk $0xffff, v9  }
0xec: {  	v11 =	vunpack.i.u.s16.s32 v11;
	[tilespmem:v8+s22+$0x0] =	vst.idx.add.f32.msk $0xffff, v7  }
0xed: {  	[tilespmem:v2+s22+$0x0] =	vst.idx.add.f32.msk $0xffff, v13  }
0xee: {  	v9 =	vld [tilespmem:s3+$0x70]  }
0xef: {  	s6 =	simm.s32 $0x0;
	v2 =	vmul.f32 v10, v6;
	v7 =	vld [tilespmem:s20+$0x60]  }
0xf0: {  	s1 =	smul.u32 $0x3000, s6;
	v10 =	vld [tilespmem:s20+$0x70]  }
0xf1: {  	s10 =	simm.s32 $0x200;
	[tilespmem:v11+s22+$0x0] =	vst.idx.add.f32.msk $0xffff, v2;
	v2 =	vunpack.i.l.s16.s32 v14  }
0xf2: {  	s6 =	sshra.s32 s1, $0x2;
	v8 =	vunpack.i.u.s16.s32 v14;
	s20 =	sand.u32 $0x300, s10;
	v11 =	vld [tilespmem:s7+$0x20]  }
0xf3: {  	s29 =	sor.u32 $0x180, s6;
	s9 =	simm.s32 $0x400;
	s1 =	sor.u32 $0x80, s20;
	v14 =	vld [tilespmem:s7+$0x30];
	v13 =	vunpack.i.l.s16.s32 v9  }
0xf4: {  	s5 =	sand.u32 $0x3FFFF800, s9;
	v5 =	vmul.f32 v5, v3;
	v15 =	vld [tilespmem:s28+$0x50];
	s9 =	sadd.s32 s1, s29;
	v9 =	vunpack.i.u.s16.s32 v9  }
0xf5: {  	v12 =	vmul.f32 v12, v3;
	v46 =	vld [tilespmem:s9+$0x0]  }
0xf6: {  	v7 =	vmul.f32 v7, v4;
	[tilespmem:v2+s22+$0x0] =	vst.idx.add.f32.msk $0xffff, v5  }
0xf7: {  	v2 =	vmul.f32 v10, v4;
	[tilespmem:v8+s22+$0x0] =	vst.idx.add.f32.msk $0xffff, v12  }
0xf8: {  	[tilespmem:v13+s22+$0x0] =	vst.idx.add.f32.msk $0xffff, v7  }
0xf9: {  	[tilespmem:v9+s22+$0x0] =	vst.idx.add.f32.msk $0xffff, v2  }
0xfa: {  	v2 =	vunpack.i.l.s16.s32 v15;
	v8 =	vld [tilespmem:s3+$0x400]  }
0xfb: {  	s8 =	sadd.s32 $0x980, s17;
	v5 =	vld [tilespmem:s16+$0x30]  }
0xfc: {  	s17 =	sadd.s32 s11, s8;
	v53 =	vld [tilespmem:s30+$0x410]  }
0xfd: {  	v9 =	vmul.f32 v11, v6;
	v10 =	vld [tilespmem:s17+$0x0]  }
0xfe: {  	v11 =	vld [tilespmem:s17+$0x10]  }
0xff: {  	s12 =	sadd.s32 $0xC180, s5;
	[tilespmem:v2+s22+$0x0] =	vst.idx.add.f32.msk $0xffff, v9;
	v9 =	vunpack.i.l.s16.s32 v8  }
0x100: {  	s5 =	sadd.s32 s1, s12;
	v7 =	vld [tilespmem:s16+$0x20]  }
0x101: {  	s11 =	simm.s32 $0x5;
	v13 =	vld [tilespmem:s5+$0x0];
	v12 =	vunpack.i.u.s16.s32 v8  }
0x102: {  	v2 =	vld.msk [tilespmem:s11+$0xFFFFFFFF ss:$0x0], $0xffff;
	v10 =	vmul.f32 v10, v4  }
0x103: {  	v8 =	vld.msk [tilespmem:s11+$0x0 ss:$0x0], $0xffff  }
0x104: {  	v11 =	vmul.f32 v11, v4;
	[tilespmem:v9+s22+$0x0] =	vst.idx.add.f32.msk $0xffff, v10  }
0x105: {  	v10 =	vld [tilespmem:s9+$0x10]  }
0x106: {  	[tilespmem:v12+s22+$0x0] =	vst.idx.add.f32.msk $0xffff, v11  }
0x107: {  	s11 =	sadd.s32 s20, s29;
	v9 =	vld [tilespmem:s3+$0x410]  }
0x108: {  	s29 =	sadd.s32 s20, s12;
	v19 =	vld [tilespmem:s11+$0x10];
	v12 =	vunpack.i.l.s16.s32 v13  }
0x109: {  	v21 =	vld [tilespmem:s29+$0x0];
	v13 =	vunpack.i.u.s16.s32 v13  }
0x10a: {  	v17 =	vld [tilespmem:s17+$0x20]  }
0x10b: {  	v16 =	vmul.f32 v46, v8;
	v47 =	vld [tilespmem:s17+$0x30]  }
0x10c: {  	v11 =	vld [tilespmem:s11+$0x0];
	v10 =	vmul.f32 v10, v8;
	v20 =	vunpack.i.l.s16.s32 v9  }
0x10d: {  	[tilespmem:v12+s22+$0x0] =	vst.idx.add.f32.msk $0xffff, v16;
	v9 =	vunpack.i.u.s16.s32 v9  }
0x10e: {  	[tilespmem:v13+s22+$0x0] =	vst.idx.add.f32.msk $0xffff, v10  }
0x10f: {  	v15 =	vunpack.i.u.s16.s32 v15;
	v10 =	vmul.f32 v17, v4;
	v12 =	vld [tilespmem:s5+$0x10]  }
0x110: {  	v13 =	vmul.f32 v47, v4;
	v16 =	vld [tilespmem:s9+$0x20]  }
0x111: {  	[tilespmem:v20+s22+$0x0] =	vst.idx.add.f32.msk $0xffff, v10  }
0x112: {  	[tilespmem:v9+s22+$0x0] =	vst.idx.add.f32.msk $0xffff, v13;
	v9 =	vunpack.i.l.s16.s32 v21;
	v13 =	vmul.f32 v14, v6  }
0x113: {  	v48 =	vld [tilespmem:s9+$0x30];
	v14 =	vunpack.i.u.s16.s32 v21  }
0x114: {  	[tilespmem:v15+s22+$0x0] =	vst.idx.add.f32.msk $0xffff, v13;
	v13 =	vunpack.i.l.s16.s32 v12  }
0x115: {  	v11 =	vmul.f32 v11, v2;
	v10 =	vld [tilespmem:s3+$0x420];
	v12 =	vunpack.i.u.s16.s32 v12  }
0x116: {  	v49 =	vld [tilespmem:s17+$0x37];
	v15 =	vmul.f32 v19, v2  }
0x117: {  	[tilespmem:v9+s22+$0x0] =	vst.idx.add.f32.msk $0xffff, v11;
	v9 =	vmul.f32 v16, v8  }
0x118: {  	[tilespmem:v14+s22+$0x0] =	vst.idx.add.f32.msk $0xffff, v15;
	v14 =	vmul.f32 v48, v8  }
0x119: {  	[tilespmem:v13+s22+$0x0] =	vst.idx.add.f32.msk $0xffff, v9  }
0x11a: {  	[tilespmem:v12+s22+$0x0] =	vst.idx.add.f32.msk $0xffff, v14  }
0x11b: {  	v9 =	vunpack.i.l.s16.s32 v10;
	v10 =	vld [tilespmem:s5+$0x20]  }
0x11c: {  	v50 =	vld [tilespmem:s7+$0x50]  }
0x11d: {  	v13 =	vld [tilespmem:s29+$0x10]  }
0x11e: {  	v4 =	vmul.f32 v49, v4;
	v14 =	vld [tilespmem:s9+$0x40]  }
0x11f: {  	v15 =	vld [tilespmem:s9+$0x50]  }
0x120: {  	[tilespmem:v9+s22+$0x0] =	vst.idx.add.f32.msk vm0, v4;
	v4 =	vunpack.i.l.s16.s32 v10  }
0x121: {  	v11 =	vld [tilespmem:s11+$0x20];
	v10 =	vunpack.i.u.s16.s32 v10  }
0x122: {  	v12 =	vld [tilespmem:s11+$0x30]  }
0x123: {  	v52 =	vld [tilespmem:s28+$0x60];
	v51 =	vunpack.i.l.s16.s32 v13;
	v14 =	vmul.f32 v14, v8  }
0x124: {  	v9 =	vld [tilespmem:s7+$0x40];
	v13 =	vunpack.i.u.s16.s32 v13;
	v15 =	vmul.f32 v15, v8  }
0x125: {  	[tilespmem:v4+s22+$0x0] =	vst.idx.add.f32.msk $0xffff, v14  }
0x126: {  	v4 =	vmul.f32 v11, v2;
	[tilespmem:v10+s22+$0x0] =	vst.idx.add.f32.msk $0xffff, v15  }
0x127: {  	v10 =	vmul.f32 v12, v2;
	v11 =	vld [tilespmem:s5+$0x30]  }
0x128: {  	[tilespmem:v51+s22+$0x0] =	vst.idx.add.f32.msk $0xffff, v4  }
0x129: {  	[tilespmem:v13+s22+$0x0] =	vst.idx.add.f32.msk $0xffff, v10  }
0x12a: {  	v4 =	vunpack.i.l.s16.s32 v52;
	v10 =	vld [tilespmem:s9+$0x60]  }
0x12b: {  	v12 =	vunpack.i.u.s16.s32 v52;
	v13 =	vld [tilespmem:s9+$0x70]  }
0x12c: {  	v14 =	vld [tilespmem:s11+$0x40];
	v15 =	vunpack.i.l.s16.s32 v11  }
0x12d: {  	v9 =	vmul.f32 v9, v6;
	v17 =	vld [tilespmem:s11+$0x50];
	v11 =	vunpack.i.u.s16.s32 v11  }
0x12e: {  	v16 =	vmul.f32 v50, v6;
	v54 =	vld [tilespmem:s29+$0x20]  }
0x12f: {  	[tilespmem:v4+s22+$0x0] =	vst.idx.add.f32.msk $0xffff, v9;
	v10 =	vmul.f32 v10, v8  }
0x130: {  	v4 =	vmul.f32 v13, v8;
	[tilespmem:v12+s22+$0x0] =	vst.idx.add.f32.msk $0xffff, v16  }
0x131: {  	[tilespmem:v15+s22+$0x0] =	vst.idx.add.f32.msk $0xffff, v10  }
0x132: {  	[tilespmem:v11+s22+$0x0] =	vst.idx.add.f32.msk $0xffff, v4  }
0x133: {  	v4 =	vunpack.i.l.s16.s32 v54;
	v9 =	vld [tilespmem:s5+$0x40]  }
0x134: {  	s12 =	sadd.s32 $0x580, s6;
	v12 =	vld [tilespmem:s7+$0x70];
	v10 =	vunpack.i.u.s16.s32 v54  }
0x135: {  	s17 =	sadd.s32 s1, s12;
	v11 =	vld [tilespmem:s7+$0x60]  }
0x136: {  	v13 =	vmul.f32 v14, v2;
	v14 =	vld [tilespmem:s17+$0x0]  }
0x137: {  	v15 =	vmul.f32 v17, v2;
	v55 =	vld [tilespmem:s17+$0x10]  }
0x138: {  	[tilespmem:v4+s22+$0x0] =	vst.idx.add.f32.msk $0xffff, v13;
	v4 =	vunpack.i.l.s16.s32 v9  }
0x139: {  	[tilespmem:v10+s22+$0x0] =	vst.idx.add.f32.msk $0xffff, v15;
	v9 =	vunpack.i.u.s16.s32 v9  }
0x13a: {  	s9 =	simm.s32 $0x0;
	v10 =	vld [tilespmem:s11+$0x60]  }
0x13b: {  	s19 =	sadd.s32 s0, s8;
	s10 =	simm.s32 $0x600;
	s0 =	smul.u32 $0x3000, s9;
	v14 =	vmul.f32 v14, v8;
	v13 =	vld [tilespmem:s11+$0x70]  }
0x13c: {  	s8 =	sadd.s32 $0x980, s6;
	s6 =	sand.u32 $0x3FFFF800, s10;
	s3 =	simm.s32 $0x300;
	v15 =	vunpack.i.l.s16.s32 v53;
	v16 =	vmul.f32 v55, v8;
	v56 =	vld [tilespmem:s29+$0x30]  }
0x13d: {  	s7 =	sadd.s32 s20, s12;
	s12 =	sadd.s32 $0xC180, s6;
	s6 =	sshra.s32 s0, $0x2;
	[tilespmem:v4+s22+$0x0] =	vst.idx.add.f32.msk $0xffff, v14  }
0x13e: {  	s0 =	sor.u32 $0x180, s6;
	s11 =	sadd.s32 s1, s8;
	s1 =	sand.u32 $0x300, s3;
	[tilespmem:v9+s22+$0x0] =	vst.idx.add.f32.msk $0xffff, v16  }
0x13f: {  	s9 =	sadd.s32 s1, s0;
	v4 =	vmul.f32 v7, v3;
	v9 =	vld [tilespmem:s5+$0x50]  }
0x140: {  	v28 =	vld [tilespmem:s9+$0x10];
	v7 =	vunpack.i.u.s16.s32 v53  }
0x141: {  	v57 =	vunpack.i.l.s16.s32 v56;
	[tilespmem:v15+s22+$0x0] =	vst.idx.add.f32.msk $0xffff, v4  }
0x142: {  	v4 =	vmul.f32 v5, v3;
	v5 =	vunpack.i.u.s16.s32 v56;
	v15 =	vld [tilespmem:s17+$0x20]  }
0x143: {  	v58 =	vld [tilespmem:s17+$0x30]  }
0x144: {  	v14 =	vld [tilespmem:s28+$0x70];
	v10 =	vmul.f32 v10, v2;
	v59 =	vunpack.i.l.s16.s32 v9  }
0x145: {  	[tilespmem:v7+s22+$0x0] =	vst.idx.add.f32.msk $0xffff, v4;
	v4 =	vmul.f32 v13, v2;
	v9 =	vunpack.i.u.s16.s32 v9  }
0x146: {  	[tilespmem:v57+s22+$0x0] =	vst.idx.add.f32.msk $0xffff, v10  }
0x147: {  	[tilespmem:v5+s22+$0x0] =	vst.idx.add.f32.msk $0xffff, v4;
	v4 =	vmul.f32 v15, v8  }
0x148: {  	v7 =	vld [tilespmem:s16+$0x37];
	v10 =	vmul.f32 v58, v8  }
0x149: {  	[tilespmem:v59+s22+$0x0] =	vst.idx.add.f32.msk $0xffff, v4  }
0x14a: {  	[tilespmem:v9+s22+$0x0] =	vst.idx.add.f32.msk $0xffff, v10  }
0x14b: {  	v9 =	vld [tilespmem:s5+$0x60]  }
0x14c: {  	v5 =	vld [tilespmem:s7+$0x0];
	v4 =	vunpack.i.l.s16.s32 v14  }
0x14d: {  	v10 =	vunpack.i.u.s16.s32 v14;
	v14 =	vld [tilespmem:s29+$0x40]  }
0x14e: {  	v15 =	vld [tilespmem:s17+$0x40]  }
0x14f: {  	v11 =	vmul.f32 v11, v6;
	v60 =	vld [tilespmem:s17+$0x50]  }
0x150: {  	v12 =	vmul.f32 v12, v6;
	v13 =	vld [tilespmem:s7+$0x10];
	v61 =	vunpack.i.l.s16.s32 v9  }
0x151: {  	[tilespmem:v4+s22+$0x0] =	vst.idx.add.f32.msk $0xffff, v11;
	v4 =	vunpack.i.u.s16.s32 v9  }
0x152: {  	[tilespmem:v10+s22+$0x0] =	vst.idx.add.f32.msk $0xffff, v12  }
0x153: {  	v10 =	vunpack.i.l.s16.s32 v14;
	v9 =	vld [tilespmem:s19+$0x0];
	v11 =	vmul.f32 v15, v8  }
0x154: {  	v15 =	vmul.f32 v60, v8;
	v62 =	vld [tilespmem:s28+$0x400]  }
0x155: {  	[tilespmem:v61+s22+$0x0] =	vst.idx.add.f32.msk $0xffff, v11  }
0x156: {  	v5 =	vmul.f32 v5, v2;
	v14 =	vunpack.i.u.s16.s32 v14;
	[tilespmem:v4+s22+$0x0] =	vst.idx.add.f32.msk $0xffff, v15  }
0x157: {  	v11 =	vld [tilespmem:s5+$0x70]  }
0x158: {  	[tilespmem:v10+s22+$0x0] =	vst.idx.add.f32.msk $0xffff, v5  }
0x159: {  	v4 =	vmul.f32 v13, v2;
	v5 =	vld [tilespmem:s17+$0x60]  }
0x15a: {  	v13 =	vld [tilespmem:s17+$0x70]  }
0x15b: {  	[tilespmem:v14+s22+$0x0] =	vst.idx.add.f32.msk $0xffff, v4;
	v4 =	vunpack.i.l.s16.s32 v62  }
0x15c: {  	v42 =	vld [tilespmem:s30+$0x420];
	v15 =	vunpack.i.l.s16.s32 v11  }
0x15d: {  	v12 =	vld [tilespmem:s19+$0x10];
	v11 =	vunpack.i.u.s16.s32 v11  }
0x15e: {  	v9 =	vmul.f32 v9, v6;
	v24 =	vld [tilespmem:s29+$0x50]  }
0x15f: {  	v14 =	vld [tilespmem:s7+$0x20];
	v5 =	vmul.f32 v5, v8  }
0x160: {  	v10 =	vunpack.i.u.s16.s32 v62;
	[tilespmem:v4+s22+$0x0] =	vst.idx.add.f32.msk $0xffff, v9;
	v4 =	vmul.f32 v13, v8  }
0x161: {  	[tilespmem:v15+s22+$0x0] =	vst.idx.add.f32.msk $0xffff, v5  }
0x162: {  	[tilespmem:v11+s22+$0x0] =	vst.idx.add.f32.msk $0xffff, v4  }
0x163: {  	v12 =	vmul.f32 v12, v6;
	v4 =	vunpack.i.l.s16.s32 v24;
	v5 =	vld [tilespmem:s5+$0x400]  }
0x164: {  	v63 =	vld [tilespmem:s7+$0x30]  }
0x165: {  	[tilespmem:v10+s22+$0x0] =	vst.idx.add.f32.msk $0xffff, v12  }
0x166: {  	v11 =	vmul.f32 v14, v2;
	v12 =	vld [tilespmem:s11+$0x0]  }
0x167: {  	s17 =	sor.u32 $0x80, s1;
	v13 =	vld [tilespmem:s11+$0x10]  }
0x168: {  	s10 =	sadd.s32 s17, s0;
	[tilespmem:v4+s22+$0x0] =	vst.idx.add.f32.msk $0xffff, v11;
	v11 =	vunpack.i.l.s16.s32 v5  }
0x169: {  	v25 =	vld [tilespmem:s10+$0x0];
	v14 =	vunpack.i.u.s16.s32 v5  }
0x16a: {  	s31 =	sadd.s32 s17, s12;
	v10 =	vld [tilespmem:s19+$0x20]  }
0x16b: {  	s16 =	simm.s32 $0x7;
	v15 =	vld [tilespmem:s31+$0x0];
	v12 =	vmul.f32 v12, v8  }
0x16c: {  	v5 =	vld.msk [tilespmem:s16+$0x0 ss:$0x0], $0xffff;
	v13 =	vmul.f32 v13, v8  }
0x16d: {  	[tilespmem:v11+s22+$0x0] =	vst.idx.add.f32.msk $0xffff, v12  }
0x16e: {  	[tilespmem:v14+s22+$0x0] =	vst.idx.add.f32.msk $0xffff, v13  }
0x16f: {  	v11 =	vld [tilespmem:s5+$0x410]  }
0x170: {  	v12 =	vld [tilespmem:s10+$0x10];
	v13 =	vunpack.i.l.s16.s32 v15  }
0x171: {  	v4 =	vld.msk [tilespmem:s16+$0xFFFFFFFF ss:$0x0], $0xffff  }
0x172: {  	v15 =	vunpack.i.u.s16.s32 v15;
	v26 =	vld [tilespmem:s11+$0x20]  }
0x173: {  	v18 =	vmul.f32 v25, v5;
	v27 =	vld [tilespmem:s11+$0x30]  }
0x174: {  	v14 =	vld [tilespmem:s9+$0x0];
	v22 =	vunpack.i.l.s16.s32 v11  }
0x175: {  	s0 =	sadd.s32 s1, s12;
	v12 =	vmul.f32 v12, v5;
	[tilespmem:v13+s22+$0x0] =	vst.idx.add.f32.msk $0xffff, v18;
	v11 =	vunpack.i.u.s16.s32 v11  }
0x176: {  	v13 =	vld [tilespmem:s0+$0x0]  }
0x177: {  	v17 =	vunpack.i.u.s16.s32 v24;
	[tilespmem:v15+s22+$0x0] =	vst.idx.add.f32.msk $0xffff, v12;
	v12 =	vmul.f32 v26, v8  }
0x178: {  	v29 =	vmul.f32 v27, v8;
	v15 =	vld [tilespmem:s31+$0x10]  }
0x179: {  	[tilespmem:v22+s22+$0x0] =	vst.idx.add.f32.msk $0xffff, v12  }
0x17a: {  	v12 =	vmul.f32 v63, v2;
	[tilespmem:v11+s22+$0x0] =	vst.idx.add.f32.msk $0xffff, v29  }
0x17b: {  	v11 =	vunpack.i.l.s16.s32 v13;
	v30 =	vld [tilespmem:s5+$0x420]  }
0x17c: {  	[tilespmem:v17+s22+$0x0] =	vst.idx.add.f32.msk $0xffff, v12  }
0x17d: {  	v13 =	vunpack.i.u.s16.s32 v13;
	v12 =	vld [tilespmem:s10+$0x20]  }
0x17e: {  	v14 =	vmul.f32 v14, v4;
	v31 =	vld [tilespmem:s10+$0x30]  }
0x17f: {  	v34 =	vunpack.i.l.s16.s32 v15;
	v33 =	vld [tilespmem:s11+$0x37]  }
0x180: {  	v32 =	vmul.f32 v28, v4;
	[tilespmem:v11+s22+$0x0] =	vst.idx.add.f32.msk $0xffff, v14;
	v11 =	vunpack.i.u.s16.s32 v15  }
0x181: {  	v9 =	vld [tilespmem:s19+$0x30]  }
0x182: {  	[tilespmem:v13+s22+$0x0] =	vst.idx.add.f32.msk $0xffff, v32;
	v13 =	vunpack.i.l.s16.s32 v30;
	v12 =	vmul.f32 v12, v5  }
0x183: {  	v41 =	vld [tilespmem:s28+$0x410];
	v35 =	vmul.f32 v31, v5  }
0x184: {  	[tilespmem:v34+s22+$0x0] =	vst.idx.add.f32.msk $0xffff, v12  }
0x185: {  	v8 =	vmul.f32 v33, v8;
	[tilespmem:v11+s22+$0x0] =	vst.idx.add.f32.msk $0xffff, v35  }
0x186: {  	v11 =	vld [tilespmem:s31+$0x20]  }
0x187: {  	[tilespmem:v13+s22+$0x0] =	vst.idx.add.f32.msk vm0, v8  }
0x188: {  	v8 =	vld [tilespmem:s0+$0x10]  }
0x189: {  	v12 =	vld [tilespmem:s10+$0x40]  }
0x18a: {  	v13 =	vld [tilespmem:s10+$0x50]  }
0x18b: {  	v36 =	vld [tilespmem:s7+$0x40];
	v37 =	vunpack.i.l.s16.s32 v11  }
0x18c: {  	v14 =	vld [tilespmem:s9+$0x20];
	v11 =	vunpack.i.u.s16.s32 v11  }
0x18d: {  	v15 =	vld [tilespmem:s9+$0x30]  }
0x18e: {  	v38 =	vld [tilespmem:s7+$0x50];
	v40 =	vunpack.i.l.s16.s32 v8;
	v12 =	vmul.f32 v12, v5  }
0x18f: {  	v39 =	vld [tilespmem:s29+$0x60];
	v8 =	vunpack.i.u.s16.s32 v8;
	v13 =	vmul.f32 v13, v5  }
0x190: {  	[tilespmem:v37+s22+$0x0] =	vst.idx.add.f32.msk $0xffff, v12  }
0x191: {  	v12 =	vmul.f32 v14, v4;
	[tilespmem:v11+s22+$0x0] =	vst.idx.add.f32.msk $0xffff, v13  }
0x192: {  	v11 =	vmul.f32 v15, v4;
	v13 =	vld [tilespmem:s31+$0x30]  }
0x193: {  	[tilespmem:v40+s22+$0x0] =	vst.idx.add.f32.msk $0xffff, v12  }
0x194: {  	[tilespmem:v8+s22+$0x0] =	vst.idx.add.f32.msk $0xffff, v11  }
0x195: {  	v8 =	vunpack.i.l.s16.s32 v39;
	v11 =	vld [tilespmem:s10+$0x60]  }
0x196: {  	v12 =	vunpack.i.u.s16.s32 v39;
	v14 =	vld [tilespmem:s10+$0x70]  }
0x197: {  	v15 =	vld [tilespmem:s9+$0x40];
	v43 =	vunpack.i.l.s16.s32 v13  }
0x198: {  	v16 =	vmul.f32 v36, v2;
	v44 =	vld [tilespmem:s9+$0x50];
	v13 =	vunpack.i.u.s16.s32 v13  }
0x199: {  	v18 =	vmul.f32 v38, v2;
	v20 =	vld [tilespmem:s0+$0x20]  }
0x19a: {  	v11 =	vmul.f32 v11, v5;
	[tilespmem:v8+s22+$0x0] =	vst.idx.add.f32.msk $0xffff, v16  }
0x19b: {  	v8 =	vmul.f32 v14, v5;
	[tilespmem:v12+s22+$0x0] =	vst.idx.add.f32.msk $0xffff, v18  }
0x19c: {  	[tilespmem:v43+s22+$0x0] =	vst.idx.add.f32.msk $0xffff, v11  }
0x19d: {  	[tilespmem:v13+s22+$0x0] =	vst.idx.add.f32.msk $0xffff, v8  }
0x19e: {  	v8 =	vunpack.i.l.s16.s32 v20;
	v11 =	vld [tilespmem:s31+$0x40]  }
0x19f: {  	s11 =	sadd.s32 $0x580, s6;
	v14 =	vld [tilespmem:s7+$0x70]  }
0x1a0: {  	s12 =	sadd.s32 s17, s11;
	v12 =	vunpack.i.u.s16.s32 v20;
	v50 =	vld [tilespmem:s29+$0x70]  }
0x1a1: {  	v15 =	vmul.f32 v15, v4;
	v45 =	vld [tilespmem:s12+$0x0]  }
0x1a2: {  	v47 =	vld [tilespmem:s12+$0x10]  }
0x1a3: {  	v46 =	vmul.f32 v44, v4;
	[tilespmem:v8+s22+$0x0] =	vst.idx.add.f32.msk $0xffff, v15;
	v8 =	vunpack.i.l.s16.s32 v11  }
0x1a4: {  	v13 =	vld [tilespmem:s7+$0x60];
	v11 =	vunpack.i.u.s16.s32 v11  }
0x1a5: {  	[tilespmem:v12+s22+$0x0] =	vst.idx.add.f32.msk $0xffff, v46  }
0x1a6: {  	v16 =	vmul.f32 v45, v5;
	v49 =	vld [tilespmem:s0+$0x30]  }
0x1a7: {  	v48 =	vunpack.i.l.s16.s32 v41;
	v18 =	vmul.f32 v47, v5;
	v12 =	vld [tilespmem:s9+$0x60]  }
0x1a8: {  	[tilespmem:v8+s22+$0x0] =	vst.idx.add.f32.msk $0xffff, v16  }
0x1a9: {  	[tilespmem:v11+s22+$0x0] =	vst.idx.add.f32.msk $0xffff, v18  }
0x1aa: {  	v8 =	vmul.f32 v10, v6;
	v10 =	vunpack.i.u.s16.s32 v41;
	v11 =	vld [tilespmem:s31+$0x50]  }
0x1ab: {  	v15 =	vld [tilespmem:s9+$0x70];
	v51 =	vunpack.i.l.s16.s32 v49  }
0x1ac: {  	[tilespmem:v48+s22+$0x0] =	vst.idx.add.f32.msk $0xffff, v8  }
0x1ad: {  	v8 =	vmul.f32 v9, v6;
	v9 =	vunpack.i.u.s16.s32 v49;
	v52 =	vld [tilespmem:s12+$0x20]  }
0x1ae: {  	v12 =	vmul.f32 v12, v4;
	v53 =	vld [tilespmem:s12+$0x30]  }
0x1af: {  	[tilespmem:v10+s22+$0x0] =	vst.idx.add.f32.msk $0xffff, v8;
	v54 =	vunpack.i.l.s16.s32 v11  }
0x1b0: {  	v8 =	vmul.f32 v15, v4;
	[tilespmem:v51+s22+$0x0] =	vst.idx.add.f32.msk $0xffff, v12;
	v10 =	vunpack.i.u.s16.s32 v11  }
0x1b1: {  	v11 =	vld [tilespmem:s19+$0x37]  }
0x1b2: {  	s19 =	sadd.s32 s1, s11;
	[tilespmem:v9+s22+$0x0] =	vst.idx.add.f32.msk $0xffff, v8;
	v8 =	vmul.f32 v52, v5  }
0x1b3: {  	v12 =	vmul.f32 v53, v5;
	v9 =	vld [tilespmem:s19+$0x0]  }
0x1b4: {  	[tilespmem:v54+s22+$0x0] =	vst.idx.add.f32.msk $0xffff, v8  }
0x1b5: {  	[tilespmem:v10+s22+$0x0] =	vst.idx.add.f32.msk $0xffff, v12  }
0x1b6: {  	v8 =	vunpack.i.l.s16.s32 v50;
	v10 =	vld [tilespmem:s31+$0x60]  }
0x1b7: {  	v15 =	vld [tilespmem:s19+$0x10];
	v12 =	vunpack.i.u.s16.s32 v50  }
0x1b8: {  	v55 =	vld [tilespmem:s0+$0x40]  }
0x1b9: {  	v13 =	vmul.f32 v13, v2;
	v56 =	vld [tilespmem:s12+$0x40]  }
0x1ba: {  	v14 =	vmul.f32 v14, v2;
	v57 =	vld [tilespmem:s12+$0x50]  }
0x1bb: {  	[tilespmem:v8+s22+$0x0] =	vst.idx.add.f32.msk $0xffff, v13;
	v58 =	vunpack.i.l.s16.s32 v10  }
0x1bc: {  	s30 =	sadd.s32 s20, s8;
	[tilespmem:v12+s22+$0x0] =	vst.idx.add.f32.msk $0xffff, v14;
	v8 =	vunpack.i.u.s16.s32 v10  }
0x1bd: {  	v10 =	vld [tilespmem:s30+$0x0]  }
0x1be: {  	v12 =	vunpack.i.l.s16.s32 v55;
	v13 =	vmul.f32 v56, v5;
	v14 =	vld [tilespmem:s30+$0x10]  }
0x1bf: {  	v59 =	vmul.f32 v57, v5;
	v60 =	vld [tilespmem:s29+$0x400]  }
0x1c0: {  	v16 =	vunpack.i.u.s16.s32 v55;
	[tilespmem:v58+s22+$0x0] =	vst.idx.add.f32.msk $0xffff, v13  }
0x1c1: {  	v9 =	vmul.f32 v9, v4;
	[tilespmem:v8+s22+$0x0] =	vst.idx.add.f32.msk $0xffff, v59  }
0x1c2: {  	v13 =	vld [tilespmem:s31+$0x70]  }
0x1c3: {  	[tilespmem:v12+s22+$0x0] =	vst.idx.add.f32.msk $0xffff, v9;
	v8 =	vmul.f32 v15, v4  }
0x1c4: {  	v9 =	vld [tilespmem:s12+$0x60]  }
0x1c5: {  	[tilespmem:v16+s22+$0x0] =	vst.idx.add.f32.msk $0xffff, v8;
	v8 =	vunpack.i.l.s16.s32 v60  }
0x1c6: {  	v12 =	vunpack.i.u.s16.s32 v60;
	v15 =	vld [tilespmem:s12+$0x70]  }
0x1c7: {  	v16 =	vld [tilespmem:s19+$0x20];
	v61 =	vunpack.i.l.s16.s32 v13  }
0x1c8: {  	v10 =	vmul.f32 v10, v2;
	v62 =	vld [tilespmem:s19+$0x30];
	v13 =	vunpack.i.u.s16.s32 v13  }
0x1c9: {  	v14 =	vmul.f32 v14, v2;
	v63 =	vld [tilespmem:s0+$0x50]  }
0x1ca: {  	v9 =	vmul.f32 v9, v5;
	[tilespmem:v8+s22+$0x0] =	vst.idx.add.f32.msk $0xffff, v10  }
0x1cb: {  	v8 =	vmul.f32 v15, v5;
	[tilespmem:v12+s22+$0x0] =	vst.idx.add.f32.msk $0xffff, v14  }
0x1cc: {  	[tilespmem:v61+s22+$0x0] =	vst.idx.add.f32.msk $0xffff, v9  }
0x1cd: {  	v3 =	vmul.f32 v7, v3;
	[tilespmem:v13+s22+$0x0] =	vst.idx.add.f32.msk $0xffff, v8  }
0x1ce: {  	v7 =	vunpack.i.l.s16.s32 v42;
	v6 =	vmul.f32 v11, v6;
	v13 =	vunpack.i.l.s16.s32 v63;
	v10 =	vld [tilespmem:s31+$0x400]  }
0x1cf: {  	s20 =	simm.s32 $0x6;
	s5 =	sadd.s32 $0x980, s6;
	v11 =	vmul.f32 v62, v4;
	v12 =	vunpack.i.u.s16.s32 v63;
	v9 =	vld [tilespmem:s30+$0x20];
	v8 =	vmul.f32 v16, v4  }
.LBB2_4:
0x1d0: {  	s20 =	sadd.s32 $0x2, s20;
	s6 =	sadd.s32 s1, s5;
	s10 =	sadd.s32 s17, s5;
	v14 =	vld [tilespmem:s30+$0x30]  }
0x1d1: {  	s1 =	sshrl.u32 s20, $0x3;
	p3 =	slt.u32 s20, $0x3E;
	v15 =	vld [tilespmem:s10+$0x0]  }
0x1d2: {  	s3 =	sadd.s32 $0x100, s3;
	s5 =	sshll.u32 s20, $0x8;
	s7 =	smul.u32 $0x3000, s1;
	v16 =	vld [tilespmem:s10+$0x10]  }
0x1d3: {  	s16 =	sadd.s32 $0x2, s16;
	s1 =	sand.u32 $0x300, s3;
	s5 =	sand.u32 $0x3FFFF800, s5;
	[tilespmem:v13+s22+$0x0] =	vst.idx.add.f32.msk $0xffff, v8;
	v13 =	vunpack.i.l.s16.s32 v10  }
0x1d4: {  	s8 =	sadd.s32 $0xC180, s5;
	s17 =	sor.u32 $0x80, s1;
	v17 =	vunpack.i.u.s16.s32 v10;
	v8 =	vld.msk [tilespmem:s16+$0xFFFFFFFF ss:$0x0], $0xffff;
	s5 =	sshra.s32 s7, $0x2;
	v10 =	vmul.f32 v9, v2  }
0x1d5: {  	s9 =	sadd.s32 s1, s8;
	s12 =	sadd.s32 s17, s8;
	s11 =	sor.u32 $0x180, s5;
	v18 =	vld.msk [tilespmem:s16+$0x0 ss:$0x0], $0xffff;
	v9 =	vmul.f32 v14, v2  }
0x1d6: {  	s7 =	sadd.s32 s1, s11;
	v14 =	vld [tilespmem:s12+$0x0];
	s8 =	sadd.s32 s17, s11;
	v15 =	vmul.f32 v15, v5  }
0x1d7: {  	v19 =	vld [tilespmem:s8+$0x0];
	v16 =	vmul.f32 v16, v5  }
0x1d8: {  	[tilespmem:v13+s22+$0x0] =	vst.idx.add.f32.msk $0xffff, v15  }
0x1d9: {  	[tilespmem:v17+s22+$0x0] =	vst.idx.add.f32.msk $0xffff, v16  }
0x1da: {  	v13 =	vld [tilespmem:s31+$0x410]  }
0x1db: {  	v15 =	vld [tilespmem:s8+$0x10]  }
0x1dc: {  	v17 =	vunpack.i.l.s16.s32 v14;
	v16 =	vld [tilespmem:s7+$0x0]  }
0x1dd: {  	v14 =	vunpack.i.u.s16.s32 v14;
	v20 =	vld [tilespmem:s10+$0x20]  }
0x1de: {  	v21 =	vld [tilespmem:s10+$0x30]  }
0x1df: {  	v19 =	vmul.f32 v19, v18;
	v22 =	vld [tilespmem:s7+$0x10];
	v23 =	vunpack.i.l.s16.s32 v13  }
0x1e0: {  	v13 =	vunpack.i.u.s16.s32 v13;
	v24 =	vld [tilespmem:s9+$0x0];
	v15 =	vmul.f32 v15, v18  }
0x1e1: {  	v16 =	vmul.f32 v16, v8;
	[tilespmem:v17+s22+$0x0] =	vst.idx.add.f32.msk $0xffff, v19  }
0x1e2: {  	[tilespmem:v14+s22+$0x0] =	vst.idx.add.f32.msk $0xffff, v15;
	v14 =	vmul.f32 v20, v5  }
0x1e3: {  	v15 =	vld [tilespmem:s12+$0x10];
	v17 =	vmul.f32 v21, v5  }
0x1e4: {  	v19 =	vmul.f32 v22, v8;
	[tilespmem:v23+s22+$0x0] =	vst.idx.add.f32.msk $0xffff, v14  }
0x1e5: {  	v14 =	vunpack.i.u.s16.s32 v24;
	v20 =	vunpack.i.l.s16.s32 v24;
	[tilespmem:v13+s22+$0x0] =	vst.idx.add.f32.msk $0xffff, v17  }
0x1e6: {  	v13 =	vld [tilespmem:s31+$0x420];
	s31 =	smov.u32 s12  }
0x1e7: {  	[tilespmem:v12+s22+$0x0] =	vst.idx.add.f32.msk $0xffff, v11  }
0x1e8: {  	v11 =	vld [tilespmem:s8+$0x20]  }
0x1e9: {  	v12 =	vld [tilespmem:s10+$0x37]  }
0x1ea: {  	v17 =	vunpack.i.l.s16.s32 v15;
	v21 =	vld [tilespmem:s8+$0x30]  }
0x1eb: {  	[tilespmem:v20+s22+$0x0] =	vst.idx.add.f32.msk $0xffff, v16;
	v13 =	vunpack.i.l.s16.s32 v13  }
0x1ec: {  	[tilespmem:v14+s22+$0x0] =	vst.idx.add.f32.msk $0xffff, v19;
	v14 =	vunpack.i.u.s16.s32 v15  }
0x1ed: {  	v15 =	vld [tilespmem:s7+$0x20];
	v11 =	vmul.f32 v11, v18  }
0x1ee: {  	v16 =	vld [tilespmem:s7+$0x30];
	v12 =	vmul.f32 v12, v5;
	v5 =	vmov v18  }
0x1ef: {  	[tilespmem:v17+s22+$0x0] =	vst.idx.add.f32.msk $0xffff, v11;
	v11 =	vmul.f32 v21, v5  }
0x1f0: {  	[tilespmem:v13+s22+$0x0] =	vst.idx.add.f32.msk vm0, v12  }
0x1f1: {  	[tilespmem:v14+s22+$0x0] =	vst.idx.add.f32.msk $0xffff, v11  }
0x1f2: {  	v11 =	vmul.f32 v15, v8;
	v12 =	vld [tilespmem:s31+$0x20]  }
0x1f3: {  	v13 =	vld [tilespmem:s9+$0x10];
	v14 =	vmul.f32 v16, v8  }
0x1f4: {  	v15 =	vld [tilespmem:s19+$0x40]  }
0x1f5: {  	v16 =	vld [tilespmem:s8+$0x40]  }
0x1f6: {  	v17 =	vld [tilespmem:s8+$0x50]  }
0x1f7: {  	v18 =	vunpack.i.l.s16.s32 v12;
	v19 =	vld [tilespmem:s19+$0x50]  }
0x1f8: {  	v12 =	vunpack.i.u.s16.s32 v12;
	v20 =	vunpack.i.u.s16.s32 v13;
	v13 =	vunpack.i.l.s16.s32 v13;
	v21 =	vld [tilespmem:s0+$0x60]  }
0x1f9: {  	v15 =	vmul.f32 v15, v4;
	v22 =	vld [tilespmem:s29+$0x410]  }
0x1fa: {  	v16 =	vmul.f32 v16, v5;
	v23 =	vld [tilespmem:s28+$0x420];
	s28 =	smov.u32 s29;
	s29 =	smov.u32 s0;
	s0 =	smov.u32 s9  }
0x1fb: {  	v17 =	vmul.f32 v17, v5;
	[tilespmem:v7+s22+$0x0] =	vst.idx.add.f32.msk vm0, v3;
	v3 =	vmov v6  }
0x1fc: {  	[tilespmem:v18+s22+$0x0] =	vst.idx.add.f32.msk $0xffff, v16;
	v6 =	vmul.f32 v19, v4  }
0x1fd: {  	[tilespmem:v12+s22+$0x0] =	vst.idx.add.f32.msk $0xffff, v17;
	v12 =	vunpack.i.u.s16.s32 v21;
	v16 =	vunpack.i.l.s16.s32 v21  }
0x1fe: {  	v17 =	vld [tilespmem:s31+$0x30];
	v18 =	vunpack.i.u.s16.s32 v22;
	v19 =	vunpack.i.l.s16.s32 v22  }
0x1ff: {  	[tilespmem:v13+s22+$0x0] =	vst.idx.add.f32.msk $0xffff, v11;
	v7 =	vunpack.i.l.s16.s32 v23  }
0x200: {  	[tilespmem:v20+s22+$0x0] =	vst.idx.add.f32.msk $0xffff, v14  }
0x201: {  	v11 =	vld [tilespmem:s8+$0x60]  }
0x202: {  	v13 =	vld [tilespmem:s8+$0x70]  }
0x203: {  	v14 =	vld [tilespmem:s7+$0x40];
	v20 =	vunpack.i.l.s16.s32 v17  }
0x204: {  	v17 =	vunpack.i.u.s16.s32 v17;
	v21 =	vld [tilespmem:s7+$0x50]  }
0x205: {  	v22 =	vld [tilespmem:s0+$0x20]  }
0x206: {  	v11 =	vmul.f32 v11, v5;
	[tilespmem:v16+s22+$0x0] =	vst.idx.add.f32.msk $0xffff, v15  }
0x207: {  	v13 =	vmul.f32 v13, v5;
	[tilespmem:v12+s22+$0x0] =	vst.idx.add.f32.msk $0xffff, v6  }
0x208: {  	v6 =	vmul.f32 v14, v8;
	[tilespmem:v20+s22+$0x0] =	vst.idx.add.f32.msk $0xffff, v11  }
0x209: {  	v11 =	vmul.f32 v21, v8;
	[tilespmem:v17+s22+$0x0] =	vst.idx.add.f32.msk $0xffff, v13  }
0x20a: {  	v12 =	vunpack.i.u.s16.s32 v22;
	v13 =	vunpack.i.l.s16.s32 v22;
	v14 =	vld [tilespmem:s31+$0x40]  }
0x20b: {  	s9 =	sadd.s32 $0x580, s5;
	v15 =	vld [tilespmem:s19+$0x60]  }
0x20c: {  	s8 =	sadd.s32 s17, s9;
	v16 =	vld [tilespmem:s19+$0x70];
	s19 =	sadd.s32 s1, s9  }
0x20d: {  	v17 =	vld [tilespmem:s8+$0x0]  }
0x20e: {  	v20 =	vld [tilespmem:s8+$0x10]  }
0x20f: {  	[tilespmem:v13+s22+$0x0] =	vst.idx.add.f32.msk $0xffff, v6;
	v6 =	vunpack.i.l.s16.s32 v14  }
0x210: {  	[tilespmem:v12+s22+$0x0] =	vst.idx.add.f32.msk $0xffff, v11;
	v11 =	vunpack.i.u.s16.s32 v14;
	v12 =	vmul.f32 v15, v4  }
0x211: {  	v13 =	vld [tilespmem:s7+$0x60];
	v14 =	vmul.f32 v16, v4  }
0x212: {  	v15 =	vld [tilespmem:s7+$0x70];
	v16 =	vmul.f32 v17, v5  }
0x213: {  	v17 =	vld [tilespmem:s0+$0x30];
	v20 =	vmul.f32 v20, v5  }
0x214: {  	[tilespmem:v6+s22+$0x0] =	vst.idx.add.f32.msk $0xffff, v16  }
0x215: {  	[tilespmem:v11+s22+$0x0] =	vst.idx.add.f32.msk $0xffff, v20  }
0x216: {  	v6 =	vmul.f32 v13, v8;
	v11 =	vld [tilespmem:s31+$0x50]  }
0x217: {  	v13 =	vmul.f32 v15, v8;
	v15 =	vld [tilespmem:s29+$0x70]  }
0x218: {  	v16 =	vunpack.i.u.s16.s32 v17;
	v17 =	vunpack.i.l.s16.s32 v17;
	[tilespmem:v19+s22+$0x0] =	vst.idx.add.f32.msk $0xffff, v10  }
0x219: {  	v10 =	vld [tilespmem:s8+$0x20]  }
0x21a: {  	v19 =	vld [tilespmem:s8+$0x30]  }
0x21b: {  	v20 =	vunpack.i.l.s16.s32 v11;
	[tilespmem:v18+s22+$0x0] =	vst.idx.add.f32.msk $0xffff, v9  }
0x21c: {  	v9 =	vunpack.i.u.s16.s32 v11;
	v11 =	vunpack.i.u.s16.s32 v15;
	v15 =	vunpack.i.l.s16.s32 v15;
	v18 =	vld [tilespmem:s30+$0x37];
	s30 =	smov.u32 s6  }
0x21d: {  	[tilespmem:v17+s22+$0x0] =	vst.idx.add.f32.msk $0xffff, v6  }
0x21e: {  	[tilespmem:v16+s22+$0x0] =	vst.idx.add.f32.msk $0xffff, v13;
	v6 =	vmul.f32 v10, v5  }
0x21f: {  	v10 =	vld [tilespmem:s19+$0x0];
	v13 =	vmul.f32 v19, v5  }
0x220: {  	[tilespmem:v20+s22+$0x0] =	vst.idx.add.f32.msk $0xffff, v6  }
0x221: {  	[tilespmem:v9+s22+$0x0] =	vst.idx.add.f32.msk $0xffff, v13;
	v6 =	vmul.f32 v18, v2;
	v2 =	vmov v4;
	v4 =	vmov v8  }
0x222: {  	v8 =	vld [tilespmem:s31+$0x60]  }
0x223: {  	v9 =	vld [tilespmem:s19+$0x10]  }
0x224: {  	v13 =	vld [tilespmem:s0+$0x40];
	v10 =	vmul.f32 v10, v4  }
0x225: {  	v16 =	vld [tilespmem:s8+$0x40]  }
0x226: {  	v17 =	vld [tilespmem:s8+$0x50]  }
0x227: {  	v18 =	vunpack.i.l.s16.s32 v8;
	[tilespmem:v15+s22+$0x0] =	vst.idx.add.f32.msk $0xffff, v12  }
0x228: {  	v8 =	vunpack.i.u.s16.s32 v8;
	v9 =	vmul.f32 v9, v4;
	[tilespmem:v11+s22+$0x0] =	vst.idx.add.f32.msk $0xffff, v14  }
0x229: {  	v11 =	vunpack.i.u.s16.s32 v13;
	v12 =	vunpack.i.l.s16.s32 v13;
	v13 =	vld [tilespmem:s30+$0x0]  }
0x22a: {  	v14 =	vmul.f32 v16, v5;
	v15 =	vld [tilespmem:s30+$0x10]  }
0x22b: {  	v16 =	vmul.f32 v17, v5;
	v17 =	vld [tilespmem:s29+$0x400]  }
0x22c: {  	[tilespmem:v18+s22+$0x0] =	vst.idx.add.f32.msk $0xffff, v14  }
0x22d: {  	[tilespmem:v8+s22+$0x0] =	vst.idx.add.f32.msk $0xffff, v16  }
0x22e: {  	v8 =	vld [tilespmem:s31+$0x70];
	v13 =	vmul.f32 v13, v2  }
0x22f: {  	[tilespmem:v12+s22+$0x0] =	vst.idx.add.f32.msk $0xffff, v10;
	v10 =	vmul.f32 v15, v2  }
0x230: {  	[tilespmem:v11+s22+$0x0] =	vst.idx.add.f32.msk $0xffff, v9;
	v9 =	vunpack.i.u.s16.s32 v17;
	v11 =	vunpack.i.l.s16.s32 v17  }
0x231: {  	v12 =	vld [tilespmem:s8+$0x60]  }
0x232: {  	v14 =	vld [tilespmem:s8+$0x70]  }
0x233: {  	v15 =	vld [tilespmem:s19+$0x20];
	v16 =	vunpack.i.l.s16.s32 v8  }
0x234: {  	v18 =	vunpack.i.u.s16.s32 v8;
	v17 =	vld [tilespmem:s19+$0x30]  }
0x235: {  	v19 =	vld [tilespmem:s0+$0x50]  }
0x236: {  	v12 =	vmul.f32 v12, v5;
	[tilespmem:v11+s22+$0x0] =	vst.idx.add.f32.msk $0xffff, v13  }
.Ltmp1:
0x237: {  	v13 =	vmul.f32 v14, v5;
	[tilespmem:v9+s22+$0x0] =	vst.idx.add.f32.msk $0xffff, v10;
	(pc) =	sbr.rel @p3 .LBB2_4-.Ltmp1, $4  }
0x238: {  	v8 =	vmul.f32 v15, v4;
	[tilespmem:v16+s22+$0x0] =	vst.idx.add.f32.msk $0xffff, v12  }
0x239: {  	v11 =	vmul.f32 v17, v4;
	[tilespmem:v18+s22+$0x0] =	vst.idx.add.f32.msk $0xffff, v13  }
0x23a: {  	v12 =	vunpack.i.u.s16.s32 v19;
	v13 =	vunpack.i.l.s16.s32 v19;
	v10 =	vld [tilespmem:s31+$0x400]  }
0x23b: {  	s5 =	sadd.s32 $0x980, s5;
	v9 =	vld [tilespmem:s30+$0x20]  }
0x23c: {  	_ =	sdelay $0x3  }
0x23d: {  	[tilespmem:v13+s22+$0x0] =	vst.idx.add.f32.msk $0xffff, v8  }
0x23e: {  	[tilespmem:v12+s22+$0x0] =	vst.idx.add.f32.msk $0xffff, v11  }
0x23f: {  	v8 =	vld [tilespmem:s0+$0x60];
	_ =	sdelay $0x2  }
0x240: {  	v11 =	vld [tilespmem:s19+$0x40]  }
0x241: {  	v12 =	vld [tilespmem:s19+$0x50]  }
0x242: {  	v13 =	vunpack.i.l.s16.s32 v8  }
0x243: {  	v8 =	vunpack.i.u.s16.s32 v8;
	_ =	sdelay $0x1  }
0x244: {  	s3 =	sadd.s32 s17, s5;
	v11 =	vmul.f32 v11, v4  }
0x245: {  	v14 =	vld [tilespmem:s3+$0x0];
	v12 =	vmul.f32 v12, v4  }
0x246: {  	[tilespmem:v13+s22+$0x0] =	vst.idx.add.f32.msk $0xffff, v11  }
0x247: {  	[tilespmem:v8+s22+$0x0] =	vst.idx.add.f32.msk $0xffff, v12  }
0x248: {  	v8 =	vld [tilespmem:s0+$0x70]  }
0x249: {  	v11 =	vld [tilespmem:s3+$0x10]  }
0x24a: {  	v12 =	vunpack.i.l.s16.s32 v10  }
0x24b: {  	v10 =	vunpack.i.u.s16.s32 v10;
	v13 =	vld [tilespmem:s19+$0x60]  }
0x24c: {  	v15 =	vld [tilespmem:s19+$0x70]  }
0x24d: {  	v14 =	vmul.f32 v14, v5;
	v16 =	vunpack.i.l.s16.s32 v8  }
0x24e: {  	v11 =	vmul.f32 v11, v5;
	v8 =	vunpack.i.u.s16.s32 v8  }
0x24f: {  	[tilespmem:v12+s22+$0x0] =	vst.idx.add.f32.msk $0xffff, v14  }
0x250: {  	[tilespmem:v10+s22+$0x0] =	vst.idx.add.f32.msk $0xffff, v11;
	v10 =	vmul.f32 v13, v4  }
0x251: {  	v12 =	vmul.f32 v15, v4;
	v11 =	vld [tilespmem:s31+$0x410]  }
0x252: {  	[tilespmem:v16+s22+$0x0] =	vst.idx.add.f32.msk $0xffff, v10  }
0x253: {  	[tilespmem:v8+s22+$0x0] =	vst.idx.add.f32.msk $0xffff, v12  }
0x254: {  	v8 =	vld [tilespmem:s0+$0x400]  }
0x255: {  	v10 =	vld [tilespmem:s3+$0x20]  }
0x256: {  	s1 =	sadd.s32 s1, s5  }
0x257: {  	v12 =	vunpack.i.l.s16.s32 v11;
	v13 =	vld [tilespmem:s1+$0x0]  }
0x258: {  	v14 =	vld [tilespmem:s1+$0x10]  }
0x259: {  	v15 =	vunpack.i.l.s16.s32 v8  }
0x25a: {  	v17 =	vld [tilespmem:s30+$0x30];
	v10 =	vmul.f32 v10, v5;
	v8 =	vunpack.i.u.s16.s32 v8  }
0x25b: {  	v37 =	vld [tilespmem:s3+$0x30]  }
0x25c: {  	[tilespmem:v12+s22+$0x0] =	vst.idx.add.f32.msk $0xffff, v10;
	v10 =	vmul.f32 v13, v4  }
0x25d: {  	v11 =	vunpack.i.u.s16.s32 v11;
	v12 =	vld [tilespmem:s29+$0x410];
	v13 =	vmul.f32 v14, v4  }
0x25e: {  	[tilespmem:v15+s22+$0x0] =	vst.idx.add.f32.msk $0xffff, v10  }
0x25f: {  	[tilespmem:v8+s22+$0x0] =	vst.idx.add.f32.msk $0xffff, v13  }
0x260: {  	v10 =	vmul.f32 v37, v5;
	v8 =	vld [tilespmem:s0+$0x410]  }
0x261: {  	v18 =	vld [tilespmem:s28+$0x420]  }
0x262: {  	[tilespmem:v11+s22+$0x0] =	vst.idx.add.f32.msk $0xffff, v10;
	v11 =	vunpack.i.l.s16.s32 v12  }
0x263: {  	v12 =	vunpack.i.u.s16.s32 v12;
	v13 =	vld [tilespmem:s1+$0x20]  }
0x264: {  	v14 =	vld [tilespmem:s1+$0x30]  }
0x265: {  	v9 =	vmul.f32 v9, v2;
	v10 =	vld [tilespmem:s31+$0x420];
	v38 =	vunpack.i.l.s16.s32 v8  }
0x266: {  	v17 =	vmul.f32 v17, v2;
	v15 =	vld [tilespmem:s3+$0x37];
	v8 =	vunpack.i.u.s16.s32 v8  }
0x267: {  	[tilespmem:v11+s22+$0x0] =	vst.idx.add.f32.msk $0xffff, v9  }
0x268: {  	v9 =	vmul.f32 v13, v4;
	[tilespmem:v12+s22+$0x0] =	vst.idx.add.f32.msk $0xffff, v17  }
0x269: {  	v11 =	vmul.f32 v14, v4;
	v12 =	vld [tilespmem:s29+$0x420]  }
0x26a: {  	[tilespmem:v38+s22+$0x0] =	vst.idx.add.f32.msk $0xffff, v9  }
0x26b: {  	[tilespmem:v8+s22+$0x0] =	vst.idx.add.f32.msk $0xffff, v11  }
0x26c: {  	v8 =	vld [tilespmem:s0+$0x420];
	_ =	sdelay $0x1  }
0x26d: {  	v9 =	vunpack.i.l.s16.s32 v10;
	v10 =	vld [tilespmem:s30+$0x37]  }
0x26e: {  	v11 =	vunpack.i.l.s16.s32 v18;
	v13 =	vld [tilespmem:s1+$0x37]  }
0x26f: {  	v12 =	vunpack.i.l.s16.s32 v12  }
0x270: {  	v5 =	vmul.f32 v15, v5;
	v8 =	vunpack.i.l.s16.s32 v8  }
0x271: {  	[tilespmem:v7+s22+$0x0] =	vst.idx.add.f32.msk vm0, v3  }
0x272: {  	[tilespmem:v9+s22+$0x0] =	vst.idx.add.f32.msk vm0, v5;
	v2 =	vmul.f32 v10, v2  }
0x273: {  	[tilespmem:v11+s22+$0x0] =	vst.idx.add.f32.msk vm0, v6;
	v3 =	vmul.f32 v13, v4  }
0x274: {  	[tilespmem:v12+s22+$0x0] =	vst.idx.add.f32.msk vm0, v2  }
0x275: {  	[tilespmem:v8+s22+$0x0] =	vst.idx.add.f32.msk vm0, v3  }
0x276: {  	s20 =	simm.s32 $0x0;
	s6 =	simm.s32 $0x180;
	s5 =	rddreg [dreg:$0xb]  }
0x277: {  	[tilespmem:s6], [sflag:$0x1] =	stream.linear.gather [hbm4b:s5+s20], $0x6000, $0x38;
	[tilespmem:$0x18600] =	vst v63  }
0x278: {  	s8 =	simm.s32 $0xC180;
	s7 =	rddreg [dreg:$0xc]  }
0x279: {  	[tilespmem:s8], [sflag:$0x3] =	stream.linear.gather [hbm4b:s7+s20], $0x4000, $0x38;
	[tilespmem:$0x18600] =	vst v63  }
0x27a: {  	_ =	swait.ge [sflag:s23], $0x6000  }
0x27b: {  	[sflag:s23] =	ssyncset.done $0x0  }
0x27c: {  	[sflag:s23] =	ssyncadd.s32 $0xFFFFA000  }
0x27d: {  	s9 =	simm.s32 $0x0;
	s1 =	sand.u32 $0x300, s20;
	_ =	swait.ge [sflag:s24], $0x4000  }
0x27e: {  	s3 =	smul.u32 $0x3000, s9;
	s0 =	sor.u32 $0x80, s1;
	[sflag:s24] =	ssyncset.done $0x0  }
0x27f: {  	s6 =	sadd.s32 $0xC180, s0;
	[sflag:s24] =	ssyncadd.s32 $0xFFFFC000  }
0x280: {  	s3 =	sshra.s32 s3, $0x2;
	v3 =	vld [tilespmem:s6+$0x4000]  }
0x281: {  	s10 =	simm.s32 $0x41;
	s7 =	sadd.s32 $0x6180, s3  }
0x282: {  	s8 =	sadd.s32 s0, s7;
	v2 =	vld.msk [tilespmem:s10+$0x0 ss:$0x0], $0xffff  }
0x283: {  	v4 =	vld [tilespmem:s8+$0x0]  }
0x284: {  	v5 =	vld [tilespmem:s8+$0x10]  }
0x285: {  	v6 =	vunpack.i.l.s16.s32 v3  }
0x286: {  	v3 =	vunpack.i.u.s16.s32 v3;
	_ =	sdelay $0x1  }
0x287: {  	v4 =	vmul.f32 v4, v2  }
0x288: {  	v5 =	vmul.f32 v5, v2  }
0x289: {  	[tilespmem:v6+s22+$0x0] =	vst.idx.add.f32.msk $0xffff, v4  }
0x28a: {  	[tilespmem:v3+s22+$0x0] =	vst.idx.add.f32.msk $0xffff, v5  }
0x28b: {  	v4 =	vld [tilespmem:s6+$0x4010];
	_ =	sdelay $0x2  }
0x28c: {  	v5 =	vld [tilespmem:s8+$0x20]  }
0x28d: {  	v6 =	vld [tilespmem:s8+$0x30]  }
0x28e: {  	s30 =	sadd.s32 $0xC180, s1;
	v7 =	vunpack.i.l.s16.s32 v4  }
0x28f: {  	s11 =	sadd.s32 s1, s7;
	v8 =	vld [tilespmem:s30+$0x4000];
	v4 =	vunpack.i.u.s16.s32 v4  }
0x290: {  	v9 =	vld [tilespmem:s11+$0x0]  }
0x291: {  	v10 =	vld [tilespmem:s11+$0x10];
	v5 =	vmul.f32 v5, v2  }
0x292: {  	v3 =	vld.msk [tilespmem:s10+$0xFFFFFFFF ss:$0x0], $0xffff;
	v6 =	vmul.f32 v6, v2  }
0x293: {  	[tilespmem:v7+s22+$0x0] =	vst.idx.add.f32.msk $0xffff, v5  }
0x294: {  	[tilespmem:v4+s22+$0x0] =	vst.idx.add.f32.msk $0xffff, v6  }
0x295: {  	v4 =	vunpack.i.l.s16.s32 v8;
	v5 =	vld [tilespmem:s6+$0x4020]  }
0x296: {  	v6 =	vunpack.i.u.s16.s32 v8;
	_ =	sdelay $0x1  }
0x297: {  	v7 =	vmul.f32 v9, v3;
	v8 =	vld [tilespmem:s8+$0x40]  }
0x298: {  	v9 =	vmul.f32 v10, v3;
	v10 =	vld [tilespmem:s8+$0x50]  }
0x299: {  	[tilespmem:v4+s22+$0x0] =	vst.idx.add.f32.msk $0xffff, v7;
	v4 =	vunpack.i.l.s16.s32 v5  }
0x29a: {  	[tilespmem:v6+s22+$0x0] =	vst.idx.add.f32.msk $0xffff, v9;
	v5 =	vunpack.i.u.s16.s32 v5  }
0x29b: {  	v6 =	vld [tilespmem:s11+$0x20]  }
0x29c: {  	v8 =	vmul.f32 v8, v2;
	v7 =	vld [tilespmem:s30+$0x4010]  }
0x29d: {  	v10 =	vmul.f32 v10, v2;
	v9 =	vld [tilespmem:s11+$0x30]  }
0x29e: {  	[tilespmem:v4+s22+$0x0] =	vst.idx.add.f32.msk $0xffff, v8  }
0x29f: {  	[tilespmem:v5+s22+$0x0] =	vst.idx.add.f32.msk $0xffff, v10  }
0x2a0: {  	v4 =	vld [tilespmem:s6+$0x4030]  }
0x2a1: {  	v5 =	vunpack.i.l.s16.s32 v7  }
0x2a2: {  	v7 =	vunpack.i.u.s16.s32 v7  }
0x2a3: {  	v8 =	vld [tilespmem:s8+$0x60]  }
0x2a4: {  	v6 =	vmul.f32 v6, v3;
	v10 =	vld [tilespmem:s8+$0x70]  }
0x2a5: {  	v9 =	vmul.f32 v9, v3;
	v11 =	vunpack.i.l.s16.s32 v4  }
0x2a6: {  	[tilespmem:v5+s22+$0x0] =	vst.idx.add.f32.msk $0xffff, v6;
	v4 =	vunpack.i.u.s16.s32 v4  }
0x2a7: {  	[tilespmem:v7+s22+$0x0] =	vst.idx.add.f32.msk $0xffff, v9  }
0x2a8: {  	v6 =	vmul.f32 v8, v2;
	v5 =	vld [tilespmem:s11+$0x40]  }
0x2a9: {  	v8 =	vmul.f32 v10, v2;
	v7 =	vld [tilespmem:s30+$0x4020]  }
0x2aa: {  	[tilespmem:v11+s22+$0x0] =	vst.idx.add.f32.msk $0xffff, v6  }
0x2ab: {  	[tilespmem:v4+s22+$0x0] =	vst.idx.add.f32.msk $0xffff, v8  }
0x2ac: {  	v4 =	vld [tilespmem:s6+$0x4040]  }
0x2ad: {  	s12 =	sadd.s32 $0x6580, s3;
	v6 =	vld [tilespmem:s11+$0x50]  }
0x2ae: {  	s16 =	sadd.s32 s0, s12;
	v8 =	vunpack.i.l.s16.s32 v7  }
0x2af: {  	v7 =	vunpack.i.u.s16.s32 v7;
	v9 =	vld [tilespmem:s16+$0x0]  }
0x2b0: {  	v10 =	vld [tilespmem:s16+$0x10]  }
0x2b1: {  	v5 =	vmul.f32 v5, v3;
	v11 =	vunpack.i.l.s16.s32 v4  }
0x2b2: {  	v6 =	vmul.f32 v6, v3;
	v4 =	vunpack.i.u.s16.s32 v4  }
0x2b3: {  	[tilespmem:v8+s22+$0x0] =	vst.idx.add.f32.msk $0xffff, v5  }
0x2b4: {  	[tilespmem:v7+s22+$0x0] =	vst.idx.add.f32.msk $0xffff, v6;
	v5 =	vmul.f32 v9, v2  }
0x2b5: {  	v7 =	vmul.f32 v10, v2;
	v6 =	vld [tilespmem:s30+$0x4030]  }
0x2b6: {  	[tilespmem:v11+s22+$0x0] =	vst.idx.add.f32.msk $0xffff, v5  }
0x2b7: {  	[tilespmem:v4+s22+$0x0] =	vst.idx.add.f32.msk $0xffff, v7  }
0x2b8: {  	v4 =	vld [tilespmem:s6+$0x4050];
	_ =	sdelay $0x1  }
0x2b9: {  	v5 =	vld [tilespmem:s11+$0x60]  }
0x2ba: {  	v7 =	vld [tilespmem:s16+$0x20]  }
0x2bb: {  	v8 =	vunpack.i.l.s16.s32 v6;
	v9 =	vld [tilespmem:s16+$0x30]  }
0x2bc: {  	v10 =	vunpack.i.l.s16.s32 v4  }
0x2bd: {  	v4 =	vunpack.i.u.s16.s32 v4  }
0x2be: {  	v11 =	vld [tilespmem:s11+$0x70];
	v5 =	vmul.f32 v5, v3  }
0x2bf: {  	v7 =	vmul.f32 v7, v2  }
0x2c0: {  	v6 =	vunpack.i.u.s16.s32 v6;
	[tilespmem:v8+s22+$0x0] =	vst.idx.add.f32.msk $0xffff, v5;
	v5 =	vmul.f32 v9, v2  }
0x2c1: {  	[tilespmem:v10+s22+$0x0] =	vst.idx.add.f32.msk $0xffff, v7  }
0x2c2: {  	[tilespmem:v4+s22+$0x0] =	vst.idx.add.f32.msk $0xffff, v5  }
0x2c3: {  	v7 =	vmul.f32 v11, v3;
	v4 =	vld [tilespmem:s6+$0x4060];
	_ =	sdelay $0x1  }
0x2c4: {  	[tilespmem:v6+s22+$0x0] =	vst.idx.add.f32.msk $0xffff, v7  }
0x2c5: {  	v6 =	vld [tilespmem:s16+$0x40]  }
0x2c6: {  	v7 =	vld [tilespmem:s16+$0x50]  }
0x2c7: {  	v5 =	vld [tilespmem:s30+$0x4040];
	v8 =	vunpack.i.l.s16.s32 v4  }
0x2c8: {  	v4 =	vunpack.i.u.s16.s32 v4  }
0x2c9: {  	s7 =	sadd.s32 s1, s12  }
0x2ca: {  	v9 =	vld [tilespmem:s7+$0x0];
	v6 =	vmul.f32 v6, v2  }
0x2cb: {  	v10 =	vld [tilespmem:s7+$0x10];
	v7 =	vmul.f32 v7, v2  }
0x2cc: {  	v11 =	vunpack.i.l.s16.s32 v5;
	[tilespmem:v8+s22+$0x0] =	vst.idx.add.f32.msk $0xffff, v6  }
0x2cd: {  	[tilespmem:v4+s22+$0x0] =	vst.idx.add.f32.msk $0xffff, v7  }
0x2ce: {  	v5 =	vunpack.i.u.s16.s32 v5;
	v6 =	vld [tilespmem:s6+$0x4070]  }
0x2cf: {  	v4 =	vmul.f32 v9, v3  }
0x2d0: {  	v7 =	vld [tilespmem:s16+$0x60]  }
0x2d1: {  	[tilespmem:v11+s22+$0x0] =	vst.idx.add.f32.msk $0xffff, v4;
	v4 =	vmul.f32 v10, v3  }
0x2d2: {  	v8 =	vld [tilespmem:s16+$0x70]  }
0x2d3: {  	[tilespmem:v5+s22+$0x0] =	vst.idx.add.f32.msk $0xffff, v4;
	v4 =	vunpack.i.l.s16.s32 v6  }
0x2d4: {  	v5 =	vunpack.i.u.s16.s32 v6;
	_ =	sdelay $0x1  }
0x2d5: {  	s9 =	simm.s32 $0x100;
	s17 =	sadd.s32 $0x6980, s3;
	s10 =	simm.s32 $0x0;
	v9 =	vld [tilespmem:s30+$0x4050];
	v6 =	vmul.f32 v7, v2  }
0x2d6: {  	s16 =	sadd.s32 s0, s17;
	s0 =	sand.u32 $0x300, s9;
	s9 =	smul.u32 $0x3000, s10;
	v7 =	vld [tilespmem:s7+$0x20];
	v8 =	vmul.f32 v8, v2  }
0x2d7: {  	[tilespmem:v4+s22+$0x0] =	vst.idx.add.f32.msk $0xffff, v6  }
0x2d8: {  	s5 =	sor.u32 $0x80, s0;
	s11 =	sshra.s32 s9, $0x2;
	[tilespmem:v5+s22+$0x0] =	vst.idx.add.f32.msk $0xffff, v8  }
0x2d9: {  	s3 =	sadd.s32 $0xC180, s5;
	s9 =	sadd.s32 $0x6180, s11;
	v5 =	vld [tilespmem:s6+$0x4400]  }
0x2da: {  	v12 =	vld [tilespmem:s3+$0x4000];
	s12 =	sadd.s32 s5, s9  }
0x2db: {  	v13 =	vld [tilespmem:s12+$0x0];
	v4 =	vunpack.i.l.s16.s32 v9  }
0x2dc: {  	v6 =	vmul.f32 v7, v3;
	v7 =	vld [tilespmem:s16+$0x0]  }
0x2dd: {  	v10 =	vld [tilespmem:s16+$0x10]  }
0x2de: {  	v14 =	vld [tilespmem:s12+$0x10];
	v11 =	vunpack.i.l.s16.s32 v5  }
0x2df: {  	v8 =	vld [tilespmem:s7+$0x30];
	v5 =	vunpack.i.u.s16.s32 v5  }
0x2e0: {  	s10 =	simm.s32 $0x43;
	[tilespmem:v4+s22+$0x0] =	vst.idx.add.f32.msk $0xffff, v6  }
0x2e1: {  	s9 =	sadd.s32 s0, s9;
	v4 =	vld.msk [tilespmem:s10+$0x0 ss:$0x0], $0xffff;
	v7 =	vmul.f32 v7, v2  }
0x2e2: {  	v40 =	vld [tilespmem:s9+$0x10];
	v10 =	vmul.f32 v10, v2  }
0x2e3: {  	[tilespmem:v11+s22+$0x0] =	vst.idx.add.f32.msk $0xffff, v7;
	v7 =	vunpack.i.l.s16.s32 v12  }
0x2e4: {  	[tilespmem:v5+s22+$0x0] =	vst.idx.add.f32.msk $0xffff, v10;
	v5 =	vunpack.i.u.s16.s32 v12  }
0x2e5: {  	v6 =	vld.msk [tilespmem:s10+$0xFFFFFFFF ss:$0x0], $0xffff  }
0x2e6: {  	v9 =	vunpack.i.u.s16.s32 v9;
	v12 =	vmul.f32 v13, v4;
	v10 =	vld [tilespmem:s6+$0x4410]  }
0x2e7: {  	v14 =	vmul.f32 v14, v4;
	v11 =	vld [tilespmem:s16+$0x20]  }
0x2e8: {  	[tilespmem:v7+s22+$0x0] =	vst.idx.add.f32.msk $0xffff, v12  }
0x2e9: {  	v8 =	vmul.f32 v8, v3;
	[tilespmem:v5+s22+$0x0] =	vst.idx.add.f32.msk $0xffff, v14  }
0x2ea: {  	v5 =	vld [tilespmem:s3+$0x4010]  }
0x2eb: {  	[tilespmem:v9+s22+$0x0] =	vst.idx.add.f32.msk $0xffff, v8  }
0x2ec: {  	v13 =	vld [tilespmem:s16+$0x30];
	v12 =	vunpack.i.l.s16.s32 v10  }
0x2ed: {  	v15 =	vld [tilespmem:s12+$0x20]  }
0x2ee: {  	s28 =	sadd.s32 $0xC180, s0;
	v10 =	vunpack.i.u.s16.s32 v10;
	v39 =	vld [tilespmem:s12+$0x30]  }
0x2ef: {  	v14 =	vld [tilespmem:s28+$0x4000];
	v11 =	vmul.f32 v11, v2;
	v41 =	vunpack.i.l.s16.s32 v5  }
0x2f0: {  	v7 =	vld [tilespmem:s9+$0x0];
	v5 =	vunpack.i.u.s16.s32 v5  }
0x2f1: {  	v13 =	vmul.f32 v13, v2;
	[tilespmem:v12+s22+$0x0] =	vst.idx.add.f32.msk $0xffff, v11  }
0x2f2: {  	v11 =	vmul.f32 v15, v4;
	v15 =	vld [tilespmem:s7+$0x40]  }
0x2f3: {  	v8 =	vmul.f32 v39, v4;
	[tilespmem:v10+s22+$0x0] =	vst.idx.add.f32.msk $0xffff, v13  }
0x2f4: {  	v12 =	vunpack.i.l.s16.s32 v14;
	[tilespmem:v41+s22+$0x0] =	vst.idx.add.f32.msk $0xffff, v11  }
0x2f5: {  	[tilespmem:v5+s22+$0x0] =	vst.idx.add.f32.msk $0xffff, v8  }
0x2f6: {  	v5 =	vmul.f32 v7, v6;
	v7 =	vunpack.i.u.s16.s32 v14;
	v8 =	vld [tilespmem:s3+$0x4020]  }
0x2f7: {  	v10 =	vld [tilespmem:s6+$0x4420]  }
0x2f8: {  	v11 =	vld [tilespmem:s12+$0x40]  }
0x2f9: {  	[tilespmem:v12+s22+$0x0] =	vst.idx.add.f32.msk $0xffff, v5;
	v5 =	vmul.f32 v40, v6  }
0x2fa: {  	v12 =	vld [tilespmem:s12+$0x50]  }
0x2fb: {  	[tilespmem:v7+s22+$0x0] =	vst.idx.add.f32.msk $0xffff, v5;
	v5 =	vunpack.i.l.s16.s32 v8  }
0x2fc: {  	v9 =	vld [tilespmem:s16+$0x37];
	v8 =	vunpack.i.u.s16.s32 v8  }
0x2fd: {  	v13 =	vld [tilespmem:s28+$0x4010]  }
0x2fe: {  	v7 =	vld [tilespmem:s9+$0x20];
	v11 =	vmul.f32 v11, v4  }
0x2ff: {  	v14 =	vld [tilespmem:s9+$0x30];
	v12 =	vmul.f32 v12, v4  }
0x300: {  	[tilespmem:v5+s22+$0x0] =	vst.idx.add.f32.msk $0xffff, v11  }
0x301: {  	[tilespmem:v8+s22+$0x0] =	vst.idx.add.f32.msk $0xffff, v12  }
0x302: {  	v5 =	vunpack.i.l.s16.s32 v13;
	v8 =	vld [tilespmem:s3+$0x4030]  }
0x303: {  	v11 =	vld [tilespmem:s7+$0x50];
	v12 =	vunpack.i.u.s16.s32 v13  }
0x304: {  	v13 =	vld [tilespmem:s30+$0x4060]  }
0x305: {  	v7 =	vmul.f32 v7, v6;
	v42 =	vld [tilespmem:s12+$0x60]  }
0x306: {  	v14 =	vmul.f32 v14, v6;
	v43 =	vld [tilespmem:s12+$0x70]  }
0x307: {  	[tilespmem:v5+s22+$0x0] =	vst.idx.add.f32.msk $0xffff, v7;
	v5 =	vunpack.i.l.s16.s32 v8  }
0x308: {  	[tilespmem:v12+s22+$0x0] =	vst.idx.add.f32.msk $0xffff, v14;
	v7 =	vunpack.i.u.s16.s32 v8  }
0x309: {  	v8 =	vld [tilespmem:s9+$0x40]  }
0x30a: {  	v10 =	vunpack.i.l.s16.s32 v10;
	v12 =	vld [tilespmem:s28+$0x4020];
	v14 =	vmul.f32 v42, v4  }
0x30b: {  	v44 =	vunpack.i.l.s16.s32 v13;
	v45 =	vld [tilespmem:s9+$0x50];
	v17 =	vmul.f32 v43, v4  }
0x30c: {  	[tilespmem:v5+s22+$0x0] =	vst.idx.add.f32.msk $0xffff, v14  }
0x30d: {  	v2 =	vmul.f32 v9, v2;
	[tilespmem:v7+s22+$0x0] =	vst.idx.add.f32.msk $0xffff, v17  }
0x30e: {  	v5 =	vmul.f32 v15, v3;
	v7 =	vunpack.i.u.s16.s32 v13;
	v9 =	vld [tilespmem:s3+$0x4040]  }
0x30f: {  	s19 =	sadd.s32 $0x6580, s11;
	[tilespmem:v10+s22+$0x0] =	vst.idx.add.f32.msk vm0, v2;
	v2 =	vunpack.i.l.s16.s32 v12  }
0x310: {  	s20 =	sadd.s32 s5, s19;
	[tilespmem:v44+s22+$0x0] =	vst.idx.add.f32.msk $0xffff, v5;
	v5 =	vunpack.i.u.s16.s32 v12  }
0x311: {  	v10 =	vmul.f32 v11, v3;
	v11 =	vld [tilespmem:s20+$0x0]  }
0x312: {  	v8 =	vmul.f32 v8, v6;
	v12 =	vld [tilespmem:s20+$0x10]  }
0x313: {  	[tilespmem:v7+s22+$0x0] =	vst.idx.add.f32.msk $0xffff, v10;
	v7 =	vmul.f32 v45, v6;
	v10 =	vunpack.i.l.s16.s32 v9  }
0x314: {  	[tilespmem:v2+s22+$0x0] =	vst.idx.add.f32.msk $0xffff, v8;
	v2 =	vunpack.i.u.s16.s32 v9  }
0x315: {  	[tilespmem:v5+s22+$0x0] =	vst.idx.add.f32.msk $0xffff, v7  }
0x316: {  	v7 =	vmul.f32 v11, v4;
	v5 =	vld [tilespmem:s9+$0x60]  }
0x317: {  	v9 =	vmul.f32 v12, v4;
	v8 =	vld [tilespmem:s28+$0x4030]  }
0x318: {  	[tilespmem:v10+s22+$0x0] =	vst.idx.add.f32.msk $0xffff, v7  }
0x319: {  	[tilespmem:v2+s22+$0x0] =	vst.idx.add.f32.msk $0xffff, v9  }
0x31a: {  	v2 =	vld [tilespmem:s3+$0x4050]  }
0x31b: {  	v7 =	vld [tilespmem:s9+$0x70]  }
0x31c: {  	v13 =	vld [tilespmem:s7+$0x70];
	v10 =	vunpack.i.l.s16.s32 v8  }
0x31d: {  	v8 =	vunpack.i.u.s16.s32 v8;
	v11 =	vld [tilespmem:s20+$0x20]  }
0x31e: {  	v12 =	vld [tilespmem:s20+$0x30]  }
0x31f: {  	v15 =	vld [tilespmem:s30+$0x4070];
	v5 =	vmul.f32 v5, v6;
	v14 =	vunpack.i.l.s16.s32 v2  }
0x320: {  	v9 =	vld [tilespmem:s7+$0x60];
	v7 =	vmul.f32 v7, v6;
	v2 =	vunpack.i.u.s16.s32 v2  }
0x321: {  	[tilespmem:v10+s22+$0x0] =	vst.idx.add.f32.msk $0xffff, v5  }
0x322: {  	s7 =	sadd.s32 s0, s19;
	v5 =	vmul.f32 v11, v4;
	[tilespmem:v8+s22+$0x0] =	vst.idx.add.f32.msk $0xffff, v7  }
0x323: {  	v8 =	vmul.f32 v12, v4;
	v7 =	vld [tilespmem:s7+$0x0]  }
0x324: {  	[tilespmem:v14+s22+$0x0] =	vst.idx.add.f32.msk $0xffff, v5  }
0x325: {  	[tilespmem:v2+s22+$0x0] =	vst.idx.add.f32.msk $0xffff, v8  }
0x326: {  	v2 =	vunpack.i.l.s16.s32 v15;
	v5 =	vld [tilespmem:s3+$0x4060]  }
0x327: {  	v11 =	vld [tilespmem:s28+$0x4040];
	v8 =	vunpack.i.u.s16.s32 v15  }
0x328: {  	v10 =	vld [tilespmem:s7+$0x10]  }
0x329: {  	v9 =	vmul.f32 v9, v3;
	v12 =	vld [tilespmem:s20+$0x40]  }
0x32a: {  	v13 =	vmul.f32 v13, v3;
	v14 =	vld [tilespmem:s20+$0x50]  }
0x32b: {  	[tilespmem:v2+s22+$0x0] =	vst.idx.add.f32.msk $0xffff, v9;
	v15 =	vunpack.i.l.s16.s32 v5  }
0x32c: {  	s16 =	sadd.s32 s1, s17;
	[tilespmem:v8+s22+$0x0] =	vst.idx.add.f32.msk $0xffff, v13;
	v8 =	vunpack.i.l.s16.s32 v11  }
0x32d: {  	v2 =	vunpack.i.u.s16.s32 v5;
	v5 =	vld [tilespmem:s16+$0x0]  }
0x32e: {  	v9 =	vmul.f32 v12, v4;
	v12 =	vld [tilespmem:s16+$0x10]  }
0x32f: {  	v7 =	vmul.f32 v7, v6;
	v13 =	vmul.f32 v14, v4;
	v14 =	vld [tilespmem:s30+$0x4400]  }
0x330: {  	[tilespmem:v15+s22+$0x0] =	vst.idx.add.f32.msk $0xffff, v9  }
0x331: {  	v11 =	vunpack.i.u.s16.s32 v11;
	[tilespmem:v8+s22+$0x0] =	vst.idx.add.f32.msk $0xffff, v7  }
0x332: {  	[tilespmem:v2+s22+$0x0] =	vst.idx.add.f32.msk $0xffff, v13  }
0x333: {  	v9 =	vld [tilespmem:s3+$0x4070]  }
0x334: {  	s9 =	simm.s32 $0x0;
	v2 =	vmul.f32 v10, v6;
	v7 =	vld [tilespmem:s20+$0x60]  }
0x335: {  	s1 =	smul.u32 $0x3000, s9;
	v10 =	vld [tilespmem:s20+$0x70]  }
0x336: {  	[tilespmem:v11+s22+$0x0] =	vst.idx.add.f32.msk $0xffff, v2;
	v2 =	vunpack.i.l.s16.s32 v14  }
0x337: {  	s10 =	simm.s32 $0x200;
	s6 =	sshra.s32 s1, $0x2;
	v8 =	vunpack.i.u.s16.s32 v14;
	v11 =	vld [tilespmem:s7+$0x20]  }
0x338: {  	s17 =	sadd.s32 $0x6180, s6;
	s20 =	sand.u32 $0x300, s10;
	v14 =	vld [tilespmem:s7+$0x30];
	v13 =	vunpack.i.l.s16.s32 v9  }
0x339: {  	v5 =	vmul.f32 v5, v3;
	s9 =	sadd.s32 s20, s17;
	v15 =	vld [tilespmem:s28+$0x4050];
	v9 =	vunpack.i.u.s16.s32 v9  }
0x33a: {  	v12 =	vmul.f32 v12, v3;
	v19 =	vld [tilespmem:s9+$0x10]  }
0x33b: {  	v7 =	vmul.f32 v7, v4;
	[tilespmem:v2+s22+$0x0] =	vst.idx.add.f32.msk $0xffff, v5  }
0x33c: {  	v2 =	vmul.f32 v10, v4;
	[tilespmem:v8+s22+$0x0] =	vst.idx.add.f32.msk $0xffff, v12  }
0x33d: {  	[tilespmem:v13+s22+$0x0] =	vst.idx.add.f32.msk $0xffff, v7  }
0x33e: {  	[tilespmem:v9+s22+$0x0] =	vst.idx.add.f32.msk $0xffff, v2  }
0x33f: {  	s1 =	sor.u32 $0x80, s20;
	s29 =	sadd.s32 $0xC180, s20;
	v2 =	vunpack.i.l.s16.s32 v15;
	v8 =	vld [tilespmem:s3+$0x4400]  }
0x340: {  	s8 =	sadd.s32 $0x6980, s11;
	s19 =	sadd.s32 s1, s17;
	v21 =	vld [tilespmem:s29+$0x4000]  }
0x341: {  	s11 =	sadd.s32 s5, s8;
	v46 =	vld [tilespmem:s19+$0x0]  }
0x342: {  	v9 =	vmul.f32 v11, v6;
	v10 =	vld [tilespmem:s11+$0x0]  }
0x343: {  	v11 =	vld [tilespmem:s11+$0x10]  }
0x344: {  	[tilespmem:v2+s22+$0x0] =	vst.idx.add.f32.msk $0xffff, v9;
	v9 =	vunpack.i.l.s16.s32 v8  }
0x345: {  	v5 =	vld [tilespmem:s16+$0x30]  }
0x346: {  	s5 =	sadd.s32 $0xC180, s1;
	v53 =	vld [tilespmem:s30+$0x4410];
	v12 =	vunpack.i.u.s16.s32 v8  }
0x347: {  	s12 =	simm.s32 $0x45;
	v13 =	vld [tilespmem:s5+$0x4000];
	v10 =	vmul.f32 v10, v4  }
0x348: {  	v8 =	vld.msk [tilespmem:s12+$0x0 ss:$0x0], $0xffff  }
0x349: {  	v11 =	vmul.f32 v11, v4;
	[tilespmem:v9+s22+$0x0] =	vst.idx.add.f32.msk $0xffff, v10  }
0x34a: {  	v10 =	vld [tilespmem:s19+$0x10]  }
0x34b: {  	[tilespmem:v12+s22+$0x0] =	vst.idx.add.f32.msk $0xffff, v11  }
0x34c: {  	v9 =	vld [tilespmem:s3+$0x4410]  }
0x34d: {  	v7 =	vld [tilespmem:s16+$0x20];
	v12 =	vunpack.i.l.s16.s32 v13  }
0x34e: {  	v2 =	vld.msk [tilespmem:s12+$0xFFFFFFFF ss:$0x0], $0xffff;
	v13 =	vunpack.i.u.s16.s32 v13  }
0x34f: {  	v17 =	vld [tilespmem:s11+$0x20]  }
0x350: {  	v16 =	vmul.f32 v46, v8;
	v47 =	vld [tilespmem:s11+$0x30]  }
0x351: {  	v11 =	vld [tilespmem:s9+$0x0];
	v10 =	vmul.f32 v10, v8;
	v20 =	vunpack.i.l.s16.s32 v9  }
0x352: {  	[tilespmem:v12+s22+$0x0] =	vst.idx.add.f32.msk $0xffff, v16;
	v9 =	vunpack.i.u.s16.s32 v9  }
0x353: {  	[tilespmem:v13+s22+$0x0] =	vst.idx.add.f32.msk $0xffff, v10  }
0x354: {  	v15 =	vunpack.i.u.s16.s32 v15;
	v10 =	vmul.f32 v17, v4;
	v12 =	vld [tilespmem:s5+$0x4010]  }
0x355: {  	v13 =	vmul.f32 v47, v4;
	v16 =	vld [tilespmem:s19+$0x20]  }
0x356: {  	[tilespmem:v20+s22+$0x0] =	vst.idx.add.f32.msk $0xffff, v10  }
0x357: {  	[tilespmem:v9+s22+$0x0] =	vst.idx.add.f32.msk $0xffff, v13;
	v9 =	vunpack.i.l.s16.s32 v21;
	v13 =	vmul.f32 v14, v6  }
0x358: {  	v48 =	vld [tilespmem:s19+$0x30];
	v14 =	vunpack.i.u.s16.s32 v21  }
0x359: {  	[tilespmem:v15+s22+$0x0] =	vst.idx.add.f32.msk $0xffff, v13;
	v13 =	vunpack.i.l.s16.s32 v12  }
0x35a: {  	v11 =	vmul.f32 v11, v2;
	v10 =	vld [tilespmem:s3+$0x4420];
	v12 =	vunpack.i.u.s16.s32 v12  }
0x35b: {  	v49 =	vld [tilespmem:s11+$0x37];
	v15 =	vmul.f32 v19, v2  }
0x35c: {  	[tilespmem:v9+s22+$0x0] =	vst.idx.add.f32.msk $0xffff, v11;
	v9 =	vmul.f32 v16, v8  }
0x35d: {  	[tilespmem:v14+s22+$0x0] =	vst.idx.add.f32.msk $0xffff, v15;
	v14 =	vmul.f32 v48, v8  }
0x35e: {  	[tilespmem:v13+s22+$0x0] =	vst.idx.add.f32.msk $0xffff, v9  }
0x35f: {  	[tilespmem:v12+s22+$0x0] =	vst.idx.add.f32.msk $0xffff, v14  }
0x360: {  	v9 =	vunpack.i.l.s16.s32 v10;
	v10 =	vld [tilespmem:s5+$0x4020]  }
0x361: {  	v50 =	vld [tilespmem:s7+$0x50]  }
0x362: {  	v13 =	vld [tilespmem:s29+$0x4010]  }
0x363: {  	v4 =	vmul.f32 v49, v4;
	v14 =	vld [tilespmem:s19+$0x40]  }
0x364: {  	v15 =	vld [tilespmem:s19+$0x50]  }
0x365: {  	[tilespmem:v9+s22+$0x0] =	vst.idx.add.f32.msk vm0, v4;
	v4 =	vunpack.i.l.s16.s32 v10  }
0x366: {  	v11 =	vld [tilespmem:s9+$0x20];
	v10 =	vunpack.i.u.s16.s32 v10  }
0x367: {  	v12 =	vld [tilespmem:s9+$0x30]  }
0x368: {  	v52 =	vld [tilespmem:s28+$0x4060];
	v51 =	vunpack.i.l.s16.s32 v13;
	v14 =	vmul.f32 v14, v8  }
0x369: {  	v9 =	vld [tilespmem:s7+$0x40];
	v13 =	vunpack.i.u.s16.s32 v13;
	v15 =	vmul.f32 v15, v8  }
0x36a: {  	[tilespmem:v4+s22+$0x0] =	vst.idx.add.f32.msk $0xffff, v14  }
0x36b: {  	v4 =	vmul.f32 v11, v2;
	[tilespmem:v10+s22+$0x0] =	vst.idx.add.f32.msk $0xffff, v15  }
0x36c: {  	v10 =	vmul.f32 v12, v2;
	v11 =	vld [tilespmem:s5+$0x4030]  }
0x36d: {  	[tilespmem:v51+s22+$0x0] =	vst.idx.add.f32.msk $0xffff, v4  }
0x36e: {  	[tilespmem:v13+s22+$0x0] =	vst.idx.add.f32.msk $0xffff, v10  }
0x36f: {  	v4 =	vunpack.i.l.s16.s32 v52;
	v10 =	vld [tilespmem:s19+$0x60]  }
0x370: {  	v12 =	vunpack.i.u.s16.s32 v52;
	v13 =	vld [tilespmem:s19+$0x70]  }
0x371: {  	v14 =	vld [tilespmem:s9+$0x40];
	v15 =	vunpack.i.l.s16.s32 v11  }
0x372: {  	v9 =	vmul.f32 v9, v6;
	v17 =	vld [tilespmem:s9+$0x50];
	v11 =	vunpack.i.u.s16.s32 v11  }
0x373: {  	v16 =	vmul.f32 v50, v6;
	v54 =	vld [tilespmem:s29+$0x4020]  }
0x374: {  	[tilespmem:v4+s22+$0x0] =	vst.idx.add.f32.msk $0xffff, v9;
	v10 =	vmul.f32 v10, v8  }
0x375: {  	v4 =	vmul.f32 v13, v8;
	[tilespmem:v12+s22+$0x0] =	vst.idx.add.f32.msk $0xffff, v16  }
0x376: {  	[tilespmem:v15+s22+$0x0] =	vst.idx.add.f32.msk $0xffff, v10  }
0x377: {  	[tilespmem:v11+s22+$0x0] =	vst.idx.add.f32.msk $0xffff, v4  }
0x378: {  	v4 =	vunpack.i.l.s16.s32 v54;
	v9 =	vld [tilespmem:s5+$0x4040]  }
0x379: {  	s12 =	sadd.s32 $0x6580, s6;
	v12 =	vld [tilespmem:s7+$0x70];
	v10 =	vunpack.i.u.s16.s32 v54  }
0x37a: {  	s17 =	sadd.s32 s1, s12;
	v11 =	vld [tilespmem:s7+$0x60]  }
0x37b: {  	v13 =	vmul.f32 v14, v2;
	v14 =	vld [tilespmem:s17+$0x0]  }
0x37c: {  	v15 =	vmul.f32 v17, v2;
	v55 =	vld [tilespmem:s17+$0x10]  }
0x37d: {  	[tilespmem:v4+s22+$0x0] =	vst.idx.add.f32.msk $0xffff, v13;
	v4 =	vunpack.i.l.s16.s32 v9  }
0x37e: {  	[tilespmem:v10+s22+$0x0] =	vst.idx.add.f32.msk $0xffff, v15;
	v9 =	vunpack.i.u.s16.s32 v9  }
0x37f: {  	v10 =	vld [tilespmem:s9+$0x60]  }
0x380: {  	v14 =	vmul.f32 v14, v8;
	v13 =	vld [tilespmem:s9+$0x70]  }
0x381: {  	v15 =	vunpack.i.l.s16.s32 v53;
	v16 =	vmul.f32 v55, v8;
	v56 =	vld [tilespmem:s29+$0x4030]  }
0x382: {  	[tilespmem:v4+s22+$0x0] =	vst.idx.add.f32.msk $0xffff, v14  }
0x383: {  	s9 =	simm.s32 $0x0;
	[tilespmem:v9+s22+$0x0] =	vst.idx.add.f32.msk $0xffff, v16  }
0x384: {  	s19 =	sadd.s32 s0, s8;
	s0 =	smul.u32 $0x3000, s9;
	v4 =	vmul.f32 v7, v3;
	v9 =	vld [tilespmem:s5+$0x4050]  }
0x385: {  	v7 =	vunpack.i.u.s16.s32 v53;
	v14 =	vld [tilespmem:s28+$0x4070]  }
0x386: {  	s3 =	simm.s32 $0x300;
	s8 =	sadd.s32 $0x6980, s6;
	s6 =	sshra.s32 s0, $0x2;
	v57 =	vunpack.i.l.s16.s32 v56;
	[tilespmem:v15+s22+$0x0] =	vst.idx.add.f32.msk $0xffff, v4  }
0x387: {  	s11 =	sadd.s32 s1, s8;
	s1 =	sand.u32 $0x300, s3;
	s10 =	sadd.s32 $0x6180, s6;
	v4 =	vmul.f32 v5, v3;
	v5 =	vunpack.i.u.s16.s32 v56;
	v15 =	vld [tilespmem:s17+$0x20]  }
0x388: {  	s9 =	sadd.s32 s1, s10;
	v58 =	vld [tilespmem:s17+$0x30]  }
0x389: {  	v10 =	vmul.f32 v10, v2;
	v28 =	vld [tilespmem:s9+$0x10];
	v59 =	vunpack.i.l.s16.s32 v9  }
0x38a: {  	[tilespmem:v7+s22+$0x0] =	vst.idx.add.f32.msk $0xffff, v4;
	v4 =	vmul.f32 v13, v2;
	v9 =	vunpack.i.u.s16.s32 v9  }
0x38b: {  	[tilespmem:v57+s22+$0x0] =	vst.idx.add.f32.msk $0xffff, v10  }
0x38c: {  	[tilespmem:v5+s22+$0x0] =	vst.idx.add.f32.msk $0xffff, v4;
	v4 =	vmul.f32 v15, v8  }
0x38d: {  	v7 =	vld [tilespmem:s16+$0x37];
	v10 =	vmul.f32 v58, v8  }
0x38e: {  	[tilespmem:v59+s22+$0x0] =	vst.idx.add.f32.msk $0xffff, v4  }
0x38f: {  	[tilespmem:v9+s22+$0x0] =	vst.idx.add.f32.msk $0xffff, v10  }
0x390: {  	s7 =	sadd.s32 s20, s12;
	v9 =	vld [tilespmem:s5+$0x4060]  }
0x391: {  	v5 =	vld [tilespmem:s7+$0x0];
	v4 =	vunpack.i.l.s16.s32 v14  }
0x392: {  	v10 =	vunpack.i.u.s16.s32 v14;
	v14 =	vld [tilespmem:s29+$0x4040]  }
0x393: {  	v15 =	vld [tilespmem:s17+$0x40]  }
0x394: {  	v11 =	vmul.f32 v11, v6;
	v60 =	vld [tilespmem:s17+$0x50]  }
0x395: {  	v12 =	vmul.f32 v12, v6;
	v13 =	vld [tilespmem:s7+$0x10];
	v61 =	vunpack.i.l.s16.s32 v9  }
0x396: {  	[tilespmem:v4+s22+$0x0] =	vst.idx.add.f32.msk $0xffff, v11;
	v4 =	vunpack.i.u.s16.s32 v9  }
0x397: {  	[tilespmem:v10+s22+$0x0] =	vst.idx.add.f32.msk $0xffff, v12  }
0x398: {  	v10 =	vunpack.i.l.s16.s32 v14;
	v9 =	vld [tilespmem:s19+$0x0];
	v11 =	vmul.f32 v15, v8  }
0x399: {  	v15 =	vmul.f32 v60, v8;
	v62 =	vld [tilespmem:s28+$0x4400]  }
0x39a: {  	[tilespmem:v61+s22+$0x0] =	vst.idx.add.f32.msk $0xffff, v11  }
0x39b: {  	v5 =	vmul.f32 v5, v2;
	v14 =	vunpack.i.u.s16.s32 v14;
	[tilespmem:v4+s22+$0x0] =	vst.idx.add.f32.msk $0xffff, v15  }
0x39c: {  	v11 =	vld [tilespmem:s5+$0x4070]  }
0x39d: {  	[tilespmem:v10+s22+$0x0] =	vst.idx.add.f32.msk $0xffff, v5  }
0x39e: {  	v4 =	vmul.f32 v13, v2;
	v5 =	vld [tilespmem:s17+$0x60]  }
0x39f: {  	v13 =	vld [tilespmem:s17+$0x70]  }
0x3a0: {  	[tilespmem:v14+s22+$0x0] =	vst.idx.add.f32.msk $0xffff, v4;
	v4 =	vunpack.i.l.s16.s32 v62  }
0x3a1: {  	v42 =	vld [tilespmem:s30+$0x4420];
	v15 =	vunpack.i.l.s16.s32 v11  }
0x3a2: {  	v12 =	vld [tilespmem:s19+$0x10];
	v11 =	vunpack.i.u.s16.s32 v11  }
0x3a3: {  	v9 =	vmul.f32 v9, v6;
	v24 =	vld [tilespmem:s29+$0x4050]  }
0x3a4: {  	v14 =	vld [tilespmem:s7+$0x20];
	v5 =	vmul.f32 v5, v8  }
0x3a5: {  	v10 =	vunpack.i.u.s16.s32 v62;
	[tilespmem:v4+s22+$0x0] =	vst.idx.add.f32.msk $0xffff, v9;
	v4 =	vmul.f32 v13, v8  }
0x3a6: {  	[tilespmem:v15+s22+$0x0] =	vst.idx.add.f32.msk $0xffff, v5  }
0x3a7: {  	[tilespmem:v11+s22+$0x0] =	vst.idx.add.f32.msk $0xffff, v4  }
0x3a8: {  	v12 =	vmul.f32 v12, v6;
	v4 =	vunpack.i.l.s16.s32 v24;
	v5 =	vld [tilespmem:s5+$0x4400]  }
0x3a9: {  	v63 =	vld [tilespmem:s7+$0x30]  }
0x3aa: {  	[tilespmem:v10+s22+$0x0] =	vst.idx.add.f32.msk $0xffff, v12  }
0x3ab: {  	v11 =	vmul.f32 v14, v2;
	v12 =	vld [tilespmem:s11+$0x0]  }
0x3ac: {  	s17 =	sor.u32 $0x80, s1;
	v13 =	vld [tilespmem:s11+$0x10]  }
0x3ad: {  	s12 =	sadd.s32 s17, s10;
	[tilespmem:v4+s22+$0x0] =	vst.idx.add.f32.msk $0xffff, v11;
	v11 =	vunpack.i.l.s16.s32 v5  }
0x3ae: {  	v25 =	vld [tilespmem:s12+$0x0];
	v14 =	vunpack.i.u.s16.s32 v5  }
0x3af: {  	s0 =	sadd.s32 $0xC180, s17;
	v10 =	vld [tilespmem:s19+$0x20]  }
0x3b0: {  	s16 =	simm.s32 $0x47;
	v15 =	vld [tilespmem:s0+$0x4000];
	v12 =	vmul.f32 v12, v8  }
0x3b1: {  	v5 =	vld.msk [tilespmem:s16+$0x0 ss:$0x0], $0xffff;
	v13 =	vmul.f32 v13, v8  }
0x3b2: {  	[tilespmem:v11+s22+$0x0] =	vst.idx.add.f32.msk $0xffff, v12  }
0x3b3: {  	[tilespmem:v14+s22+$0x0] =	vst.idx.add.f32.msk $0xffff, v13  }
0x3b4: {  	v11 =	vld [tilespmem:s5+$0x4410]  }
0x3b5: {  	v12 =	vld [tilespmem:s12+$0x10];
	v13 =	vunpack.i.l.s16.s32 v15  }
0x3b6: {  	v4 =	vld.msk [tilespmem:s16+$0xFFFFFFFF ss:$0x0], $0xffff  }
0x3b7: {  	v15 =	vunpack.i.u.s16.s32 v15;
	v26 =	vld [tilespmem:s11+$0x20]  }
0x3b8: {  	v18 =	vmul.f32 v25, v5;
	v27 =	vld [tilespmem:s11+$0x30]  }
0x3b9: {  	v14 =	vld [tilespmem:s9+$0x0];
	v22 =	vunpack.i.l.s16.s32 v11  }
0x3ba: {  	s31 =	sadd.s32 $0xC180, s1;
	v12 =	vmul.f32 v12, v5;
	[tilespmem:v13+s22+$0x0] =	vst.idx.add.f32.msk $0xffff, v18;
	v11 =	vunpack.i.u.s16.s32 v11  }
0x3bb: {  	v13 =	vld [tilespmem:s31+$0x4000]  }
0x3bc: {  	v17 =	vunpack.i.u.s16.s32 v24;
	[tilespmem:v15+s22+$0x0] =	vst.idx.add.f32.msk $0xffff, v12;
	v12 =	vmul.f32 v26, v8  }
0x3bd: {  	v29 =	vmul.f32 v27, v8;
	v15 =	vld [tilespmem:s0+$0x4010]  }
0x3be: {  	[tilespmem:v22+s22+$0x0] =	vst.idx.add.f32.msk $0xffff, v12  }
0x3bf: {  	v12 =	vmul.f32 v63, v2;
	[tilespmem:v11+s22+$0x0] =	vst.idx.add.f32.msk $0xffff, v29  }
0x3c0: {  	v11 =	vunpack.i.l.s16.s32 v13;
	v30 =	vld [tilespmem:s5+$0x4420]  }
0x3c1: {  	[tilespmem:v17+s22+$0x0] =	vst.idx.add.f32.msk $0xffff, v12  }
0x3c2: {  	v13 =	vunpack.i.u.s16.s32 v13;
	v12 =	vld [tilespmem:s12+$0x20]  }
0x3c3: {  	v14 =	vmul.f32 v14, v4;
	v31 =	vld [tilespmem:s12+$0x30]  }
0x3c4: {  	v34 =	vunpack.i.l.s16.s32 v15;
	v33 =	vld [tilespmem:s11+$0x37]  }
0x3c5: {  	v32 =	vmul.f32 v28, v4;
	[tilespmem:v11+s22+$0x0] =	vst.idx.add.f32.msk $0xffff, v14;
	v11 =	vunpack.i.u.s16.s32 v15  }
0x3c6: {  	v9 =	vld [tilespmem:s19+$0x30]  }
0x3c7: {  	[tilespmem:v13+s22+$0x0] =	vst.idx.add.f32.msk $0xffff, v32;
	v13 =	vunpack.i.l.s16.s32 v30;
	v12 =	vmul.f32 v12, v5  }
0x3c8: {  	v41 =	vld [tilespmem:s28+$0x4410];
	v35 =	vmul.f32 v31, v5  }
0x3c9: {  	[tilespmem:v34+s22+$0x0] =	vst.idx.add.f32.msk $0xffff, v12  }
0x3ca: {  	v8 =	vmul.f32 v33, v8;
	[tilespmem:v11+s22+$0x0] =	vst.idx.add.f32.msk $0xffff, v35  }
0x3cb: {  	v11 =	vld [tilespmem:s0+$0x4020]  }
0x3cc: {  	[tilespmem:v13+s22+$0x0] =	vst.idx.add.f32.msk vm0, v8  }
0x3cd: {  	v8 =	vld [tilespmem:s31+$0x4010]  }
0x3ce: {  	v12 =	vld [tilespmem:s12+$0x40]  }
0x3cf: {  	v13 =	vld [tilespmem:s12+$0x50]  }
0x3d0: {  	v36 =	vld [tilespmem:s7+$0x40];
	v37 =	vunpack.i.l.s16.s32 v11  }
0x3d1: {  	v14 =	vld [tilespmem:s9+$0x20];
	v11 =	vunpack.i.u.s16.s32 v11  }
0x3d2: {  	v15 =	vld [tilespmem:s9+$0x30]  }
0x3d3: {  	v38 =	vld [tilespmem:s7+$0x50];
	v40 =	vunpack.i.l.s16.s32 v8;
	v12 =	vmul.f32 v12, v5  }
0x3d4: {  	v39 =	vld [tilespmem:s29+$0x4060];
	v8 =	vunpack.i.u.s16.s32 v8;
	v13 =	vmul.f32 v13, v5  }
0x3d5: {  	[tilespmem:v37+s22+$0x0] =	vst.idx.add.f32.msk $0xffff, v12  }
0x3d6: {  	v12 =	vmul.f32 v14, v4;
	[tilespmem:v11+s22+$0x0] =	vst.idx.add.f32.msk $0xffff, v13  }
0x3d7: {  	v11 =	vmul.f32 v15, v4;
	v13 =	vld [tilespmem:s0+$0x4030]  }
0x3d8: {  	[tilespmem:v40+s22+$0x0] =	vst.idx.add.f32.msk $0xffff, v12  }
0x3d9: {  	[tilespmem:v8+s22+$0x0] =	vst.idx.add.f32.msk $0xffff, v11  }
0x3da: {  	v8 =	vunpack.i.l.s16.s32 v39;
	v11 =	vld [tilespmem:s12+$0x60]  }
0x3db: {  	v12 =	vunpack.i.u.s16.s32 v39;
	v14 =	vld [tilespmem:s12+$0x70]  }
0x3dc: {  	v15 =	vld [tilespmem:s9+$0x40];
	v43 =	vunpack.i.l.s16.s32 v13  }
0x3dd: {  	v16 =	vmul.f32 v36, v2;
	v44 =	vld [tilespmem:s9+$0x50];
	v13 =	vunpack.i.u.s16.s32 v13  }
0x3de: {  	v18 =	vmul.f32 v38, v2;
	v20 =	vld [tilespmem:s31+$0x4020]  }
0x3df: {  	v11 =	vmul.f32 v11, v5;
	[tilespmem:v8+s22+$0x0] =	vst.idx.add.f32.msk $0xffff, v16  }
0x3e0: {  	v8 =	vmul.f32 v14, v5;
	[tilespmem:v12+s22+$0x0] =	vst.idx.add.f32.msk $0xffff, v18  }
0x3e1: {  	[tilespmem:v43+s22+$0x0] =	vst.idx.add.f32.msk $0xffff, v11  }
0x3e2: {  	[tilespmem:v13+s22+$0x0] =	vst.idx.add.f32.msk $0xffff, v8  }
0x3e3: {  	v8 =	vunpack.i.l.s16.s32 v20;
	v11 =	vld [tilespmem:s0+$0x4040]  }
0x3e4: {  	s11 =	sadd.s32 $0x6580, s6;
	v14 =	vld [tilespmem:s7+$0x70]  }
0x3e5: {  	s12 =	sadd.s32 s17, s11;
	v12 =	vunpack.i.u.s16.s32 v20;
	v50 =	vld [tilespmem:s29+$0x4070]  }
0x3e6: {  	v15 =	vmul.f32 v15, v4;
	v45 =	vld [tilespmem:s12+$0x0]  }
0x3e7: {  	v47 =	vld [tilespmem:s12+$0x10]  }
0x3e8: {  	v46 =	vmul.f32 v44, v4;
	[tilespmem:v8+s22+$0x0] =	vst.idx.add.f32.msk $0xffff, v15;
	v8 =	vunpack.i.l.s16.s32 v11  }
0x3e9: {  	v13 =	vld [tilespmem:s7+$0x60];
	v11 =	vunpack.i.u.s16.s32 v11  }
0x3ea: {  	[tilespmem:v12+s22+$0x0] =	vst.idx.add.f32.msk $0xffff, v46  }
0x3eb: {  	v16 =	vmul.f32 v45, v5;
	v49 =	vld [tilespmem:s31+$0x4030]  }
0x3ec: {  	v48 =	vunpack.i.l.s16.s32 v41;
	v18 =	vmul.f32 v47, v5;
	v12 =	vld [tilespmem:s9+$0x60]  }
0x3ed: {  	[tilespmem:v8+s22+$0x0] =	vst.idx.add.f32.msk $0xffff, v16  }
0x3ee: {  	[tilespmem:v11+s22+$0x0] =	vst.idx.add.f32.msk $0xffff, v18  }
0x3ef: {  	v8 =	vmul.f32 v10, v6;
	v10 =	vunpack.i.u.s16.s32 v41;
	v11 =	vld [tilespmem:s0+$0x4050]  }
0x3f0: {  	v15 =	vld [tilespmem:s9+$0x70];
	v51 =	vunpack.i.l.s16.s32 v49  }
0x3f1: {  	[tilespmem:v48+s22+$0x0] =	vst.idx.add.f32.msk $0xffff, v8  }
0x3f2: {  	v8 =	vmul.f32 v9, v6;
	v9 =	vunpack.i.u.s16.s32 v49;
	v52 =	vld [tilespmem:s12+$0x20]  }
0x3f3: {  	v12 =	vmul.f32 v12, v4;
	v53 =	vld [tilespmem:s12+$0x30]  }
0x3f4: {  	[tilespmem:v10+s22+$0x0] =	vst.idx.add.f32.msk $0xffff, v8;
	v54 =	vunpack.i.l.s16.s32 v11  }
0x3f5: {  	v8 =	vmul.f32 v15, v4;
	[tilespmem:v51+s22+$0x0] =	vst.idx.add.f32.msk $0xffff, v12;
	v10 =	vunpack.i.u.s16.s32 v11  }
0x3f6: {  	v11 =	vld [tilespmem:s19+$0x37]  }
0x3f7: {  	s19 =	sadd.s32 s1, s11;
	[tilespmem:v9+s22+$0x0] =	vst.idx.add.f32.msk $0xffff, v8;
	v8 =	vmul.f32 v52, v5  }
0x3f8: {  	v12 =	vmul.f32 v53, v5;
	v9 =	vld [tilespmem:s19+$0x0]  }
0x3f9: {  	[tilespmem:v54+s22+$0x0] =	vst.idx.add.f32.msk $0xffff, v8  }
0x3fa: {  	[tilespmem:v10+s22+$0x0] =	vst.idx.add.f32.msk $0xffff, v12  }
0x3fb: {  	v8 =	vunpack.i.l.s16.s32 v50;
	v10 =	vld [tilespmem:s0+$0x4060]  }
0x3fc: {  	v15 =	vld [tilespmem:s19+$0x10];
	v12 =	vunpack.i.u.s16.s32 v50  }
0x3fd: {  	v55 =	vld [tilespmem:s31+$0x4040]  }
0x3fe: {  	v13 =	vmul.f32 v13, v2;
	v56 =	vld [tilespmem:s12+$0x40]  }
0x3ff: {  	v14 =	vmul.f32 v14, v2;
	v57 =	vld [tilespmem:s12+$0x50]  }
0x400: {  	[tilespmem:v8+s22+$0x0] =	vst.idx.add.f32.msk $0xffff, v13;
	v58 =	vunpack.i.l.s16.s32 v10  }
0x401: {  	s30 =	sadd.s32 s20, s8;
	[tilespmem:v12+s22+$0x0] =	vst.idx.add.f32.msk $0xffff, v14;
	v8 =	vunpack.i.u.s16.s32 v10  }
0x402: {  	v10 =	vld [tilespmem:s30+$0x0]  }
0x403: {  	v12 =	vunpack.i.l.s16.s32 v55;
	v13 =	vmul.f32 v56, v5;
	v14 =	vld [tilespmem:s30+$0x10]  }
0x404: {  	v59 =	vmul.f32 v57, v5;
	v60 =	vld [tilespmem:s29+$0x4400]  }
0x405: {  	v16 =	vunpack.i.u.s16.s32 v55;
	[tilespmem:v58+s22+$0x0] =	vst.idx.add.f32.msk $0xffff, v13  }
0x406: {  	v9 =	vmul.f32 v9, v4;
	[tilespmem:v8+s22+$0x0] =	vst.idx.add.f32.msk $0xffff, v59  }
0x407: {  	v13 =	vld [tilespmem:s0+$0x4070]  }
0x408: {  	[tilespmem:v12+s22+$0x0] =	vst.idx.add.f32.msk $0xffff, v9;
	v8 =	vmul.f32 v15, v4  }
0x409: {  	v9 =	vld [tilespmem:s12+$0x60]  }
0x40a: {  	[tilespmem:v16+s22+$0x0] =	vst.idx.add.f32.msk $0xffff, v8;
	v8 =	vunpack.i.l.s16.s32 v60  }
0x40b: {  	v12 =	vunpack.i.u.s16.s32 v60;
	v15 =	vld [tilespmem:s12+$0x70]  }
0x40c: {  	v16 =	vld [tilespmem:s19+$0x20];
	v61 =	vunpack.i.l.s16.s32 v13  }
0x40d: {  	v10 =	vmul.f32 v10, v2;
	v62 =	vld [tilespmem:s19+$0x30];
	v13 =	vunpack.i.u.s16.s32 v13  }
0x40e: {  	v14 =	vmul.f32 v14, v2;
	v63 =	vld [tilespmem:s31+$0x4050]  }
0x40f: {  	v9 =	vmul.f32 v9, v5;
	[tilespmem:v8+s22+$0x0] =	vst.idx.add.f32.msk $0xffff, v10  }
0x410: {  	v8 =	vmul.f32 v15, v5;
	[tilespmem:v12+s22+$0x0] =	vst.idx.add.f32.msk $0xffff, v14  }
0x411: {  	[tilespmem:v61+s22+$0x0] =	vst.idx.add.f32.msk $0xffff, v9  }
0x412: {  	v3 =	vmul.f32 v7, v3;
	[tilespmem:v13+s22+$0x0] =	vst.idx.add.f32.msk $0xffff, v8  }
0x413: {  	v7 =	vunpack.i.l.s16.s32 v42;
	v6 =	vmul.f32 v11, v6;
	v13 =	vunpack.i.l.s16.s32 v63;
	v10 =	vld [tilespmem:s0+$0x4400]  }
0x414: {  	s20 =	simm.s32 $0x6;
	s5 =	sadd.s32 $0x6980, s6;
	v11 =	vmul.f32 v62, v4;
	v12 =	vunpack.i.u.s16.s32 v63;
	v9 =	vld [tilespmem:s30+$0x20];
	v8 =	vmul.f32 v16, v4  }
.LBB2_6:
0x415: {  	s20 =	sadd.s32 $0x2, s20;
	s6 =	sadd.s32 s1, s5;
	s10 =	sadd.s32 s17, s5;
	v14 =	vld [tilespmem:s30+$0x30]  }
0x416: {  	s1 =	sshrl.u32 s20, $0x3;
	p3 =	slt.u32 s20, $0x3E;
	v15 =	vld [tilespmem:s10+$0x0]  }
0x417: {  	s3 =	sadd.s32 $0x100, s3;
	s5 =	smul.u32 $0x3000, s1;
	v16 =	vld [tilespmem:s10+$0x10]  }
0x418: {  	s16 =	sadd.s32 $0x2, s16;
	s7 =	sshll.u32 s1, $0xB;
	s1 =	sand.u32 $0x300, s3;
	[tilespmem:v13+s22+$0x0] =	vst.idx.add.f32.msk $0xffff, v8;
	v13 =	vunpack.i.l.s16.s32 v10  }
0x419: {  	s7 =	sadd.s32 $0xC180, s7;
	s17 =	sor.u32 $0x80, s1;
	v17 =	vunpack.i.u.s16.s32 v10;
	v8 =	vld.msk [tilespmem:s16+$0xFFFFFFFF ss:$0x0], $0xffff;
	s5 =	sshra.s32 s5, $0x2;
	v10 =	vmul.f32 v9, v2  }
0x41a: {  	s9 =	sadd.s32 s1, s7;
	s11 =	sadd.s32 s17, s7;
	s8 =	sadd.s32 $0x6180, s5;
	v18 =	vld.msk [tilespmem:s16+$0x0 ss:$0x0], $0xffff;
	v9 =	vmul.f32 v14, v2  }
0x41b: {  	s7 =	sadd.s32 s1, s8;
	v14 =	vld [tilespmem:s11+$0x4000];
	s8 =	sadd.s32 s17, s8;
	v15 =	vmul.f32 v15, v5  }
0x41c: {  	v19 =	vld [tilespmem:s8+$0x0];
	v16 =	vmul.f32 v16, v5  }
0x41d: {  	[tilespmem:v13+s22+$0x0] =	vst.idx.add.f32.msk $0xffff, v15  }
0x41e: {  	[tilespmem:v17+s22+$0x0] =	vst.idx.add.f32.msk $0xffff, v16  }
0x41f: {  	v13 =	vld [tilespmem:s0+$0x4410]  }
0x420: {  	v15 =	vld [tilespmem:s8+$0x10]  }
0x421: {  	v17 =	vunpack.i.l.s16.s32 v14;
	v16 =	vld [tilespmem:s7+$0x0]  }
0x422: {  	v14 =	vunpack.i.u.s16.s32 v14;
	v20 =	vld [tilespmem:s10+$0x20]  }
0x423: {  	v21 =	vld [tilespmem:s10+$0x30]  }
0x424: {  	v19 =	vmul.f32 v19, v18;
	v22 =	vld [tilespmem:s7+$0x10];
	v23 =	vunpack.i.l.s16.s32 v13  }
0x425: {  	v13 =	vunpack.i.u.s16.s32 v13;
	v24 =	vld [tilespmem:s9+$0x4000];
	v15 =	vmul.f32 v15, v18  }
0x426: {  	v16 =	vmul.f32 v16, v8;
	[tilespmem:v17+s22+$0x0] =	vst.idx.add.f32.msk $0xffff, v19  }
0x427: {  	[tilespmem:v14+s22+$0x0] =	vst.idx.add.f32.msk $0xffff, v15;
	v14 =	vmul.f32 v20, v5  }
0x428: {  	v15 =	vld [tilespmem:s11+$0x4010];
	v17 =	vmul.f32 v21, v5  }
0x429: {  	v19 =	vmul.f32 v22, v8;
	[tilespmem:v23+s22+$0x0] =	vst.idx.add.f32.msk $0xffff, v14  }
0x42a: {  	v14 =	vunpack.i.u.s16.s32 v24;
	v20 =	vunpack.i.l.s16.s32 v24;
	[tilespmem:v13+s22+$0x0] =	vst.idx.add.f32.msk $0xffff, v17  }
0x42b: {  	v13 =	vld [tilespmem:s0+$0x4420];
	s0 =	smov.u32 s11  }
0x42c: {  	[tilespmem:v12+s22+$0x0] =	vst.idx.add.f32.msk $0xffff, v11  }
0x42d: {  	v11 =	vld [tilespmem:s8+$0x20]  }
0x42e: {  	v12 =	vld [tilespmem:s10+$0x37]  }
0x42f: {  	v17 =	vunpack.i.l.s16.s32 v15;
	v21 =	vld [tilespmem:s8+$0x30]  }
0x430: {  	[tilespmem:v20+s22+$0x0] =	vst.idx.add.f32.msk $0xffff, v16;
	v13 =	vunpack.i.l.s16.s32 v13  }
0x431: {  	[tilespmem:v14+s22+$0x0] =	vst.idx.add.f32.msk $0xffff, v19;
	v14 =	vunpack.i.u.s16.s32 v15  }
0x432: {  	v15 =	vld [tilespmem:s7+$0x20];
	v11 =	vmul.f32 v11, v18  }
0x433: {  	v16 =	vld [tilespmem:s7+$0x30];
	v12 =	vmul.f32 v12, v5;
	v5 =	vmov v18  }
0x434: {  	[tilespmem:v17+s22+$0x0] =	vst.idx.add.f32.msk $0xffff, v11;
	v11 =	vmul.f32 v21, v5  }
0x435: {  	[tilespmem:v13+s22+$0x0] =	vst.idx.add.f32.msk vm0, v12  }
0x436: {  	[tilespmem:v14+s22+$0x0] =	vst.idx.add.f32.msk $0xffff, v11  }
0x437: {  	v11 =	vmul.f32 v15, v8;
	v12 =	vld [tilespmem:s0+$0x4020]  }
0x438: {  	v13 =	vld [tilespmem:s9+$0x4010];
	v14 =	vmul.f32 v16, v8  }
0x439: {  	v15 =	vld [tilespmem:s19+$0x40]  }
0x43a: {  	v16 =	vld [tilespmem:s8+$0x40]  }
0x43b: {  	v17 =	vld [tilespmem:s8+$0x50]  }
0x43c: {  	v18 =	vunpack.i.l.s16.s32 v12;
	v19 =	vld [tilespmem:s19+$0x50]  }
0x43d: {  	v12 =	vunpack.i.u.s16.s32 v12;
	v20 =	vunpack.i.u.s16.s32 v13;
	v13 =	vunpack.i.l.s16.s32 v13;
	v21 =	vld [tilespmem:s31+$0x4060]  }
0x43e: {  	v15 =	vmul.f32 v15, v4;
	v22 =	vld [tilespmem:s29+$0x4410]  }
0x43f: {  	v16 =	vmul.f32 v16, v5;
	v23 =	vld [tilespmem:s28+$0x4420];
	s28 =	smov.u32 s29;
	s29 =	smov.u32 s31;
	s31 =	smov.u32 s9  }
0x440: {  	v17 =	vmul.f32 v17, v5;
	[tilespmem:v7+s22+$0x0] =	vst.idx.add.f32.msk vm0, v3;
	v3 =	vmov v6  }
0x441: {  	[tilespmem:v18+s22+$0x0] =	vst.idx.add.f32.msk $0xffff, v16;
	v6 =	vmul.f32 v19, v4  }
0x442: {  	[tilespmem:v12+s22+$0x0] =	vst.idx.add.f32.msk $0xffff, v17;
	v12 =	vunpack.i.u.s16.s32 v21;
	v16 =	vunpack.i.l.s16.s32 v21  }
0x443: {  	v17 =	vld [tilespmem:s0+$0x4030];
	v18 =	vunpack.i.u.s16.s32 v22;
	v19 =	vunpack.i.l.s16.s32 v22  }
0x444: {  	[tilespmem:v13+s22+$0x0] =	vst.idx.add.f32.msk $0xffff, v11;
	v7 =	vunpack.i.l.s16.s32 v23  }
0x445: {  	[tilespmem:v20+s22+$0x0] =	vst.idx.add.f32.msk $0xffff, v14  }
0x446: {  	v11 =	vld [tilespmem:s8+$0x60]  }
0x447: {  	v13 =	vld [tilespmem:s8+$0x70]  }
0x448: {  	v14 =	vld [tilespmem:s7+$0x40];
	v20 =	vunpack.i.l.s16.s32 v17  }
0x449: {  	v17 =	vunpack.i.u.s16.s32 v17;
	v21 =	vld [tilespmem:s7+$0x50]  }
0x44a: {  	v22 =	vld [tilespmem:s31+$0x4020]  }
0x44b: {  	v11 =	vmul.f32 v11, v5;
	[tilespmem:v16+s22+$0x0] =	vst.idx.add.f32.msk $0xffff, v15  }
0x44c: {  	v13 =	vmul.f32 v13, v5;
	[tilespmem:v12+s22+$0x0] =	vst.idx.add.f32.msk $0xffff, v6  }
0x44d: {  	v6 =	vmul.f32 v14, v8;
	[tilespmem:v20+s22+$0x0] =	vst.idx.add.f32.msk $0xffff, v11  }
0x44e: {  	v11 =	vmul.f32 v21, v8;
	[tilespmem:v17+s22+$0x0] =	vst.idx.add.f32.msk $0xffff, v13  }
0x44f: {  	v12 =	vunpack.i.u.s16.s32 v22;
	v13 =	vunpack.i.l.s16.s32 v22;
	v14 =	vld [tilespmem:s0+$0x4040]  }
0x450: {  	s9 =	sadd.s32 $0x6580, s5;
	v15 =	vld [tilespmem:s19+$0x60]  }
0x451: {  	s8 =	sadd.s32 s17, s9;
	v16 =	vld [tilespmem:s19+$0x70];
	s19 =	sadd.s32 s1, s9  }
0x452: {  	v17 =	vld [tilespmem:s8+$0x0]  }
0x453: {  	v20 =	vld [tilespmem:s8+$0x10]  }
0x454: {  	[tilespmem:v13+s22+$0x0] =	vst.idx.add.f32.msk $0xffff, v6;
	v6 =	vunpack.i.l.s16.s32 v14  }
0x455: {  	[tilespmem:v12+s22+$0x0] =	vst.idx.add.f32.msk $0xffff, v11;
	v11 =	vunpack.i.u.s16.s32 v14;
	v12 =	vmul.f32 v15, v4  }
0x456: {  	v13 =	vld [tilespmem:s7+$0x60];
	v14 =	vmul.f32 v16, v4  }
0x457: {  	v15 =	vld [tilespmem:s7+$0x70];
	v16 =	vmul.f32 v17, v5  }
0x458: {  	v17 =	vld [tilespmem:s31+$0x4030];
	v20 =	vmul.f32 v20, v5  }
0x459: {  	[tilespmem:v6+s22+$0x0] =	vst.idx.add.f32.msk $0xffff, v16  }
0x45a: {  	[tilespmem:v11+s22+$0x0] =	vst.idx.add.f32.msk $0xffff, v20  }
0x45b: {  	v6 =	vmul.f32 v13, v8;
	v11 =	vld [tilespmem:s0+$0x4050]  }
0x45c: {  	v13 =	vmul.f32 v15, v8;
	v15 =	vld [tilespmem:s29+$0x4070]  }
0x45d: {  	v16 =	vunpack.i.u.s16.s32 v17;
	v17 =	vunpack.i.l.s16.s32 v17;
	[tilespmem:v19+s22+$0x0] =	vst.idx.add.f32.msk $0xffff, v10  }
0x45e: {  	v10 =	vld [tilespmem:s8+$0x20]  }
0x45f: {  	v19 =	vld [tilespmem:s8+$0x30]  }
0x460: {  	v20 =	vunpack.i.l.s16.s32 v11;
	[tilespmem:v18+s22+$0x0] =	vst.idx.add.f32.msk $0xffff, v9  }
0x461: {  	v9 =	vunpack.i.u.s16.s32 v11;
	v11 =	vunpack.i.u.s16.s32 v15;
	v15 =	vunpack.i.l.s16.s32 v15;
	v18 =	vld [tilespmem:s30+$0x37];
	s30 =	smov.u32 s6  }
0x462: {  	[tilespmem:v17+s22+$0x0] =	vst.idx.add.f32.msk $0xffff, v6  }
0x463: {  	[tilespmem:v16+s22+$0x0] =	vst.idx.add.f32.msk $0xffff, v13;
	v6 =	vmul.f32 v10, v5  }
0x464: {  	v10 =	vld [tilespmem:s19+$0x0];
	v13 =	vmul.f32 v19, v5  }
0x465: {  	[tilespmem:v20+s22+$0x0] =	vst.idx.add.f32.msk $0xffff, v6  }
0x466: {  	[tilespmem:v9+s22+$0x0] =	vst.idx.add.f32.msk $0xffff, v13;
	v6 =	vmul.f32 v18, v2;
	v2 =	vmov v4;
	v4 =	vmov v8  }
0x467: {  	v8 =	vld [tilespmem:s0+$0x4060]  }
0x468: {  	v9 =	vld [tilespmem:s19+$0x10]  }
0x469: {  	v13 =	vld [tilespmem:s31+$0x4040];
	v10 =	vmul.f32 v10, v4  }
0x46a: {  	v16 =	vld [tilespmem:s8+$0x40]  }
0x46b: {  	v17 =	vld [tilespmem:s8+$0x50]  }
0x46c: {  	v18 =	vunpack.i.l.s16.s32 v8;
	[tilespmem:v15+s22+$0x0] =	vst.idx.add.f32.msk $0xffff, v12  }
0x46d: {  	v8 =	vunpack.i.u.s16.s32 v8;
	v9 =	vmul.f32 v9, v4;
	[tilespmem:v11+s22+$0x0] =	vst.idx.add.f32.msk $0xffff, v14  }
0x46e: {  	v11 =	vunpack.i.u.s16.s32 v13;
	v12 =	vunpack.i.l.s16.s32 v13;
	v13 =	vld [tilespmem:s30+$0x0]  }
0x46f: {  	v14 =	vmul.f32 v16, v5;
	v15 =	vld [tilespmem:s30+$0x10]  }
0x470: {  	v16 =	vmul.f32 v17, v5;
	v17 =	vld [tilespmem:s29+$0x4400]  }
0x471: {  	[tilespmem:v18+s22+$0x0] =	vst.idx.add.f32.msk $0xffff, v14  }
0x472: {  	[tilespmem:v8+s22+$0x0] =	vst.idx.add.f32.msk $0xffff, v16  }
0x473: {  	v8 =	vld [tilespmem:s0+$0x4070];
	v13 =	vmul.f32 v13, v2  }
0x474: {  	[tilespmem:v12+s22+$0x0] =	vst.idx.add.f32.msk $0xffff, v10;
	v10 =	vmul.f32 v15, v2  }
0x475: {  	[tilespmem:v11+s22+$0x0] =	vst.idx.add.f32.msk $0xffff, v9;
	v9 =	vunpack.i.u.s16.s32 v17;
	v11 =	vunpack.i.l.s16.s32 v17  }
0x476: {  	v12 =	vld [tilespmem:s8+$0x60]  }
0x477: {  	v14 =	vld [tilespmem:s8+$0x70]  }
0x478: {  	v15 =	vld [tilespmem:s19+$0x20];
	v16 =	vunpack.i.l.s16.s32 v8  }
0x479: {  	v18 =	vunpack.i.u.s16.s32 v8;
	v17 =	vld [tilespmem:s19+$0x30]  }
0x47a: {  	v19 =	vld [tilespmem:s31+$0x4050]  }
0x47b: {  	v12 =	vmul.f32 v12, v5;
	[tilespmem:v11+s22+$0x0] =	vst.idx.add.f32.msk $0xffff, v13  }
.Ltmp2:
0x47c: {  	v13 =	vmul.f32 v14, v5;
	[tilespmem:v9+s22+$0x0] =	vst.idx.add.f32.msk $0xffff, v10;
	(pc) =	sbr.rel @p3 .LBB2_6-.Ltmp2, $4  }
0x47d: {  	v8 =	vmul.f32 v15, v4;
	[tilespmem:v16+s22+$0x0] =	vst.idx.add.f32.msk $0xffff, v12  }
0x47e: {  	v11 =	vmul.f32 v17, v4;
	[tilespmem:v18+s22+$0x0] =	vst.idx.add.f32.msk $0xffff, v13  }
0x47f: {  	v12 =	vunpack.i.u.s16.s32 v19;
	v13 =	vunpack.i.l.s16.s32 v19;
	v10 =	vld [tilespmem:s0+$0x4400]  }
0x480: {  	s5 =	sadd.s32 $0x6980, s5;
	v9 =	vld [tilespmem:s30+$0x20]  }
0x481: {  	_ =	sdelay $0x3  }
0x482: {  	[tilespmem:v13+s22+$0x0] =	vst.idx.add.f32.msk $0xffff, v8  }
0x483: {  	[tilespmem:v12+s22+$0x0] =	vst.idx.add.f32.msk $0xffff, v11  }
0x484: {  	v8 =	vld [tilespmem:s31+$0x4060];
	_ =	sdelay $0x2  }
0x485: {  	v11 =	vld [tilespmem:s19+$0x40]  }
0x486: {  	v12 =	vld [tilespmem:s19+$0x50]  }
0x487: {  	v13 =	vunpack.i.l.s16.s32 v8  }
0x488: {  	v8 =	vunpack.i.u.s16.s32 v8;
	_ =	sdelay $0x1  }
0x489: {  	s3 =	sadd.s32 s17, s5;
	v11 =	vmul.f32 v11, v4  }
0x48a: {  	v14 =	vld [tilespmem:s3+$0x0];
	v12 =	vmul.f32 v12, v4  }
0x48b: {  	[tilespmem:v13+s22+$0x0] =	vst.idx.add.f32.msk $0xffff, v11  }
0x48c: {  	[tilespmem:v8+s22+$0x0] =	vst.idx.add.f32.msk $0xffff, v12  }
0x48d: {  	v8 =	vld [tilespmem:s31+$0x4070]  }
0x48e: {  	v11 =	vld [tilespmem:s3+$0x10]  }
0x48f: {  	v12 =	vunpack.i.l.s16.s32 v10  }
0x490: {  	v10 =	vunpack.i.u.s16.s32 v10;
	v13 =	vld [tilespmem:s19+$0x60]  }
0x491: {  	v15 =	vld [tilespmem:s19+$0x70]  }
0x492: {  	v14 =	vmul.f32 v14, v5;
	v16 =	vunpack.i.l.s16.s32 v8  }
0x493: {  	v11 =	vmul.f32 v11, v5;
	v8 =	vunpack.i.u.s16.s32 v8  }
0x494: {  	[tilespmem:v12+s22+$0x0] =	vst.idx.add.f32.msk $0xffff, v14  }
0x495: {  	[tilespmem:v10+s22+$0x0] =	vst.idx.add.f32.msk $0xffff, v11;
	v10 =	vmul.f32 v13, v4  }
0x496: {  	v12 =	vmul.f32 v15, v4;
	v11 =	vld [tilespmem:s0+$0x4410]  }
0x497: {  	[tilespmem:v16+s22+$0x0] =	vst.idx.add.f32.msk $0xffff, v10  }
0x498: {  	[tilespmem:v8+s22+$0x0] =	vst.idx.add.f32.msk $0xffff, v12  }
0x499: {  	v8 =	vld [tilespmem:s31+$0x4400]  }
0x49a: {  	v10 =	vld [tilespmem:s3+$0x20]  }
0x49b: {  	s1 =	sadd.s32 s1, s5  }
0x49c: {  	v12 =	vunpack.i.l.s16.s32 v11;
	v13 =	vld [tilespmem:s1+$0x0]  }
0x49d: {  	v14 =	vld [tilespmem:s1+$0x10]  }
0x49e: {  	v15 =	vunpack.i.l.s16.s32 v8  }
0x49f: {  	v17 =	vld [tilespmem:s30+$0x30];
	v10 =	vmul.f32 v10, v5;
	v8 =	vunpack.i.u.s16.s32 v8  }
0x4a0: {  	v37 =	vld [tilespmem:s3+$0x30]  }
0x4a1: {  	[tilespmem:v12+s22+$0x0] =	vst.idx.add.f32.msk $0xffff, v10;
	v10 =	vmul.f32 v13, v4  }
0x4a2: {  	v11 =	vunpack.i.u.s16.s32 v11;
	v12 =	vld [tilespmem:s29+$0x4410];
	v13 =	vmul.f32 v14, v4  }
0x4a3: {  	[tilespmem:v15+s22+$0x0] =	vst.idx.add.f32.msk $0xffff, v10  }
0x4a4: {  	[tilespmem:v8+s22+$0x0] =	vst.idx.add.f32.msk $0xffff, v13  }
0x4a5: {  	v10 =	vmul.f32 v37, v5;
	v8 =	vld [tilespmem:s31+$0x4410]  }
0x4a6: {  	v18 =	vld [tilespmem:s28+$0x4420]  }
0x4a7: {  	[tilespmem:v11+s22+$0x0] =	vst.idx.add.f32.msk $0xffff, v10;
	v11 =	vunpack.i.l.s16.s32 v12  }
0x4a8: {  	v12 =	vunpack.i.u.s16.s32 v12;
	v13 =	vld [tilespmem:s1+$0x20]  }
0x4a9: {  	v14 =	vld [tilespmem:s1+$0x30]  }
0x4aa: {  	v9 =	vmul.f32 v9, v2;
	v10 =	vld [tilespmem:s0+$0x4420];
	v38 =	vunpack.i.l.s16.s32 v8  }
0x4ab: {  	v17 =	vmul.f32 v17, v2;
	v15 =	vld [tilespmem:s3+$0x37];
	v8 =	vunpack.i.u.s16.s32 v8  }
0x4ac: {  	[tilespmem:v11+s22+$0x0] =	vst.idx.add.f32.msk $0xffff, v9  }
0x4ad: {  	v9 =	vmul.f32 v13, v4;
	[tilespmem:v12+s22+$0x0] =	vst.idx.add.f32.msk $0xffff, v17  }
0x4ae: {  	v11 =	vmul.f32 v14, v4;
	v12 =	vld [tilespmem:s29+$0x4420]  }
0x4af: {  	[tilespmem:v38+s22+$0x0] =	vst.idx.add.f32.msk $0xffff, v9  }
0x4b0: {  	[tilespmem:v8+s22+$0x0] =	vst.idx.add.f32.msk $0xffff, v11  }
0x4b1: {  	v8 =	vld [tilespmem:s31+$0x4420];
	_ =	sdelay $0x1  }
0x4b2: {  	v9 =	vunpack.i.l.s16.s32 v10;
	v10 =	vld [tilespmem:s30+$0x37]  }
0x4b3: {  	v11 =	vunpack.i.l.s16.s32 v18;
	v13 =	vld [tilespmem:s1+$0x37]  }
0x4b4: {  	v12 =	vunpack.i.l.s16.s32 v12  }
0x4b5: {  	v5 =	vmul.f32 v15, v5;
	v8 =	vunpack.i.l.s16.s32 v8  }
0x4b6: {  	[tilespmem:v7+s22+$0x0] =	vst.idx.add.f32.msk vm0, v3  }
0x4b7: {  	[tilespmem:v9+s22+$0x0] =	vst.idx.add.f32.msk vm0, v5;
	v2 =	vmul.f32 v10, v2  }
0x4b8: {  	[tilespmem:v11+s22+$0x0] =	vst.idx.add.f32.msk vm0, v6;
	v3 =	vmul.f32 v13, v4  }
0x4b9: {  	[tilespmem:v12+s22+$0x0] =	vst.idx.add.f32.msk vm0, v2  }
0x4ba: {  	s9 =	simm.s32 $0x0;
	s10 =	simm.s32 $0x6180;
	[tilespmem:v8+s22+$0x0] =	vst.idx.add.f32.msk vm0, v3  }
0x4bb: {  	[tilespmem:s10], [sflag:$0x2] =	stream.linear.gather [hbm4b:s13+s9], $0x6000, $0x38;
	[tilespmem:$0x18600] =	vst v63  }
0x4bc: {  	s11 =	simm.s32 $0x10180  }
0x4bd: {  	[tilespmem:s11], [sflag:$0x4] =	stream.linear.gather [hbm4b:s14+s9], $0x4000, $0x38;
	[tilespmem:$0x18600] =	vst v63  }
0x4be: {  	_ =	swait.ge [sflag:s25], $0x6000  }
0x4bf: {  	s12 =	simm.s32 $0x0;
	[sflag:s25] =	ssyncset.done $0x0  }
0x4c0: {  	s16 =	simm.s32 $0x0;
	s17 =	sand.u32 $0x3FFFF800, s12;
	[sflag:s25] =	ssyncadd.s32 $0xFFFFA000  }
0x4c1: {  	s6 =	sadd.s32 $0xC180, s17;
	s1 =	sand.u32 $0x300, s9;
	_ =	swait.ge [sflag:s21], $0x4000  }
0x4c2: {  	s19 =	smul.u32 $0x3000, s16;
	s20 =	sor.u32 $0x80, s1;
	[sflag:s21] =	ssyncset.done $0x0  }
0x4c3: {  	s5 =	sadd.s32 s20, s6;
	[sflag:s21] =	ssyncadd.s32 $0xFFFFC000  }
0x4c4: {  	s3 =	sshra.s32 s19, $0x2;
	v3 =	vld [tilespmem:s5+$0x0]  }
0x4c5: {  	s7 =	simm.s32 $0x81;
	s8 =	sor.u32 $0x180, s3  }
0x4c6: {  	s9 =	sadd.s32 s20, s8;
	v2 =	vld.msk [tilespmem:s7+$0x0 ss:$0x0], $0xffff  }
0x4c7: {  	v4 =	vld [tilespmem:s9+$0x0]  }
0x4c8: {  	v5 =	vld [tilespmem:s9+$0x10]  }
0x4c9: {  	v6 =	vunpack.i.l.s16.s32 v3  }
0x4ca: {  	v3 =	vunpack.i.u.s16.s32 v3;
	_ =	sdelay $0x1  }
0x4cb: {  	v4 =	vmul.f32 v4, v2  }
0x4cc: {  	v5 =	vmul.f32 v5, v2  }
0x4cd: {  	[tilespmem:v6+s22+$0x0] =	vst.idx.add.f32.msk $0xffff, v4  }
0x4ce: {  	[tilespmem:v3+s22+$0x0] =	vst.idx.add.f32.msk $0xffff, v5  }
0x4cf: {  	v4 =	vld [tilespmem:s5+$0x10];
	_ =	sdelay $0x2  }
0x4d0: {  	v5 =	vld [tilespmem:s9+$0x20]  }
0x4d1: {  	v6 =	vld [tilespmem:s9+$0x30]  }
0x4d2: {  	s30 =	sadd.s32 s1, s6;
	v7 =	vunpack.i.l.s16.s32 v4  }
0x4d3: {  	s8 =	sadd.s32 s1, s8;
	v8 =	vld [tilespmem:s30+$0x0];
	v4 =	vunpack.i.u.s16.s32 v4  }
0x4d4: {  	v9 =	vld [tilespmem:s8+$0x0]  }
0x4d5: {  	v10 =	vld [tilespmem:s8+$0x10];
	v5 =	vmul.f32 v5, v2  }
0x4d6: {  	v3 =	vld.msk [tilespmem:s7+$0xFFFFFFFF ss:$0x0], $0xffff;
	v6 =	vmul.f32 v6, v2  }
0x4d7: {  	[tilespmem:v7+s22+$0x0] =	vst.idx.add.f32.msk $0xffff, v5  }
0x4d8: {  	[tilespmem:v4+s22+$0x0] =	vst.idx.add.f32.msk $0xffff, v6  }
0x4d9: {  	v4 =	vunpack.i.l.s16.s32 v8;
	v5 =	vld [tilespmem:s5+$0x20]  }
0x4da: {  	v6 =	vunpack.i.u.s16.s32 v8;
	_ =	sdelay $0x1  }
0x4db: {  	v7 =	vmul.f32 v9, v3;
	v8 =	vld [tilespmem:s9+$0x40]  }
0x4dc: {  	v9 =	vmul.f32 v10, v3;
	v10 =	vld [tilespmem:s9+$0x50]  }
0x4dd: {  	[tilespmem:v4+s22+$0x0] =	vst.idx.add.f32.msk $0xffff, v7;
	v4 =	vunpack.i.l.s16.s32 v5  }
0x4de: {  	[tilespmem:v6+s22+$0x0] =	vst.idx.add.f32.msk $0xffff, v9;
	v5 =	vunpack.i.u.s16.s32 v5  }
0x4df: {  	v6 =	vld [tilespmem:s8+$0x20]  }
0x4e0: {  	v8 =	vmul.f32 v8, v2;
	v7 =	vld [tilespmem:s30+$0x10]  }
0x4e1: {  	v10 =	vmul.f32 v10, v2;
	v9 =	vld [tilespmem:s8+$0x30]  }
0x4e2: {  	[tilespmem:v4+s22+$0x0] =	vst.idx.add.f32.msk $0xffff, v8  }
0x4e3: {  	[tilespmem:v5+s22+$0x0] =	vst.idx.add.f32.msk $0xffff, v10  }
0x4e4: {  	v4 =	vld [tilespmem:s5+$0x30]  }
0x4e5: {  	v5 =	vunpack.i.l.s16.s32 v7  }
0x4e6: {  	v7 =	vunpack.i.u.s16.s32 v7  }
0x4e7: {  	v8 =	vld [tilespmem:s9+$0x60]  }
0x4e8: {  	v6 =	vmul.f32 v6, v3;
	v10 =	vld [tilespmem:s9+$0x70]  }
0x4e9: {  	v9 =	vmul.f32 v9, v3;
	v11 =	vunpack.i.l.s16.s32 v4  }
0x4ea: {  	[tilespmem:v5+s22+$0x0] =	vst.idx.add.f32.msk $0xffff, v6;
	v4 =	vunpack.i.u.s16.s32 v4  }
0x4eb: {  	[tilespmem:v7+s22+$0x0] =	vst.idx.add.f32.msk $0xffff, v9  }
0x4ec: {  	v6 =	vmul.f32 v8, v2;
	v5 =	vld [tilespmem:s8+$0x40]  }
0x4ed: {  	v8 =	vmul.f32 v10, v2;
	v7 =	vld [tilespmem:s30+$0x20]  }
0x4ee: {  	[tilespmem:v11+s22+$0x0] =	vst.idx.add.f32.msk $0xffff, v6  }
0x4ef: {  	[tilespmem:v4+s22+$0x0] =	vst.idx.add.f32.msk $0xffff, v8  }
0x4f0: {  	v4 =	vld [tilespmem:s5+$0x40]  }
0x4f1: {  	s10 =	sadd.s32 $0x580, s3;
	v6 =	vld [tilespmem:s8+$0x50]  }
0x4f2: {  	s11 =	sadd.s32 s20, s10;
	v8 =	vunpack.i.l.s16.s32 v7  }
0x4f3: {  	v7 =	vunpack.i.u.s16.s32 v7;
	v9 =	vld [tilespmem:s11+$0x0]  }
0x4f4: {  	v10 =	vld [tilespmem:s11+$0x10]  }
0x4f5: {  	v5 =	vmul.f32 v5, v3;
	v11 =	vunpack.i.l.s16.s32 v4  }
0x4f6: {  	v6 =	vmul.f32 v6, v3;
	v4 =	vunpack.i.u.s16.s32 v4  }
0x4f7: {  	[tilespmem:v8+s22+$0x0] =	vst.idx.add.f32.msk $0xffff, v5  }
0x4f8: {  	[tilespmem:v7+s22+$0x0] =	vst.idx.add.f32.msk $0xffff, v6;
	v5 =	vmul.f32 v9, v2  }
0x4f9: {  	v7 =	vmul.f32 v10, v2;
	v6 =	vld [tilespmem:s30+$0x30]  }
0x4fa: {  	[tilespmem:v11+s22+$0x0] =	vst.idx.add.f32.msk $0xffff, v5  }
0x4fb: {  	[tilespmem:v4+s22+$0x0] =	vst.idx.add.f32.msk $0xffff, v7  }
0x4fc: {  	v4 =	vld [tilespmem:s5+$0x50];
	_ =	sdelay $0x1  }
0x4fd: {  	v5 =	vld [tilespmem:s8+$0x60]  }
0x4fe: {  	v7 =	vld [tilespmem:s11+$0x20]  }
0x4ff: {  	v8 =	vunpack.i.l.s16.s32 v6;
	v9 =	vld [tilespmem:s11+$0x30]  }
0x500: {  	v10 =	vunpack.i.l.s16.s32 v4  }
0x501: {  	v4 =	vunpack.i.u.s16.s32 v4  }
0x502: {  	v11 =	vld [tilespmem:s8+$0x70];
	v5 =	vmul.f32 v5, v3  }
0x503: {  	v7 =	vmul.f32 v7, v2  }
0x504: {  	v6 =	vunpack.i.u.s16.s32 v6;
	[tilespmem:v8+s22+$0x0] =	vst.idx.add.f32.msk $0xffff, v5;
	v5 =	vmul.f32 v9, v2  }
0x505: {  	[tilespmem:v10+s22+$0x0] =	vst.idx.add.f32.msk $0xffff, v7  }
0x506: {  	[tilespmem:v4+s22+$0x0] =	vst.idx.add.f32.msk $0xffff, v5  }
0x507: {  	v7 =	vmul.f32 v11, v3;
	v4 =	vld [tilespmem:s5+$0x60];
	_ =	sdelay $0x1  }
0x508: {  	[tilespmem:v6+s22+$0x0] =	vst.idx.add.f32.msk $0xffff, v7  }
0x509: {  	v6 =	vld [tilespmem:s11+$0x40]  }
0x50a: {  	v7 =	vld [tilespmem:s11+$0x50]  }
0x50b: {  	v5 =	vld [tilespmem:s30+$0x40];
	v8 =	vunpack.i.l.s16.s32 v4  }
0x50c: {  	v4 =	vunpack.i.u.s16.s32 v4  }
0x50d: {  	s7 =	sadd.s32 s1, s10  }
0x50e: {  	v9 =	vld [tilespmem:s7+$0x0];
	v6 =	vmul.f32 v6, v2  }
0x50f: {  	v10 =	vld [tilespmem:s7+$0x10];
	v7 =	vmul.f32 v7, v2  }
0x510: {  	v11 =	vunpack.i.l.s16.s32 v5;
	[tilespmem:v8+s22+$0x0] =	vst.idx.add.f32.msk $0xffff, v6  }
0x511: {  	[tilespmem:v4+s22+$0x0] =	vst.idx.add.f32.msk $0xffff, v7  }
0x512: {  	v5 =	vunpack.i.u.s16.s32 v5;
	v6 =	vld [tilespmem:s5+$0x70]  }
0x513: {  	v4 =	vmul.f32 v9, v3  }
0x514: {  	v7 =	vld [tilespmem:s11+$0x60]  }
0x515: {  	[tilespmem:v11+s22+$0x0] =	vst.idx.add.f32.msk $0xffff, v4;
	v4 =	vmul.f32 v10, v3  }
0x516: {  	v8 =	vld [tilespmem:s11+$0x70]  }
0x517: {  	[tilespmem:v5+s22+$0x0] =	vst.idx.add.f32.msk $0xffff, v4;
	v4 =	vunpack.i.l.s16.s32 v6  }
0x518: {  	v5 =	vunpack.i.u.s16.s32 v6  }
0x519: {  	s19 =	simm.s32 $0x0;
	s8 =	sadd.s32 $0x980, s3  }
0x51a: {  	s16 =	sadd.s32 s20, s8;
	s20 =	smul.u32 $0x3000, s19;
	v9 =	vld [tilespmem:s30+$0x50];
	v6 =	vmul.f32 v7, v2  }
0x51b: {  	s17 =	simm.s32 $0x100;
	v7 =	vld [tilespmem:s7+$0x20];
	v8 =	vmul.f32 v8, v2  }
0x51c: {  	s0 =	sand.u32 $0x300, s17;
	s17 =	sshra.s32 s20, $0x2;
	[tilespmem:v4+s22+$0x0] =	vst.idx.add.f32.msk $0xffff, v6  }
0x51d: {  	s12 =	simm.s32 $0x200;
	s6 =	sor.u32 $0x80, s0;
	s9 =	sor.u32 $0x180, s17;
	[tilespmem:v5+s22+$0x0] =	vst.idx.add.f32.msk $0xffff, v8  }
0x51e: {  	s3 =	sand.u32 $0x3FFFF800, s12;
	s12 =	sadd.s32 s6, s9;
	v5 =	vld [tilespmem:s5+$0x400]  }
0x51f: {  	v13 =	vld [tilespmem:s12+$0x0]  }
0x520: {  	v14 =	vld [tilespmem:s12+$0x10];
	v4 =	vunpack.i.l.s16.s32 v9  }
0x521: {  	s11 =	sadd.s32 $0xC180, s3;
	v6 =	vmul.f32 v7, v3;
	v7 =	vld [tilespmem:s16+$0x0]  }
0x522: {  	s3 =	sadd.s32 s6, s11;
	v10 =	vld [tilespmem:s16+$0x10]  }
0x523: {  	v12 =	vld [tilespmem:s3+$0x0];
	v11 =	vunpack.i.l.s16.s32 v5  }
0x524: {  	v8 =	vld [tilespmem:s7+$0x30];
	v5 =	vunpack.i.u.s16.s32 v5  }
0x525: {  	s10 =	simm.s32 $0x83;
	[tilespmem:v4+s22+$0x0] =	vst.idx.add.f32.msk $0xffff, v6  }
0x526: {  	s9 =	sadd.s32 s0, s9;
	v4 =	vld.msk [tilespmem:s10+$0x0 ss:$0x0], $0xffff;
	v7 =	vmul.f32 v7, v2  }
0x527: {  	v40 =	vld [tilespmem:s9+$0x10];
	v10 =	vmul.f32 v10, v2  }
0x528: {  	[tilespmem:v11+s22+$0x0] =	vst.idx.add.f32.msk $0xffff, v7;
	v7 =	vunpack.i.l.s16.s32 v12  }
0x529: {  	[tilespmem:v5+s22+$0x0] =	vst.idx.add.f32.msk $0xffff, v10;
	v5 =	vunpack.i.u.s16.s32 v12  }
0x52a: {  	v6 =	vld.msk [tilespmem:s10+$0xFFFFFFFF ss:$0x0], $0xffff  }
0x52b: {  	v9 =	vunpack.i.u.s16.s32 v9;
	v12 =	vmul.f32 v13, v4;
	v10 =	vld [tilespmem:s5+$0x410]  }
0x52c: {  	v14 =	vmul.f32 v14, v4;
	v11 =	vld [tilespmem:s16+$0x20]  }
0x52d: {  	[tilespmem:v7+s22+$0x0] =	vst.idx.add.f32.msk $0xffff, v12  }
0x52e: {  	v8 =	vmul.f32 v8, v3;
	[tilespmem:v5+s22+$0x0] =	vst.idx.add.f32.msk $0xffff, v14  }
0x52f: {  	v5 =	vld [tilespmem:s3+$0x10]  }
0x530: {  	[tilespmem:v9+s22+$0x0] =	vst.idx.add.f32.msk $0xffff, v8  }
0x531: {  	v13 =	vld [tilespmem:s16+$0x30];
	v12 =	vunpack.i.l.s16.s32 v10  }
0x532: {  	v15 =	vld [tilespmem:s12+$0x20]  }
0x533: {  	s28 =	sadd.s32 s0, s11;
	v10 =	vunpack.i.u.s16.s32 v10;
	v39 =	vld [tilespmem:s12+$0x30]  }
0x534: {  	v14 =	vld [tilespmem:s28+$0x0];
	v11 =	vmul.f32 v11, v2;
	v41 =	vunpack.i.l.s16.s32 v5  }
0x535: {  	v7 =	vld [tilespmem:s9+$0x0];
	v5 =	vunpack.i.u.s16.s32 v5  }
0x536: {  	v13 =	vmul.f32 v13, v2;
	[tilespmem:v12+s22+$0x0] =	vst.idx.add.f32.msk $0xffff, v11  }
0x537: {  	v11 =	vmul.f32 v15, v4;
	v15 =	vld [tilespmem:s7+$0x40]  }
0x538: {  	v8 =	vmul.f32 v39, v4;
	[tilespmem:v10+s22+$0x0] =	vst.idx.add.f32.msk $0xffff, v13  }
0x539: {  	v12 =	vunpack.i.l.s16.s32 v14;
	[tilespmem:v41+s22+$0x0] =	vst.idx.add.f32.msk $0xffff, v11  }
0x53a: {  	[tilespmem:v5+s22+$0x0] =	vst.idx.add.f32.msk $0xffff, v8  }
0x53b: {  	v5 =	vmul.f32 v7, v6;
	v7 =	vunpack.i.u.s16.s32 v14;
	v8 =	vld [tilespmem:s3+$0x20]  }
0x53c: {  	v10 =	vld [tilespmem:s5+$0x420]  }
0x53d: {  	v11 =	vld [tilespmem:s12+$0x40]  }
0x53e: {  	[tilespmem:v12+s22+$0x0] =	vst.idx.add.f32.msk $0xffff, v5;
	v5 =	vmul.f32 v40, v6  }
0x53f: {  	v12 =	vld [tilespmem:s12+$0x50]  }
0x540: {  	[tilespmem:v7+s22+$0x0] =	vst.idx.add.f32.msk $0xffff, v5;
	v5 =	vunpack.i.l.s16.s32 v8  }
0x541: {  	v9 =	vld [tilespmem:s16+$0x37];
	v8 =	vunpack.i.u.s16.s32 v8  }
0x542: {  	v13 =	vld [tilespmem:s28+$0x10]  }
0x543: {  	v7 =	vld [tilespmem:s9+$0x20];
	v11 =	vmul.f32 v11, v4  }
0x544: {  	v14 =	vld [tilespmem:s9+$0x30];
	v12 =	vmul.f32 v12, v4  }
0x545: {  	[tilespmem:v5+s22+$0x0] =	vst.idx.add.f32.msk $0xffff, v11  }
0x546: {  	[tilespmem:v8+s22+$0x0] =	vst.idx.add.f32.msk $0xffff, v12  }
0x547: {  	v5 =	vunpack.i.l.s16.s32 v13;
	v8 =	vld [tilespmem:s3+$0x30]  }
0x548: {  	v11 =	vld [tilespmem:s7+$0x50];
	v12 =	vunpack.i.u.s16.s32 v13  }
0x549: {  	v13 =	vld [tilespmem:s30+$0x60]  }
0x54a: {  	v7 =	vmul.f32 v7, v6;
	v42 =	vld [tilespmem:s12+$0x60]  }
0x54b: {  	v14 =	vmul.f32 v14, v6;
	v43 =	vld [tilespmem:s12+$0x70]  }
0x54c: {  	[tilespmem:v5+s22+$0x0] =	vst.idx.add.f32.msk $0xffff, v7;
	v5 =	vunpack.i.l.s16.s32 v8  }
0x54d: {  	[tilespmem:v12+s22+$0x0] =	vst.idx.add.f32.msk $0xffff, v14;
	v7 =	vunpack.i.u.s16.s32 v8  }
0x54e: {  	v8 =	vld [tilespmem:s9+$0x40]  }
0x54f: {  	v10 =	vunpack.i.l.s16.s32 v10;
	v12 =	vld [tilespmem:s28+$0x20];
	v14 =	vmul.f32 v42, v4  }
0x550: {  	v44 =	vunpack.i.l.s16.s32 v13;
	v45 =	vld [tilespmem:s9+$0x50];
	v17 =	vmul.f32 v43, v4  }
0x551: {  	[tilespmem:v5+s22+$0x0] =	vst.idx.add.f32.msk $0xffff, v14  }
0x552: {  	v2 =	vmul.f32 v9, v2;
	[tilespmem:v7+s22+$0x0] =	vst.idx.add.f32.msk $0xffff, v17  }
0x553: {  	v5 =	vmul.f32 v15, v3;
	v7 =	vunpack.i.u.s16.s32 v13;
	v9 =	vld [tilespmem:s3+$0x40]  }
0x554: {  	s19 =	sadd.s32 $0x580, s17;
	[tilespmem:v10+s22+$0x0] =	vst.idx.add.f32.msk vm0, v2;
	v2 =	vunpack.i.l.s16.s32 v12  }
0x555: {  	s20 =	sadd.s32 s6, s19;
	[tilespmem:v44+s22+$0x0] =	vst.idx.add.f32.msk $0xffff, v5;
	v5 =	vunpack.i.u.s16.s32 v12  }
0x556: {  	v10 =	vmul.f32 v11, v3;
	v11 =	vld [tilespmem:s20+$0x0]  }
0x557: {  	v8 =	vmul.f32 v8, v6;
	v12 =	vld [tilespmem:s20+$0x10]  }
0x558: {  	[tilespmem:v7+s22+$0x0] =	vst.idx.add.f32.msk $0xffff, v10;
	v7 =	vmul.f32 v45, v6;
	v10 =	vunpack.i.l.s16.s32 v9  }
0x559: {  	[tilespmem:v2+s22+$0x0] =	vst.idx.add.f32.msk $0xffff, v8;
	v2 =	vunpack.i.u.s16.s32 v9  }
0x55a: {  	[tilespmem:v5+s22+$0x0] =	vst.idx.add.f32.msk $0xffff, v7  }
0x55b: {  	v7 =	vmul.f32 v11, v4;
	v5 =	vld [tilespmem:s9+$0x60]  }
0x55c: {  	v9 =	vmul.f32 v12, v4;
	v8 =	vld [tilespmem:s28+$0x30]  }
0x55d: {  	[tilespmem:v10+s22+$0x0] =	vst.idx.add.f32.msk $0xffff, v7  }
0x55e: {  	[tilespmem:v2+s22+$0x0] =	vst.idx.add.f32.msk $0xffff, v9  }
0x55f: {  	v2 =	vld [tilespmem:s3+$0x50]  }
0x560: {  	v7 =	vld [tilespmem:s9+$0x70]  }
0x561: {  	v13 =	vld [tilespmem:s7+$0x70];
	v10 =	vunpack.i.l.s16.s32 v8  }
0x562: {  	v8 =	vunpack.i.u.s16.s32 v8;
	v11 =	vld [tilespmem:s20+$0x20]  }
0x563: {  	v12 =	vld [tilespmem:s20+$0x30]  }
0x564: {  	v15 =	vld [tilespmem:s30+$0x70];
	v5 =	vmul.f32 v5, v6;
	v14 =	vunpack.i.l.s16.s32 v2  }
0x565: {  	v9 =	vld [tilespmem:s7+$0x60];
	v7 =	vmul.f32 v7, v6;
	v2 =	vunpack.i.u.s16.s32 v2  }
0x566: {  	[tilespmem:v10+s22+$0x0] =	vst.idx.add.f32.msk $0xffff, v5  }
0x567: {  	s7 =	sadd.s32 s0, s19;
	v5 =	vmul.f32 v11, v4;
	[tilespmem:v8+s22+$0x0] =	vst.idx.add.f32.msk $0xffff, v7  }
0x568: {  	v8 =	vmul.f32 v12, v4;
	v7 =	vld [tilespmem:s7+$0x0]  }
0x569: {  	[tilespmem:v14+s22+$0x0] =	vst.idx.add.f32.msk $0xffff, v5  }
0x56a: {  	[tilespmem:v2+s22+$0x0] =	vst.idx.add.f32.msk $0xffff, v8  }
0x56b: {  	v2 =	vunpack.i.l.s16.s32 v15;
	v5 =	vld [tilespmem:s3+$0x60]  }
0x56c: {  	v11 =	vld [tilespmem:s28+$0x40];
	v8 =	vunpack.i.u.s16.s32 v15  }
0x56d: {  	v10 =	vld [tilespmem:s7+$0x10]  }
0x56e: {  	v9 =	vmul.f32 v9, v3;
	v12 =	vld [tilespmem:s20+$0x40]  }
0x56f: {  	v13 =	vmul.f32 v13, v3;
	v14 =	vld [tilespmem:s20+$0x50]  }
0x570: {  	[tilespmem:v2+s22+$0x0] =	vst.idx.add.f32.msk $0xffff, v9;
	v15 =	vunpack.i.l.s16.s32 v5  }
0x571: {  	s16 =	sadd.s32 s1, s8;
	[tilespmem:v8+s22+$0x0] =	vst.idx.add.f32.msk $0xffff, v13;
	v8 =	vunpack.i.l.s16.s32 v11  }
0x572: {  	v2 =	vunpack.i.u.s16.s32 v5;
	v5 =	vld [tilespmem:s16+$0x0]  }
0x573: {  	v9 =	vmul.f32 v12, v4;
	v12 =	vld [tilespmem:s16+$0x10]  }
0x574: {  	v7 =	vmul.f32 v7, v6;
	v13 =	vmul.f32 v14, v4;
	v14 =	vld [tilespmem:s30+$0x400]  }
0x575: {  	[tilespmem:v15+s22+$0x0] =	vst.idx.add.f32.msk $0xffff, v9  }
0x576: {  	v11 =	vunpack.i.u.s16.s32 v11;
	[tilespmem:v8+s22+$0x0] =	vst.idx.add.f32.msk $0xffff, v7  }
0x577: {  	[tilespmem:v2+s22+$0x0] =	vst.idx.add.f32.msk $0xffff, v13  }
0x578: {  	v9 =	vld [tilespmem:s3+$0x70]  }
0x579: {  	v2 =	vmul.f32 v10, v6;
	v7 =	vld [tilespmem:s20+$0x60]  }
0x57a: {  	v10 =	vld [tilespmem:s20+$0x70]  }
0x57b: {  	s10 =	simm.s32 $0x400;
	[tilespmem:v11+s22+$0x0] =	vst.idx.add.f32.msk $0xffff, v2;
	v2 =	vunpack.i.l.s16.s32 v14  }
0x57c: {  	s5 =	sand.u32 $0x3FFFF800, s10;
	s12 =	simm.s32 $0x200;
	v8 =	vunpack.i.u.s16.s32 v14;
	v11 =	vld [tilespmem:s7+$0x20]  }
0x57d: {  	s20 =	sand.u32 $0x300, s12;
	s12 =	sadd.s32 $0xC180, s5;
	v14 =	vld [tilespmem:s7+$0x30];
	v13 =	vunpack.i.l.s16.s32 v9  }
0x57e: {  	v5 =	vmul.f32 v5, v3;
	s29 =	sadd.s32 s20, s12;
	v15 =	vld [tilespmem:s28+$0x50];
	v9 =	vunpack.i.u.s16.s32 v9  }
0x57f: {  	s9 =	simm.s32 $0x0;
	v12 =	vmul.f32 v12, v3;
	v21 =	vld [tilespmem:s29+$0x0]  }
0x580: {  	s1 =	smul.u32 $0x3000, s9;
	v7 =	vmul.f32 v7, v4;
	[tilespmem:v2+s22+$0x0] =	vst.idx.add.f32.msk $0xffff, v5  }
0x581: {  	s8 =	sadd.s32 $0x980, s17;
	v2 =	vmul.f32 v10, v4;
	[tilespmem:v8+s22+$0x0] =	vst.idx.add.f32.msk $0xffff, v12  }
0x582: {  	s11 =	sadd.s32 s6, s8;
	s6 =	sshra.s32 s1, $0x2;
	[tilespmem:v13+s22+$0x0] =	vst.idx.add.f32.msk $0xffff, v7  }
0x583: {  	s19 =	sor.u32 $0x180, s6;
	s1 =	sor.u32 $0x80, s20;
	[tilespmem:v9+s22+$0x0] =	vst.idx.add.f32.msk $0xffff, v2  }
0x584: {  	s9 =	sadd.s32 s1, s19;
	v2 =	vunpack.i.l.s16.s32 v15;
	v8 =	vld [tilespmem:s3+$0x400]  }
0x585: {  	s19 =	sadd.s32 s20, s19;
	v46 =	vld [tilespmem:s9+$0x0]  }
0x586: {  	v19 =	vld [tilespmem:s19+$0x10]  }
0x587: {  	v9 =	vmul.f32 v11, v6;
	v10 =	vld [tilespmem:s11+$0x0]  }
0x588: {  	v11 =	vld [tilespmem:s11+$0x10]  }
0x589: {  	[tilespmem:v2+s22+$0x0] =	vst.idx.add.f32.msk $0xffff, v9;
	v9 =	vunpack.i.l.s16.s32 v8  }
0x58a: {  	v5 =	vld [tilespmem:s16+$0x30]  }
0x58b: {  	s5 =	sadd.s32 s1, s12;
	v53 =	vld [tilespmem:s30+$0x410];
	v12 =	vunpack.i.u.s16.s32 v8  }
0x58c: {  	s17 =	simm.s32 $0x85;
	v13 =	vld [tilespmem:s5+$0x0];
	v10 =	vmul.f32 v10, v4  }
0x58d: {  	v8 =	vld.msk [tilespmem:s17+$0x0 ss:$0x0], $0xffff  }
0x58e: {  	v11 =	vmul.f32 v11, v4;
	[tilespmem:v9+s22+$0x0] =	vst.idx.add.f32.msk $0xffff, v10  }
0x58f: {  	v10 =	vld [tilespmem:s9+$0x10]  }
0x590: {  	[tilespmem:v12+s22+$0x0] =	vst.idx.add.f32.msk $0xffff, v11  }
0x591: {  	v9 =	vld [tilespmem:s3+$0x410]  }
0x592: {  	v7 =	vld [tilespmem:s16+$0x20];
	v12 =	vunpack.i.l.s16.s32 v13  }
0x593: {  	v2 =	vld.msk [tilespmem:s17+$0xFFFFFFFF ss:$0x0], $0xffff;
	v13 =	vunpack.i.u.s16.s32 v13  }
0x594: {  	v17 =	vld [tilespmem:s11+$0x20]  }
0x595: {  	v16 =	vmul.f32 v46, v8;
	v47 =	vld [tilespmem:s11+$0x30]  }
0x596: {  	v11 =	vld [tilespmem:s19+$0x0];
	v10 =	vmul.f32 v10, v8;
	v20 =	vunpack.i.l.s16.s32 v9  }
0x597: {  	[tilespmem:v12+s22+$0x0] =	vst.idx.add.f32.msk $0xffff, v16;
	v9 =	vunpack.i.u.s16.s32 v9  }
0x598: {  	[tilespmem:v13+s22+$0x0] =	vst.idx.add.f32.msk $0xffff, v10  }
0x599: {  	v15 =	vunpack.i.u.s16.s32 v15;
	v10 =	vmul.f32 v17, v4;
	v12 =	vld [tilespmem:s5+$0x10]  }
0x59a: {  	v13 =	vmul.f32 v47, v4;
	v16 =	vld [tilespmem:s9+$0x20]  }
0x59b: {  	[tilespmem:v20+s22+$0x0] =	vst.idx.add.f32.msk $0xffff, v10  }
0x59c: {  	[tilespmem:v9+s22+$0x0] =	vst.idx.add.f32.msk $0xffff, v13;
	v9 =	vunpack.i.l.s16.s32 v21;
	v13 =	vmul.f32 v14, v6  }
0x59d: {  	v48 =	vld [tilespmem:s9+$0x30];
	v14 =	vunpack.i.u.s16.s32 v21  }
0x59e: {  	[tilespmem:v15+s22+$0x0] =	vst.idx.add.f32.msk $0xffff, v13;
	v13 =	vunpack.i.l.s16.s32 v12  }
0x59f: {  	v11 =	vmul.f32 v11, v2;
	v10 =	vld [tilespmem:s3+$0x420];
	v12 =	vunpack.i.u.s16.s32 v12  }
0x5a0: {  	v49 =	vld [tilespmem:s11+$0x37];
	v15 =	vmul.f32 v19, v2  }
0x5a1: {  	[tilespmem:v9+s22+$0x0] =	vst.idx.add.f32.msk $0xffff, v11;
	v9 =	vmul.f32 v16, v8  }
0x5a2: {  	[tilespmem:v14+s22+$0x0] =	vst.idx.add.f32.msk $0xffff, v15;
	v14 =	vmul.f32 v48, v8  }
0x5a3: {  	[tilespmem:v13+s22+$0x0] =	vst.idx.add.f32.msk $0xffff, v9  }
0x5a4: {  	[tilespmem:v12+s22+$0x0] =	vst.idx.add.f32.msk $0xffff, v14  }
0x5a5: {  	v9 =	vunpack.i.l.s16.s32 v10;
	v10 =	vld [tilespmem:s5+$0x20]  }
0x5a6: {  	v50 =	vld [tilespmem:s7+$0x50]  }
0x5a7: {  	v13 =	vld [tilespmem:s29+$0x10]  }
0x5a8: {  	v4 =	vmul.f32 v49, v4;
	v14 =	vld [tilespmem:s9+$0x40]  }
0x5a9: {  	v15 =	vld [tilespmem:s9+$0x50]  }
0x5aa: {  	[tilespmem:v9+s22+$0x0] =	vst.idx.add.f32.msk vm0, v4;
	v4 =	vunpack.i.l.s16.s32 v10  }
0x5ab: {  	v11 =	vld [tilespmem:s19+$0x20];
	v10 =	vunpack.i.u.s16.s32 v10  }
0x5ac: {  	v12 =	vld [tilespmem:s19+$0x30]  }
0x5ad: {  	v52 =	vld [tilespmem:s28+$0x60];
	v51 =	vunpack.i.l.s16.s32 v13;
	v14 =	vmul.f32 v14, v8  }
0x5ae: {  	v9 =	vld [tilespmem:s7+$0x40];
	v13 =	vunpack.i.u.s16.s32 v13;
	v15 =	vmul.f32 v15, v8  }
0x5af: {  	[tilespmem:v4+s22+$0x0] =	vst.idx.add.f32.msk $0xffff, v14  }
0x5b0: {  	v4 =	vmul.f32 v11, v2;
	[tilespmem:v10+s22+$0x0] =	vst.idx.add.f32.msk $0xffff, v15  }
0x5b1: {  	v10 =	vmul.f32 v12, v2;
	v11 =	vld [tilespmem:s5+$0x30]  }
0x5b2: {  	[tilespmem:v51+s22+$0x0] =	vst.idx.add.f32.msk $0xffff, v4  }
0x5b3: {  	[tilespmem:v13+s22+$0x0] =	vst.idx.add.f32.msk $0xffff, v10  }
0x5b4: {  	v4 =	vunpack.i.l.s16.s32 v52;
	v10 =	vld [tilespmem:s9+$0x60]  }
0x5b5: {  	v12 =	vunpack.i.u.s16.s32 v52;
	v13 =	vld [tilespmem:s9+$0x70]  }
0x5b6: {  	v14 =	vld [tilespmem:s19+$0x40];
	v15 =	vunpack.i.l.s16.s32 v11  }
0x5b7: {  	v9 =	vmul.f32 v9, v6;
	v17 =	vld [tilespmem:s19+$0x50];
	v11 =	vunpack.i.u.s16.s32 v11  }
0x5b8: {  	v16 =	vmul.f32 v50, v6;
	v54 =	vld [tilespmem:s29+$0x20]  }
0x5b9: {  	[tilespmem:v4+s22+$0x0] =	vst.idx.add.f32.msk $0xffff, v9;
	v10 =	vmul.f32 v10, v8  }
0x5ba: {  	v4 =	vmul.f32 v13, v8;
	[tilespmem:v12+s22+$0x0] =	vst.idx.add.f32.msk $0xffff, v16  }
0x5bb: {  	[tilespmem:v15+s22+$0x0] =	vst.idx.add.f32.msk $0xffff, v10  }
0x5bc: {  	[tilespmem:v11+s22+$0x0] =	vst.idx.add.f32.msk $0xffff, v4  }
0x5bd: {  	v4 =	vunpack.i.l.s16.s32 v54;
	v9 =	vld [tilespmem:s5+$0x40]  }
0x5be: {  	s12 =	sadd.s32 $0x580, s6;
	v12 =	vld [tilespmem:s7+$0x70];
	v10 =	vunpack.i.u.s16.s32 v54  }
0x5bf: {  	s17 =	sadd.s32 s1, s12;
	v11 =	vld [tilespmem:s7+$0x60]  }
0x5c0: {  	v13 =	vmul.f32 v14, v2;
	v14 =	vld [tilespmem:s17+$0x0]  }
0x5c1: {  	v15 =	vmul.f32 v17, v2;
	v55 =	vld [tilespmem:s17+$0x10]  }
0x5c2: {  	[tilespmem:v4+s22+$0x0] =	vst.idx.add.f32.msk $0xffff, v13;
	v4 =	vunpack.i.l.s16.s32 v9  }
0x5c3: {  	[tilespmem:v10+s22+$0x0] =	vst.idx.add.f32.msk $0xffff, v15;
	v9 =	vunpack.i.u.s16.s32 v9  }
0x5c4: {  	v10 =	vld [tilespmem:s19+$0x60]  }
0x5c5: {  	v14 =	vmul.f32 v14, v8;
	v13 =	vld [tilespmem:s19+$0x70]  }
0x5c6: {  	v15 =	vunpack.i.l.s16.s32 v53;
	v16 =	vmul.f32 v55, v8;
	v56 =	vld [tilespmem:s29+$0x30]  }
0x5c7: {  	[tilespmem:v4+s22+$0x0] =	vst.idx.add.f32.msk $0xffff, v14  }
0x5c8: {  	s9 =	simm.s32 $0x0;
	[tilespmem:v9+s22+$0x0] =	vst.idx.add.f32.msk $0xffff, v16  }
0x5c9: {  	s10 =	simm.s32 $0x600;
	s19 =	sadd.s32 s0, s8;
	s0 =	smul.u32 $0x3000, s9;
	v4 =	vmul.f32 v7, v3;
	v9 =	vld [tilespmem:s5+$0x50]  }
0x5ca: {  	s3 =	simm.s32 $0x300;
	s8 =	sadd.s32 $0x980, s6;
	s6 =	sand.u32 $0x3FFFF800, s10;
	v7 =	vunpack.i.u.s16.s32 v53;
	v14 =	vld [tilespmem:s28+$0x70]  }
0x5cb: {  	s7 =	sadd.s32 s20, s12;
	s12 =	sadd.s32 $0xC180, s6;
	s6 =	sshra.s32 s0, $0x2;
	v57 =	vunpack.i.l.s16.s32 v56;
	[tilespmem:v15+s22+$0x0] =	vst.idx.add.f32.msk $0xffff, v4  }
0x5cc: {  	s11 =	sadd.s32 s1, s8;
	s1 =	sand.u32 $0x300, s3;
	s0 =	sor.u32 $0x180, s6;
	v4 =	vmul.f32 v5, v3;
	v5 =	vunpack.i.u.s16.s32 v56;
	v15 =	vld [tilespmem:s17+$0x20]  }
0x5cd: {  	s9 =	sadd.s32 s1, s0;
	v58 =	vld [tilespmem:s17+$0x30]  }
0x5ce: {  	v10 =	vmul.f32 v10, v2;
	v28 =	vld [tilespmem:s9+$0x10];
	v59 =	vunpack.i.l.s16.s32 v9  }
0x5cf: {  	[tilespmem:v7+s22+$0x0] =	vst.idx.add.f32.msk $0xffff, v4;
	v4 =	vmul.f32 v13, v2;
	v9 =	vunpack.i.u.s16.s32 v9  }
0x5d0: {  	[tilespmem:v57+s22+$0x0] =	vst.idx.add.f32.msk $0xffff, v10  }
0x5d1: {  	[tilespmem:v5+s22+$0x0] =	vst.idx.add.f32.msk $0xffff, v4;
	v4 =	vmul.f32 v15, v8  }
0x5d2: {  	v7 =	vld [tilespmem:s16+$0x37];
	v10 =	vmul.f32 v58, v8  }
0x5d3: {  	[tilespmem:v59+s22+$0x0] =	vst.idx.add.f32.msk $0xffff, v4  }
0x5d4: {  	[tilespmem:v9+s22+$0x0] =	vst.idx.add.f32.msk $0xffff, v10  }
0x5d5: {  	v9 =	vld [tilespmem:s5+$0x60]  }
0x5d6: {  	v5 =	vld [tilespmem:s7+$0x0];
	v4 =	vunpack.i.l.s16.s32 v14  }
0x5d7: {  	v10 =	vunpack.i.u.s16.s32 v14;
	v14 =	vld [tilespmem:s29+$0x40]  }
0x5d8: {  	v15 =	vld [tilespmem:s17+$0x40]  }
0x5d9: {  	v11 =	vmul.f32 v11, v6;
	v60 =	vld [tilespmem:s17+$0x50]  }
0x5da: {  	v12 =	vmul.f32 v12, v6;
	v13 =	vld [tilespmem:s7+$0x10];
	v61 =	vunpack.i.l.s16.s32 v9  }
0x5db: {  	[tilespmem:v4+s22+$0x0] =	vst.idx.add.f32.msk $0xffff, v11;
	v4 =	vunpack.i.u.s16.s32 v9  }
0x5dc: {  	[tilespmem:v10+s22+$0x0] =	vst.idx.add.f32.msk $0xffff, v12  }
0x5dd: {  	v10 =	vunpack.i.l.s16.s32 v14;
	v9 =	vld [tilespmem:s19+$0x0];
	v11 =	vmul.f32 v15, v8  }
0x5de: {  	v15 =	vmul.f32 v60, v8;
	v62 =	vld [tilespmem:s28+$0x400]  }
0x5df: {  	[tilespmem:v61+s22+$0x0] =	vst.idx.add.f32.msk $0xffff, v11  }
0x5e0: {  	v5 =	vmul.f32 v5, v2;
	v14 =	vunpack.i.u.s16.s32 v14;
	[tilespmem:v4+s22+$0x0] =	vst.idx.add.f32.msk $0xffff, v15  }
0x5e1: {  	v11 =	vld [tilespmem:s5+$0x70]  }
0x5e2: {  	[tilespmem:v10+s22+$0x0] =	vst.idx.add.f32.msk $0xffff, v5  }
0x5e3: {  	v4 =	vmul.f32 v13, v2;
	v5 =	vld [tilespmem:s17+$0x60]  }
0x5e4: {  	v13 =	vld [tilespmem:s17+$0x70]  }
0x5e5: {  	[tilespmem:v14+s22+$0x0] =	vst.idx.add.f32.msk $0xffff, v4;
	v4 =	vunpack.i.l.s16.s32 v62  }
0x5e6: {  	v42 =	vld [tilespmem:s30+$0x420];
	v15 =	vunpack.i.l.s16.s32 v11  }
0x5e7: {  	v12 =	vld [tilespmem:s19+$0x10];
	v11 =	vunpack.i.u.s16.s32 v11  }
0x5e8: {  	v9 =	vmul.f32 v9, v6;
	v24 =	vld [tilespmem:s29+$0x50]  }
0x5e9: {  	v14 =	vld [tilespmem:s7+$0x20];
	v5 =	vmul.f32 v5, v8  }
0x5ea: {  	v10 =	vunpack.i.u.s16.s32 v62;
	[tilespmem:v4+s22+$0x0] =	vst.idx.add.f32.msk $0xffff, v9;
	v4 =	vmul.f32 v13, v8  }
0x5eb: {  	[tilespmem:v15+s22+$0x0] =	vst.idx.add.f32.msk $0xffff, v5  }
0x5ec: {  	[tilespmem:v11+s22+$0x0] =	vst.idx.add.f32.msk $0xffff, v4  }
0x5ed: {  	v12 =	vmul.f32 v12, v6;
	v4 =	vunpack.i.l.s16.s32 v24;
	v5 =	vld [tilespmem:s5+$0x400]  }
0x5ee: {  	v63 =	vld [tilespmem:s7+$0x30]  }
0x5ef: {  	[tilespmem:v10+s22+$0x0] =	vst.idx.add.f32.msk $0xffff, v12  }
0x5f0: {  	v11 =	vmul.f32 v14, v2;
	v12 =	vld [tilespmem:s11+$0x0]  }
0x5f1: {  	s17 =	sor.u32 $0x80, s1;
	v13 =	vld [tilespmem:s11+$0x10]  }
0x5f2: {  	s10 =	sadd.s32 s17, s0;
	[tilespmem:v4+s22+$0x0] =	vst.idx.add.f32.msk $0xffff, v11;
	v11 =	vunpack.i.l.s16.s32 v5  }
0x5f3: {  	v25 =	vld [tilespmem:s10+$0x0];
	v14 =	vunpack.i.u.s16.s32 v5  }
0x5f4: {  	s31 =	sadd.s32 s17, s12;
	v10 =	vld [tilespmem:s19+$0x20]  }
0x5f5: {  	s16 =	simm.s32 $0x87;
	v15 =	vld [tilespmem:s31+$0x0];
	v12 =	vmul.f32 v12, v8  }
0x5f6: {  	v5 =	vld.msk [tilespmem:s16+$0x0 ss:$0x0], $0xffff;
	v13 =	vmul.f32 v13, v8  }
0x5f7: {  	[tilespmem:v11+s22+$0x0] =	vst.idx.add.f32.msk $0xffff, v12  }
0x5f8: {  	[tilespmem:v14+s22+$0x0] =	vst.idx.add.f32.msk $0xffff, v13  }
0x5f9: {  	v11 =	vld [tilespmem:s5+$0x410]  }
0x5fa: {  	v12 =	vld [tilespmem:s10+$0x10];
	v13 =	vunpack.i.l.s16.s32 v15  }
0x5fb: {  	v4 =	vld.msk [tilespmem:s16+$0xFFFFFFFF ss:$0x0], $0xffff  }
0x5fc: {  	v15 =	vunpack.i.u.s16.s32 v15;
	v26 =	vld [tilespmem:s11+$0x20]  }
0x5fd: {  	v18 =	vmul.f32 v25, v5;
	v27 =	vld [tilespmem:s11+$0x30]  }
0x5fe: {  	v14 =	vld [tilespmem:s9+$0x0];
	v22 =	vunpack.i.l.s16.s32 v11  }
0x5ff: {  	s0 =	sadd.s32 s1, s12;
	v12 =	vmul.f32 v12, v5;
	[tilespmem:v13+s22+$0x0] =	vst.idx.add.f32.msk $0xffff, v18;
	v11 =	vunpack.i.u.s16.s32 v11  }
0x600: {  	v13 =	vld [tilespmem:s0+$0x0]  }
0x601: {  	v17 =	vunpack.i.u.s16.s32 v24;
	[tilespmem:v15+s22+$0x0] =	vst.idx.add.f32.msk $0xffff, v12;
	v12 =	vmul.f32 v26, v8  }
0x602: {  	v29 =	vmul.f32 v27, v8;
	v15 =	vld [tilespmem:s31+$0x10]  }
0x603: {  	[tilespmem:v22+s22+$0x0] =	vst.idx.add.f32.msk $0xffff, v12  }
0x604: {  	v12 =	vmul.f32 v63, v2;
	[tilespmem:v11+s22+$0x0] =	vst.idx.add.f32.msk $0xffff, v29  }
0x605: {  	v11 =	vunpack.i.l.s16.s32 v13;
	v30 =	vld [tilespmem:s5+$0x420]  }
0x606: {  	[tilespmem:v17+s22+$0x0] =	vst.idx.add.f32.msk $0xffff, v12  }
0x607: {  	v13 =	vunpack.i.u.s16.s32 v13;
	v12 =	vld [tilespmem:s10+$0x20]  }
0x608: {  	v14 =	vmul.f32 v14, v4;
	v31 =	vld [tilespmem:s10+$0x30]  }
0x609: {  	v34 =	vunpack.i.l.s16.s32 v15;
	v33 =	vld [tilespmem:s11+$0x37]  }
0x60a: {  	v32 =	vmul.f32 v28, v4;
	[tilespmem:v11+s22+$0x0] =	vst.idx.add.f32.msk $0xffff, v14;
	v11 =	vunpack.i.u.s16.s32 v15  }
0x60b: {  	v9 =	vld [tilespmem:s19+$0x30]  }
0x60c: {  	[tilespmem:v13+s22+$0x0] =	vst.idx.add.f32.msk $0xffff, v32;
	v13 =	vunpack.i.l.s16.s32 v30;
	v12 =	vmul.f32 v12, v5  }
0x60d: {  	v41 =	vld [tilespmem:s28+$0x410];
	v35 =	vmul.f32 v31, v5  }
0x60e: {  	[tilespmem:v34+s22+$0x0] =	vst.idx.add.f32.msk $0xffff, v12  }
0x60f: {  	v8 =	vmul.f32 v33, v8;
	[tilespmem:v11+s22+$0x0] =	vst.idx.add.f32.msk $0xffff, v35  }
0x610: {  	v11 =	vld [tilespmem:s31+$0x20]  }
0x611: {  	[tilespmem:v13+s22+$0x0] =	vst.idx.add.f32.msk vm0, v8  }
0x612: {  	v8 =	vld [tilespmem:s0+$0x10]  }
0x613: {  	v12 =	vld [tilespmem:s10+$0x40]  }
0x614: {  	v13 =	vld [tilespmem:s10+$0x50]  }
0x615: {  	v36 =	vld [tilespmem:s7+$0x40];
	v37 =	vunpack.i.l.s16.s32 v11  }
0x616: {  	v14 =	vld [tilespmem:s9+$0x20];
	v11 =	vunpack.i.u.s16.s32 v11  }
0x617: {  	v15 =	vld [tilespmem:s9+$0x30]  }
0x618: {  	v38 =	vld [tilespmem:s7+$0x50];
	v40 =	vunpack.i.l.s16.s32 v8;
	v12 =	vmul.f32 v12, v5  }
0x619: {  	v39 =	vld [tilespmem:s29+$0x60];
	v8 =	vunpack.i.u.s16.s32 v8;
	v13 =	vmul.f32 v13, v5  }
0x61a: {  	[tilespmem:v37+s22+$0x0] =	vst.idx.add.f32.msk $0xffff, v12  }
0x61b: {  	v12 =	vmul.f32 v14, v4;
	[tilespmem:v11+s22+$0x0] =	vst.idx.add.f32.msk $0xffff, v13  }
0x61c: {  	v11 =	vmul.f32 v15, v4;
	v13 =	vld [tilespmem:s31+$0x30]  }
0x61d: {  	[tilespmem:v40+s22+$0x0] =	vst.idx.add.f32.msk $0xffff, v12  }
0x61e: {  	[tilespmem:v8+s22+$0x0] =	vst.idx.add.f32.msk $0xffff, v11  }
0x61f: {  	v8 =	vunpack.i.l.s16.s32 v39;
	v11 =	vld [tilespmem:s10+$0x60]  }
0x620: {  	v12 =	vunpack.i.u.s16.s32 v39;
	v14 =	vld [tilespmem:s10+$0x70]  }
0x621: {  	v15 =	vld [tilespmem:s9+$0x40];
	v43 =	vunpack.i.l.s16.s32 v13  }
0x622: {  	v16 =	vmul.f32 v36, v2;
	v44 =	vld [tilespmem:s9+$0x50];
	v13 =	vunpack.i.u.s16.s32 v13  }
0x623: {  	v18 =	vmul.f32 v38, v2;
	v20 =	vld [tilespmem:s0+$0x20]  }
0x624: {  	v11 =	vmul.f32 v11, v5;
	[tilespmem:v8+s22+$0x0] =	vst.idx.add.f32.msk $0xffff, v16  }
0x625: {  	v8 =	vmul.f32 v14, v5;
	[tilespmem:v12+s22+$0x0] =	vst.idx.add.f32.msk $0xffff, v18  }
0x626: {  	[tilespmem:v43+s22+$0x0] =	vst.idx.add.f32.msk $0xffff, v11  }
0x627: {  	[tilespmem:v13+s22+$0x0] =	vst.idx.add.f32.msk $0xffff, v8  }
0x628: {  	v8 =	vunpack.i.l.s16.s32 v20;
	v11 =	vld [tilespmem:s31+$0x40]  }
0x629: {  	s11 =	sadd.s32 $0x580, s6;
	v14 =	vld [tilespmem:s7+$0x70]  }
0x62a: {  	s12 =	sadd.s32 s17, s11;
	v12 =	vunpack.i.u.s16.s32 v20;
	v50 =	vld [tilespmem:s29+$0x70]  }
0x62b: {  	v15 =	vmul.f32 v15, v4;
	v45 =	vld [tilespmem:s12+$0x0]  }
0x62c: {  	v47 =	vld [tilespmem:s12+$0x10]  }
0x62d: {  	v46 =	vmul.f32 v44, v4;
	[tilespmem:v8+s22+$0x0] =	vst.idx.add.f32.msk $0xffff, v15;
	v8 =	vunpack.i.l.s16.s32 v11  }
0x62e: {  	v13 =	vld [tilespmem:s7+$0x60];
	v11 =	vunpack.i.u.s16.s32 v11  }
0x62f: {  	[tilespmem:v12+s22+$0x0] =	vst.idx.add.f32.msk $0xffff, v46  }
0x630: {  	v16 =	vmul.f32 v45, v5;
	v49 =	vld [tilespmem:s0+$0x30]  }
0x631: {  	v48 =	vunpack.i.l.s16.s32 v41;
	v18 =	vmul.f32 v47, v5;
	v12 =	vld [tilespmem:s9+$0x60]  }
0x632: {  	[tilespmem:v8+s22+$0x0] =	vst.idx.add.f32.msk $0xffff, v16  }
0x633: {  	[tilespmem:v11+s22+$0x0] =	vst.idx.add.f32.msk $0xffff, v18  }
0x634: {  	v8 =	vmul.f32 v10, v6;
	v10 =	vunpack.i.u.s16.s32 v41;
	v11 =	vld [tilespmem:s31+$0x50]  }
0x635: {  	v15 =	vld [tilespmem:s9+$0x70];
	v51 =	vunpack.i.l.s16.s32 v49  }
0x636: {  	[tilespmem:v48+s22+$0x0] =	vst.idx.add.f32.msk $0xffff, v8  }
0x637: {  	v8 =	vmul.f32 v9, v6;
	v9 =	vunpack.i.u.s16.s32 v49;
	v52 =	vld [tilespmem:s12+$0x20]  }
0x638: {  	v12 =	vmul.f32 v12, v4;
	v53 =	vld [tilespmem:s12+$0x30]  }
0x639: {  	[tilespmem:v10+s22+$0x0] =	vst.idx.add.f32.msk $0xffff, v8;
	v54 =	vunpack.i.l.s16.s32 v11  }
0x63a: {  	v8 =	vmul.f32 v15, v4;
	[tilespmem:v51+s22+$0x0] =	vst.idx.add.f32.msk $0xffff, v12;
	v10 =	vunpack.i.u.s16.s32 v11  }
0x63b: {  	v11 =	vld [tilespmem:s19+$0x37]  }
0x63c: {  	s19 =	sadd.s32 s1, s11;
	[tilespmem:v9+s22+$0x0] =	vst.idx.add.f32.msk $0xffff, v8;
	v8 =	vmul.f32 v52, v5  }
0x63d: {  	v12 =	vmul.f32 v53, v5;
	v9 =	vld [tilespmem:s19+$0x0]  }
0x63e: {  	[tilespmem:v54+s22+$0x0] =	vst.idx.add.f32.msk $0xffff, v8  }
0x63f: {  	[tilespmem:v10+s22+$0x0] =	vst.idx.add.f32.msk $0xffff, v12  }
0x640: {  	v8 =	vunpack.i.l.s16.s32 v50;
	v10 =	vld [tilespmem:s31+$0x60]  }
0x641: {  	v15 =	vld [tilespmem:s19+$0x10];
	v12 =	vunpack.i.u.s16.s32 v50  }
0x642: {  	v55 =	vld [tilespmem:s0+$0x40]  }
0x643: {  	v13 =	vmul.f32 v13, v2;
	v56 =	vld [tilespmem:s12+$0x40]  }
0x644: {  	v14 =	vmul.f32 v14, v2;
	v57 =	vld [tilespmem:s12+$0x50]  }
0x645: {  	[tilespmem:v8+s22+$0x0] =	vst.idx.add.f32.msk $0xffff, v13;
	v58 =	vunpack.i.l.s16.s32 v10  }
0x646: {  	s30 =	sadd.s32 s20, s8;
	[tilespmem:v12+s22+$0x0] =	vst.idx.add.f32.msk $0xffff, v14;
	v8 =	vunpack.i.u.s16.s32 v10  }
0x647: {  	v10 =	vld [tilespmem:s30+$0x0]  }
0x648: {  	v12 =	vunpack.i.l.s16.s32 v55;
	v13 =	vmul.f32 v56, v5;
	v14 =	vld [tilespmem:s30+$0x10]  }
0x649: {  	v59 =	vmul.f32 v57, v5;
	v60 =	vld [tilespmem:s29+$0x400]  }
0x64a: {  	v16 =	vunpack.i.u.s16.s32 v55;
	[tilespmem:v58+s22+$0x0] =	vst.idx.add.f32.msk $0xffff, v13  }
0x64b: {  	v9 =	vmul.f32 v9, v4;
	[tilespmem:v8+s22+$0x0] =	vst.idx.add.f32.msk $0xffff, v59  }
0x64c: {  	v13 =	vld [tilespmem:s31+$0x70]  }
0x64d: {  	[tilespmem:v12+s22+$0x0] =	vst.idx.add.f32.msk $0xffff, v9;
	v8 =	vmul.f32 v15, v4  }
0x64e: {  	v9 =	vld [tilespmem:s12+$0x60]  }
0x64f: {  	[tilespmem:v16+s22+$0x0] =	vst.idx.add.f32.msk $0xffff, v8;
	v8 =	vunpack.i.l.s16.s32 v60  }
0x650: {  	v12 =	vunpack.i.u.s16.s32 v60;
	v15 =	vld [tilespmem:s12+$0x70]  }
0x651: {  	v16 =	vld [tilespmem:s19+$0x20];
	v61 =	vunpack.i.l.s16.s32 v13  }
0x652: {  	v10 =	vmul.f32 v10, v2;
	v62 =	vld [tilespmem:s19+$0x30];
	v13 =	vunpack.i.u.s16.s32 v13  }
0x653: {  	v14 =	vmul.f32 v14, v2;
	v63 =	vld [tilespmem:s0+$0x50]  }
0x654: {  	v9 =	vmul.f32 v9, v5;
	[tilespmem:v8+s22+$0x0] =	vst.idx.add.f32.msk $0xffff, v10  }
0x655: {  	v8 =	vmul.f32 v15, v5;
	[tilespmem:v12+s22+$0x0] =	vst.idx.add.f32.msk $0xffff, v14  }
0x656: {  	[tilespmem:v61+s22+$0x0] =	vst.idx.add.f32.msk $0xffff, v9  }
0x657: {  	v3 =	vmul.f32 v7, v3;
	[tilespmem:v13+s22+$0x0] =	vst.idx.add.f32.msk $0xffff, v8  }
0x658: {  	v7 =	vunpack.i.l.s16.s32 v42;
	v6 =	vmul.f32 v11, v6;
	v13 =	vunpack.i.l.s16.s32 v63;
	v10 =	vld [tilespmem:s31+$0x400]  }
0x659: {  	s20 =	simm.s32 $0x6;
	s5 =	sadd.s32 $0x980, s6;
	v11 =	vmul.f32 v62, v4;
	v12 =	vunpack.i.u.s16.s32 v63;
	v9 =	vld [tilespmem:s30+$0x20];
	v8 =	vmul.f32 v16, v4  }
.LBB2_8:
0x65a: {  	s20 =	sadd.s32 $0x2, s20;
	s6 =	sadd.s32 s1, s5;
	s10 =	sadd.s32 s17, s5;
	v14 =	vld [tilespmem:s30+$0x30]  }
0x65b: {  	s1 =	sshrl.u32 s20, $0x3;
	p3 =	slt.u32 s20, $0x3E;
	v15 =	vld [tilespmem:s10+$0x0]  }
0x65c: {  	s3 =	sadd.s32 $0x100, s3;
	s5 =	sshll.u32 s20, $0x8;
	s7 =	smul.u32 $0x3000, s1;
	v16 =	vld [tilespmem:s10+$0x10]  }
0x65d: {  	s16 =	sadd.s32 $0x2, s16;
	s1 =	sand.u32 $0x300, s3;
	s5 =	sand.u32 $0x3FFFF800, s5;
	[tilespmem:v13+s22+$0x0] =	vst.idx.add.f32.msk $0xffff, v8;
	v13 =	vunpack.i.l.s16.s32 v10  }
0x65e: {  	s8 =	sadd.s32 $0xC180, s5;
	s17 =	sor.u32 $0x80, s1;
	v17 =	vunpack.i.u.s16.s32 v10;
	v8 =	vld.msk [tilespmem:s16+$0xFFFFFFFF ss:$0x0], $0xffff;
	s5 =	sshra.s32 s7, $0x2;
	v10 =	vmul.f32 v9, v2  }
0x65f: {  	s9 =	sadd.s32 s1, s8;
	s12 =	sadd.s32 s17, s8;
	s11 =	sor.u32 $0x180, s5;
	v18 =	vld.msk [tilespmem:s16+$0x0 ss:$0x0], $0xffff;
	v9 =	vmul.f32 v14, v2  }
0x660: {  	s7 =	sadd.s32 s1, s11;
	v14 =	vld [tilespmem:s12+$0x0];
	s8 =	sadd.s32 s17, s11;
	v15 =	vmul.f32 v15, v5  }
0x661: {  	v19 =	vld [tilespmem:s8+$0x0];
	v16 =	vmul.f32 v16, v5  }
0x662: {  	[tilespmem:v13+s22+$0x0] =	vst.idx.add.f32.msk $0xffff, v15  }
0x663: {  	[tilespmem:v17+s22+$0x0] =	vst.idx.add.f32.msk $0xffff, v16  }
0x664: {  	v13 =	vld [tilespmem:s31+$0x410]  }
0x665: {  	v15 =	vld [tilespmem:s8+$0x10]  }
0x666: {  	v17 =	vunpack.i.l.s16.s32 v14;
	v16 =	vld [tilespmem:s7+$0x0]  }
0x667: {  	v14 =	vunpack.i.u.s16.s32 v14;
	v20 =	vld [tilespmem:s10+$0x20]  }
0x668: {  	v21 =	vld [tilespmem:s10+$0x30]  }
0x669: {  	v19 =	vmul.f32 v19, v18;
	v22 =	vld [tilespmem:s7+$0x10];
	v23 =	vunpack.i.l.s16.s32 v13  }
0x66a: {  	v13 =	vunpack.i.u.s16.s32 v13;
	v24 =	vld [tilespmem:s9+$0x0];
	v15 =	vmul.f32 v15, v18  }
0x66b: {  	v16 =	vmul.f32 v16, v8;
	[tilespmem:v17+s22+$0x0] =	vst.idx.add.f32.msk $0xffff, v19  }
0x66c: {  	[tilespmem:v14+s22+$0x0] =	vst.idx.add.f32.msk $0xffff, v15;
	v14 =	vmul.f32 v20, v5  }
0x66d: {  	v15 =	vld [tilespmem:s12+$0x10];
	v17 =	vmul.f32 v21, v5  }
0x66e: {  	v19 =	vmul.f32 v22, v8;
	[tilespmem:v23+s22+$0x0] =	vst.idx.add.f32.msk $0xffff, v14  }
0x66f: {  	v14 =	vunpack.i.u.s16.s32 v24;
	v20 =	vunpack.i.l.s16.s32 v24;
	[tilespmem:v13+s22+$0x0] =	vst.idx.add.f32.msk $0xffff, v17  }
0x670: {  	v13 =	vld [tilespmem:s31+$0x420];
	s31 =	smov.u32 s12  }
0x671: {  	[tilespmem:v12+s22+$0x0] =	vst.idx.add.f32.msk $0xffff, v11  }
0x672: {  	v11 =	vld [tilespmem:s8+$0x20]  }
0x673: {  	v12 =	vld [tilespmem:s10+$0x37]  }
0x674: {  	v17 =	vunpack.i.l.s16.s32 v15;
	v21 =	vld [tilespmem:s8+$0x30]  }
0x675: {  	[tilespmem:v20+s22+$0x0] =	vst.idx.add.f32.msk $0xffff, v16;
	v13 =	vunpack.i.l.s16.s32 v13  }
0x676: {  	[tilespmem:v14+s22+$0x0] =	vst.idx.add.f32.msk $0xffff, v19;
	v14 =	vunpack.i.u.s16.s32 v15  }
0x677: {  	v15 =	vld [tilespmem:s7+$0x20];
	v11 =	vmul.f32 v11, v18  }
0x678: {  	v16 =	vld [tilespmem:s7+$0x30];
	v12 =	vmul.f32 v12, v5;
	v5 =	vmov v18  }
0x679: {  	[tilespmem:v17+s22+$0x0] =	vst.idx.add.f32.msk $0xffff, v11;
	v11 =	vmul.f32 v21, v5  }
0x67a: {  	[tilespmem:v13+s22+$0x0] =	vst.idx.add.f32.msk vm0, v12  }
0x67b: {  	[tilespmem:v14+s22+$0x0] =	vst.idx.add.f32.msk $0xffff, v11  }
0x67c: {  	v11 =	vmul.f32 v15, v8;
	v12 =	vld [tilespmem:s31+$0x20]  }
0x67d: {  	v13 =	vld [tilespmem:s9+$0x10];
	v14 =	vmul.f32 v16, v8  }
0x67e: {  	v15 =	vld [tilespmem:s19+$0x40]  }
0x67f: {  	v16 =	vld [tilespmem:s8+$0x40]  }
0x680: {  	v17 =	vld [tilespmem:s8+$0x50]  }
0x681: {  	v18 =	vunpack.i.l.s16.s32 v12;
	v19 =	vld [tilespmem:s19+$0x50]  }
0x682: {  	v12 =	vunpack.i.u.s16.s32 v12;
	v20 =	vunpack.i.u.s16.s32 v13;
	v13 =	vunpack.i.l.s16.s32 v13;
	v21 =	vld [tilespmem:s0+$0x60]  }
0x683: {  	v15 =	vmul.f32 v15, v4;
	v22 =	vld [tilespmem:s29+$0x410]  }
0x684: {  	v16 =	vmul.f32 v16, v5;
	v23 =	vld [tilespmem:s28+$0x420];
	s28 =	smov.u32 s29;
	s29 =	smov.u32 s0;
	s0 =	smov.u32 s9  }
0x685: {  	v17 =	vmul.f32 v17, v5;
	[tilespmem:v7+s22+$0x0] =	vst.idx.add.f32.msk vm0, v3;
	v3 =	vmov v6  }
0x686: {  	[tilespmem:v18+s22+$0x0] =	vst.idx.add.f32.msk $0xffff, v16;
	v6 =	vmul.f32 v19, v4  }
0x687: {  	[tilespmem:v12+s22+$0x0] =	vst.idx.add.f32.msk $0xffff, v17;
	v12 =	vunpack.i.u.s16.s32 v21;
	v16 =	vunpack.i.l.s16.s32 v21  }
0x688: {  	v17 =	vld [tilespmem:s31+$0x30];
	v18 =	vunpack.i.u.s16.s32 v22;
	v19 =	vunpack.i.l.s16.s32 v22  }
0x689: {  	[tilespmem:v13+s22+$0x0] =	vst.idx.add.f32.msk $0xffff, v11;
	v7 =	vunpack.i.l.s16.s32 v23  }
0x68a: {  	[tilespmem:v20+s22+$0x0] =	vst.idx.add.f32.msk $0xffff, v14  }
0x68b: {  	v11 =	vld [tilespmem:s8+$0x60]  }
0x68c: {  	v13 =	vld [tilespmem:s8+$0x70]  }
0x68d: {  	v14 =	vld [tilespmem:s7+$0x40];
	v20 =	vunpack.i.l.s16.s32 v17  }
0x68e: {  	v17 =	vunpack.i.u.s16.s32 v17;
	v21 =	vld [tilespmem:s7+$0x50]  }
0x68f: {  	v22 =	vld [tilespmem:s0+$0x20]  }
0x690: {  	v11 =	vmul.f32 v11, v5;
	[tilespmem:v16+s22+$0x0] =	vst.idx.add.f32.msk $0xffff, v15  }
0x691: {  	v13 =	vmul.f32 v13, v5;
	[tilespmem:v12+s22+$0x0] =	vst.idx.add.f32.msk $0xffff, v6  }
0x692: {  	v6 =	vmul.f32 v14, v8;
	[tilespmem:v20+s22+$0x0] =	vst.idx.add.f32.msk $0xffff, v11  }
0x693: {  	v11 =	vmul.f32 v21, v8;
	[tilespmem:v17+s22+$0x0] =	vst.idx.add.f32.msk $0xffff, v13  }
0x694: {  	v12 =	vunpack.i.u.s16.s32 v22;
	v13 =	vunpack.i.l.s16.s32 v22;
	v14 =	vld [tilespmem:s31+$0x40]  }
0x695: {  	s9 =	sadd.s32 $0x580, s5;
	v15 =	vld [tilespmem:s19+$0x60]  }
0x696: {  	s8 =	sadd.s32 s17, s9;
	v16 =	vld [tilespmem:s19+$0x70];
	s19 =	sadd.s32 s1, s9  }
0x697: {  	v17 =	vld [tilespmem:s8+$0x0]  }
0x698: {  	v20 =	vld [tilespmem:s8+$0x10]  }
0x699: {  	[tilespmem:v13+s22+$0x0] =	vst.idx.add.f32.msk $0xffff, v6;
	v6 =	vunpack.i.l.s16.s32 v14  }
0x69a: {  	[tilespmem:v12+s22+$0x0] =	vst.idx.add.f32.msk $0xffff, v11;
	v11 =	vunpack.i.u.s16.s32 v14;
	v12 =	vmul.f32 v15, v4  }
0x69b: {  	v13 =	vld [tilespmem:s7+$0x60];
	v14 =	vmul.f32 v16, v4  }
0x69c: {  	v15 =	vld [tilespmem:s7+$0x70];
	v16 =	vmul.f32 v17, v5  }
0x69d: {  	v17 =	vld [tilespmem:s0+$0x30];
	v20 =	vmul.f32 v20, v5  }
0x69e: {  	[tilespmem:v6+s22+$0x0] =	vst.idx.add.f32.msk $0xffff, v16  }
0x69f: {  	[tilespmem:v11+s22+$0x0] =	vst.idx.add.f32.msk $0xffff, v20  }
0x6a0: {  	v6 =	vmul.f32 v13, v8;
	v11 =	vld [tilespmem:s31+$0x50]  }
0x6a1: {  	v13 =	vmul.f32 v15, v8;
	v15 =	vld [tilespmem:s29+$0x70]  }
0x6a2: {  	v16 =	vunpack.i.u.s16.s32 v17;
	v17 =	vunpack.i.l.s16.s32 v17;
	[tilespmem:v19+s22+$0x0] =	vst.idx.add.f32.msk $0xffff, v10  }
0x6a3: {  	v10 =	vld [tilespmem:s8+$0x20]  }
0x6a4: {  	v19 =	vld [tilespmem:s8+$0x30]  }
0x6a5: {  	v20 =	vunpack.i.l.s16.s32 v11;
	[tilespmem:v18+s22+$0x0] =	vst.idx.add.f32.msk $0xffff, v9  }
0x6a6: {  	v9 =	vunpack.i.u.s16.s32 v11;
	v11 =	vunpack.i.u.s16.s32 v15;
	v15 =	vunpack.i.l.s16.s32 v15;
	v18 =	vld [tilespmem:s30+$0x37];
	s30 =	smov.u32 s6  }
0x6a7: {  	[tilespmem:v17+s22+$0x0] =	vst.idx.add.f32.msk $0xffff, v6  }
0x6a8: {  	[tilespmem:v16+s22+$0x0] =	vst.idx.add.f32.msk $0xffff, v13;
	v6 =	vmul.f32 v10, v5  }
0x6a9: {  	v10 =	vld [tilespmem:s19+$0x0];
	v13 =	vmul.f32 v19, v5  }
0x6aa: {  	[tilespmem:v20+s22+$0x0] =	vst.idx.add.f32.msk $0xffff, v6  }
0x6ab: {  	[tilespmem:v9+s22+$0x0] =	vst.idx.add.f32.msk $0xffff, v13;
	v6 =	vmul.f32 v18, v2;
	v2 =	vmov v4;
	v4 =	vmov v8  }
0x6ac: {  	v8 =	vld [tilespmem:s31+$0x60]  }
0x6ad: {  	v9 =	vld [tilespmem:s19+$0x10]  }
0x6ae: {  	v13 =	vld [tilespmem:s0+$0x40];
	v10 =	vmul.f32 v10, v4  }
0x6af: {  	v16 =	vld [tilespmem:s8+$0x40]  }
0x6b0: {  	v17 =	vld [tilespmem:s8+$0x50]  }
0x6b1: {  	v18 =	vunpack.i.l.s16.s32 v8;
	[tilespmem:v15+s22+$0x0] =	vst.idx.add.f32.msk $0xffff, v12  }
0x6b2: {  	v8 =	vunpack.i.u.s16.s32 v8;
	v9 =	vmul.f32 v9, v4;
	[tilespmem:v11+s22+$0x0] =	vst.idx.add.f32.msk $0xffff, v14  }
0x6b3: {  	v11 =	vunpack.i.u.s16.s32 v13;
	v12 =	vunpack.i.l.s16.s32 v13;
	v13 =	vld [tilespmem:s30+$0x0]  }
0x6b4: {  	v14 =	vmul.f32 v16, v5;
	v15 =	vld [tilespmem:s30+$0x10]  }
0x6b5: {  	v16 =	vmul.f32 v17, v5;
	v17 =	vld [tilespmem:s29+$0x400]  }
0x6b6: {  	[tilespmem:v18+s22+$0x0] =	vst.idx.add.f32.msk $0xffff, v14  }
0x6b7: {  	[tilespmem:v8+s22+$0x0] =	vst.idx.add.f32.msk $0xffff, v16  }
0x6b8: {  	v8 =	vld [tilespmem:s31+$0x70];
	v13 =	vmul.f32 v13, v2  }
0x6b9: {  	[tilespmem:v12+s22+$0x0] =	vst.idx.add.f32.msk $0xffff, v10;
	v10 =	vmul.f32 v15, v2  }
0x6ba: {  	[tilespmem:v11+s22+$0x0] =	vst.idx.add.f32.msk $0xffff, v9;
	v9 =	vunpack.i.u.s16.s32 v17;
	v11 =	vunpack.i.l.s16.s32 v17  }
0x6bb: {  	v12 =	vld [tilespmem:s8+$0x60]  }
0x6bc: {  	v14 =	vld [tilespmem:s8+$0x70]  }
0x6bd: {  	v15 =	vld [tilespmem:s19+$0x20];
	v16 =	vunpack.i.l.s16.s32 v8  }
0x6be: {  	v18 =	vunpack.i.u.s16.s32 v8;
	v17 =	vld [tilespmem:s19+$0x30]  }
0x6bf: {  	v19 =	vld [tilespmem:s0+$0x50]  }
0x6c0: {  	v12 =	vmul.f32 v12, v5;
	[tilespmem:v11+s22+$0x0] =	vst.idx.add.f32.msk $0xffff, v13  }
.Ltmp3:
0x6c1: {  	v13 =	vmul.f32 v14, v5;
	[tilespmem:v9+s22+$0x0] =	vst.idx.add.f32.msk $0xffff, v10;
	(pc) =	sbr.rel @p3 .LBB2_8-.Ltmp3, $4  }
0x6c2: {  	v8 =	vmul.f32 v15, v4;
	[tilespmem:v16+s22+$0x0] =	vst.idx.add.f32.msk $0xffff, v12  }
0x6c3: {  	v11 =	vmul.f32 v17, v4;
	[tilespmem:v18+s22+$0x0] =	vst.idx.add.f32.msk $0xffff, v13  }
0x6c4: {  	v12 =	vunpack.i.u.s16.s32 v19;
	v13 =	vunpack.i.l.s16.s32 v19;
	v10 =	vld [tilespmem:s31+$0x400]  }
0x6c5: {  	s5 =	sadd.s32 $0x980, s5;
	v9 =	vld [tilespmem:s30+$0x20]  }
0x6c6: {  	_ =	sdelay $0x3  }
0x6c7: {  	[tilespmem:v13+s22+$0x0] =	vst.idx.add.f32.msk $0xffff, v8  }
0x6c8: {  	[tilespmem:v12+s22+$0x0] =	vst.idx.add.f32.msk $0xffff, v11  }
0x6c9: {  	v8 =	vld [tilespmem:s0+$0x60];
	_ =	sdelay $0x2  }
0x6ca: {  	v11 =	vld [tilespmem:s19+$0x40]  }
0x6cb: {  	v12 =	vld [tilespmem:s19+$0x50]  }
0x6cc: {  	v13 =	vunpack.i.l.s16.s32 v8  }
0x6cd: {  	v8 =	vunpack.i.u.s16.s32 v8;
	_ =	sdelay $0x1  }
0x6ce: {  	s3 =	sadd.s32 s17, s5;
	v11 =	vmul.f32 v11, v4  }
0x6cf: {  	v14 =	vld [tilespmem:s3+$0x0];
	v12 =	vmul.f32 v12, v4  }
0x6d0: {  	[tilespmem:v13+s22+$0x0] =	vst.idx.add.f32.msk $0xffff, v11  }
0x6d1: {  	[tilespmem:v8+s22+$0x0] =	vst.idx.add.f32.msk $0xffff, v12  }
0x6d2: {  	v8 =	vld [tilespmem:s0+$0x70]  }
0x6d3: {  	v11 =	vld [tilespmem:s3+$0x10]  }
0x6d4: {  	v12 =	vunpack.i.l.s16.s32 v10  }
0x6d5: {  	v10 =	vunpack.i.u.s16.s32 v10;
	v13 =	vld [tilespmem:s19+$0x60]  }
0x6d6: {  	v15 =	vld [tilespmem:s19+$0x70]  }
0x6d7: {  	v14 =	vmul.f32 v14, v5;
	v16 =	vunpack.i.l.s16.s32 v8  }
0x6d8: {  	v11 =	vmul.f32 v11, v5;
	v8 =	vunpack.i.u.s16.s32 v8  }
0x6d9: {  	[tilespmem:v12+s22+$0x0] =	vst.idx.add.f32.msk $0xffff, v14  }
0x6da: {  	[tilespmem:v10+s22+$0x0] =	vst.idx.add.f32.msk $0xffff, v11;
	v10 =	vmul.f32 v13, v4  }
0x6db: {  	v12 =	vmul.f32 v15, v4;
	v11 =	vld [tilespmem:s31+$0x410]  }
0x6dc: {  	[tilespmem:v16+s22+$0x0] =	vst.idx.add.f32.msk $0xffff, v10  }
0x6dd: {  	[tilespmem:v8+s22+$0x0] =	vst.idx.add.f32.msk $0xffff, v12  }
0x6de: {  	v8 =	vld [tilespmem:s0+$0x400]  }
0x6df: {  	v10 =	vld [tilespmem:s3+$0x20]  }
0x6e0: {  	s1 =	sadd.s32 s1, s5  }
0x6e1: {  	v12 =	vunpack.i.l.s16.s32 v11;
	v13 =	vld [tilespmem:s1+$0x0]  }
0x6e2: {  	v14 =	vld [tilespmem:s1+$0x10]  }
0x6e3: {  	v15 =	vunpack.i.l.s16.s32 v8  }
0x6e4: {  	v17 =	vld [tilespmem:s30+$0x30];
	v10 =	vmul.f32 v10, v5;
	v8 =	vunpack.i.u.s16.s32 v8  }
0x6e5: {  	v37 =	vld [tilespmem:s3+$0x30]  }
0x6e6: {  	[tilespmem:v12+s22+$0x0] =	vst.idx.add.f32.msk $0xffff, v10;
	v10 =	vmul.f32 v13, v4  }
0x6e7: {  	v11 =	vunpack.i.u.s16.s32 v11;
	v12 =	vld [tilespmem:s29+$0x410];
	v13 =	vmul.f32 v14, v4  }
0x6e8: {  	[tilespmem:v15+s22+$0x0] =	vst.idx.add.f32.msk $0xffff, v10  }
0x6e9: {  	[tilespmem:v8+s22+$0x0] =	vst.idx.add.f32.msk $0xffff, v13  }
0x6ea: {  	v10 =	vmul.f32 v37, v5;
	v8 =	vld [tilespmem:s0+$0x410]  }
0x6eb: {  	v18 =	vld [tilespmem:s28+$0x420]  }
0x6ec: {  	[tilespmem:v11+s22+$0x0] =	vst.idx.add.f32.msk $0xffff, v10;
	v11 =	vunpack.i.l.s16.s32 v12  }
0x6ed: {  	v12 =	vunpack.i.u.s16.s32 v12;
	v13 =	vld [tilespmem:s1+$0x20]  }
0x6ee: {  	v14 =	vld [tilespmem:s1+$0x30]  }
0x6ef: {  	v9 =	vmul.f32 v9, v2;
	v10 =	vld [tilespmem:s31+$0x420];
	v38 =	vunpack.i.l.s16.s32 v8  }
0x6f0: {  	v17 =	vmul.f32 v17, v2;
	v15 =	vld [tilespmem:s3+$0x37];
	v8 =	vunpack.i.u.s16.s32 v8  }
0x6f1: {  	[tilespmem:v11+s22+$0x0] =	vst.idx.add.f32.msk $0xffff, v9  }
0x6f2: {  	v9 =	vmul.f32 v13, v4;
	[tilespmem:v12+s22+$0x0] =	vst.idx.add.f32.msk $0xffff, v17  }
0x6f3: {  	v11 =	vmul.f32 v14, v4;
	v12 =	vld [tilespmem:s29+$0x420]  }
0x6f4: {  	[tilespmem:v38+s22+$0x0] =	vst.idx.add.f32.msk $0xffff, v9  }
0x6f5: {  	[tilespmem:v8+s22+$0x0] =	vst.idx.add.f32.msk $0xffff, v11  }
0x6f6: {  	v8 =	vld [tilespmem:s0+$0x420];
	_ =	sdelay $0x1  }
0x6f7: {  	v9 =	vunpack.i.l.s16.s32 v10;
	v10 =	vld [tilespmem:s30+$0x37]  }
0x6f8: {  	v11 =	vunpack.i.l.s16.s32 v18;
	v13 =	vld [tilespmem:s1+$0x37]  }
0x6f9: {  	v12 =	vunpack.i.l.s16.s32 v12  }
0x6fa: {  	v5 =	vmul.f32 v15, v5;
	v8 =	vunpack.i.l.s16.s32 v8  }
0x6fb: {  	[tilespmem:v7+s22+$0x0] =	vst.idx.add.f32.msk vm0, v3  }
0x6fc: {  	[tilespmem:v9+s22+$0x0] =	vst.idx.add.f32.msk vm0, v5;
	v2 =	vmul.f32 v10, v2  }
0x6fd: {  	[tilespmem:v11+s22+$0x0] =	vst.idx.add.f32.msk vm0, v6;
	v3 =	vmul.f32 v13, v4  }
0x6fe: {  	[tilespmem:v12+s22+$0x0] =	vst.idx.add.f32.msk vm0, v2  }
0x6ff: {  	[tilespmem:v8+s22+$0x0] =	vst.idx.add.f32.msk vm0, v3  }
0x700: {  	_ =	swait.ge [sflag:s23], $0x6000  }
0x701: {  	[sflag:s23] =	ssyncset.done $0x0  }
0x702: {  	s8 =	simm.s32 $0x0;
	[sflag:s23] =	ssyncadd.s32 $0xFFFFA000  }
0x703: {  	s9 =	simm.s32 $0x0;
	s1 =	sand.u32 $0x300, s8;
	_ =	swait.ge [sflag:s24], $0x4000  }
0x704: {  	s3 =	smul.u32 $0x3000, s9;
	s0 =	sor.u32 $0x80, s1;
	[sflag:s24] =	ssyncset.done $0x0  }
0x705: {  	s6 =	sadd.s32 $0xC180, s0;
	[sflag:s24] =	ssyncadd.s32 $0xFFFFC000  }
0x706: {  	s3 =	sshra.s32 s3, $0x2;
	v3 =	vld [tilespmem:s6+$0x4000]  }
0x707: {  	s10 =	simm.s32 $0xC1;
	s7 =	sadd.s32 $0x6180, s3  }
0x708: {  	s8 =	sadd.s32 s0, s7;
	v2 =	vld.msk [tilespmem:s10+$0x0 ss:$0x0], $0xffff  }
0x709: {  	v4 =	vld [tilespmem:s8+$0x0]  }
0x70a: {  	v5 =	vld [tilespmem:s8+$0x10]  }
0x70b: {  	v6 =	vunpack.i.l.s16.s32 v3  }
0x70c: {  	v3 =	vunpack.i.u.s16.s32 v3;
	_ =	sdelay $0x1  }
0x70d: {  	v4 =	vmul.f32 v4, v2  }
0x70e: {  	v5 =	vmul.f32 v5, v2  }
0x70f: {  	[tilespmem:v6+s22+$0x0] =	vst.idx.add.f32.msk $0xffff, v4  }
0x710: {  	[tilespmem:v3+s22+$0x0] =	vst.idx.add.f32.msk $0xffff, v5  }
0x711: {  	v4 =	vld [tilespmem:s6+$0x4010];
	_ =	sdelay $0x2  }
0x712: {  	v5 =	vld [tilespmem:s8+$0x20]  }
0x713: {  	v6 =	vld [tilespmem:s8+$0x30]  }
0x714: {  	s30 =	sadd.s32 $0xC180, s1;
	v7 =	vunpack.i.l.s16.s32 v4  }
0x715: {  	s11 =	sadd.s32 s1, s7;
	v8 =	vld [tilespmem:s30+$0x4000];
	v4 =	vunpack.i.u.s16.s32 v4  }
0x716: {  	v9 =	vld [tilespmem:s11+$0x0]  }
0x717: {  	v10 =	vld [tilespmem:s11+$0x10];
	v5 =	vmul.f32 v5, v2  }
0x718: {  	v3 =	vld.msk [tilespmem:s10+$0xFFFFFFFF ss:$0x0], $0xffff;
	v6 =	vmul.f32 v6, v2  }
0x719: {  	[tilespmem:v7+s22+$0x0] =	vst.idx.add.f32.msk $0xffff, v5  }
0x71a: {  	[tilespmem:v4+s22+$0x0] =	vst.idx.add.f32.msk $0xffff, v6  }
0x71b: {  	v4 =	vunpack.i.l.s16.s32 v8;
	v5 =	vld [tilespmem:s6+$0x4020]  }
0x71c: {  	v6 =	vunpack.i.u.s16.s32 v8;
	_ =	sdelay $0x1  }
0x71d: {  	v7 =	vmul.f32 v9, v3;
	v8 =	vld [tilespmem:s8+$0x40]  }
0x71e: {  	v9 =	vmul.f32 v10, v3;
	v10 =	vld [tilespmem:s8+$0x50]  }
0x71f: {  	[tilespmem:v4+s22+$0x0] =	vst.idx.add.f32.msk $0xffff, v7;
	v4 =	vunpack.i.l.s16.s32 v5  }
0x720: {  	[tilespmem:v6+s22+$0x0] =	vst.idx.add.f32.msk $0xffff, v9;
	v5 =	vunpack.i.u.s16.s32 v5  }
0x721: {  	v6 =	vld [tilespmem:s11+$0x20]  }
0x722: {  	v8 =	vmul.f32 v8, v2;
	v7 =	vld [tilespmem:s30+$0x4010]  }
0x723: {  	v10 =	vmul.f32 v10, v2;
	v9 =	vld [tilespmem:s11+$0x30]  }
0x724: {  	[tilespmem:v4+s22+$0x0] =	vst.idx.add.f32.msk $0xffff, v8  }
0x725: {  	[tilespmem:v5+s22+$0x0] =	vst.idx.add.f32.msk $0xffff, v10  }
0x726: {  	v4 =	vld [tilespmem:s6+$0x4030]  }
0x727: {  	v5 =	vunpack.i.l.s16.s32 v7  }
0x728: {  	v7 =	vunpack.i.u.s16.s32 v7  }
0x729: {  	v8 =	vld [tilespmem:s8+$0x60]  }
0x72a: {  	v6 =	vmul.f32 v6, v3;
	v10 =	vld [tilespmem:s8+$0x70]  }
0x72b: {  	v9 =	vmul.f32 v9, v3;
	v11 =	vunpack.i.l.s16.s32 v4  }
0x72c: {  	[tilespmem:v5+s22+$0x0] =	vst.idx.add.f32.msk $0xffff, v6;
	v4 =	vunpack.i.u.s16.s32 v4  }
0x72d: {  	[tilespmem:v7+s22+$0x0] =	vst.idx.add.f32.msk $0xffff, v9  }
0x72e: {  	v6 =	vmul.f32 v8, v2;
	v5 =	vld [tilespmem:s11+$0x40]  }
0x72f: {  	v8 =	vmul.f32 v10, v2;
	v7 =	vld [tilespmem:s30+$0x4020]  }
0x730: {  	[tilespmem:v11+s22+$0x0] =	vst.idx.add.f32.msk $0xffff, v6  }
0x731: {  	[tilespmem:v4+s22+$0x0] =	vst.idx.add.f32.msk $0xffff, v8  }
0x732: {  	v4 =	vld [tilespmem:s6+$0x4040]  }
0x733: {  	s12 =	sadd.s32 $0x6580, s3;
	v6 =	vld [tilespmem:s11+$0x50]  }
0x734: {  	s16 =	sadd.s32 s0, s12;
	v8 =	vunpack.i.l.s16.s32 v7  }
0x735: {  	v7 =	vunpack.i.u.s16.s32 v7;
	v9 =	vld [tilespmem:s16+$0x0]  }
0x736: {  	v10 =	vld [tilespmem:s16+$0x10]  }
0x737: {  	v5 =	vmul.f32 v5, v3;
	v11 =	vunpack.i.l.s16.s32 v4  }
0x738: {  	v6 =	vmul.f32 v6, v3;
	v4 =	vunpack.i.u.s16.s32 v4  }
0x739: {  	[tilespmem:v8+s22+$0x0] =	vst.idx.add.f32.msk $0xffff, v5  }
0x73a: {  	[tilespmem:v7+s22+$0x0] =	vst.idx.add.f32.msk $0xffff, v6;
	v5 =	vmul.f32 v9, v2  }
0x73b: {  	v7 =	vmul.f32 v10, v2;
	v6 =	vld [tilespmem:s30+$0x4030]  }
0x73c: {  	[tilespmem:v11+s22+$0x0] =	vst.idx.add.f32.msk $0xffff, v5  }
0x73d: {  	[tilespmem:v4+s22+$0x0] =	vst.idx.add.f32.msk $0xffff, v7  }
0x73e: {  	v4 =	vld [tilespmem:s6+$0x4050];
	_ =	sdelay $0x1  }
0x73f: {  	v5 =	vld [tilespmem:s11+$0x60]  }
0x740: {  	v7 =	vld [tilespmem:s16+$0x20]  }
0x741: {  	v8 =	vunpack.i.l.s16.s32 v6;
	v9 =	vld [tilespmem:s16+$0x30]  }
0x742: {  	v10 =	vunpack.i.l.s16.s32 v4  }
0x743: {  	v4 =	vunpack.i.u.s16.s32 v4  }
0x744: {  	v11 =	vld [tilespmem:s11+$0x70];
	v5 =	vmul.f32 v5, v3  }
0x745: {  	v7 =	vmul.f32 v7, v2  }
0x746: {  	v6 =	vunpack.i.u.s16.s32 v6;
	[tilespmem:v8+s22+$0x0] =	vst.idx.add.f32.msk $0xffff, v5;
	v5 =	vmul.f32 v9, v2  }
0x747: {  	[tilespmem:v10+s22+$0x0] =	vst.idx.add.f32.msk $0xffff, v7  }
0x748: {  	[tilespmem:v4+s22+$0x0] =	vst.idx.add.f32.msk $0xffff, v5  }
0x749: {  	v7 =	vmul.f32 v11, v3;
	v4 =	vld [tilespmem:s6+$0x4060];
	_ =	sdelay $0x1  }
0x74a: {  	[tilespmem:v6+s22+$0x0] =	vst.idx.add.f32.msk $0xffff, v7  }
0x74b: {  	v6 =	vld [tilespmem:s16+$0x40]  }
0x74c: {  	v7 =	vld [tilespmem:s16+$0x50]  }
0x74d: {  	v5 =	vld [tilespmem:s30+$0x4040];
	v8 =	vunpack.i.l.s16.s32 v4  }
0x74e: {  	v4 =	vunpack.i.u.s16.s32 v4  }
0x74f: {  	s7 =	sadd.s32 s1, s12  }
0x750: {  	v9 =	vld [tilespmem:s7+$0x0];
	v6 =	vmul.f32 v6, v2  }
0x751: {  	v10 =	vld [tilespmem:s7+$0x10];
	v7 =	vmul.f32 v7, v2  }
0x752: {  	v11 =	vunpack.i.l.s16.s32 v5;
	[tilespmem:v8+s22+$0x0] =	vst.idx.add.f32.msk $0xffff, v6  }
0x753: {  	[tilespmem:v4+s22+$0x0] =	vst.idx.add.f32.msk $0xffff, v7  }
0x754: {  	v5 =	vunpack.i.u.s16.s32 v5;
	v6 =	vld [tilespmem:s6+$0x4070]  }
0x755: {  	v4 =	vmul.f32 v9, v3  }
0x756: {  	v7 =	vld [tilespmem:s16+$0x60]  }
0x757: {  	[tilespmem:v11+s22+$0x0] =	vst.idx.add.f32.msk $0xffff, v4;
	v4 =	vmul.f32 v10, v3  }
0x758: {  	v8 =	vld [tilespmem:s16+$0x70]  }
0x759: {  	[tilespmem:v5+s22+$0x0] =	vst.idx.add.f32.msk $0xffff, v4;
	v4 =	vunpack.i.l.s16.s32 v6  }
0x75a: {  	v5 =	vunpack.i.u.s16.s32 v6;
	_ =	sdelay $0x1  }
0x75b: {  	s9 =	simm.s32 $0x100;
	s17 =	sadd.s32 $0x6980, s3;
	s10 =	simm.s32 $0x0;
	v9 =	vld [tilespmem:s30+$0x4050];
	v6 =	vmul.f32 v7, v2  }
0x75c: {  	s16 =	sadd.s32 s0, s17;
	s0 =	sand.u32 $0x300, s9;
	s9 =	smul.u32 $0x3000, s10;
	v7 =	vld [tilespmem:s7+$0x20];
	v8 =	vmul.f32 v8, v2  }
0x75d: {  	[tilespmem:v4+s22+$0x0] =	vst.idx.add.f32.msk $0xffff, v6  }
0x75e: {  	s5 =	sor.u32 $0x80, s0;
	s11 =	sshra.s32 s9, $0x2;
	[tilespmem:v5+s22+$0x0] =	vst.idx.add.f32.msk $0xffff, v8  }
0x75f: {  	s3 =	sadd.s32 $0xC180, s5;
	s9 =	sadd.s32 $0x6180, s11;
	v5 =	vld [tilespmem:s6+$0x4400]  }
0x760: {  	v12 =	vld [tilespmem:s3+$0x4000];
	s12 =	sadd.s32 s5, s9  }
0x761: {  	v13 =	vld [tilespmem:s12+$0x0];
	v4 =	vunpack.i.l.s16.s32 v9  }
0x762: {  	v6 =	vmul.f32 v7, v3;
	v7 =	vld [tilespmem:s16+$0x0]  }
0x763: {  	v10 =	vld [tilespmem:s16+$0x10]  }
0x764: {  	v14 =	vld [tilespmem:s12+$0x10];
	v11 =	vunpack.i.l.s16.s32 v5  }
0x765: {  	v8 =	vld [tilespmem:s7+$0x30];
	v5 =	vunpack.i.u.s16.s32 v5  }
0x766: {  	s10 =	simm.s32 $0xC3;
	[tilespmem:v4+s22+$0x0] =	vst.idx.add.f32.msk $0xffff, v6  }
0x767: {  	s9 =	sadd.s32 s0, s9;
	v4 =	vld.msk [tilespmem:s10+$0x0 ss:$0x0], $0xffff;
	v7 =	vmul.f32 v7, v2  }
0x768: {  	v40 =	vld [tilespmem:s9+$0x10];
	v10 =	vmul.f32 v10, v2  }
0x769: {  	[tilespmem:v11+s22+$0x0] =	vst.idx.add.f32.msk $0xffff, v7;
	v7 =	vunpack.i.l.s16.s32 v12  }
0x76a: {  	[tilespmem:v5+s22+$0x0] =	vst.idx.add.f32.msk $0xffff, v10;
	v5 =	vunpack.i.u.s16.s32 v12  }
0x76b: {  	v6 =	vld.msk [tilespmem:s10+$0xFFFFFFFF ss:$0x0], $0xffff  }
0x76c: {  	v9 =	vunpack.i.u.s16.s32 v9;
	v12 =	vmul.f32 v13, v4;
	v10 =	vld [tilespmem:s6+$0x4410]  }
0x76d: {  	v14 =	vmul.f32 v14, v4;
	v11 =	vld [tilespmem:s16+$0x20]  }
0x76e: {  	[tilespmem:v7+s22+$0x0] =	vst.idx.add.f32.msk $0xffff, v12  }
0x76f: {  	v8 =	vmul.f32 v8, v3;
	[tilespmem:v5+s22+$0x0] =	vst.idx.add.f32.msk $0xffff, v14  }
0x770: {  	v5 =	vld [tilespmem:s3+$0x4010]  }
0x771: {  	[tilespmem:v9+s22+$0x0] =	vst.idx.add.f32.msk $0xffff, v8  }
0x772: {  	v13 =	vld [tilespmem:s16+$0x30];
	v12 =	vunpack.i.l.s16.s32 v10  }
0x773: {  	v15 =	vld [tilespmem:s12+$0x20]  }
0x774: {  	s28 =	sadd.s32 $0xC180, s0;
	v10 =	vunpack.i.u.s16.s32 v10;
	v39 =	vld [tilespmem:s12+$0x30]  }
0x775: {  	v14 =	vld [tilespmem:s28+$0x4000];
	v11 =	vmul.f32 v11, v2;
	v41 =	vunpack.i.l.s16.s32 v5  }
0x776: {  	v7 =	vld [tilespmem:s9+$0x0];
	v5 =	vunpack.i.u.s16.s32 v5  }
0x777: {  	v13 =	vmul.f32 v13, v2;
	[tilespmem:v12+s22+$0x0] =	vst.idx.add.f32.msk $0xffff, v11  }
0x778: {  	v11 =	vmul.f32 v15, v4;
	v15 =	vld [tilespmem:s7+$0x40]  }
0x779: {  	v8 =	vmul.f32 v39, v4;
	[tilespmem:v10+s22+$0x0] =	vst.idx.add.f32.msk $0xffff, v13  }
0x77a: {  	v12 =	vunpack.i.l.s16.s32 v14;
	[tilespmem:v41+s22+$0x0] =	vst.idx.add.f32.msk $0xffff, v11  }
0x77b: {  	[tilespmem:v5+s22+$0x0] =	vst.idx.add.f32.msk $0xffff, v8  }
0x77c: {  	v5 =	vmul.f32 v7, v6;
	v7 =	vunpack.i.u.s16.s32 v14;
	v8 =	vld [tilespmem:s3+$0x4020]  }
0x77d: {  	v10 =	vld [tilespmem:s6+$0x4420]  }
0x77e: {  	v11 =	vld [tilespmem:s12+$0x40]  }
0x77f: {  	[tilespmem:v12+s22+$0x0] =	vst.idx.add.f32.msk $0xffff, v5;
	v5 =	vmul.f32 v40, v6  }
0x780: {  	v12 =	vld [tilespmem:s12+$0x50]  }
0x781: {  	[tilespmem:v7+s22+$0x0] =	vst.idx.add.f32.msk $0xffff, v5;
	v5 =	vunpack.i.l.s16.s32 v8  }
0x782: {  	v9 =	vld [tilespmem:s16+$0x37];
	v8 =	vunpack.i.u.s16.s32 v8  }
0x783: {  	v13 =	vld [tilespmem:s28+$0x4010]  }
0x784: {  	v7 =	vld [tilespmem:s9+$0x20];
	v11 =	vmul.f32 v11, v4  }
0x785: {  	v14 =	vld [tilespmem:s9+$0x30];
	v12 =	vmul.f32 v12, v4  }
0x786: {  	[tilespmem:v5+s22+$0x0] =	vst.idx.add.f32.msk $0xffff, v11  }
0x787: {  	[tilespmem:v8+s22+$0x0] =	vst.idx.add.f32.msk $0xffff, v12  }
0x788: {  	v5 =	vunpack.i.l.s16.s32 v13;
	v8 =	vld [tilespmem:s3+$0x4030]  }
0x789: {  	v11 =	vld [tilespmem:s7+$0x50];
	v12 =	vunpack.i.u.s16.s32 v13  }
0x78a: {  	v13 =	vld [tilespmem:s30+$0x4060]  }
0x78b: {  	v7 =	vmul.f32 v7, v6;
	v42 =	vld [tilespmem:s12+$0x60]  }
0x78c: {  	v14 =	vmul.f32 v14, v6;
	v43 =	vld [tilespmem:s12+$0x70]  }
0x78d: {  	[tilespmem:v5+s22+$0x0] =	vst.idx.add.f32.msk $0xffff, v7;
	v5 =	vunpack.i.l.s16.s32 v8  }
0x78e: {  	[tilespmem:v12+s22+$0x0] =	vst.idx.add.f32.msk $0xffff, v14;
	v7 =	vunpack.i.u.s16.s32 v8  }
0x78f: {  	v8 =	vld [tilespmem:s9+$0x40]  }
0x790: {  	v10 =	vunpack.i.l.s16.s32 v10;
	v12 =	vld [tilespmem:s28+$0x4020];
	v14 =	vmul.f32 v42, v4  }
0x791: {  	v44 =	vunpack.i.l.s16.s32 v13;
	v45 =	vld [tilespmem:s9+$0x50];
	v17 =	vmul.f32 v43, v4  }
0x792: {  	[tilespmem:v5+s22+$0x0] =	vst.idx.add.f32.msk $0xffff, v14  }
0x793: {  	v2 =	vmul.f32 v9, v2;
	[tilespmem:v7+s22+$0x0] =	vst.idx.add.f32.msk $0xffff, v17  }
0x794: {  	v5 =	vmul.f32 v15, v3;
	v7 =	vunpack.i.u.s16.s32 v13;
	v9 =	vld [tilespmem:s3+$0x4040]  }
0x795: {  	s19 =	sadd.s32 $0x6580, s11;
	[tilespmem:v10+s22+$0x0] =	vst.idx.add.f32.msk vm0, v2;
	v2 =	vunpack.i.l.s16.s32 v12  }
0x796: {  	s20 =	sadd.s32 s5, s19;
	[tilespmem:v44+s22+$0x0] =	vst.idx.add.f32.msk $0xffff, v5;
	v5 =	vunpack.i.u.s16.s32 v12  }
0x797: {  	v10 =	vmul.f32 v11, v3;
	v11 =	vld [tilespmem:s20+$0x0]  }
0x798: {  	v8 =	vmul.f32 v8, v6;
	v12 =	vld [tilespmem:s20+$0x10]  }
0x799: {  	[tilespmem:v7+s22+$0x0] =	vst.idx.add.f32.msk $0xffff, v10;
	v7 =	vmul.f32 v45, v6;
	v10 =	vunpack.i.l.s16.s32 v9  }
0x79a: {  	[tilespmem:v2+s22+$0x0] =	vst.idx.add.f32.msk $0xffff, v8;
	v2 =	vunpack.i.u.s16.s32 v9  }
0x79b: {  	[tilespmem:v5+s22+$0x0] =	vst.idx.add.f32.msk $0xffff, v7  }
0x79c: {  	v7 =	vmul.f32 v11, v4;
	v5 =	vld [tilespmem:s9+$0x60]  }
0x79d: {  	v9 =	vmul.f32 v12, v4;
	v8 =	vld [tilespmem:s28+$0x4030]  }
0x79e: {  	[tilespmem:v10+s22+$0x0] =	vst.idx.add.f32.msk $0xffff, v7  }
0x79f: {  	[tilespmem:v2+s22+$0x0] =	vst.idx.add.f32.msk $0xffff, v9  }
0x7a0: {  	v2 =	vld [tilespmem:s3+$0x4050]  }
0x7a1: {  	v7 =	vld [tilespmem:s9+$0x70]  }
0x7a2: {  	v13 =	vld [tilespmem:s7+$0x70];
	v10 =	vunpack.i.l.s16.s32 v8  }
0x7a3: {  	v8 =	vunpack.i.u.s16.s32 v8;
	v11 =	vld [tilespmem:s20+$0x20]  }
0x7a4: {  	v12 =	vld [tilespmem:s20+$0x30]  }
0x7a5: {  	v15 =	vld [tilespmem:s30+$0x4070];
	v5 =	vmul.f32 v5, v6;
	v14 =	vunpack.i.l.s16.s32 v2  }
0x7a6: {  	v9 =	vld [tilespmem:s7+$0x60];
	v7 =	vmul.f32 v7, v6;
	v2 =	vunpack.i.u.s16.s32 v2  }
0x7a7: {  	[tilespmem:v10+s22+$0x0] =	vst.idx.add.f32.msk $0xffff, v5  }
0x7a8: {  	s7 =	sadd.s32 s0, s19;
	v5 =	vmul.f32 v11, v4;
	[tilespmem:v8+s22+$0x0] =	vst.idx.add.f32.msk $0xffff, v7  }
0x7a9: {  	v8 =	vmul.f32 v12, v4;
	v7 =	vld [tilespmem:s7+$0x0]  }
0x7aa: {  	[tilespmem:v14+s22+$0x0] =	vst.idx.add.f32.msk $0xffff, v5  }
0x7ab: {  	[tilespmem:v2+s22+$0x0] =	vst.idx.add.f32.msk $0xffff, v8  }
0x7ac: {  	v2 =	vunpack.i.l.s16.s32 v15;
	v5 =	vld [tilespmem:s3+$0x4060]  }
0x7ad: {  	v11 =	vld [tilespmem:s28+$0x4040];
	v8 =	vunpack.i.u.s16.s32 v15  }
0x7ae: {  	v10 =	vld [tilespmem:s7+$0x10]  }
0x7af: {  	v9 =	vmul.f32 v9, v3;
	v12 =	vld [tilespmem:s20+$0x40]  }
0x7b0: {  	v13 =	vmul.f32 v13, v3;
	v14 =	vld [tilespmem:s20+$0x50]  }
0x7b1: {  	[tilespmem:v2+s22+$0x0] =	vst.idx.add.f32.msk $0xffff, v9;
	v15 =	vunpack.i.l.s16.s32 v5  }
0x7b2: {  	s16 =	sadd.s32 s1, s17;
	[tilespmem:v8+s22+$0x0] =	vst.idx.add.f32.msk $0xffff, v13;
	v8 =	vunpack.i.l.s16.s32 v11  }
0x7b3: {  	v2 =	vunpack.i.u.s16.s32 v5;
	v5 =	vld [tilespmem:s16+$0x0]  }
0x7b4: {  	v9 =	vmul.f32 v12, v4;
	v12 =	vld [tilespmem:s16+$0x10]  }
0x7b5: {  	v7 =	vmul.f32 v7, v6;
	v13 =	vmul.f32 v14, v4;
	v14 =	vld [tilespmem:s30+$0x4400]  }
0x7b6: {  	[tilespmem:v15+s22+$0x0] =	vst.idx.add.f32.msk $0xffff, v9  }
0x7b7: {  	v11 =	vunpack.i.u.s16.s32 v11;
	[tilespmem:v8+s22+$0x0] =	vst.idx.add.f32.msk $0xffff, v7  }
0x7b8: {  	[tilespmem:v2+s22+$0x0] =	vst.idx.add.f32.msk $0xffff, v13  }
0x7b9: {  	v9 =	vld [tilespmem:s3+$0x4070]  }
0x7ba: {  	s9 =	simm.s32 $0x0;
	v2 =	vmul.f32 v10, v6;
	v7 =	vld [tilespmem:s20+$0x60]  }
0x7bb: {  	s1 =	smul.u32 $0x3000, s9;
	v10 =	vld [tilespmem:s20+$0x70]  }
0x7bc: {  	[tilespmem:v11+s22+$0x0] =	vst.idx.add.f32.msk $0xffff, v2;
	v2 =	vunpack.i.l.s16.s32 v14  }
0x7bd: {  	s10 =	simm.s32 $0x200;
	s6 =	sshra.s32 s1, $0x2;
	v8 =	vunpack.i.u.s16.s32 v14;
	v11 =	vld [tilespmem:s7+$0x20]  }
0x7be: {  	s17 =	sadd.s32 $0x6180, s6;
	s20 =	sand.u32 $0x300, s10;
	v14 =	vld [tilespmem:s7+$0x30];
	v13 =	vunpack.i.l.s16.s32 v9  }
0x7bf: {  	v5 =	vmul.f32 v5, v3;
	s9 =	sadd.s32 s20, s17;
	v15 =	vld [tilespmem:s28+$0x4050];
	v9 =	vunpack.i.u.s16.s32 v9  }
0x7c0: {  	v12 =	vmul.f32 v12, v3;
	v19 =	vld [tilespmem:s9+$0x10]  }
0x7c1: {  	v7 =	vmul.f32 v7, v4;
	[tilespmem:v2+s22+$0x0] =	vst.idx.add.f32.msk $0xffff, v5  }
0x7c2: {  	v2 =	vmul.f32 v10, v4;
	[tilespmem:v8+s22+$0x0] =	vst.idx.add.f32.msk $0xffff, v12  }
0x7c3: {  	[tilespmem:v13+s22+$0x0] =	vst.idx.add.f32.msk $0xffff, v7  }
0x7c4: {  	[tilespmem:v9+s22+$0x0] =	vst.idx.add.f32.msk $0xffff, v2  }
0x7c5: {  	s1 =	sor.u32 $0x80, s20;
	s29 =	sadd.s32 $0xC180, s20;
	v2 =	vunpack.i.l.s16.s32 v15;
	v8 =	vld [tilespmem:s3+$0x4400]  }
0x7c6: {  	s8 =	sadd.s32 $0x6980, s11;
	s19 =	sadd.s32 s1, s17;
	v21 =	vld [tilespmem:s29+$0x4000]  }
0x7c7: {  	s11 =	sadd.s32 s5, s8;
	v46 =	vld [tilespmem:s19+$0x0]  }
0x7c8: {  	v9 =	vmul.f32 v11, v6;
	v10 =	vld [tilespmem:s11+$0x0]  }
0x7c9: {  	v11 =	vld [tilespmem:s11+$0x10]  }
0x7ca: {  	[tilespmem:v2+s22+$0x0] =	vst.idx.add.f32.msk $0xffff, v9;
	v9 =	vunpack.i.l.s16.s32 v8  }
0x7cb: {  	v5 =	vld [tilespmem:s16+$0x30]  }
0x7cc: {  	s5 =	sadd.s32 $0xC180, s1;
	v53 =	vld [tilespmem:s30+$0x4410];
	v12 =	vunpack.i.u.s16.s32 v8  }
0x7cd: {  	s12 =	simm.s32 $0xC5;
	v13 =	vld [tilespmem:s5+$0x4000];
	v10 =	vmul.f32 v10, v4  }
0x7ce: {  	v8 =	vld.msk [tilespmem:s12+$0x0 ss:$0x0], $0xffff  }
0x7cf: {  	v11 =	vmul.f32 v11, v4;
	[tilespmem:v9+s22+$0x0] =	vst.idx.add.f32.msk $0xffff, v10  }
0x7d0: {  	v10 =	vld [tilespmem:s19+$0x10]  }
0x7d1: {  	[tilespmem:v12+s22+$0x0] =	vst.idx.add.f32.msk $0xffff, v11  }
0x7d2: {  	v9 =	vld [tilespmem:s3+$0x4410]  }
0x7d3: {  	v7 =	vld [tilespmem:s16+$0x20];
	v12 =	vunpack.i.l.s16.s32 v13  }
0x7d4: {  	v2 =	vld.msk [tilespmem:s12+$0xFFFFFFFF ss:$0x0], $0xffff;
	v13 =	vunpack.i.u.s16.s32 v13  }
0x7d5: {  	v17 =	vld [tilespmem:s11+$0x20]  }
0x7d6: {  	v16 =	vmul.f32 v46, v8;
	v47 =	vld [tilespmem:s11+$0x30]  }
0x7d7: {  	v11 =	vld [tilespmem:s9+$0x0];
	v10 =	vmul.f32 v10, v8;
	v20 =	vunpack.i.l.s16.s32 v9  }
0x7d8: {  	[tilespmem:v12+s22+$0x0] =	vst.idx.add.f32.msk $0xffff, v16;
	v9 =	vunpack.i.u.s16.s32 v9  }
0x7d9: {  	[tilespmem:v13+s22+$0x0] =	vst.idx.add.f32.msk $0xffff, v10  }
0x7da: {  	v15 =	vunpack.i.u.s16.s32 v15;
	v10 =	vmul.f32 v17, v4;
	v12 =	vld [tilespmem:s5+$0x4010]  }
0x7db: {  	v13 =	vmul.f32 v47, v4;
	v16 =	vld [tilespmem:s19+$0x20]  }
0x7dc: {  	[tilespmem:v20+s22+$0x0] =	vst.idx.add.f32.msk $0xffff, v10  }
0x7dd: {  	[tilespmem:v9+s22+$0x0] =	vst.idx.add.f32.msk $0xffff, v13;
	v9 =	vunpack.i.l.s16.s32 v21;
	v13 =	vmul.f32 v14, v6  }
0x7de: {  	v48 =	vld [tilespmem:s19+$0x30];
	v14 =	vunpack.i.u.s16.s32 v21  }
0x7df: {  	[tilespmem:v15+s22+$0x0] =	vst.idx.add.f32.msk $0xffff, v13;
	v13 =	vunpack.i.l.s16.s32 v12  }
0x7e0: {  	v11 =	vmul.f32 v11, v2;
	v10 =	vld [tilespmem:s3+$0x4420];
	v12 =	vunpack.i.u.s16.s32 v12  }
0x7e1: {  	v49 =	vld [tilespmem:s11+$0x37];
	v15 =	vmul.f32 v19, v2  }
0x7e2: {  	[tilespmem:v9+s22+$0x0] =	vst.idx.add.f32.msk $0xffff, v11;
	v9 =	vmul.f32 v16, v8  }
0x7e3: {  	[tilespmem:v14+s22+$0x0] =	vst.idx.add.f32.msk $0xffff, v15;
	v14 =	vmul.f32 v48, v8  }
0x7e4: {  	[tilespmem:v13+s22+$0x0] =	vst.idx.add.f32.msk $0xffff, v9  }
0x7e5: {  	[tilespmem:v12+s22+$0x0] =	vst.idx.add.f32.msk $0xffff, v14  }
0x7e6: {  	v9 =	vunpack.i.l.s16.s32 v10;
	v10 =	vld [tilespmem:s5+$0x4020]  }
0x7e7: {  	v50 =	vld [tilespmem:s7+$0x50]  }
0x7e8: {  	v13 =	vld [tilespmem:s29+$0x4010]  }
0x7e9: {  	v4 =	vmul.f32 v49, v4;
	v14 =	vld [tilespmem:s19+$0x40]  }
0x7ea: {  	v15 =	vld [tilespmem:s19+$0x50]  }
0x7eb: {  	[tilespmem:v9+s22+$0x0] =	vst.idx.add.f32.msk vm0, v4;
	v4 =	vunpack.i.l.s16.s32 v10  }
0x7ec: {  	v11 =	vld [tilespmem:s9+$0x20];
	v10 =	vunpack.i.u.s16.s32 v10  }
0x7ed: {  	v12 =	vld [tilespmem:s9+$0x30]  }
0x7ee: {  	v52 =	vld [tilespmem:s28+$0x4060];
	v51 =	vunpack.i.l.s16.s32 v13;
	v14 =	vmul.f32 v14, v8  }
0x7ef: {  	v9 =	vld [tilespmem:s7+$0x40];
	v13 =	vunpack.i.u.s16.s32 v13;
	v15 =	vmul.f32 v15, v8  }
0x7f0: {  	[tilespmem:v4+s22+$0x0] =	vst.idx.add.f32.msk $0xffff, v14  }
0x7f1: {  	v4 =	vmul.f32 v11, v2;
	[tilespmem:v10+s22+$0x0] =	vst.idx.add.f32.msk $0xffff, v15  }
0x7f2: {  	v10 =	vmul.f32 v12, v2;
	v11 =	vld [tilespmem:s5+$0x4030]  }
0x7f3: {  	[tilespmem:v51+s22+$0x0] =	vst.idx.add.f32.msk $0xffff, v4  }
0x7f4: {  	[tilespmem:v13+s22+$0x0] =	vst.idx.add.f32.msk $0xffff, v10  }
0x7f5: {  	v4 =	vunpack.i.l.s16.s32 v52;
	v10 =	vld [tilespmem:s19+$0x60]  }
0x7f6: {  	v12 =	vunpack.i.u.s16.s32 v52;
	v13 =	vld [tilespmem:s19+$0x70]  }
0x7f7: {  	v14 =	vld [tilespmem:s9+$0x40];
	v15 =	vunpack.i.l.s16.s32 v11  }
0x7f8: {  	v9 =	vmul.f32 v9, v6;
	v17 =	vld [tilespmem:s9+$0x50];
	v11 =	vunpack.i.u.s16.s32 v11  }
0x7f9: {  	v16 =	vmul.f32 v50, v6;
	v54 =	vld [tilespmem:s29+$0x4020]  }
0x7fa: {  	[tilespmem:v4+s22+$0x0] =	vst.idx.add.f32.msk $0xffff, v9;
	v10 =	vmul.f32 v10, v8  }
0x7fb: {  	v4 =	vmul.f32 v13, v8;
	[tilespmem:v12+s22+$0x0] =	vst.idx.add.f32.msk $0xffff, v16  }
0x7fc: {  	[tilespmem:v15+s22+$0x0] =	vst.idx.add.f32.msk $0xffff, v10  }
0x7fd: {  	[tilespmem:v11+s22+$0x0] =	vst.idx.add.f32.msk $0xffff, v4  }
0x7fe: {  	v4 =	vunpack.i.l.s16.s32 v54;
	v9 =	vld [tilespmem:s5+$0x4040]  }
0x7ff: {  	s12 =	sadd.s32 $0x6580, s6;
	v12 =	vld [tilespmem:s7+$0x70];
	v10 =	vunpack.i.u.s16.s32 v54  }
0x800: {  	s17 =	sadd.s32 s1, s12;
	v11 =	vld [tilespmem:s7+$0x60]  }
0x801: {  	v13 =	vmul.f32 v14, v2;
	v14 =	vld [tilespmem:s17+$0x0]  }
0x802: {  	v15 =	vmul.f32 v17, v2;
	v55 =	vld [tilespmem:s17+$0x10]  }
0x803: {  	[tilespmem:v4+s22+$0x0] =	vst.idx.add.f32.msk $0xffff, v13;
	v4 =	vunpack.i.l.s16.s32 v9  }
0x804: {  	[tilespmem:v10+s22+$0x0] =	vst.idx.add.f32.msk $0xffff, v15;
	v9 =	vunpack.i.u.s16.s32 v9  }
0x805: {  	s10 =	simm.s32 $0x0;
	v10 =	vld [tilespmem:s9+$0x60]  }
0x806: {  	s19 =	sadd.s32 s0, s8;
	s0 =	smul.u32 $0x3000, s10;
	v14 =	vmul.f32 v14, v8;
	v13 =	vld [tilespmem:s9+$0x70]  }
0x807: {  	v15 =	vunpack.i.l.s16.s32 v53;
	v16 =	vmul.f32 v55, v8;
	v56 =	vld [tilespmem:s29+$0x4030]  }
0x808: {  	s3 =	simm.s32 $0x300;
	s8 =	sadd.s32 $0x6980, s6;
	s6 =	sshra.s32 s0, $0x2;
	[tilespmem:v4+s22+$0x0] =	vst.idx.add.f32.msk $0xffff, v14  }
0x809: {  	s11 =	sadd.s32 s1, s8;
	s1 =	sand.u32 $0x300, s3;
	s0 =	sadd.s32 $0x6180, s6;
	[tilespmem:v9+s22+$0x0] =	vst.idx.add.f32.msk $0xffff, v16  }
0x80a: {  	s9 =	sadd.s32 s1, s0;
	v4 =	vmul.f32 v7, v3;
	v9 =	vld [tilespmem:s5+$0x4050]  }
0x80b: {  	v28 =	vld [tilespmem:s9+$0x10];
	v7 =	vunpack.i.u.s16.s32 v53  }
0x80c: {  	v57 =	vunpack.i.l.s16.s32 v56;
	[tilespmem:v15+s22+$0x0] =	vst.idx.add.f32.msk $0xffff, v4  }
0x80d: {  	v4 =	vmul.f32 v5, v3;
	v5 =	vunpack.i.u.s16.s32 v56;
	v15 =	vld [tilespmem:s17+$0x20]  }
0x80e: {  	v58 =	vld [tilespmem:s17+$0x30]  }
0x80f: {  	v14 =	vld [tilespmem:s28+$0x4070];
	v10 =	vmul.f32 v10, v2;
	v59 =	vunpack.i.l.s16.s32 v9  }
0x810: {  	[tilespmem:v7+s22+$0x0] =	vst.idx.add.f32.msk $0xffff, v4;
	v4 =	vmul.f32 v13, v2;
	v9 =	vunpack.i.u.s16.s32 v9  }
0x811: {  	[tilespmem:v57+s22+$0x0] =	vst.idx.add.f32.msk $0xffff, v10  }
0x812: {  	[tilespmem:v5+s22+$0x0] =	vst.idx.add.f32.msk $0xffff, v4;
	v4 =	vmul.f32 v15, v8  }
0x813: {  	v7 =	vld [tilespmem:s16+$0x37];
	v10 =	vmul.f32 v58, v8  }
0x814: {  	[tilespmem:v59+s22+$0x0] =	vst.idx.add.f32.msk $0xffff, v4  }
0x815: {  	[tilespmem:v9+s22+$0x0] =	vst.idx.add.f32.msk $0xffff, v10  }
0x816: {  	s7 =	sadd.s32 s20, s12;
	v9 =	vld [tilespmem:s5+$0x4060]  }
0x817: {  	v5 =	vld [tilespmem:s7+$0x0];
	v4 =	vunpack.i.l.s16.s32 v14  }
0x818: {  	v10 =	vunpack.i.u.s16.s32 v14;
	v14 =	vld [tilespmem:s29+$0x4040]  }
0x819: {  	v15 =	vld [tilespmem:s17+$0x40]  }
0x81a: {  	v11 =	vmul.f32 v11, v6;
	v60 =	vld [tilespmem:s17+$0x50]  }
0x81b: {  	v12 =	vmul.f32 v12, v6;
	v13 =	vld [tilespmem:s7+$0x10];
	v61 =	vunpack.i.l.s16.s32 v9  }
0x81c: {  	[tilespmem:v4+s22+$0x0] =	vst.idx.add.f32.msk $0xffff, v11;
	v4 =	vunpack.i.u.s16.s32 v9  }
0x81d: {  	[tilespmem:v10+s22+$0x0] =	vst.idx.add.f32.msk $0xffff, v12  }
0x81e: {  	v10 =	vunpack.i.l.s16.s32 v14;
	v9 =	vld [tilespmem:s19+$0x0];
	v11 =	vmul.f32 v15, v8  }
0x81f: {  	v15 =	vmul.f32 v60, v8;
	v62 =	vld [tilespmem:s28+$0x4400]  }
0x820: {  	[tilespmem:v61+s22+$0x0] =	vst.idx.add.f32.msk $0xffff, v11  }
0x821: {  	v5 =	vmul.f32 v5, v2;
	v14 =	vunpack.i.u.s16.s32 v14;
	[tilespmem:v4+s22+$0x0] =	vst.idx.add.f32.msk $0xffff, v15  }
0x822: {  	v11 =	vld [tilespmem:s5+$0x4070]  }
0x823: {  	[tilespmem:v10+s22+$0x0] =	vst.idx.add.f32.msk $0xffff, v5  }
0x824: {  	v4 =	vmul.f32 v13, v2;
	v5 =	vld [tilespmem:s17+$0x60]  }
0x825: {  	v13 =	vld [tilespmem:s17+$0x70]  }
0x826: {  	[tilespmem:v14+s22+$0x0] =	vst.idx.add.f32.msk $0xffff, v4;
	v4 =	vunpack.i.l.s16.s32 v62  }
0x827: {  	v42 =	vld [tilespmem:s30+$0x4420];
	v15 =	vunpack.i.l.s16.s32 v11  }
0x828: {  	v12 =	vld [tilespmem:s19+$0x10];
	v11 =	vunpack.i.u.s16.s32 v11  }
0x829: {  	v9 =	vmul.f32 v9, v6;
	v24 =	vld [tilespmem:s29+$0x4050]  }
0x82a: {  	v14 =	vld [tilespmem:s7+$0x20];
	v5 =	vmul.f32 v5, v8  }
0x82b: {  	v10 =	vunpack.i.u.s16.s32 v62;
	[tilespmem:v4+s22+$0x0] =	vst.idx.add.f32.msk $0xffff, v9;
	v4 =	vmul.f32 v13, v8  }
0x82c: {  	[tilespmem:v15+s22+$0x0] =	vst.idx.add.f32.msk $0xffff, v5  }
0x82d: {  	[tilespmem:v11+s22+$0x0] =	vst.idx.add.f32.msk $0xffff, v4  }
0x82e: {  	v12 =	vmul.f32 v12, v6;
	v4 =	vunpack.i.l.s16.s32 v24;
	v5 =	vld [tilespmem:s5+$0x4400]  }
0x82f: {  	v63 =	vld [tilespmem:s7+$0x30]  }
0x830: {  	[tilespmem:v10+s22+$0x0] =	vst.idx.add.f32.msk $0xffff, v12  }
0x831: {  	v11 =	vmul.f32 v14, v2;
	v12 =	vld [tilespmem:s11+$0x0]  }
0x832: {  	s17 =	sor.u32 $0x80, s1;
	v13 =	vld [tilespmem:s11+$0x10]  }
0x833: {  	s12 =	sadd.s32 s17, s0;
	[tilespmem:v4+s22+$0x0] =	vst.idx.add.f32.msk $0xffff, v11;
	v11 =	vunpack.i.l.s16.s32 v5  }
0x834: {  	v25 =	vld [tilespmem:s12+$0x0];
	v14 =	vunpack.i.u.s16.s32 v5  }
0x835: {  	s31 =	sadd.s32 $0xC180, s17;
	v10 =	vld [tilespmem:s19+$0x20]  }
0x836: {  	s16 =	simm.s32 $0xC7;
	v15 =	vld [tilespmem:s31+$0x4000];
	v12 =	vmul.f32 v12, v8  }
0x837: {  	v5 =	vld.msk [tilespmem:s16+$0x0 ss:$0x0], $0xffff;
	v13 =	vmul.f32 v13, v8  }
0x838: {  	[tilespmem:v11+s22+$0x0] =	vst.idx.add.f32.msk $0xffff, v12  }
0x839: {  	[tilespmem:v14+s22+$0x0] =	vst.idx.add.f32.msk $0xffff, v13  }
0x83a: {  	v11 =	vld [tilespmem:s5+$0x4410]  }
0x83b: {  	v12 =	vld [tilespmem:s12+$0x10];
	v13 =	vunpack.i.l.s16.s32 v15  }
0x83c: {  	v4 =	vld.msk [tilespmem:s16+$0xFFFFFFFF ss:$0x0], $0xffff  }
0x83d: {  	v15 =	vunpack.i.u.s16.s32 v15;
	v26 =	vld [tilespmem:s11+$0x20]  }
0x83e: {  	v18 =	vmul.f32 v25, v5;
	v27 =	vld [tilespmem:s11+$0x30]  }
0x83f: {  	v14 =	vld [tilespmem:s9+$0x0];
	v22 =	vunpack.i.l.s16.s32 v11  }
0x840: {  	s0 =	sadd.s32 $0xC180, s1;
	v12 =	vmul.f32 v12, v5;
	[tilespmem:v13+s22+$0x0] =	vst.idx.add.f32.msk $0xffff, v18;
	v11 =	vunpack.i.u.s16.s32 v11  }
0x841: {  	v13 =	vld [tilespmem:s0+$0x4000]  }
0x842: {  	v17 =	vunpack.i.u.s16.s32 v24;
	[tilespmem:v15+s22+$0x0] =	vst.idx.add.f32.msk $0xffff, v12;
	v12 =	vmul.f32 v26, v8  }
0x843: {  	v29 =	vmul.f32 v27, v8;
	v15 =	vld [tilespmem:s31+$0x4010]  }
0x844: {  	[tilespmem:v22+s22+$0x0] =	vst.idx.add.f32.msk $0xffff, v12  }
0x845: {  	v12 =	vmul.f32 v63, v2;
	[tilespmem:v11+s22+$0x0] =	vst.idx.add.f32.msk $0xffff, v29  }
0x846: {  	v11 =	vunpack.i.l.s16.s32 v13;
	v30 =	vld [tilespmem:s5+$0x4420]  }
0x847: {  	[tilespmem:v17+s22+$0x0] =	vst.idx.add.f32.msk $0xffff, v12  }
0x848: {  	v13 =	vunpack.i.u.s16.s32 v13;
	v12 =	vld [tilespmem:s12+$0x20]  }
0x849: {  	v14 =	vmul.f32 v14, v4;
	v31 =	vld [tilespmem:s12+$0x30]  }
0x84a: {  	v34 =	vunpack.i.l.s16.s32 v15;
	v33 =	vld [tilespmem:s11+$0x37]  }
0x84b: {  	v32 =	vmul.f32 v28, v4;
	[tilespmem:v11+s22+$0x0] =	vst.idx.add.f32.msk $0xffff, v14;
	v11 =	vunpack.i.u.s16.s32 v15  }
0x84c: {  	v9 =	vld [tilespmem:s19+$0x30]  }
0x84d: {  	[tilespmem:v13+s22+$0x0] =	vst.idx.add.f32.msk $0xffff, v32;
	v13 =	vunpack.i.l.s16.s32 v30;
	v12 =	vmul.f32 v12, v5  }
0x84e: {  	v41 =	vld [tilespmem:s28+$0x4410];
	v35 =	vmul.f32 v31, v5  }
0x84f: {  	[tilespmem:v34+s22+$0x0] =	vst.idx.add.f32.msk $0xffff, v12  }
0x850: {  	v8 =	vmul.f32 v33, v8;
	[tilespmem:v11+s22+$0x0] =	vst.idx.add.f32.msk $0xffff, v35  }
0x851: {  	v11 =	vld [tilespmem:s31+$0x4020]  }
0x852: {  	[tilespmem:v13+s22+$0x0] =	vst.idx.add.f32.msk vm0, v8  }
0x853: {  	v8 =	vld [tilespmem:s0+$0x4010]  }
0x854: {  	v12 =	vld [tilespmem:s12+$0x40]  }
0x855: {  	v13 =	vld [tilespmem:s12+$0x50]  }
0x856: {  	v36 =	vld [tilespmem:s7+$0x40];
	v37 =	vunpack.i.l.s16.s32 v11  }
0x857: {  	v14 =	vld [tilespmem:s9+$0x20];
	v11 =	vunpack.i.u.s16.s32 v11  }
0x858: {  	v15 =	vld [tilespmem:s9+$0x30]  }
0x859: {  	v38 =	vld [tilespmem:s7+$0x50];
	v40 =	vunpack.i.l.s16.s32 v8;
	v12 =	vmul.f32 v12, v5  }
0x85a: {  	v39 =	vld [tilespmem:s29+$0x4060];
	v8 =	vunpack.i.u.s16.s32 v8;
	v13 =	vmul.f32 v13, v5  }
0x85b: {  	[tilespmem:v37+s22+$0x0] =	vst.idx.add.f32.msk $0xffff, v12  }
0x85c: {  	v12 =	vmul.f32 v14, v4;
	[tilespmem:v11+s22+$0x0] =	vst.idx.add.f32.msk $0xffff, v13  }
0x85d: {  	v11 =	vmul.f32 v15, v4;
	v13 =	vld [tilespmem:s31+$0x4030]  }
0x85e: {  	[tilespmem:v40+s22+$0x0] =	vst.idx.add.f32.msk $0xffff, v12  }
0x85f: {  	[tilespmem:v8+s22+$0x0] =	vst.idx.add.f32.msk $0xffff, v11  }
0x860: {  	v8 =	vunpack.i.l.s16.s32 v39;
	v11 =	vld [tilespmem:s12+$0x60]  }
0x861: {  	v12 =	vunpack.i.u.s16.s32 v39;
	v14 =	vld [tilespmem:s12+$0x70]  }
0x862: {  	v15 =	vld [tilespmem:s9+$0x40];
	v43 =	vunpack.i.l.s16.s32 v13  }
0x863: {  	v16 =	vmul.f32 v36, v2;
	v44 =	vld [tilespmem:s9+$0x50];
	v13 =	vunpack.i.u.s16.s32 v13  }
0x864: {  	v18 =	vmul.f32 v38, v2;
	v20 =	vld [tilespmem:s0+$0x4020]  }
0x865: {  	v11 =	vmul.f32 v11, v5;
	[tilespmem:v8+s22+$0x0] =	vst.idx.add.f32.msk $0xffff, v16  }
0x866: {  	v8 =	vmul.f32 v14, v5;
	[tilespmem:v12+s22+$0x0] =	vst.idx.add.f32.msk $0xffff, v18  }
0x867: {  	[tilespmem:v43+s22+$0x0] =	vst.idx.add.f32.msk $0xffff, v11  }
0x868: {  	[tilespmem:v13+s22+$0x0] =	vst.idx.add.f32.msk $0xffff, v8  }
0x869: {  	v8 =	vunpack.i.l.s16.s32 v20;
	v11 =	vld [tilespmem:s31+$0x4040]  }
0x86a: {  	s11 =	sadd.s32 $0x6580, s6;
	v14 =	vld [tilespmem:s7+$0x70]  }
0x86b: {  	s12 =	sadd.s32 s17, s11;
	v12 =	vunpack.i.u.s16.s32 v20;
	v50 =	vld [tilespmem:s29+$0x4070]  }
0x86c: {  	v15 =	vmul.f32 v15, v4;
	v45 =	vld [tilespmem:s12+$0x0]  }
0x86d: {  	v47 =	vld [tilespmem:s12+$0x10]  }
0x86e: {  	v46 =	vmul.f32 v44, v4;
	[tilespmem:v8+s22+$0x0] =	vst.idx.add.f32.msk $0xffff, v15;
	v8 =	vunpack.i.l.s16.s32 v11  }
0x86f: {  	v13 =	vld [tilespmem:s7+$0x60];
	v11 =	vunpack.i.u.s16.s32 v11  }
0x870: {  	[tilespmem:v12+s22+$0x0] =	vst.idx.add.f32.msk $0xffff, v46  }
0x871: {  	v16 =	vmul.f32 v45, v5;
	v49 =	vld [tilespmem:s0+$0x4030]  }
0x872: {  	v48 =	vunpack.i.l.s16.s32 v41;
	v18 =	vmul.f32 v47, v5;
	v12 =	vld [tilespmem:s9+$0x60]  }
0x873: {  	[tilespmem:v8+s22+$0x0] =	vst.idx.add.f32.msk $0xffff, v16  }
0x874: {  	[tilespmem:v11+s22+$0x0] =	vst.idx.add.f32.msk $0xffff, v18  }
0x875: {  	v8 =	vmul.f32 v10, v6;
	v10 =	vunpack.i.u.s16.s32 v41;
	v11 =	vld [tilespmem:s31+$0x4050]  }
0x876: {  	v15 =	vld [tilespmem:s9+$0x70];
	v51 =	vunpack.i.l.s16.s32 v49  }
0x877: {  	[tilespmem:v48+s22+$0x0] =	vst.idx.add.f32.msk $0xffff, v8  }
0x878: {  	v8 =	vmul.f32 v9, v6;
	v9 =	vunpack.i.u.s16.s32 v49;
	v52 =	vld [tilespmem:s12+$0x20]  }
0x879: {  	v12 =	vmul.f32 v12, v4;
	v53 =	vld [tilespmem:s12+$0x30]  }
0x87a: {  	[tilespmem:v10+s22+$0x0] =	vst.idx.add.f32.msk $0xffff, v8;
	v54 =	vunpack.i.l.s16.s32 v11  }
0x87b: {  	v8 =	vmul.f32 v15, v4;
	[tilespmem:v51+s22+$0x0] =	vst.idx.add.f32.msk $0xffff, v12;
	v10 =	vunpack.i.u.s16.s32 v11  }
0x87c: {  	v11 =	vld [tilespmem:s19+$0x37]  }
0x87d: {  	s19 =	sadd.s32 s1, s11;
	[tilespmem:v9+s22+$0x0] =	vst.idx.add.f32.msk $0xffff, v8;
	v8 =	vmul.f32 v52, v5  }
0x87e: {  	v12 =	vmul.f32 v53, v5;
	v9 =	vld [tilespmem:s19+$0x0]  }
0x87f: {  	[tilespmem:v54+s22+$0x0] =	vst.idx.add.f32.msk $0xffff, v8  }
0x880: {  	[tilespmem:v10+s22+$0x0] =	vst.idx.add.f32.msk $0xffff, v12  }
0x881: {  	v8 =	vunpack.i.l.s16.s32 v50;
	v10 =	vld [tilespmem:s31+$0x4060]  }
0x882: {  	v15 =	vld [tilespmem:s19+$0x10];
	v12 =	vunpack.i.u.s16.s32 v50  }
0x883: {  	v55 =	vld [tilespmem:s0+$0x4040]  }
0x884: {  	v13 =	vmul.f32 v13, v2;
	v56 =	vld [tilespmem:s12+$0x40]  }
0x885: {  	v14 =	vmul.f32 v14, v2;
	v57 =	vld [tilespmem:s12+$0x50]  }
0x886: {  	[tilespmem:v8+s22+$0x0] =	vst.idx.add.f32.msk $0xffff, v13;
	v58 =	vunpack.i.l.s16.s32 v10  }
0x887: {  	s30 =	sadd.s32 s20, s8;
	[tilespmem:v12+s22+$0x0] =	vst.idx.add.f32.msk $0xffff, v14;
	v8 =	vunpack.i.u.s16.s32 v10  }
0x888: {  	v10 =	vld [tilespmem:s30+$0x0]  }
0x889: {  	v12 =	vunpack.i.l.s16.s32 v55;
	v13 =	vmul.f32 v56, v5;
	v14 =	vld [tilespmem:s30+$0x10]  }
0x88a: {  	v59 =	vmul.f32 v57, v5;
	v60 =	vld [tilespmem:s29+$0x4400]  }
0x88b: {  	v16 =	vunpack.i.u.s16.s32 v55;
	[tilespmem:v58+s22+$0x0] =	vst.idx.add.f32.msk $0xffff, v13  }
0x88c: {  	v9 =	vmul.f32 v9, v4;
	[tilespmem:v8+s22+$0x0] =	vst.idx.add.f32.msk $0xffff, v59  }
0x88d: {  	v13 =	vld [tilespmem:s31+$0x4070]  }
0x88e: {  	[tilespmem:v12+s22+$0x0] =	vst.idx.add.f32.msk $0xffff, v9;
	v8 =	vmul.f32 v15, v4  }
0x88f: {  	v9 =	vld [tilespmem:s12+$0x60]  }
0x890: {  	[tilespmem:v16+s22+$0x0] =	vst.idx.add.f32.msk $0xffff, v8;
	v8 =	vunpack.i.l.s16.s32 v60  }
0x891: {  	v12 =	vunpack.i.u.s16.s32 v60;
	v15 =	vld [tilespmem:s12+$0x70]  }
0x892: {  	v16 =	vld [tilespmem:s19+$0x20];
	v61 =	vunpack.i.l.s16.s32 v13  }
0x893: {  	v10 =	vmul.f32 v10, v2;
	v62 =	vld [tilespmem:s19+$0x30];
	v13 =	vunpack.i.u.s16.s32 v13  }
0x894: {  	v14 =	vmul.f32 v14, v2;
	v63 =	vld [tilespmem:s0+$0x4050]  }
0x895: {  	v9 =	vmul.f32 v9, v5;
	[tilespmem:v8+s22+$0x0] =	vst.idx.add.f32.msk $0xffff, v10  }
0x896: {  	v8 =	vmul.f32 v15, v5;
	[tilespmem:v12+s22+$0x0] =	vst.idx.add.f32.msk $0xffff, v14  }
0x897: {  	[tilespmem:v61+s22+$0x0] =	vst.idx.add.f32.msk $0xffff, v9  }
0x898: {  	v3 =	vmul.f32 v7, v3;
	[tilespmem:v13+s22+$0x0] =	vst.idx.add.f32.msk $0xffff, v8  }
0x899: {  	v7 =	vunpack.i.l.s16.s32 v42;
	v6 =	vmul.f32 v11, v6;
	v13 =	vunpack.i.l.s16.s32 v63;
	v10 =	vld [tilespmem:s31+$0x4400]  }
0x89a: {  	s20 =	simm.s32 $0x6;
	s5 =	sadd.s32 $0x6980, s6;
	v11 =	vmul.f32 v62, v4;
	v12 =	vunpack.i.u.s16.s32 v63;
	v9 =	vld [tilespmem:s30+$0x20];
	v8 =	vmul.f32 v16, v4  }
.LBB2_10:
0x89b: {  	s20 =	sadd.s32 $0x2, s20;
	s6 =	sadd.s32 s1, s5;
	s10 =	sadd.s32 s17, s5;
	v14 =	vld [tilespmem:s30+$0x30]  }
0x89c: {  	s1 =	sshrl.u32 s20, $0x3;
	p3 =	slt.u32 s20, $0x3E;
	v15 =	vld [tilespmem:s10+$0x0]  }
0x89d: {  	s3 =	sadd.s32 $0x100, s3;
	s5 =	smul.u32 $0x3000, s1;
	v16 =	vld [tilespmem:s10+$0x10]  }
0x89e: {  	s16 =	sadd.s32 $0x2, s16;
	s7 =	sshll.u32 s1, $0xB;
	s1 =	sand.u32 $0x300, s3;
	[tilespmem:v13+s22+$0x0] =	vst.idx.add.f32.msk $0xffff, v8;
	v13 =	vunpack.i.l.s16.s32 v10  }
0x89f: {  	s7 =	sadd.s32 $0xC180, s7;
	s17 =	sor.u32 $0x80, s1;
	v17 =	vunpack.i.u.s16.s32 v10;
	v8 =	vld.msk [tilespmem:s16+$0xFFFFFFFF ss:$0x0], $0xffff;
	s5 =	sshra.s32 s5, $0x2;
	v10 =	vmul.f32 v9, v2  }
0x8a0: {  	s9 =	sadd.s32 s1, s7;
	s11 =	sadd.s32 s17, s7;
	s8 =	sadd.s32 $0x6180, s5;
	v18 =	vld.msk [tilespmem:s16+$0x0 ss:$0x0], $0xffff;
	v9 =	vmul.f32 v14, v2  }
0x8a1: {  	s7 =	sadd.s32 s1, s8;
	v14 =	vld [tilespmem:s11+$0x4000];
	s8 =	sadd.s32 s17, s8;
	v15 =	vmul.f32 v15, v5  }
0x8a2: {  	v19 =	vld [tilespmem:s8+$0x0];
	v16 =	vmul.f32 v16, v5  }
0x8a3: {  	[tilespmem:v13+s22+$0x0] =	vst.idx.add.f32.msk $0xffff, v15  }
0x8a4: {  	[tilespmem:v17+s22+$0x0] =	vst.idx.add.f32.msk $0xffff, v16  }
0x8a5: {  	v13 =	vld [tilespmem:s31+$0x4410]  }
0x8a6: {  	v15 =	vld [tilespmem:s8+$0x10]  }
0x8a7: {  	v17 =	vunpack.i.l.s16.s32 v14;
	v16 =	vld [tilespmem:s7+$0x0]  }
0x8a8: {  	v14 =	vunpack.i.u.s16.s32 v14;
	v20 =	vld [tilespmem:s10+$0x20]  }
0x8a9: {  	v21 =	vld [tilespmem:s10+$0x30]  }
0x8aa: {  	v19 =	vmul.f32 v19, v18;
	v22 =	vld [tilespmem:s7+$0x10];
	v23 =	vunpack.i.l.s16.s32 v13  }
0x8ab: {  	v13 =	vunpack.i.u.s16.s32 v13;
	v24 =	vld [tilespmem:s9+$0x4000];
	v15 =	vmul.f32 v15, v18  }
0x8ac: {  	v16 =	vmul.f32 v16, v8;
	[tilespmem:v17+s22+$0x0] =	vst.idx.add.f32.msk $0xffff, v19  }
0x8ad: {  	[tilespmem:v14+s22+$0x0] =	vst.idx.add.f32.msk $0xffff, v15;
	v14 =	vmul.f32 v20, v5  }
0x8ae: {  	v15 =	vld [tilespmem:s11+$0x4010];
	v17 =	vmul.f32 v21, v5  }
0x8af: {  	v19 =	vmul.f32 v22, v8;
	[tilespmem:v23+s22+$0x0] =	vst.idx.add.f32.msk $0xffff, v14  }
0x8b0: {  	v14 =	vunpack.i.u.s16.s32 v24;
	v20 =	vunpack.i.l.s16.s32 v24;
	[tilespmem:v13+s22+$0x0] =	vst.idx.add.f32.msk $0xffff, v17  }
0x8b1: {  	v13 =	vld [tilespmem:s31+$0x4420];
	s31 =	smov.u32 s11  }
0x8b2: {  	[tilespmem:v12+s22+$0x0] =	vst.idx.add.f32.msk $0xffff, v11  }
0x8b3: {  	v11 =	vld [tilespmem:s8+$0x20]  }
0x8b4: {  	v12 =	vld [tilespmem:s10+$0x37]  }
0x8b5: {  	v17 =	vunpack.i.l.s16.s32 v15;
	v21 =	vld [tilespmem:s8+$0x30]  }
0x8b6: {  	[tilespmem:v20+s22+$0x0] =	vst.idx.add.f32.msk $0xffff, v16;
	v13 =	vunpack.i.l.s16.s32 v13  }
0x8b7: {  	[tilespmem:v14+s22+$0x0] =	vst.idx.add.f32.msk $0xffff, v19;
	v14 =	vunpack.i.u.s16.s32 v15  }
0x8b8: {  	v15 =	vld [tilespmem:s7+$0x20];
	v11 =	vmul.f32 v11, v18  }
0x8b9: {  	v16 =	vld [tilespmem:s7+$0x30];
	v12 =	vmul.f32 v12, v5;
	v5 =	vmov v18  }
0x8ba: {  	[tilespmem:v17+s22+$0x0] =	vst.idx.add.f32.msk $0xffff, v11;
	v11 =	vmul.f32 v21, v5  }
0x8bb: {  	[tilespmem:v13+s22+$0x0] =	vst.idx.add.f32.msk vm0, v12  }
0x8bc: {  	[tilespmem:v14+s22+$0x0] =	vst.idx.add.f32.msk $0xffff, v11  }
0x8bd: {  	v11 =	vmul.f32 v15, v8;
	v12 =	vld [tilespmem:s31+$0x4020]  }
0x8be: {  	v13 =	vld [tilespmem:s9+$0x4010];
	v14 =	vmul.f32 v16, v8  }
0x8bf: {  	v15 =	vld [tilespmem:s19+$0x40]  }
0x8c0: {  	v16 =	vld [tilespmem:s8+$0x40]  }
0x8c1: {  	v17 =	vld [tilespmem:s8+$0x50]  }
0x8c2: {  	v18 =	vunpack.i.l.s16.s32 v12;
	v19 =	vld [tilespmem:s19+$0x50]  }
0x8c3: {  	v12 =	vunpack.i.u.s16.s32 v12;
	v20 =	vunpack.i.u.s16.s32 v13;
	v13 =	vunpack.i.l.s16.s32 v13;
	v21 =	vld [tilespmem:s0+$0x4060]  }
0x8c4: {  	v15 =	vmul.f32 v15, v4;
	v22 =	vld [tilespmem:s29+$0x4410]  }
0x8c5: {  	v16 =	vmul.f32 v16, v5;
	v23 =	vld [tilespmem:s28+$0x4420];
	s28 =	smov.u32 s29;
	s29 =	smov.u32 s0;
	s0 =	smov.u32 s9  }
0x8c6: {  	v17 =	vmul.f32 v17, v5;
	[tilespmem:v7+s22+$0x0] =	vst.idx.add.f32.msk vm0, v3;
	v3 =	vmov v6  }
0x8c7: {  	[tilespmem:v18+s22+$0x0] =	vst.idx.add.f32.msk $0xffff, v16;
	v6 =	vmul.f32 v19, v4  }
0x8c8: {  	[tilespmem:v12+s22+$0x0] =	vst.idx.add.f32.msk $0xffff, v17;
	v12 =	vunpack.i.u.s16.s32 v21;
	v16 =	vunpack.i.l.s16.s32 v21  }
0x8c9: {  	v17 =	vld [tilespmem:s31+$0x4030];
	v18 =	vunpack.i.u.s16.s32 v22;
	v19 =	vunpack.i.l.s16.s32 v22  }
0x8ca: {  	[tilespmem:v13+s22+$0x0] =	vst.idx.add.f32.msk $0xffff, v11;
	v7 =	vunpack.i.l.s16.s32 v23  }
0x8cb: {  	[tilespmem:v20+s22+$0x0] =	vst.idx.add.f32.msk $0xffff, v14  }
0x8cc: {  	v11 =	vld [tilespmem:s8+$0x60]  }
0x8cd: {  	v13 =	vld [tilespmem:s8+$0x70]  }
0x8ce: {  	v14 =	vld [tilespmem:s7+$0x40];
	v20 =	vunpack.i.l.s16.s32 v17  }
0x8cf: {  	v17 =	vunpack.i.u.s16.s32 v17;
	v21 =	vld [tilespmem:s7+$0x50]  }
0x8d0: {  	v22 =	vld [tilespmem:s0+$0x4020]  }
0x8d1: {  	v11 =	vmul.f32 v11, v5;
	[tilespmem:v16+s22+$0x0] =	vst.idx.add.f32.msk $0xffff, v15  }
0x8d2: {  	v13 =	vmul.f32 v13, v5;
	[tilespmem:v12+s22+$0x0] =	vst.idx.add.f32.msk $0xffff, v6  }
0x8d3: {  	v6 =	vmul.f32 v14, v8;
	[tilespmem:v20+s22+$0x0] =	vst.idx.add.f32.msk $0xffff, v11  }
0x8d4: {  	v11 =	vmul.f32 v21, v8;
	[tilespmem:v17+s22+$0x0] =	vst.idx.add.f32.msk $0xffff, v13  }
0x8d5: {  	v12 =	vunpack.i.u.s16.s32 v22;
	v13 =	vunpack.i.l.s16.s32 v22;
	v14 =	vld [tilespmem:s31+$0x4040]  }
0x8d6: {  	s9 =	sadd.s32 $0x6580, s5;
	v15 =	vld [tilespmem:s19+$0x60]  }
0x8d7: {  	s8 =	sadd.s32 s17, s9;
	v16 =	vld [tilespmem:s19+$0x70];
	s19 =	sadd.s32 s1, s9  }
0x8d8: {  	v17 =	vld [tilespmem:s8+$0x0]  }
0x8d9: {  	v20 =	vld [tilespmem:s8+$0x10]  }
0x8da: {  	[tilespmem:v13+s22+$0x0] =	vst.idx.add.f32.msk $0xffff, v6;
	v6 =	vunpack.i.l.s16.s32 v14  }
0x8db: {  	[tilespmem:v12+s22+$0x0] =	vst.idx.add.f32.msk $0xffff, v11;
	v11 =	vunpack.i.u.s16.s32 v14;
	v12 =	vmul.f32 v15, v4  }
0x8dc: {  	v13 =	vld [tilespmem:s7+$0x60];
	v14 =	vmul.f32 v16, v4  }
0x8dd: {  	v15 =	vld [tilespmem:s7+$0x70];
	v16 =	vmul.f32 v17, v5  }
0x8de: {  	v17 =	vld [tilespmem:s0+$0x4030];
	v20 =	vmul.f32 v20, v5  }
0x8df: {  	[tilespmem:v6+s22+$0x0] =	vst.idx.add.f32.msk $0xffff, v16  }
0x8e0: {  	[tilespmem:v11+s22+$0x0] =	vst.idx.add.f32.msk $0xffff, v20  }
0x8e1: {  	v6 =	vmul.f32 v13, v8;
	v11 =	vld [tilespmem:s31+$0x4050]  }
0x8e2: {  	v13 =	vmul.f32 v15, v8;
	v15 =	vld [tilespmem:s29+$0x4070]  }
0x8e3: {  	v16 =	vunpack.i.u.s16.s32 v17;
	v17 =	vunpack.i.l.s16.s32 v17;
	[tilespmem:v19+s22+$0x0] =	vst.idx.add.f32.msk $0xffff, v10  }
0x8e4: {  	v10 =	vld [tilespmem:s8+$0x20]  }
0x8e5: {  	v19 =	vld [tilespmem:s8+$0x30]  }
0x8e6: {  	v20 =	vunpack.i.l.s16.s32 v11;
	[tilespmem:v18+s22+$0x0] =	vst.idx.add.f32.msk $0xffff, v9  }
0x8e7: {  	v9 =	vunpack.i.u.s16.s32 v11;
	v11 =	vunpack.i.u.s16.s32 v15;
	v15 =	vunpack.i.l.s16.s32 v15;
	v18 =	vld [tilespmem:s30+$0x37];
	s30 =	smov.u32 s6  }
0x8e8: {  	[tilespmem:v17+s22+$0x0] =	vst.idx.add.f32.msk $0xffff, v6  }
0x8e9: {  	[tilespmem:v16+s22+$0x0] =	vst.idx.add.f32.msk $0xffff, v13;
	v6 =	vmul.f32 v10, v5  }
0x8ea: {  	v10 =	vld [tilespmem:s19+$0x0];
	v13 =	vmul.f32 v19, v5  }
0x8eb: {  	[tilespmem:v20+s22+$0x0] =	vst.idx.add.f32.msk $0xffff, v6  }
0x8ec: {  	[tilespmem:v9+s22+$0x0] =	vst.idx.add.f32.msk $0xffff, v13;
	v6 =	vmul.f32 v18, v2;
	v2 =	vmov v4;
	v4 =	vmov v8  }
0x8ed: {  	v8 =	vld [tilespmem:s31+$0x4060]  }
0x8ee: {  	v9 =	vld [tilespmem:s19+$0x10]  }
0x8ef: {  	v13 =	vld [tilespmem:s0+$0x4040];
	v10 =	vmul.f32 v10, v4  }
0x8f0: {  	v16 =	vld [tilespmem:s8+$0x40]  }
0x8f1: {  	v17 =	vld [tilespmem:s8+$0x50]  }
0x8f2: {  	v18 =	vunpack.i.l.s16.s32 v8;
	[tilespmem:v15+s22+$0x0] =	vst.idx.add.f32.msk $0xffff, v12  }
0x8f3: {  	v8 =	vunpack.i.u.s16.s32 v8;
	v9 =	vmul.f32 v9, v4;
	[tilespmem:v11+s22+$0x0] =	vst.idx.add.f32.msk $0xffff, v14  }
0x8f4: {  	v11 =	vunpack.i.u.s16.s32 v13;
	v12 =	vunpack.i.l.s16.s32 v13;
	v13 =	vld [tilespmem:s30+$0x0]  }
0x8f5: {  	v14 =	vmul.f32 v16, v5;
	v15 =	vld [tilespmem:s30+$0x10]  }
0x8f6: {  	v16 =	vmul.f32 v17, v5;
	v17 =	vld [tilespmem:s29+$0x4400]  }
0x8f7: {  	[tilespmem:v18+s22+$0x0] =	vst.idx.add.f32.msk $0xffff, v14  }
0x8f8: {  	[tilespmem:v8+s22+$0x0] =	vst.idx.add.f32.msk $0xffff, v16  }
0x8f9: {  	v8 =	vld [tilespmem:s31+$0x4070];
	v13 =	vmul.f32 v13, v2  }
0x8fa: {  	[tilespmem:v12+s22+$0x0] =	vst.idx.add.f32.msk $0xffff, v10;
	v10 =	vmul.f32 v15, v2  }
0x8fb: {  	[tilespmem:v11+s22+$0x0] =	vst.idx.add.f32.msk $0xffff, v9;
	v9 =	vunpack.i.u.s16.s32 v17;
	v11 =	vunpack.i.l.s16.s32 v17  }
0x8fc: {  	v12 =	vld [tilespmem:s8+$0x60]  }
0x8fd: {  	v14 =	vld [tilespmem:s8+$0x70]  }
0x8fe: {  	v15 =	vld [tilespmem:s19+$0x20];
	v16 =	vunpack.i.l.s16.s32 v8  }
0x8ff: {  	v18 =	vunpack.i.u.s16.s32 v8;
	v17 =	vld [tilespmem:s19+$0x30]  }
0x900: {  	v19 =	vld [tilespmem:s0+$0x4050]  }
0x901: {  	v12 =	vmul.f32 v12, v5;
	[tilespmem:v11+s22+$0x0] =	vst.idx.add.f32.msk $0xffff, v13  }
.Ltmp4:
0x902: {  	v13 =	vmul.f32 v14, v5;
	[tilespmem:v9+s22+$0x0] =	vst.idx.add.f32.msk $0xffff, v10;
	(pc) =	sbr.rel @p3 .LBB2_10-.Ltmp4, $4  }
0x903: {  	v8 =	vmul.f32 v15, v4;
	[tilespmem:v16+s22+$0x0] =	vst.idx.add.f32.msk $0xffff, v12  }
0x904: {  	v11 =	vmul.f32 v17, v4;
	[tilespmem:v18+s22+$0x0] =	vst.idx.add.f32.msk $0xffff, v13  }
0x905: {  	v12 =	vunpack.i.u.s16.s32 v19;
	v13 =	vunpack.i.l.s16.s32 v19;
	v10 =	vld [tilespmem:s31+$0x4400]  }
0x906: {  	s5 =	sadd.s32 $0x6980, s5;
	v9 =	vld [tilespmem:s30+$0x20]  }
0x907: {  	_ =	sdelay $0x3  }
0x908: {  	[tilespmem:v13+s22+$0x0] =	vst.idx.add.f32.msk $0xffff, v8  }
0x909: {  	[tilespmem:v12+s22+$0x0] =	vst.idx.add.f32.msk $0xffff, v11  }
0x90a: {  	v8 =	vld [tilespmem:s0+$0x4060];
	_ =	sdelay $0x2  }
0x90b: {  	v11 =	vld [tilespmem:s19+$0x40]  }
0x90c: {  	v12 =	vld [tilespmem:s19+$0x50]  }
0x90d: {  	v32 =	vunpack.i.l.s16.s32 v8  }
0x90e: {  	v8 =	vunpack.i.u.s16.s32 v8;
	_ =	sdelay $0x1  }
0x90f: {  	v11 =	vmul.f32 v11, v4  }
0x910: {  	v12 =	vmul.f32 v12, v4  }
0x911: {  	[tilespmem:v32+s22+$0x0] =	vst.idx.add.f32.msk $0xffff, v11  }
0x912: {  	[tilespmem:v8+s22+$0x0] =	vst.idx.add.f32.msk $0xffff, v12  }
0x913: {  	v8 =	vld [tilespmem:s0+$0x4070];
	_ =	sdelay $0x2  }
0x914: {  	v13 =	vld [tilespmem:s19+$0x60]  }
0x915: {  	v15 =	vld [tilespmem:s19+$0x70]  }
0x916: {  	v16 =	vunpack.i.l.s16.s32 v8  }
0x917: {  	v8 =	vunpack.i.u.s16.s32 v8  }
0x918: {  	s3 =	sadd.s32 s17, s5  }
0x919: {  	v14 =	vld [tilespmem:s3+$0x0];
	v36 =	vmul.f32 v13, v4  }
0x91a: {  	v33 =	vld [tilespmem:s3+$0x10];
	v37 =	vmul.f32 v15, v4  }
0x91b: {  	[tilespmem:v16+s22+$0x0] =	vst.idx.add.f32.msk $0xffff, v36  }
0x91c: {  	[tilespmem:v8+s22+$0x0] =	vst.idx.add.f32.msk $0xffff, v37  }
0x91d: {  	v8 =	vld [tilespmem:s0+$0x4400]  }
0x91e: {  	v17 =	vld [tilespmem:s29+$0x4410];
	v34 =	vunpack.i.l.s16.s32 v10  }
0x91f: {  	s1 =	sadd.s32 s1, s5;
	v46 =	vld [tilespmem:s30+$0x30];
	v35 =	vunpack.i.u.s16.s32 v10  }
0x920: {  	v40 =	vld [tilespmem:s1+$0x0]  }
0x921: {  	v14 =	vmul.f32 v14, v5;
	v41 =	vld [tilespmem:s1+$0x10]  }
0x922: {  	v55 =	vld [tilespmem:s28+$0x4420];
	v11 =	vmul.f32 v33, v5;
	v42 =	vunpack.i.l.s16.s32 v8  }
0x923: {  	[tilespmem:v34+s22+$0x0] =	vst.idx.add.f32.msk $0xffff, v14;
	v8 =	vunpack.i.u.s16.s32 v8  }
0x924: {  	[tilespmem:v35+s22+$0x0] =	vst.idx.add.f32.msk $0xffff, v11  }
0x925: {  	v11 =	vld [tilespmem:s31+$0x4410];
	v45 =	vmul.f32 v40, v4  }
0x926: {  	v49 =	vunpack.i.l.s16.s32 v17;
	v38 =	vld [tilespmem:s3+$0x20];
	v47 =	vmul.f32 v41, v4  }
0x927: {  	[tilespmem:v42+s22+$0x0] =	vst.idx.add.f32.msk $0xffff, v45  }
0x928: {  	[tilespmem:v8+s22+$0x0] =	vst.idx.add.f32.msk $0xffff, v47  }
0x929: {  	v9 =	vmul.f32 v9, v2;
	v50 =	vunpack.i.u.s16.s32 v17;
	v13 =	vld [tilespmem:s0+$0x4410]  }
0x92a: {  	v43 =	vld [tilespmem:s3+$0x30]  }
0x92b: {  	[tilespmem:v49+s22+$0x0] =	vst.idx.add.f32.msk $0xffff, v9;
	v39 =	vunpack.i.l.s16.s32 v11  }
0x92c: {  	v53 =	vmul.f32 v46, v2;
	v44 =	vunpack.i.u.s16.s32 v11;
	v51 =	vld [tilespmem:s1+$0x20]  }
0x92d: {  	v15 =	vld [tilespmem:s1+$0x30]  }
0x92e: {  	[tilespmem:v50+s22+$0x0] =	vst.idx.add.f32.msk $0xffff, v53;
	v10 =	vmul.f32 v38, v5;
	v52 =	vunpack.i.l.s16.s32 v13  }
0x92f: {  	v58 =	vld [tilespmem:s29+$0x4420];
	v48 =	vmul.f32 v43, v5;
	v13 =	vunpack.i.u.s16.s32 v13  }
0x930: {  	[tilespmem:v39+s22+$0x0] =	vst.idx.add.f32.msk $0xffff, v10  }
0x931: {  	[tilespmem:v44+s22+$0x0] =	vst.idx.add.f32.msk $0xffff, v48;
	v56 =	vmul.f32 v51, v4  }
0x932: {  	v10 =	vld [tilespmem:s31+$0x4420];
	v57 =	vmul.f32 v15, v4  }
0x933: {  	[tilespmem:v52+s22+$0x0] =	vst.idx.add.f32.msk $0xffff, v56  }
0x934: {  	[tilespmem:v13+s22+$0x0] =	vst.idx.add.f32.msk $0xffff, v57  }
0x935: {  	v8 =	vld [tilespmem:s0+$0x4420]  }
0x936: {  	v60 =	vld [tilespmem:s30+$0x37]  }
0x937: {  	v61 =	vunpack.i.l.s16.s32 v55;
	v54 =	vld [tilespmem:s3+$0x37]  }
0x938: {  	v63 =	vunpack.i.l.s16.s32 v58;
	v13 =	vld [tilespmem:s1+$0x37]  }
0x939: {  	v59 =	vunpack.i.l.s16.s32 v10  }
0x93a: {  	v8 =	vunpack.i.l.s16.s32 v8  }
0x93b: {  	[tilespmem:v7+s22+$0x0] =	vst.idx.add.f32.msk vm0, v3;
	v2 =	vmul.f32 v60, v2  }
0x93c: {  	[tilespmem:v61+s22+$0x0] =	vst.idx.add.f32.msk vm0, v6;
	v62 =	vmul.f32 v54, v5  }
0x93d: {  	[tilespmem:v63+s22+$0x0] =	vst.idx.add.f32.msk vm0, v2;
	v3 =	vmul.f32 v13, v4  }
0x93e: {  	[tilespmem:v59+s22+$0x0] =	vst.idx.add.f32.msk vm0, v62  }
0x93f: {  	[tilespmem:v8+s22+$0x0] =	vst.idx.add.f32.msk vm0, v3  }
0x940: {  	v2 =	vor.u32 $0x10, v1;
	[tilespmem:$0x18180] =	vst v1  }
0x941: {  	[tilespmem:$0x18190] =	vst v2;
	v2 =	vor.u32 $0x20, v1  }
0x942: {  	[tilespmem:$0x181A0] =	vst v2;
	v2 =	vor.u32 $0x30, v1  }
0x943: {  	[tilespmem:$0x181B0] =	vst v2;
	v2 =	vor.u32 $0x40, v1  }
0x944: {  	[tilespmem:$0x181C0] =	vst v2;
	v2 =	vor.u32 $0x50, v1  }
0x945: {  	[tilespmem:$0x181D0] =	vst v2;
	v2 =	vor.u32 $0x60, v1  }
0x946: {  	[tilespmem:$0x181E0] =	vst v2;
	v2 =	vor.u32 $0x70, v1  }
0x947: {  	s3 =	simm.s32 @p1 $0x14180;
	[tilespmem:$0x181F0] =	vst v2  }
0x948: {  	s0 =	simm.s32 @p1 $0x80;
	s1 =	simm.s32 @p1 $0x18180;
	[bflag:$0x0] =	sbarrier.arrive @p1 $0xFFFF  }
0x949: {  	[spmem:s2] =	stream.indirect.scatter.add.f32 @p1 [tilespmem:s3], [sflag:$0x6], $0x80, s1, s0, $0xb8;
	[tilespmem:$0x18600] =	vst v63  }
0x94a: {  	s0 =	simm.s32 @p1 $0x6  }
0x94b: {  	_ =	swait.ge @p1 [sflag:s0], $0x4000  }
0x94c: {  	[sflag:s0] =	ssyncset.done @p1 $0x0  }
0x94d: {  	[sflag:s0] =	ssyncadd.s32 @p1 $0xFFFFC000;
	s0 =	simm.s32 @!p1 $0x14180  }
0x94e: {  	[spmem:s2] =	stream.linear.scatter @!p1 [tilespmem:s0], [sflag:$0x6], $0x4000, $0x38;
	[tilespmem:$0x18600] =	vst v63  }
0x94f: {  	s0 =	simm.s32 @!p1 $0x6  }
0x950: {  	_ =	swait.ge @!p1 [sflag:s0], $0x4000  }
0x951: {  	[sflag:s0] =	ssyncset.done @!p1 $0x0  }
0x952: {  	[sflag:s0] =	ssyncadd.s32 @!p1 $0xFFFFC000  }
0x953: {  	s0 =	stileid.u32;
	[bflag:$0x0] =	sbarrier.arrive @!p1 $0xFFFF  }
0x954: {  	s0 =	sshll.u32 @!p2 s0, $0x6;
	[bflag:$0x0] =	sbarrier.arrive $0xFFFF  }
0x955: {  	s1 =	sshrl.u32 @!p2 s2, $0x3;
	s0 =	sor.u32 @!p2 $0x1C06, s0;
	s3 =	rddreg [dreg:$0x2]  }
0x956: {  	[hbm:s3], [sflag:s0] =	dma.local @!p2 [spmem:s1], $0x800  }
0x957: {  	s0 =	simm.s32 @!p2 $0x6  }
0x958: {  	s26 =	sadd.s32 $0x1, s26;
	_ =	swait.ge @!p2 [sflag:s0], $0x800  }
0x959: {  	p3 =	sne.s32 s26, s15;
	s1 =	simm.s32 @p0 $0x1C06;
	[sflag:s0] =	ssyncset.done @!p2 $0x0  }
0x95a: {  	s3 =	rddreg [dreg:$0x5];
	[sflag:s0] =	ssyncadd.s32 @!p2 $0xFFFFF800;
	s0 =	sshrl.u32 @p0 s2, $0x3  }
0x95b: {  	[hbm:s3], [sflag:s1] =	dma.local @p0 [spmem:s0], $0x800  }
.Ltmp5:
0x95c: {  	_ = 	snop;
	(pc) =	sbr.rel @p3 .LBB2_1-.Ltmp5, $4  }
0x95d: {  	s0 =	simm.s32 @p0 $0x6  }
0x95e: {  	_ =	swait.ge @p0 [sflag:s0], $0x800  }
0x95f: {  	[sflag:s0] =	ssyncset.done @p0 $0x0  }
0x960: {  	[sflag:s0] =	ssyncadd.s32 @p0 $0xFFFFF800  }
0x961: {  	_ =	sfence.sel $0x180000  }
0x962: {  	[bflag:$0x0] =	sbarrier.arrive $0xFFFF  }
0x963: {  	_ =	strace $0x90000047  }
0x964: {  	[bflag:$0x2] =	sbarrier.arrive $0xFFFF  }
0x965: {  	s0 =	rddreg [dreg:$0x4]  }
0x966: {  	s0 =	sadd.s32 @!p1 $0x100000, s0  }
0x967: {  	[sflag:s0] =	ssyncadd.tile.s32 @!p1 $0x1;
	_ =	shalt  }
.Lfunc_end2:
_tile_overlayer_lowered:
.L_overlay_start_2:
0x968: {  	(tag) =	ssettag $0x2  }
0x969: {  	s0 =	rddreg [dreg:$0x0];
	s2 =	stileid.u32  }
0x96a: {  	s1 =	rddreg [dreg:$0x1];
	p0 =	sne.s32 s2, $0x0  }
0x96b: {  	s3 =	rddreg [dreg:$0x2];
	[bflag:$0x3] =	sbarrier.arrive $0xFFFF;
	s2 =	simm.s32 @!p0 $0x1C06  }
0x96c: {  	[timem:s3], [sflag:s2] =	dma.local @!p0 [hbm:s0], s1  }
0x96d: {  	s0 =	simm.s32 @!p0 $0x6  }
0x96e: {  	_ =	swait.ge @!p0 [sflag:s0], s1  }
0x96f: {  	s1 =	ssub.s32 @!p0 $0x0, s1;
	[sflag:s0] =	ssyncset.done @!p0 $0x0  }
0x970: {  	[sflag:s0] =	ssyncadd.s32 @!p0 s1  }
0x971: {  	[bflag:$0x3] =	sbarrier.arrive $0xFFFF  }
0x972: {  	_ =	shalt  }

</sc_bundles>
